<compile_context>
chip_gen: v7x
topology: tpu7x:2x2x1
jax: 0.10.2.dev20260603
libtpu: 0.0.44.dev20260713+nightly
codegen_flags: <defaults>
</compile_context>

<pallas_src>
import jax
import jax.numpy as jnp
import numpy as np
from jax import lax
from jax.experimental import pallas as pl
from jax.experimental.pallas import tpu as pltpu
from jax.experimental.pallas import tpu_sc as plsc

_B, _P, _C = 32, 20000, 3
_MSB = np.int32(-2147483648)
_NC, _NS, _L = 2, 16, 16
_VECS = _P // _L


def _tc_row_kernel(c0_ref, c1_ref, c2_ref, lab_ref, pd_ref, gt_ref,
                   key_ref, npos_ref, pnll_ref, sl1_ref):
    c0 = c0_ref[0, 0, :]
    c1 = c1_ref[0, 0, :]
    c2 = c2_ref[0, 0, :]
    lab = lab_ref[0, 0, :]

    m = jnp.maximum(c0, jnp.maximum(c1, c2))
    lse = m + jnp.log(jnp.exp(c0 - m) + jnp.exp(c1 - m) + jnp.exp(c2 - m))
    mining = lse - c0
    pos = lab > 0

    bits = lax.bitcast_convert_type(mining, jnp.int32)
    u = jnp.where(bits >= 0, bits | _MSB, ~bits)
    u = jnp.where(pos, np.int32(0), u)
    key_ref[...] = u.reshape(1, 1, _P)

    npos = jnp.sum(pos.astype(jnp.int32))
    sel = jnp.where(lab == 1, c1, c2)
    pnll = jnp.sum(jnp.where(pos, lse - sel, 0.0))

    d = pd_ref[0] - gt_ref[0]
    ad = jnp.abs(d)
    sl1 = jnp.where(ad < 1.0, 0.5 * d * d, ad - 0.5)
    sl1_row = jnp.sum(jnp.where(pos[None, :], sl1, 0.0))

    npos_ref[...] = jnp.full((1, 1, 128), npos, jnp.int32)
    pnll_ref[...] = jnp.full((1, 1, 128), pnll, jnp.float32)
    sl1_ref[...] = jnp.full((1, 1, 128), sl1_row, jnp.float32)


def _sc_topk_body(keys_hbm, npos_hbm, out_hbm,
                  keys_v, hc_v, cc_v, np_v, out_v):
    wid = lax.axis_index("s") * _NC + lax.axis_index("c")
    pltpu.sync_copy(keys_hbm.at[wid], keys_v)
    pltpu.sync_copy(npos_hbm, np_v)

    li = lax.iota(jnp.int32, 16)
    lane = wid % 16
    sel = jnp.where(wid >= 16, np_v[pl.ds(16, 16)], np_v[pl.ds(0, 16)])
    npos = jnp.sum(jnp.where(li == lane, sel, 0))
    k0 = jnp.minimum(3 * npos, _P - npos)

    ones = jnp.ones((16,), jnp.int32)
    zi = jnp.zeros((16,), jnp.int32)
    zf = jnp.zeros((16,), jnp.float32)

    def decode(v):
        return plsc.bitcast(jnp.where(v < 0, v & np.int32(0x7FFFFFFF), ~v),
                            jnp.float32)

    r = k0
    pfx = jnp.int32(0)

    for lvl in range(4):
        shift = 24 - 8 * lvl
        mhi = np.int32(0) if lvl == 0 else np.int32(
            np.uint32(0xFFFFFFFF) << np.uint32(shift + 8))

        def zero4(j, c):
            for q in range(4):
                jj = j * 4 + q
                hc_v[pl.ds(jj * 16, 16)] = zi
            return c
        lax.fori_loop(0, 64, zero4, 0)
        for g in range(16):
            cc_v[pl.ds(g * 16, 16)] = zi

        def dbody5(j, c, pfx=pfx, mhi=mhi, shift=shift, lvl=lvl):
            for q in range(5):
                v = keys_v[pl.ds((j * 5 + q) * 16, 16)]
                digit = lax.shift_right_logical(v, shift) & np.int32(255)
                idx = li * 256 + digit
                if lvl == 0:
                    plsc.addupdate_scatter(hc_v, [idx], ones)
                else:
                    msk = (v & mhi) == pfx
                    plsc.addupdate_scatter(hc_v, [idx], ones, mask=msk)
            return c
        lax.fori_loop(0, _VECS // 5, dbody5, 0)

        def fold2(j, c):
            for q in range(2):
                jj = j * 2 + q
                bidx = (jj & 15) * 16 + li
                plsc.addupdate_scatter(cc_v, [bidx], hc_v[pl.ds(jj * 16, 16)])
            return c
        lax.fori_loop(0, 128, fold2, 0)

        cgs = [cc_v[pl.ds(g * 16, 16)] for g in range(16)]
        tots = [jnp.sum(cg) for cg in cgs]
        hsum = jnp.int32(0)
        highs = [None] * 16
        for g in range(15, -1, -1):
            highs[g] = hsum
            hsum = hsum + tots[g]
        ntrue = jnp.int32(0)
        for g in range(16):
            a_incl = jnp.flip(jnp.cumsum(jnp.flip(cgs[g], 0)), 0)
            a = a_incl - cgs[g] + highs[g]
            ntrue = ntrue + jnp.sum(jnp.where(a < r, 1, 0))
        beta = np.int32(256) - ntrue
        cnt_above = jnp.int32(0)
        for g in range(16):
            mgt = (g * 16 + li) > beta
            cnt_above = cnt_above + jnp.sum(jnp.where(mgt, cgs[g], 0))
        r = r - cnt_above
        pfx = pfx | lax.shift_left(beta, np.int32(shift))

    tx = pfx ^ _MSB
    def sbody5(j, acc):
        sa = acc
        for q in range(5):
            v = keys_v[pl.ds((j * 5 + q) * 16, 16)]
            gt_m = (v ^ _MSB) > tx
            sa = sa + jnp.where(gt_m, decode(v), 0.0)
        return sa
    svec = lax.fori_loop(0, _VECS // 5, sbody5, zf)
    sum_gt = jnp.sum(svec)

    tv = jnp.full((16,), pfx, jnp.int32)
    ans = sum_gt + r.astype(jnp.float32) * decode(tv)
    ans = jnp.where(k0 > 0, ans, 0.0)
    out_v[...] = ans
    pltpu.sync_copy(out_v, out_hbm.at[wid])


_sc_topk = pl.kernel(
    _sc_topk_body,
    out_type=jax.ShapeDtypeStruct((_B, 16), jnp.float32),
    mesh=plsc.VectorSubcoreMesh(core_axis_name="c", subcore_axis_name="s"),
    compiler_params=pltpu.CompilerParams(needs_layout_passes=False),
    scratch_types=[
        pltpu.VMEM((_P,), jnp.int32),
        pltpu.VMEM((4096,), jnp.int32),
        pltpu.VMEM((256,), jnp.int32),
        pltpu.VMEM((_B,), jnp.int32),
        pltpu.VMEM((16,), jnp.float32),
    ],
)



@jax.jit
def kernel(confidence, predicted_locations, labels, gt_locations):
    B, P, C = confidence.shape
    c0 = confidence[:, :, 0].reshape(B, 1, P)
    c1 = confidence[:, :, 1].reshape(B, 1, P)
    c2 = confidence[:, :, 2].reshape(B, 1, P)
    lab = labels.reshape(B, 1, P)
    pdT = predicted_locations.transpose(0, 2, 1)
    gtT = gt_locations.transpose(0, 2, 1)

    row_spec = pl.BlockSpec((1, 1, P), lambda i: (i, 0, 0))
    loc_spec = pl.BlockSpec((1, 4, P), lambda i: (i, 0, 0))
    stat_spec = pl.BlockSpec((1, 1, 128), lambda i: (i, 0, 0))

    keys3, npos3, pnll3, sl13 = pl.pallas_call(
        _tc_row_kernel,
        grid=(B,),
        in_specs=[row_spec, row_spec, row_spec, row_spec, loc_spec, loc_spec],
        out_specs=[row_spec, stat_spec, stat_spec, stat_spec],
        out_shape=[jax.ShapeDtypeStruct((B, 1, P), jnp.int32),
                   jax.ShapeDtypeStruct((B, 1, 128), jnp.int32),
                   jax.ShapeDtypeStruct((B, 1, 128), jnp.float32),
                   jax.ShapeDtypeStruct((B, 1, 128), jnp.float32)],
    )(c0, c1, c2, lab, pdT, gtT)

    npv = npos3[:, 0, 0]
    negrows = _sc_topk(keys3.reshape(B, P), npv)[:, 0]

    np_tot = jnp.sum(npv).astype(jnp.float32)
    sl1_out = jnp.sum(sl13[:, 0, 0]) / np_tot
    cls_out = (jnp.sum(pnll3[:, 0, 0]) + 0.2 * jnp.sum(negrows)) / np_tot
    return (sl1_out, cls_out)

# --- scband reference (transcript-rebuilt; emitter-appended) ---
"""Pipeline reference for scband-multibox-loss-3762391351341 (READ-ONLY COPY).

The authoritative reference and input builder live on the scoring server;
editing this copy changes nothing except your own understanding.
"""

import jax, jax.numpy as jnp
import numpy as np

NEG_POS_RATIO = 3


def hard_negative_mining(loss, labels, neg_pos_ratio):
    pos_mask = labels > 0
    num_pos = pos_mask.sum(axis=1, keepdims=True)
    num_neg = num_pos * neg_pos_ratio
    loss = jnp.where(pos_mask, -jnp.inf, loss)
    indexes = jnp.argsort(-loss, axis=1)
    orders = jnp.argsort(indexes, axis=1)
    neg_mask = orders < num_neg
    return pos_mask | neg_mask


def setup_inputs(seed: int = 0) -> dict:
    key = jax.random.key(seed)
    k1, k2, k3, k4 = jax.random.split(key, 4)
    B, P, C = 32, 20000, 3
    return {
        "confidence": jax.random.normal(k1, (B, P, C), dtype=jnp.float32),
        "predicted_locations": jax.random.normal(k2, (B, P, 4), dtype=jnp.float32),
        "labels": jax.random.randint(k3, (B, P), 0, C, dtype=jnp.int32),
        "gt_locations": jax.random.normal(k4, (B, P, 4), dtype=jnp.float32),
    }


def reference(confidence, predicted_locations, labels, gt_locations):
    num_classes = confidence.shape[2]
    logsm = jax.nn.log_softmax(confidence, axis=2)
    # hard negative mining on -log p(background), no grad flows through the mask
    mining_loss = -logsm[:, :, 0]
    mask = hard_negative_mining(jax.lax.stop_gradient(mining_loss), labels, NEG_POS_RATIO)
    # weighted cross entropy with sum reduction over masked priors
    weights = jnp.array([0.2, 1.0, 1.0], dtype=jnp.float32)
    nll = -jnp.take_along_axis(logsm, labels[:, :, None], axis=2)[:, :, 0]
    w = weights[labels]
    classification_loss = jnp.sum(jnp.where(mask, w * nll, 0.0))
    # smooth L1 over positive priors, sum reduction
    pos_mask = labels > 0
    diff = predicted_locations - gt_locations
    ad = jnp.abs(diff)
    sl1 = jnp.where(ad < 1.0, 0.5 * diff * diff, ad - 0.5)
    smooth_l1_loss = jnp.sum(jnp.where(pos_mask[:, :, None], sl1, 0.0))
    num_pos = jnp.sum(pos_mask).astype(jnp.float32)
    return (smooth_l1_loss / num_pos, classification_loss / num_pos)

if __name__ == "__main__":
    import jax
    _d = setup_inputs()
    print(jax.jit(kernel)(*tuple(_d.values())))

</pallas_src>

<mosaic_0001>
#map = affine_map<(d0, d1) -> (0, 0)>
#map1 = affine_map<(d0, d1) -> (0)>
module attributes {stable_mosaic.version = 14 : i64} {
  func.func @_sc_topk_body(%arg0: i32, %arg1: i32, %arg2: memref<32x20000xi32, #tpu.memory_space<hbm>>, %arg3: memref<32xi32, #tpu.memory_space<hbm>>, %arg4: memref<32x16xf32, #tpu.memory_space<hbm>>, %arg5: memref<20000xi32, #tpu.memory_space<vmem>>, %arg6: memref<4096xi32, #tpu.memory_space<vmem>>, %arg7: memref<256xi32, #tpu.memory_space<vmem>>, %arg8: memref<32xi32, #tpu.memory_space<vmem>>, %arg9: memref<16xf32, #tpu.memory_space<vmem>>) attributes {dimension_semantics = [#tpu.dimension_semantics<core_parallel>, #tpu.dimension_semantics<subcore_parallel>], iteration_bounds = array<i64: 2, 16>, scalar_prefetch = 0 : i64, scratch_operands = 5 : i64, tpu.core_type = #tpu.core_type<sc_vector_subcore>, window_params = [{transform_indices = #map}, {transform_indices = #map1}, {transform_indices = #map}]} {
    %mul3A = arith.constant 2 : i32
    %mul3A_0 = arith.muli %arg1, %mul3A : i32
    %add3A = arith.addi %mul3A_0, %arg0 : i32
    "tpu.region"() ({
      %run_scoped3A = tpu.sem_alloc : memref<!tpu.dma_semaphore, #tpu.memory_space<semaphore_mem>>
      %dma_start3A = arith.constant 0 : i32
      %dma_start3A_3368 = tpu.memref_slice %arg2[%add3A, %dma_start3A] : memref<32x20000xi32, #tpu.memory_space<hbm>> -> memref<1x20000xi32, #tpu.memory_space<hbm>>
      %dma_start3A_3369 = tpu.memref_squeeze %dma_start3A_3368 : memref<1x20000xi32, #tpu.memory_space<hbm>> -> memref<20000xi32, #tpu.memory_space<hbm>>
      %dma_start3A_3370 = arith.constant 0 : i32
      %dma_start3A_3371 = tpu.memref_slice %arg2[%add3A, %dma_start3A_3370] : memref<32x20000xi32, #tpu.memory_space<hbm>> -> memref<1x20000xi32, #tpu.memory_space<hbm>>
      %dma_start3A_3372 = tpu.memref_squeeze %dma_start3A_3371 : memref<1x20000xi32, #tpu.memory_space<hbm>> -> memref<20000xi32, #tpu.memory_space<hbm>>
      tpu.enqueue_dma source(%dma_start3A_3372 : memref<20000xi32, #tpu.memory_space<hbm>>) target(%arg5 : memref<20000xi32, #tpu.memory_space<vmem>>) target_semaphore(%run_scoped3A : memref<!tpu.dma_semaphore, #tpu.memory_space<semaphore_mem>>)
      %dma_wait3A = arith.constant 0 : i32
      %dma_wait3A_3373 = tpu.memref_slice %arg2[%add3A, %dma_wait3A] : memref<32x20000xi32, #tpu.memory_space<hbm>> -> memref<1x20000xi32, #tpu.memory_space<hbm>>
      %dma_wait3A_3374 = tpu.memref_squeeze %dma_wait3A_3373 : memref<1x20000xi32, #tpu.memory_space<hbm>> -> memref<20000xi32, #tpu.memory_space<hbm>>
      %dma_wait3A_3375 = arith.constant 0 : i32
      %dma_wait3A_3376 = tpu.memref_slice %arg2[%add3A, %dma_wait3A_3375] : memref<32x20000xi32, #tpu.memory_space<hbm>> -> memref<1x20000xi32, #tpu.memory_space<hbm>>
      %dma_wait3A_3377 = tpu.memref_squeeze %dma_wait3A_3376 : memref<1x20000xi32, #tpu.memory_space<hbm>> -> memref<20000xi32, #tpu.memory_space<hbm>>
      tpu.wait_dma2 semaphore(%run_scoped3A : memref<!tpu.dma_semaphore, #tpu.memory_space<semaphore_mem>>) src(%dma_wait3A_3377 : memref<20000xi32, #tpu.memory_space<hbm>>) dst(%arg5 : memref<20000xi32, #tpu.memory_space<vmem>>)
      tpu.yield
    }) : () -> ()
    "tpu.region"() ({
      %run_scoped3A = tpu.sem_alloc : memref<!tpu.dma_semaphore, #tpu.memory_space<semaphore_mem>>
      tpu.enqueue_dma source(%arg3 : memref<32xi32, #tpu.memory_space<hbm>>) target(%arg8 : memref<32xi32, #tpu.memory_space<vmem>>) target_semaphore(%run_scoped3A : memref<!tpu.dma_semaphore, #tpu.memory_space<semaphore_mem>>)
      tpu.wait_dma2 semaphore(%run_scoped3A : memref<!tpu.dma_semaphore, #tpu.memory_space<semaphore_mem>>) src(%arg3 : memref<32xi32, #tpu.memory_space<hbm>>) dst(%arg8 : memref<32xi32, #tpu.memory_space<vmem>>)
      tpu.yield
    }) : () -> ()
    %iota3A = tpu.iota {dimensions = array<i32: 0>} : vector<16xi32>
    %jit3A = arith.constant 16 : i32
    %eq3A = arith.constant 0 : i32
    %eq3A_1 = arith.cmpi eq, %jit3A, %eq3A : i32
    %jit3A_2 = arith.constant 1 : i32
    %select_n3A = arith.select %eq3A_1, %jit3A_2, %jit3A : i32
    %rem3A = arith.remsi %add3A, %select_n3A : i32
    %ne3A = arith.constant 0 : i32
    %ne3A_3 = arith.cmpi ne, %rem3A, %ne3A : i32
    %lt3A = arith.constant 0 : i32
    %lt3A_4 = arith.cmpi slt, %rem3A, %lt3A : i32
    %lt3A_5 = arith.constant 0 : i32
    %lt3A_6 = arith.cmpi slt, %select_n3A, %lt3A_5 : i32
    %ne3A_7 = arith.xori %lt3A_4, %lt3A_6 : i1
    %and3A = arith.andi %ne3A_7, %ne3A_3 : i1
    %add3A_8 = arith.addi %rem3A, %select_n3A : i32
    %select_n3A_9 = arith.select %and3A, %add3A_8, %rem3A : i32
    %ge3A = arith.constant 16 : i32
    %ge3A_10 = arith.cmpi sge, %add3A, %ge3A : i32
    %get3A = arith.constant 16 : index
    %get3A_11 = tpu.vector_load %arg8[%get3A] {strides = array<i32>} : memref<32xi32, #tpu.memory_space<vmem>>, vector<16xi32>,
    %get3A_12 = arith.constant 0 : index
    %get3A_13 = tpu.vector_load %arg8[%get3A_12] {strides = array<i32>} : memref<32xi32, #tpu.memory_space<vmem>>, vector<16xi32>,
    %select_n3A_14 = arith.select %ge3A_10, %get3A_11, %get3A_13 : vector<16xi32>
    %eq3A_15 = vector.broadcast %select_n3A_9 : i32 to vector<16xi32>
    %eq3A_16 = arith.cmpi eq, %iota3A, %eq3A_15 : vector<16xi32>
    %jit3A_17 = arith.constant 0 : i32
    %broadcast_in_dim3A = vector.broadcast %jit3A_17 : i32 to vector<16xi32>
    %select_n3A_18 = arith.select %eq3A_16, %select_n3A_14, %broadcast_in_dim3A : vector<16xi1>, vector<16xi32>
    %reduce_sum3A = arith.constant true
    %reduce_sum3A_19 = vector.broadcast %reduce_sum3A : i1 to vector<16xi1>
    %reduce_sum3A_20 = tpu.scan <sum>, %select_n3A_18 masked %reduce_sum3A_19 : vector<16xi32>, vector<16xi1> -> vector<16xi32>
    %reduce_sum3A_21 = vector.extract %reduce_sum3A_20[15] : i32 from vector<16xi32>
    %mul3A_22 = arith.constant 3 : i32
    %mul3A_23 = arith.muli %mul3A_22, %reduce_sum3A_21 : i32
    %sub3A = arith.constant 20000 : i32
    %sub3A_24 = arith.subi %sub3A, %reduce_sum3A_21 : i32
    %min3A = arith.minsi %mul3A_23, %sub3A_24 : i32
    %broadcast_in_dim3A_25 = arith.constant 1 : i32
    %broadcast_in_dim3A_26 = vector.broadcast %broadcast_in_dim3A_25 : i32 to vector<16xi32>
    %broadcast_in_dim3A_27 = arith.constant 0 : i32
    %broadcast_in_dim3A_28 = vector.broadcast %broadcast_in_dim3A_27 : i32 to vector<16xi32>
    %broadcast_in_dim3A_29 = arith.constant 0.000000e+00 : f32
    %broadcast_in_dim3A_30 = vector.broadcast %broadcast_in_dim3A_29 : f32 to vector<16xf32>
    %scan3A = arith.constant 0 : i32
    %scan3A_31 = arith.constant 0 : i32
    %scan3A_32 = arith.constant 64 : i32
    %scan3A_33 = arith.addi %scan3A_31, %scan3A_32 : i32
    %scan3A_34 = arith.constant 1 : i32
    scf.for %scan3A_3368 = %scan3A_31 to %scan3A_33 step %scan3A_34  : i32 {
      %mul3A_3369 = arith.constant 4 : i32
      %mul3A_3370 = arith.muli %scan3A_3368, %mul3A_3369 : i32
      %add3A_3371 = arith.constant 0 : i32
      %add3A_3372 = arith.addi %mul3A_3370, %add3A_3371 : i32
      %mul3A_3373 = arith.constant 16 : i32
      %mul3A_3374 = arith.muli %add3A_3372, %mul3A_3373 : i32
      %swap3A_3375 = arith.index_cast %mul3A_3374 : i32 to index
      %swap3A_3376 = tpu.vector_load %arg6[%swap3A_3375] {strides = array<i32>} : memref<4096xi32, #tpu.memory_space<vmem>>, vector<16xi32>,
      tpu.vector_store %arg6[%swap3A_3375], %broadcast_in_dim3A_28 {strides = array<i32>} : memref<4096xi32, #tpu.memory_space<vmem>>, vector<16xi32>,
      %mul3A_3377 = arith.constant 4 : i32
      %mul3A_3378 = arith.muli %scan3A_3368, %mul3A_3377 : i32
      %add3A_3379 = arith.constant 1 : i32
      %add3A_3380 = arith.addi %mul3A_3378, %add3A_3379 : i32
      %mul3A_3381 = arith.constant 16 : i32
      %mul3A_3382 = arith.muli %add3A_3380, %mul3A_3381 : i32
      %swap3A_3383 = arith.index_cast %mul3A_3382 : i32 to index
      %swap3A_3384 = tpu.vector_load %arg6[%swap3A_3383] {strides = array<i32>} : memref<4096xi32, #tpu.memory_space<vmem>>, vector<16xi32>,
      tpu.vector_store %arg6[%swap3A_3383], %broadcast_in_dim3A_28 {strides = array<i32>} : memref<4096xi32, #tpu.memory_space<vmem>>, vector<16xi32>,
      %mul3A_3385 = arith.constant 4 : i32
      %mul3A_3386 = arith.muli %scan3A_3368, %mul3A_3385 : i32
      %add3A_3387 = arith.constant 2 : i32
      %add3A_3388 = arith.addi %mul3A_3386, %add3A_3387 : i32
      %mul3A_3389 = arith.constant 16 : i32
      %mul3A_3390 = arith.muli %add3A_3388, %mul3A_3389 : i32
      %swap3A_3391 = arith.index_cast %mul3A_3390 : i32 to index
      %swap3A_3392 = tpu.vector_load %arg6[%swap3A_3391] {strides = array<i32>} : memref<4096xi32, #tpu.memory_space<vmem>>, vector<16xi32>,
      tpu.vector_store %arg6[%swap3A_3391], %broadcast_in_dim3A_28 {strides = array<i32>} : memref<4096xi32, #tpu.memory_space<vmem>>, vector<16xi32>,
      %mul3A_3393 = arith.constant 4 : i32
      %mul3A_3394 = arith.muli %scan3A_3368, %mul3A_3393 : i32
      %add3A_3395 = arith.constant 3 : i32
      %add3A_3396 = arith.addi %mul3A_3394, %add3A_3395 : i32
      %mul3A_3397 = arith.constant 16 : i32
      %mul3A_3398 = arith.muli %add3A_3396, %mul3A_3397 : i32
      %swap3A_3399 = arith.index_cast %mul3A_3398 : i32 to index
      %swap3A_3400 = tpu.vector_load %arg6[%swap3A_3399] {strides = array<i32>} : memref<4096xi32, #tpu.memory_space<vmem>>, vector<16xi32>,
      tpu.vector_store %arg6[%swap3A_3399], %broadcast_in_dim3A_28 {strides = array<i32>} : memref<4096xi32, #tpu.memory_space<vmem>>, vector<16xi32>,
    }
    %scan3A_35 = arith.constant 64 : i32
    %swap3A = arith.constant 0 : index
    %swap3A_36 = tpu.vector_load %arg7[%swap3A] {strides = array<i32>} : memref<256xi32, #tpu.memory_space<vmem>>, vector<16xi32>,
    tpu.vector_store %arg7[%swap3A], %broadcast_in_dim3A_28 {strides = array<i32>} : memref<256xi32, #tpu.memory_space<vmem>>, vector<16xi32>,
    %swap3A_37 = arith.constant 16 : index
    %swap3A_38 = tpu.vector_load %arg7[%swap3A_37] {strides = array<i32>} : memref<256xi32, #tpu.memory_space<vmem>>, vector<16xi32>,
    tpu.vector_store %arg7[%swap3A_37], %broadcast_in_dim3A_28 {strides = array<i32>} : memref<256xi32, #tpu.memory_space<vmem>>, vector<16xi32>,
    %swap3A_39 = arith.constant 32 : index
    %swap3A_40 = tpu.vector_load %arg7[%swap3A_39] {strides = array<i32>} : memref<256xi32, #tpu.memory_space<vmem>>, vector<16xi32>,
    tpu.vector_store %arg7[%swap3A_39], %broadcast_in_dim3A_28 {strides = array<i32>} : memref<256xi32, #tpu.memory_space<vmem>>, vector<16xi32>,
    %swap3A_41 = arith.constant 48 : index
    %swap3A_42 = tpu.vector_load %arg7[%swap3A_41] {strides = array<i32>} : memref<256xi32, #tpu.memory_space<vmem>>, vector<16xi32>,
    tpu.vector_store %arg7[%swap3A_41], %broadcast_in_dim3A_28 {strides = array<i32>} : memref<256xi32, #tpu.memory_space<vmem>>, vector<16xi32>,
    %swap3A_43 = arith.constant 64 : index
    %swap3A_44 = tpu.vector_load %arg7[%swap3A_43] {strides = array<i32>} : memref<256xi32, #tpu.memory_space<vmem>>, vector<16xi32>,
    tpu.vector_store %arg7[%swap3A_43], %broadcast_in_dim3A_28 {strides = array<i32>} : memref<256xi32, #tpu.memory_space<vmem>>, vector<16xi32>,
    %swap3A_45 = arith.constant 80 : index
    %swap3A_46 = tpu.vector_load %arg7[%swap3A_45] {strides = array<i32>} : memref<256xi32, #tpu.memory_space<vmem>>, vector<16xi32>,
    tpu.vector_store %arg7[%swap3A_45], %broadcast_in_dim3A_28 {strides = array<i32>} : memref<256xi32, #tpu.memory_space<vmem>>, vector<16xi32>,
    %swap3A_47 = arith.constant 96 : index
    %swap3A_48 = tpu.vector_load %arg7[%swap3A_47] {strides = array<i32>} : memref<256xi32, #tpu.memory_space<vmem>>, vector<16xi32>,
    tpu.vector_store %arg7[%swap3A_47], %broadcast_in_dim3A_28 {strides = array<i32>} : memref<256xi32, #tpu.memory_space<vmem>>, vector<16xi32>,
    %swap3A_49 = arith.constant 112 : index
    %swap3A_50 = tpu.vector_load %arg7[%swap3A_49] {strides = array<i32>} : memref<256xi32, #tpu.memory_space<vmem>>, vector<16xi32>,
    tpu.vector_store %arg7[%swap3A_49], %broadcast_in_dim3A_28 {strides = array<i32>} : memref<256xi32, #tpu.memory_space<vmem>>, vector<16xi32>,
    %swap3A_51 = arith.constant 128 : index
    %swap3A_52 = tpu.vector_load %arg7[%swap3A_51] {strides = array<i32>} : memref<256xi32, #tpu.memory_space<vmem>>, vector<16xi32>,
    tpu.vector_store %arg7[%swap3A_51], %broadcast_in_dim3A_28 {strides = array<i32>} : memref<256xi32, #tpu.memory_space<vmem>>, vector<16xi32>,
    %swap3A_53 = arith.constant 144 : index
    %swap3A_54 = tpu.vector_load %arg7[%swap3A_53] {strides = array<i32>} : memref<256xi32, #tpu.memory_space<vmem>>, vector<16xi32>,
    tpu.vector_store %arg7[%swap3A_53], %broadcast_in_dim3A_28 {strides = array<i32>} : memref<256xi32, #tpu.memory_space<vmem>>, vector<16xi32>,
    %swap3A_55 = arith.constant 160 : index
    %swap3A_56 = tpu.vector_load %arg7[%swap3A_55] {strides = array<i32>} : memref<256xi32, #tpu.memory_space<vmem>>, vector<16xi32>,
    tpu.vector_store %arg7[%swap3A_55], %broadcast_in_dim3A_28 {strides = array<i32>} : memref<256xi32, #tpu.memory_space<vmem>>, vector<16xi32>,
    %swap3A_57 = arith.constant 176 : index
    %swap3A_58 = tpu.vector_load %arg7[%swap3A_57] {strides = array<i32>} : memref<256xi32, #tpu.memory_space<vmem>>, vector<16xi32>,
    tpu.vector_store %arg7[%swap3A_57], %broadcast_in_dim3A_28 {strides = array<i32>} : memref<256xi32, #tpu.memory_space<vmem>>, vector<16xi32>,
    %swap3A_59 = arith.constant 192 : index
    %swap3A_60 = tpu.vector_load %arg7[%swap3A_59] {strides = array<i32>} : memref<256xi32, #tpu.memory_space<vmem>>, vector<16xi32>,
    tpu.vector_store %arg7[%swap3A_59], %broadcast_in_dim3A_28 {strides = array<i32>} : memref<256xi32, #tpu.memory_space<vmem>>, vector<16xi32>,
    %swap3A_61 = arith.constant 208 : index
    %swap3A_62 = tpu.vector_load %arg7[%swap3A_61] {strides = array<i32>} : memref<256xi32, #tpu.memory_space<vmem>>, vector<16xi32>,
    tpu.vector_store %arg7[%swap3A_61], %broadcast_in_dim3A_28 {strides = array<i32>} : memref<256xi32, #tpu.memory_space<vmem>>, vector<16xi32>,
    %swap3A_63 = arith.constant 224 : index
    %swap3A_64 = tpu.vector_load %arg7[%swap3A_63] {strides = array<i32>} : memref<256xi32, #tpu.memory_space<vmem>>, vector<16xi32>,
    tpu.vector_store %arg7[%swap3A_63], %broadcast_in_dim3A_28 {strides = array<i32>} : memref<256xi32, #tpu.memory_space<vmem>>, vector<16xi32>,
    %swap3A_65 = arith.constant 240 : index
    %swap3A_66 = tpu.vector_load %arg7[%swap3A_65] {strides = array<i32>} : memref<256xi32, #tpu.memory_space<vmem>>, vector<16xi32>,
    tpu.vector_store %arg7[%swap3A_65], %broadcast_in_dim3A_28 {strides = array<i32>} : memref<256xi32, #tpu.memory_space<vmem>>, vector<16xi32>,
    %scan3A_67 = arith.constant 0 : i32
    %scan3A_68 = arith.constant 0 : i32
    %scan3A_69 = arith.constant 250 : i32
    %scan3A_70 = arith.addi %scan3A_68, %scan3A_69 : i32
    %scan3A_71 = arith.constant 1 : i32
    scf.for %scan3A_3368 = %scan3A_68 to %scan3A_70 step %scan3A_71  : i32 {
      %mul3A_3369 = arith.constant 5 : i32
      %mul3A_3370 = arith.muli %scan3A_3368, %mul3A_3369 : i32
      %add3A_3371 = arith.constant 0 : i32
      %add3A_3372 = arith.addi %mul3A_3370, %add3A_3371 : i32
      %mul3A_3373 = arith.constant 16 : i32
      %mul3A_3374 = arith.muli %add3A_3372, %mul3A_3373 : i32
      %get3A_3375 = arith.index_cast %mul3A_3374 : i32 to index
      %get3A_3376 = tpu.vector_load %arg5[%get3A_3375] {strides = array<i32>} : memref<20000xi32, #tpu.memory_space<vmem>>, vector<16xi32>,
      %shift_right_logical3A = arith.constant 24 : i32
      %shift_right_logical3A_3377 = vector.broadcast %shift_right_logical3A : i32 to vector<16xi32>
      %shift_right_logical3A_3378 = arith.shrui %get3A_3376, %shift_right_logical3A_3377 : vector<16xi32>
      %and3A_3379 = arith.constant 255 : i32
      %and3A_3380 = vector.broadcast %and3A_3379 : i32 to vector<16xi32>
      %and3A_3381 = arith.andi %shift_right_logical3A_3378, %and3A_3380 : vector<16xi32>
      %mul3A_3382 = arith.constant 256 : i32
      %mul3A_3383 = vector.broadcast %mul3A_3382 : i32 to vector<16xi32>
      %mul3A_3384 = arith.muli %iota3A, %mul3A_3383 : vector<16xi32>
      %add3A_3385 = arith.addi %mul3A_3384, %and3A_3381 : vector<16xi32>
      tpu.vector_store_idx %arg6[%add3A_3385], %broadcast_in_dim3A_26 {add = true} : memref<4096xi32, #tpu.memory_space<vmem>>[vector<16xi32>], vector<16xi32>,
      %mul3A_3386 = arith.constant 5 : i32
      %mul3A_3387 = arith.muli %scan3A_3368, %mul3A_3386 : i32
      %add3A_3388 = arith.constant 1 : i32
      %add3A_3389 = arith.addi %mul3A_3387, %add3A_3388 : i32
      %mul3A_3390 = arith.constant 16 : i32
      %mul3A_3391 = arith.muli %add3A_3389, %mul3A_3390 : i32
      %get3A_3392 = arith.index_cast %mul3A_3391 : i32 to index
      %get3A_3393 = tpu.vector_load %arg5[%get3A_3392] {strides = array<i32>} : memref<20000xi32, #tpu.memory_space<vmem>>, vector<16xi32>,
      %shift_right_logical3A_3394 = arith.constant 24 : i32
      %shift_right_logical3A_3395 = vector.broadcast %shift_right_logical3A_3394 : i32 to vector<16xi32>
      %shift_right_logical3A_3396 = arith.shrui %get3A_3393, %shift_right_logical3A_3395 : vector<16xi32>
      %and3A_3397 = arith.constant 255 : i32
      %and3A_3398 = vector.broadcast %and3A_3397 : i32 to vector<16xi32>
      %and3A_3399 = arith.andi %shift_right_logical3A_3396, %and3A_3398 : vector<16xi32>
      %mul3A_3400 = arith.constant 256 : i32
      %mul3A_3401 = vector.broadcast %mul3A_3400 : i32 to vector<16xi32>
      %mul3A_3402 = arith.muli %iota3A, %mul3A_3401 : vector<16xi32>
      %add3A_3403 = arith.addi %mul3A_3402, %and3A_3399 : vector<16xi32>
      tpu.vector_store_idx %arg6[%add3A_3403], %broadcast_in_dim3A_26 {add = true} : memref<4096xi32, #tpu.memory_space<vmem>>[vector<16xi32>], vector<16xi32>,
      %mul3A_3404 = arith.constant 5 : i32
      %mul3A_3405 = arith.muli %scan3A_3368, %mul3A_3404 : i32
      %add3A_3406 = arith.constant 2 : i32
      %add3A_3407 = arith.addi %mul3A_3405, %add3A_3406 : i32
      %mul3A_3408 = arith.constant 16 : i32
      %mul3A_3409 = arith.muli %add3A_3407, %mul3A_3408 : i32
      %get3A_3410 = arith.index_cast %mul3A_3409 : i32 to index
      %get3A_3411 = tpu.vector_load %arg5[%get3A_3410] {strides = array<i32>} : memref<20000xi32, #tpu.memory_space<vmem>>, vector<16xi32>,
      %shift_right_logical3A_3412 = arith.constant 24 : i32
      %shift_right_logical3A_3413 = vector.broadcast %shift_right_logical3A_3412 : i32 to vector<16xi32>
      %shift_right_logical3A_3414 = arith.shrui %get3A_3411, %shift_right_logical3A_3413 : vector<16xi32>
      %and3A_3415 = arith.constant 255 : i32
      %and3A_3416 = vector.broadcast %and3A_3415 : i32 to vector<16xi32>
      %and3A_3417 = arith.andi %shift_right_logical3A_3414, %and3A_3416 : vector<16xi32>
      %mul3A_3418 = arith.constant 256 : i32
      %mul3A_3419 = vector.broadcast %mul3A_3418 : i32 to vector<16xi32>
      %mul3A_3420 = arith.muli %iota3A, %mul3A_3419 : vector<16xi32>
      %add3A_3421 = arith.addi %mul3A_3420, %and3A_3417 : vector<16xi32>
      tpu.vector_store_idx %arg6[%add3A_3421], %broadcast_in_dim3A_26 {add = true} : memref<4096xi32, #tpu.memory_space<vmem>>[vector<16xi32>], vector<16xi32>,
      %mul3A_3422 = arith.constant 5 : i32
      %mul3A_3423 = arith.muli %scan3A_3368, %mul3A_3422 : i32
      %add3A_3424 = arith.constant 3 : i32
      %add3A_3425 = arith.addi %mul3A_3423, %add3A_3424 : i32
      %mul3A_3426 = arith.constant 16 : i32
      %mul3A_3427 = arith.muli %add3A_3425, %mul3A_3426 : i32
      %get3A_3428 = arith.index_cast %mul3A_3427 : i32 to index
      %get3A_3429 = tpu.vector_load %arg5[%get3A_3428] {strides = array<i32>} : memref<20000xi32, #tpu.memory_space<vmem>>, vector<16xi32>,
      %shift_right_logical3A_3430 = arith.constant 24 : i32
      %shift_right_logical3A_3431 = vector.broadcast %shift_right_logical3A_3430 : i32 to vector<16xi32>
      %shift_right_logical3A_3432 = arith.shrui %get3A_3429, %shift_right_logical3A_3431 : vector<16xi32>
      %and3A_3433 = arith.constant 255 : i32
      %and3A_3434 = vector.broadcast %and3A_3433 : i32 to vector<16xi32>
      %and3A_3435 = arith.andi %shift_right_logical3A_3432, %and3A_3434 : vector<16xi32>
      %mul3A_3436 = arith.constant 256 : i32
      %mul3A_3437 = vector.broadcast %mul3A_3436 : i32 to vector<16xi32>
      %mul3A_3438 = arith.muli %iota3A, %mul3A_3437 : vector<16xi32>
      %add3A_3439 = arith.addi %mul3A_3438, %and3A_3435 : vector<16xi32>
      tpu.vector_store_idx %arg6[%add3A_3439], %broadcast_in_dim3A_26 {add = true} : memref<4096xi32, #tpu.memory_space<vmem>>[vector<16xi32>], vector<16xi32>,
      %mul3A_3440 = arith.constant 5 : i32
      %mul3A_3441 = arith.muli %scan3A_3368, %mul3A_3440 : i32
      %add3A_3442 = arith.constant 4 : i32
      %add3A_3443 = arith.addi %mul3A_3441, %add3A_3442 : i32
      %mul3A_3444 = arith.constant 16 : i32
      %mul3A_3445 = arith.muli %add3A_3443, %mul3A_3444 : i32
      %get3A_3446 = arith.index_cast %mul3A_3445 : i32 to index
      %get3A_3447 = tpu.vector_load %arg5[%get3A_3446] {strides = array<i32>} : memref<20000xi32, #tpu.memory_space<vmem>>, vector<16xi32>,
      %shift_right_logical3A_3448 = arith.constant 24 : i32
      %shift_right_logical3A_3449 = vector.broadcast %shift_right_logical3A_3448 : i32 to vector<16xi32>
      %shift_right_logical3A_3450 = arith.shrui %get3A_3447, %shift_right_logical3A_3449 : vector<16xi32>
      %and3A_3451 = arith.constant 255 : i32
      %and3A_3452 = vector.broadcast %and3A_3451 : i32 to vector<16xi32>
      %and3A_3453 = arith.andi %shift_right_logical3A_3450, %and3A_3452 : vector<16xi32>
      %mul3A_3454 = arith.constant 256 : i32
      %mul3A_3455 = vector.broadcast %mul3A_3454 : i32 to vector<16xi32>
      %mul3A_3456 = arith.muli %iota3A, %mul3A_3455 : vector<16xi32>
      %add3A_3457 = arith.addi %mul3A_3456, %and3A_3453 : vector<16xi32>
      tpu.vector_store_idx %arg6[%add3A_3457], %broadcast_in_dim3A_26 {add = true} : memref<4096xi32, #tpu.memory_space<vmem>>[vector<16xi32>], vector<16xi32>,
    }
    %scan3A_72 = arith.constant 250 : i32
    %scan3A_73 = arith.constant 0 : i32
    %scan3A_74 = arith.constant 0 : i32
    %scan3A_75 = arith.constant 128 : i32
    %scan3A_76 = arith.addi %scan3A_74, %scan3A_75 : i32
    %scan3A_77 = arith.constant 1 : i32
    scf.for %scan3A_3368 = %scan3A_74 to %scan3A_76 step %scan3A_77  : i32 {
      %mul3A_3369 = arith.constant 2 : i32
      %mul3A_3370 = arith.muli %scan3A_3368, %mul3A_3369 : i32
      %add3A_3371 = arith.constant 0 : i32
      %add3A_3372 = arith.addi %mul3A_3370, %add3A_3371 : i32
      %and3A_3373 = arith.constant 15 : i32
      %and3A_3374 = arith.andi %add3A_3372, %and3A_3373 : i32
      %mul3A_3375 = arith.constant 16 : i32
      %mul3A_3376 = arith.muli %and3A_3374, %mul3A_3375 : i32
      %add3A_3377 = vector.broadcast %mul3A_3376 : i32 to vector<16xi32>
      %add3A_3378 = arith.addi %add3A_3377, %iota3A : vector<16xi32>
      %mul3A_3379 = arith.constant 16 : i32
      %mul3A_3380 = arith.muli %add3A_3372, %mul3A_3379 : i32
      %get3A_3381 = arith.index_cast %mul3A_3380 : i32 to index
      %get3A_3382 = tpu.vector_load %arg6[%get3A_3381] {strides = array<i32>} : memref<4096xi32, #tpu.memory_space<vmem>>, vector<16xi32>,
      tpu.vector_store_idx %arg7[%add3A_3378], %get3A_3382 {add = true} : memref<256xi32, #tpu.memory_space<vmem>>[vector<16xi32>], vector<16xi32>,
      %mul3A_3383 = arith.constant 2 : i32
      %mul3A_3384 = arith.muli %scan3A_3368, %mul3A_3383 : i32
      %add3A_3385 = arith.constant 1 : i32
      %add3A_3386 = arith.addi %mul3A_3384, %add3A_3385 : i32
      %and3A_3387 = arith.constant 15 : i32
      %and3A_3388 = arith.andi %add3A_3386, %and3A_3387 : i32
      %mul3A_3389 = arith.constant 16 : i32
      %mul3A_3390 = arith.muli %and3A_3388, %mul3A_3389 : i32
      %add3A_3391 = vector.broadcast %mul3A_3390 : i32 to vector<16xi32>
      %add3A_3392 = arith.addi %add3A_3391, %iota3A : vector<16xi32>
      %mul3A_3393 = arith.constant 16 : i32
      %mul3A_3394 = arith.muli %add3A_3386, %mul3A_3393 : i32
      %get3A_3395 = arith.index_cast %mul3A_3394 : i32 to index
      %get3A_3396 = tpu.vector_load %arg6[%get3A_3395] {strides = array<i32>} : memref<4096xi32, #tpu.memory_space<vmem>>, vector<16xi32>,
      tpu.vector_store_idx %arg7[%add3A_3392], %get3A_3396 {add = true} : memref<256xi32, #tpu.memory_space<vmem>>[vector<16xi32>], vector<16xi32>,
    }
    %scan3A_78 = arith.constant 128 : i32
    %get3A_79 = arith.constant 0 : index
    %get3A_80 = tpu.vector_load %arg7[%get3A_79] {strides = array<i32>} : memref<256xi32, #tpu.memory_space<vmem>>, vector<16xi32>,
    %get3A_81 = arith.constant 16 : index
    %get3A_82 = tpu.vector_load %arg7[%get3A_81] {strides = array<i32>} : memref<256xi32, #tpu.memory_space<vmem>>, vector<16xi32>,
    %get3A_83 = arith.constant 32 : index
    %get3A_84 = tpu.vector_load %arg7[%get3A_83] {strides = array<i32>} : memref<256xi32, #tpu.memory_space<vmem>>, vector<16xi32>,
    %get3A_85 = arith.constant 48 : index
    %get3A_86 = tpu.vector_load %arg7[%get3A_85] {strides = array<i32>} : memref<256xi32, #tpu.memory_space<vmem>>, vector<16xi32>,
    %get3A_87 = arith.constant 64 : index
    %get3A_88 = tpu.vector_load %arg7[%get3A_87] {strides = array<i32>} : memref<256xi32, #tpu.memory_space<vmem>>, vector<16xi32>,
    %get3A_89 = arith.constant 80 : index
    %get3A_90 = tpu.vector_load %arg7[%get3A_89] {strides = array<i32>} : memref<256xi32, #tpu.memory_space<vmem>>, vector<16xi32>,
    %get3A_91 = arith.constant 96 : index
    %get3A_92 = tpu.vector_load %arg7[%get3A_91] {strides = array<i32>} : memref<256xi32, #tpu.memory_space<vmem>>, vector<16xi32>,
    %get3A_93 = arith.constant 112 : index
    %get3A_94 = tpu.vector_load %arg7[%get3A_93] {strides = array<i32>} : memref<256xi32, #tpu.memory_space<vmem>>, vector<16xi32>,
    %get3A_95 = arith.constant 128 : index
    %get3A_96 = tpu.vector_load %arg7[%get3A_95] {strides = array<i32>} : memref<256xi32, #tpu.memory_space<vmem>>, vector<16xi32>,
    %get3A_97 = arith.constant 144 : index
    %get3A_98 = tpu.vector_load %arg7[%get3A_97] {strides = array<i32>} : memref<256xi32, #tpu.memory_space<vmem>>, vector<16xi32>,
    %get3A_99 = arith.constant 160 : index
    %get3A_100 = tpu.vector_load %arg7[%get3A_99] {strides = array<i32>} : memref<256xi32, #tpu.memory_space<vmem>>, vector<16xi32>,
    %get3A_101 = arith.constant 176 : index
    %get3A_102 = tpu.vector_load %arg7[%get3A_101] {strides = array<i32>} : memref<256xi32, #tpu.memory_space<vmem>>, vector<16xi32>,
    %get3A_103 = arith.constant 192 : index
    %get3A_104 = tpu.vector_load %arg7[%get3A_103] {strides = array<i32>} : memref<256xi32, #tpu.memory_space<vmem>>, vector<16xi32>,
    %get3A_105 = arith.constant 208 : index
    %get3A_106 = tpu.vector_load %arg7[%get3A_105] {strides = array<i32>} : memref<256xi32, #tpu.memory_space<vmem>>, vector<16xi32>,
    %get3A_107 = arith.constant 224 : index
    %get3A_108 = tpu.vector_load %arg7[%get3A_107] {strides = array<i32>} : memref<256xi32, #tpu.memory_space<vmem>>, vector<16xi32>,
    %get3A_109 = arith.constant 240 : index
    %get3A_110 = tpu.vector_load %arg7[%get3A_109] {strides = array<i32>} : memref<256xi32, #tpu.memory_space<vmem>>, vector<16xi32>,
    %reduce_sum3A_111 = arith.constant true
    %reduce_sum3A_112 = vector.broadcast %reduce_sum3A_111 : i1 to vector<16xi1>
    %reduce_sum3A_113 = tpu.scan <sum>, %get3A_80 masked %reduce_sum3A_112 : vector<16xi32>, vector<16xi1> -> vector<16xi32>
    %reduce_sum3A_114 = vector.extract %reduce_sum3A_113[15] : i32 from vector<16xi32>
    %reduce_sum3A_115 = arith.constant true
    %reduce_sum3A_116 = vector.broadcast %reduce_sum3A_115 : i1 to vector<16xi1>
    %reduce_sum3A_117 = tpu.scan <sum>, %get3A_82 masked %reduce_sum3A_116 : vector<16xi32>, vector<16xi1> -> vector<16xi32>
    %reduce_sum3A_118 = vector.extract %reduce_sum3A_117[15] : i32 from vector<16xi32>
    %reduce_sum3A_119 = arith.constant true
    %reduce_sum3A_120 = vector.broadcast %reduce_sum3A_119 : i1 to vector<16xi1>
    %reduce_sum3A_121 = tpu.scan <sum>, %get3A_84 masked %reduce_sum3A_120 : vector<16xi32>, vector<16xi1> -> vector<16xi32>
    %reduce_sum3A_122 = vector.extract %reduce_sum3A_121[15] : i32 from vector<16xi32>
    %reduce_sum3A_123 = arith.constant true
    %reduce_sum3A_124 = vector.broadcast %reduce_sum3A_123 : i1 to vector<16xi1>
    %reduce_sum3A_125 = tpu.scan <sum>, %get3A_86 masked %reduce_sum3A_124 : vector<16xi32>, vector<16xi1> -> vector<16xi32>
    %reduce_sum3A_126 = vector.extract %reduce_sum3A_125[15] : i32 from vector<16xi32>
    %reduce_sum3A_127 = arith.constant true
    %reduce_sum3A_128 = vector.broadcast %reduce_sum3A_127 : i1 to vector<16xi1>
    %reduce_sum3A_129 = tpu.scan <sum>, %get3A_88 masked %reduce_sum3A_128 : vector<16xi32>, vector<16xi1> -> vector<16xi32>
    %reduce_sum3A_130 = vector.extract %reduce_sum3A_129[15] : i32 from vector<16xi32>
    %reduce_sum3A_131 = arith.constant true
    %reduce_sum3A_132 = vector.broadcast %reduce_sum3A_131 : i1 to vector<16xi1>
    %reduce_sum3A_133 = tpu.scan <sum>, %get3A_90 masked %reduce_sum3A_132 : vector<16xi32>, vector<16xi1> -> vector<16xi32>
    %reduce_sum3A_134 = vector.extract %reduce_sum3A_133[15] : i32 from vector<16xi32>
    %reduce_sum3A_135 = arith.constant true
    %reduce_sum3A_136 = vector.broadcast %reduce_sum3A_135 : i1 to vector<16xi1>
    %reduce_sum3A_137 = tpu.scan <sum>, %get3A_92 masked %reduce_sum3A_136 : vector<16xi32>, vector<16xi1> -> vector<16xi32>
    %reduce_sum3A_138 = vector.extract %reduce_sum3A_137[15] : i32 from vector<16xi32>
    %reduce_sum3A_139 = arith.constant true
    %reduce_sum3A_140 = vector.broadcast %reduce_sum3A_139 : i1 to vector<16xi1>
    %reduce_sum3A_141 = tpu.scan <sum>, %get3A_94 masked %reduce_sum3A_140 : vector<16xi32>, vector<16xi1> -> vector<16xi32>
    %reduce_sum3A_142 = vector.extract %reduce_sum3A_141[15] : i32 from vector<16xi32>
    %reduce_sum3A_143 = arith.constant true
    %reduce_sum3A_144 = vector.broadcast %reduce_sum3A_143 : i1 to vector<16xi1>
    %reduce_sum3A_145 = tpu.scan <sum>, %get3A_96 masked %reduce_sum3A_144 : vector<16xi32>, vector<16xi1> -> vector<16xi32>
    %reduce_sum3A_146 = vector.extract %reduce_sum3A_145[15] : i32 from vector<16xi32>
    %reduce_sum3A_147 = arith.constant true
    %reduce_sum3A_148 = vector.broadcast %reduce_sum3A_147 : i1 to vector<16xi1>
    %reduce_sum3A_149 = tpu.scan <sum>, %get3A_98 masked %reduce_sum3A_148 : vector<16xi32>, vector<16xi1> -> vector<16xi32>
    %reduce_sum3A_150 = vector.extract %reduce_sum3A_149[15] : i32 from vector<16xi32>
    %reduce_sum3A_151 = arith.constant true
    %reduce_sum3A_152 = vector.broadcast %reduce_sum3A_151 : i1 to vector<16xi1>
    %reduce_sum3A_153 = tpu.scan <sum>, %get3A_100 masked %reduce_sum3A_152 : vector<16xi32>, vector<16xi1> -> vector<16xi32>
    %reduce_sum3A_154 = vector.extract %reduce_sum3A_153[15] : i32 from vector<16xi32>
    %reduce_sum3A_155 = arith.constant true
    %reduce_sum3A_156 = vector.broadcast %reduce_sum3A_155 : i1 to vector<16xi1>
    %reduce_sum3A_157 = tpu.scan <sum>, %get3A_102 masked %reduce_sum3A_156 : vector<16xi32>, vector<16xi1> -> vector<16xi32>
    %reduce_sum3A_158 = vector.extract %reduce_sum3A_157[15] : i32 from vector<16xi32>
    %reduce_sum3A_159 = arith.constant true
    %reduce_sum3A_160 = vector.broadcast %reduce_sum3A_159 : i1 to vector<16xi1>
    %reduce_sum3A_161 = tpu.scan <sum>, %get3A_104 masked %reduce_sum3A_160 : vector<16xi32>, vector<16xi1> -> vector<16xi32>
    %reduce_sum3A_162 = vector.extract %reduce_sum3A_161[15] : i32 from vector<16xi32>
    %reduce_sum3A_163 = arith.constant true
    %reduce_sum3A_164 = vector.broadcast %reduce_sum3A_163 : i1 to vector<16xi1>
    %reduce_sum3A_165 = tpu.scan <sum>, %get3A_106 masked %reduce_sum3A_164 : vector<16xi32>, vector<16xi1> -> vector<16xi32>
    %reduce_sum3A_166 = vector.extract %reduce_sum3A_165[15] : i32 from vector<16xi32>
    %reduce_sum3A_167 = arith.constant true
    %reduce_sum3A_168 = vector.broadcast %reduce_sum3A_167 : i1 to vector<16xi1>
    %reduce_sum3A_169 = tpu.scan <sum>, %get3A_108 masked %reduce_sum3A_168 : vector<16xi32>, vector<16xi1> -> vector<16xi32>
    %reduce_sum3A_170 = vector.extract %reduce_sum3A_169[15] : i32 from vector<16xi32>
    %reduce_sum3A_171 = arith.constant true
    %reduce_sum3A_172 = vector.broadcast %reduce_sum3A_171 : i1 to vector<16xi1>
    %reduce_sum3A_173 = tpu.scan <sum>, %get3A_110 masked %reduce_sum3A_172 : vector<16xi32>, vector<16xi1> -> vector<16xi32>
    %reduce_sum3A_174 = vector.extract %reduce_sum3A_173[15] : i32 from vector<16xi32>
    %add3A_175 = arith.constant 0 : i32
    %add3A_176 = arith.addi %add3A_175, %reduce_sum3A_174 : i32
    %add3A_177 = arith.addi %add3A_176, %reduce_sum3A_170 : i32
    %add3A_178 = arith.addi %add3A_177, %reduce_sum3A_166 : i32
    %add3A_179 = arith.addi %add3A_178, %reduce_sum3A_162 : i32
    %add3A_180 = arith.addi %add3A_179, %reduce_sum3A_158 : i32
    %add3A_181 = arith.addi %add3A_180, %reduce_sum3A_154 : i32
    %add3A_182 = arith.addi %add3A_181, %reduce_sum3A_150 : i32
    %add3A_183 = arith.addi %add3A_182, %reduce_sum3A_146 : i32
    %add3A_184 = arith.addi %add3A_183, %reduce_sum3A_142 : i32
    %add3A_185 = arith.addi %add3A_184, %reduce_sum3A_138 : i32
    %add3A_186 = arith.addi %add3A_185, %reduce_sum3A_134 : i32
    %add3A_187 = arith.addi %add3A_186, %reduce_sum3A_130 : i32
    %add3A_188 = arith.addi %add3A_187, %reduce_sum3A_126 : i32
    %add3A_189 = arith.addi %add3A_188, %reduce_sum3A_122 : i32
    %add3A_190 = arith.addi %add3A_189, %reduce_sum3A_118 : i32
    %add3A_191 = arith.addi %add3A_190, %reduce_sum3A_114 : i32
    %rev3A = arith.constant 15 : i32
    %rev3A_192 = vector.broadcast %rev3A : i32 to vector<16xi32>
    %rev3A_193 = tpu.iota {dimensions = array<i32: 0>} : vector<16xi32>
    %rev3A_194 = arith.subi %rev3A_192, %rev3A_193 : vector<16xi32>
    %rev3A_195 = tpu.dynamic_gather %get3A_80[%rev3A_194] in [0] : vector<16xi32>, vector<16xi32> -> vector<16xi32>
    %cumsum3A = arith.constant true
    %cumsum3A_196 = vector.broadcast %cumsum3A : i1 to vector<16xi1>
    %cumsum3A_197 = tpu.scan <sum>, %rev3A_195 masked %cumsum3A_196 : vector<16xi32>, vector<16xi1> -> vector<16xi32>
    %rev3A_198 = arith.constant 15 : i32
    %rev3A_199 = vector.broadcast %rev3A_198 : i32 to vector<16xi32>
    %rev3A_200 = tpu.iota {dimensions = array<i32: 0>} : vector<16xi32>
    %rev3A_201 = arith.subi %rev3A_199, %rev3A_200 : vector<16xi32>
    %rev3A_202 = tpu.dynamic_gather %cumsum3A_197[%rev3A_201] in [0] : vector<16xi32>, vector<16xi32> -> vector<16xi32>
    %sub3A_203 = arith.subi %rev3A_202, %get3A_80 : vector<16xi32>
    %add3A_204 = vector.broadcast %add3A_190 : i32 to vector<16xi32>
    %add3A_205 = arith.addi %sub3A_203, %add3A_204 : vector<16xi32>
    %lt3A_206 = vector.broadcast %min3A : i32 to vector<16xi32>
    %lt3A_207 = arith.cmpi slt, %add3A_205, %lt3A_206 : vector<16xi32>
    %jit3A_208 = arith.constant 1 : i32
    %jit3A_209 = arith.constant 0 : i32
    %broadcast_in_dim3A_210 = vector.broadcast %jit3A_208 : i32 to vector<16xi32>
    %broadcast_in_dim3A_211 = vector.broadcast %jit3A_209 : i32 to vector<16xi32>
    %select_n3A_212 = arith.select %lt3A_207, %broadcast_in_dim3A_210, %broadcast_in_dim3A_211 : vector<16xi1>, vector<16xi32>
    %reduce_sum3A_213 = arith.constant true
    %reduce_sum3A_214 = vector.broadcast %reduce_sum3A_213 : i1 to vector<16xi1>
    %reduce_sum3A_215 = tpu.scan <sum>, %select_n3A_212 masked %reduce_sum3A_214 : vector<16xi32>, vector<16xi1> -> vector<16xi32>
    %reduce_sum3A_216 = vector.extract %reduce_sum3A_215[15] : i32 from vector<16xi32>
    %add3A_217 = arith.constant 0 : i32
    %add3A_218 = arith.addi %add3A_217, %reduce_sum3A_216 : i32
    %rev3A_219 = arith.constant 15 : i32
    %rev3A_220 = vector.broadcast %rev3A_219 : i32 to vector<16xi32>
    %rev3A_221 = tpu.iota {dimensions = array<i32: 0>} : vector<16xi32>
    %rev3A_222 = arith.subi %rev3A_220, %rev3A_221 : vector<16xi32>
    %rev3A_223 = tpu.dynamic_gather %get3A_82[%rev3A_222] in [0] : vector<16xi32>, vector<16xi32> -> vector<16xi32>
    %cumsum3A_224 = arith.constant true
    %cumsum3A_225 = vector.broadcast %cumsum3A_224 : i1 to vector<16xi1>
    %cumsum3A_226 = tpu.scan <sum>, %rev3A_223 masked %cumsum3A_225 : vector<16xi32>, vector<16xi1> -> vector<16xi32>
    %rev3A_227 = arith.constant 15 : i32
    %rev3A_228 = vector.broadcast %rev3A_227 : i32 to vector<16xi32>
    %rev3A_229 = tpu.iota {dimensions = array<i32: 0>} : vector<16xi32>
    %rev3A_230 = arith.subi %rev3A_228, %rev3A_229 : vector<16xi32>
    %rev3A_231 = tpu.dynamic_gather %cumsum3A_226[%rev3A_230] in [0] : vector<16xi32>, vector<16xi32> -> vector<16xi32>
    %sub3A_232 = arith.subi %rev3A_231, %get3A_82 : vector<16xi32>
    %add3A_233 = vector.broadcast %add3A_189 : i32 to vector<16xi32>
    %add3A_234 = arith.addi %sub3A_232, %add3A_233 : vector<16xi32>
    %lt3A_235 = vector.broadcast %min3A : i32 to vector<16xi32>
    %lt3A_236 = arith.cmpi slt, %add3A_234, %lt3A_235 : vector<16xi32>
    %jit3A_237 = arith.constant 1 : i32
    %jit3A_238 = arith.constant 0 : i32
    %broadcast_in_dim3A_239 = vector.broadcast %jit3A_237 : i32 to vector<16xi32>
    %broadcast_in_dim3A_240 = vector.broadcast %jit3A_238 : i32 to vector<16xi32>
    %select_n3A_241 = arith.select %lt3A_236, %broadcast_in_dim3A_239, %broadcast_in_dim3A_240 : vector<16xi1>, vector<16xi32>
    %reduce_sum3A_242 = arith.constant true
    %reduce_sum3A_243 = vector.broadcast %reduce_sum3A_242 : i1 to vector<16xi1>
    %reduce_sum3A_244 = tpu.scan <sum>, %select_n3A_241 masked %reduce_sum3A_243 : vector<16xi32>, vector<16xi1> -> vector<16xi32>
    %reduce_sum3A_245 = vector.extract %reduce_sum3A_244[15] : i32 from vector<16xi32>
    %add3A_246 = arith.addi %add3A_218, %reduce_sum3A_245 : i32
    %rev3A_247 = arith.constant 15 : i32
    %rev3A_248 = vector.broadcast %rev3A_247 : i32 to vector<16xi32>
    %rev3A_249 = tpu.iota {dimensions = array<i32: 0>} : vector<16xi32>
    %rev3A_250 = arith.subi %rev3A_248, %rev3A_249 : vector<16xi32>
    %rev3A_251 = tpu.dynamic_gather %get3A_84[%rev3A_250] in [0] : vector<16xi32>, vector<16xi32> -> vector<16xi32>
    %cumsum3A_252 = arith.constant true
    %cumsum3A_253 = vector.broadcast %cumsum3A_252 : i1 to vector<16xi1>
    %cumsum3A_254 = tpu.scan <sum>, %rev3A_251 masked %cumsum3A_253 : vector<16xi32>, vector<16xi1> -> vector<16xi32>
    %rev3A_255 = arith.constant 15 : i32
    %rev3A_256 = vector.broadcast %rev3A_255 : i32 to vector<16xi32>
    %rev3A_257 = tpu.iota {dimensions = array<i32: 0>} : vector<16xi32>
    %rev3A_258 = arith.subi %rev3A_256, %rev3A_257 : vector<16xi32>
    %rev3A_259 = tpu.dynamic_gather %cumsum3A_254[%rev3A_258] in [0] : vector<16xi32>, vector<16xi32> -> vector<16xi32>
    %sub3A_260 = arith.subi %rev3A_259, %get3A_84 : vector<16xi32>
    %add3A_261 = vector.broadcast %add3A_188 : i32 to vector<16xi32>
    %add3A_262 = arith.addi %sub3A_260, %add3A_261 : vector<16xi32>
    %lt3A_263 = vector.broadcast %min3A : i32 to vector<16xi32>
    %lt3A_264 = arith.cmpi slt, %add3A_262, %lt3A_263 : vector<16xi32>
    %jit3A_265 = arith.constant 1 : i32
    %jit3A_266 = arith.constant 0 : i32
    %broadcast_in_dim3A_267 = vector.broadcast %jit3A_265 : i32 to vector<16xi32>
    %broadcast_in_dim3A_268 = vector.broadcast %jit3A_266 : i32 to vector<16xi32>
    %select_n3A_269 = arith.select %lt3A_264, %broadcast_in_dim3A_267, %broadcast_in_dim3A_268 : vector<16xi1>, vector<16xi32>
    %reduce_sum3A_270 = arith.constant true
    %reduce_sum3A_271 = vector.broadcast %reduce_sum3A_270 : i1 to vector<16xi1>
    %reduce_sum3A_272 = tpu.scan <sum>, %select_n3A_269 masked %reduce_sum3A_271 : vector<16xi32>, vector<16xi1> -> vector<16xi32>
    %reduce_sum3A_273 = vector.extract %reduce_sum3A_272[15] : i32 from vector<16xi32>
    %add3A_274 = arith.addi %add3A_246, %reduce_sum3A_273 : i32
    %rev3A_275 = arith.constant 15 : i32
    %rev3A_276 = vector.broadcast %rev3A_275 : i32 to vector<16xi32>
    %rev3A_277 = tpu.iota {dimensions = array<i32: 0>} : vector<16xi32>
    %rev3A_278 = arith.subi %rev3A_276, %rev3A_277 : vector<16xi32>
    %rev3A_279 = tpu.dynamic_gather %get3A_86[%rev3A_278] in [0] : vector<16xi32>, vector<16xi32> -> vector<16xi32>
    %cumsum3A_280 = arith.constant true
    %cumsum3A_281 = vector.broadcast %cumsum3A_280 : i1 to vector<16xi1>
    %cumsum3A_282 = tpu.scan <sum>, %rev3A_279 masked %cumsum3A_281 : vector<16xi32>, vector<16xi1> -> vector<16xi32>
    %rev3A_283 = arith.constant 15 : i32
    %rev3A_284 = vector.broadcast %rev3A_283 : i32 to vector<16xi32>
    %rev3A_285 = tpu.iota {dimensions = array<i32: 0>} : vector<16xi32>
    %rev3A_286 = arith.subi %rev3A_284, %rev3A_285 : vector<16xi32>
    %rev3A_287 = tpu.dynamic_gather %cumsum3A_282[%rev3A_286] in [0] : vector<16xi32>, vector<16xi32> -> vector<16xi32>
    %sub3A_288 = arith.subi %rev3A_287, %get3A_86 : vector<16xi32>
    %add3A_289 = vector.broadcast %add3A_187 : i32 to vector<16xi32>
    %add3A_290 = arith.addi %sub3A_288, %add3A_289 : vector<16xi32>
    %lt3A_291 = vector.broadcast %min3A : i32 to vector<16xi32>
    %lt3A_292 = arith.cmpi slt, %add3A_290, %lt3A_291 : vector<16xi32>
    %jit3A_293 = arith.constant 1 : i32
    %jit3A_294 = arith.constant 0 : i32
    %broadcast_in_dim3A_295 = vector.broadcast %jit3A_293 : i32 to vector<16xi32>
    %broadcast_in_dim3A_296 = vector.broadcast %jit3A_294 : i32 to vector<16xi32>
    %select_n3A_297 = arith.select %lt3A_292, %broadcast_in_dim3A_295, %broadcast_in_dim3A_296 : vector<16xi1>, vector<16xi32>
    %reduce_sum3A_298 = arith.constant true
    %reduce_sum3A_299 = vector.broadcast %reduce_sum3A_298 : i1 to vector<16xi1>
    %reduce_sum3A_300 = tpu.scan <sum>, %select_n3A_297 masked %reduce_sum3A_299 : vector<16xi32>, vector<16xi1> -> vector<16xi32>
    %reduce_sum3A_301 = vector.extract %reduce_sum3A_300[15] : i32 from vector<16xi32>
    %add3A_302 = arith.addi %add3A_274, %reduce_sum3A_301 : i32
    %rev3A_303 = arith.constant 15 : i32
    %rev3A_304 = vector.broadcast %rev3A_303 : i32 to vector<16xi32>
    %rev3A_305 = tpu.iota {dimensions = array<i32: 0>} : vector<16xi32>
    %rev3A_306 = arith.subi %rev3A_304, %rev3A_305 : vector<16xi32>
    %rev3A_307 = tpu.dynamic_gather %get3A_88[%rev3A_306] in [0] : vector<16xi32>, vector<16xi32> -> vector<16xi32>
    %cumsum3A_308 = arith.constant true
    %cumsum3A_309 = vector.broadcast %cumsum3A_308 : i1 to vector<16xi1>
    %cumsum3A_310 = tpu.scan <sum>, %rev3A_307 masked %cumsum3A_309 : vector<16xi32>, vector<16xi1> -> vector<16xi32>
    %rev3A_311 = arith.constant 15 : i32
    %rev3A_312 = vector.broadcast %rev3A_311 : i32 to vector<16xi32>
    %rev3A_313 = tpu.iota {dimensions = array<i32: 0>} : vector<16xi32>
    %rev3A_314 = arith.subi %rev3A_312, %rev3A_313 : vector<16xi32>
    %rev3A_315 = tpu.dynamic_gather %cumsum3A_310[%rev3A_314] in [0] : vector<16xi32>, vector<16xi32> -> vector<16xi32>
    %sub3A_316 = arith.subi %rev3A_315, %get3A_88 : vector<16xi32>
    %add3A_317 = vector.broadcast %add3A_186 : i32 to vector<16xi32>
    %add3A_318 = arith.addi %sub3A_316, %add3A_317 : vector<16xi32>
    %lt3A_319 = vector.broadcast %min3A : i32 to vector<16xi32>
    %lt3A_320 = arith.cmpi slt, %add3A_318, %lt3A_319 : vector<16xi32>
    %jit3A_321 = arith.constant 1 : i32
    %jit3A_322 = arith.constant 0 : i32
    %broadcast_in_dim3A_323 = vector.broadcast %jit3A_321 : i32 to vector<16xi32>
    %broadcast_in_dim3A_324 = vector.broadcast %jit3A_322 : i32 to vector<16xi32>
    %select_n3A_325 = arith.select %lt3A_320, %broadcast_in_dim3A_323, %broadcast_in_dim3A_324 : vector<16xi1>, vector<16xi32>
    %reduce_sum3A_326 = arith.constant true
    %reduce_sum3A_327 = vector.broadcast %reduce_sum3A_326 : i1 to vector<16xi1>
    %reduce_sum3A_328 = tpu.scan <sum>, %select_n3A_325 masked %reduce_sum3A_327 : vector<16xi32>, vector<16xi1> -> vector<16xi32>
    %reduce_sum3A_329 = vector.extract %reduce_sum3A_328[15] : i32 from vector<16xi32>
    %add3A_330 = arith.addi %add3A_302, %reduce_sum3A_329 : i32
    %rev3A_331 = arith.constant 15 : i32
    %rev3A_332 = vector.broadcast %rev3A_331 : i32 to vector<16xi32>
    %rev3A_333 = tpu.iota {dimensions = array<i32: 0>} : vector<16xi32>
    %rev3A_334 = arith.subi %rev3A_332, %rev3A_333 : vector<16xi32>
    %rev3A_335 = tpu.dynamic_gather %get3A_90[%rev3A_334] in [0] : vector<16xi32>, vector<16xi32> -> vector<16xi32>
    %cumsum3A_336 = arith.constant true
    %cumsum3A_337 = vector.broadcast %cumsum3A_336 : i1 to vector<16xi1>
    %cumsum3A_338 = tpu.scan <sum>, %rev3A_335 masked %cumsum3A_337 : vector<16xi32>, vector<16xi1> -> vector<16xi32>
    %rev3A_339 = arith.constant 15 : i32
    %rev3A_340 = vector.broadcast %rev3A_339 : i32 to vector<16xi32>
    %rev3A_341 = tpu.iota {dimensions = array<i32: 0>} : vector<16xi32>
    %rev3A_342 = arith.subi %rev3A_340, %rev3A_341 : vector<16xi32>
    %rev3A_343 = tpu.dynamic_gather %cumsum3A_338[%rev3A_342] in [0] : vector<16xi32>, vector<16xi32> -> vector<16xi32>
    %sub3A_344 = arith.subi %rev3A_343, %get3A_90 : vector<16xi32>
    %add3A_345 = vector.broadcast %add3A_185 : i32 to vector<16xi32>
    %add3A_346 = arith.addi %sub3A_344, %add3A_345 : vector<16xi32>
    %lt3A_347 = vector.broadcast %min3A : i32 to vector<16xi32>
    %lt3A_348 = arith.cmpi slt, %add3A_346, %lt3A_347 : vector<16xi32>
    %jit3A_349 = arith.constant 1 : i32
    %jit3A_350 = arith.constant 0 : i32
    %broadcast_in_dim3A_351 = vector.broadcast %jit3A_349 : i32 to vector<16xi32>
    %broadcast_in_dim3A_352 = vector.broadcast %jit3A_350 : i32 to vector<16xi32>
    %select_n3A_353 = arith.select %lt3A_348, %broadcast_in_dim3A_351, %broadcast_in_dim3A_352 : vector<16xi1>, vector<16xi32>
    %reduce_sum3A_354 = arith.constant true
    %reduce_sum3A_355 = vector.broadcast %reduce_sum3A_354 : i1 to vector<16xi1>
    %reduce_sum3A_356 = tpu.scan <sum>, %select_n3A_353 masked %reduce_sum3A_355 : vector<16xi32>, vector<16xi1> -> vector<16xi32>
    %reduce_sum3A_357 = vector.extract %reduce_sum3A_356[15] : i32 from vector<16xi32>
    %add3A_358 = arith.addi %add3A_330, %reduce_sum3A_357 : i32
    %rev3A_359 = arith.constant 15 : i32
    %rev3A_360 = vector.broadcast %rev3A_359 : i32 to vector<16xi32>
    %rev3A_361 = tpu.iota {dimensions = array<i32: 0>} : vector<16xi32>
    %rev3A_362 = arith.subi %rev3A_360, %rev3A_361 : vector<16xi32>
    %rev3A_363 = tpu.dynamic_gather %get3A_92[%rev3A_362] in [0] : vector<16xi32>, vector<16xi32> -> vector<16xi32>
    %cumsum3A_364 = arith.constant true
    %cumsum3A_365 = vector.broadcast %cumsum3A_364 : i1 to vector<16xi1>
    %cumsum3A_366 = tpu.scan <sum>, %rev3A_363 masked %cumsum3A_365 : vector<16xi32>, vector<16xi1> -> vector<16xi32>
    %rev3A_367 = arith.constant 15 : i32
    %rev3A_368 = vector.broadcast %rev3A_367 : i32 to vector<16xi32>
    %rev3A_369 = tpu.iota {dimensions = array<i32: 0>} : vector<16xi32>
    %rev3A_370 = arith.subi %rev3A_368, %rev3A_369 : vector<16xi32>
    %rev3A_371 = tpu.dynamic_gather %cumsum3A_366[%rev3A_370] in [0] : vector<16xi32>, vector<16xi32> -> vector<16xi32>
    %sub3A_372 = arith.subi %rev3A_371, %get3A_92 : vector<16xi32>
    %add3A_373 = vector.broadcast %add3A_184 : i32 to vector<16xi32>
    %add3A_374 = arith.addi %sub3A_372, %add3A_373 : vector<16xi32>
    %lt3A_375 = vector.broadcast %min3A : i32 to vector<16xi32>
    %lt3A_376 = arith.cmpi slt, %add3A_374, %lt3A_375 : vector<16xi32>
    %jit3A_377 = arith.constant 1 : i32
    %jit3A_378 = arith.constant 0 : i32
    %broadcast_in_dim3A_379 = vector.broadcast %jit3A_377 : i32 to vector<16xi32>
    %broadcast_in_dim3A_380 = vector.broadcast %jit3A_378 : i32 to vector<16xi32>
    %select_n3A_381 = arith.select %lt3A_376, %broadcast_in_dim3A_379, %broadcast_in_dim3A_380 : vector<16xi1>, vector<16xi32>
    %reduce_sum3A_382 = arith.constant true
    %reduce_sum3A_383 = vector.broadcast %reduce_sum3A_382 : i1 to vector<16xi1>
    %reduce_sum3A_384 = tpu.scan <sum>, %select_n3A_381 masked %reduce_sum3A_383 : vector<16xi32>, vector<16xi1> -> vector<16xi32>
    %reduce_sum3A_385 = vector.extract %reduce_sum3A_384[15] : i32 from vector<16xi32>
    %add3A_386 = arith.addi %add3A_358, %reduce_sum3A_385 : i32
    %rev3A_387 = arith.constant 15 : i32
    %rev3A_388 = vector.broadcast %rev3A_387 : i32 to vector<16xi32>
    %rev3A_389 = tpu.iota {dimensions = array<i32: 0>} : vector<16xi32>
    %rev3A_390 = arith.subi %rev3A_388, %rev3A_389 : vector<16xi32>
    %rev3A_391 = tpu.dynamic_gather %get3A_94[%rev3A_390] in [0] : vector<16xi32>, vector<16xi32> -> vector<16xi32>
    %cumsum3A_392 = arith.constant true
    %cumsum3A_393 = vector.broadcast %cumsum3A_392 : i1 to vector<16xi1>
    %cumsum3A_394 = tpu.scan <sum>, %rev3A_391 masked %cumsum3A_393 : vector<16xi32>, vector<16xi1> -> vector<16xi32>
    %rev3A_395 = arith.constant 15 : i32
    %rev3A_396 = vector.broadcast %rev3A_395 : i32 to vector<16xi32>
    %rev3A_397 = tpu.iota {dimensions = array<i32: 0>} : vector<16xi32>
    %rev3A_398 = arith.subi %rev3A_396, %rev3A_397 : vector<16xi32>
    %rev3A_399 = tpu.dynamic_gather %cumsum3A_394[%rev3A_398] in [0] : vector<16xi32>, vector<16xi32> -> vector<16xi32>
    %sub3A_400 = arith.subi %rev3A_399, %get3A_94 : vector<16xi32>
    %add3A_401 = vector.broadcast %add3A_183 : i32 to vector<16xi32>
    %add3A_402 = arith.addi %sub3A_400, %add3A_401 : vector<16xi32>
    %lt3A_403 = vector.broadcast %min3A : i32 to vector<16xi32>
    %lt3A_404 = arith.cmpi slt, %add3A_402, %lt3A_403 : vector<16xi32>
    %jit3A_405 = arith.constant 1 : i32
    %jit3A_406 = arith.constant 0 : i32
    %broadcast_in_dim3A_407 = vector.broadcast %jit3A_405 : i32 to vector<16xi32>
    %broadcast_in_dim3A_408 = vector.broadcast %jit3A_406 : i32 to vector<16xi32>
    %select_n3A_409 = arith.select %lt3A_404, %broadcast_in_dim3A_407, %broadcast_in_dim3A_408 : vector<16xi1>, vector<16xi32>
    %reduce_sum3A_410 = arith.constant true
    %reduce_sum3A_411 = vector.broadcast %reduce_sum3A_410 : i1 to vector<16xi1>
    %reduce_sum3A_412 = tpu.scan <sum>, %select_n3A_409 masked %reduce_sum3A_411 : vector<16xi32>, vector<16xi1> -> vector<16xi32>
    %reduce_sum3A_413 = vector.extract %reduce_sum3A_412[15] : i32 from vector<16xi32>
    %add3A_414 = arith.addi %add3A_386, %reduce_sum3A_413 : i32
    %rev3A_415 = arith.constant 15 : i32
    %rev3A_416 = vector.broadcast %rev3A_415 : i32 to vector<16xi32>
    %rev3A_417 = tpu.iota {dimensions = array<i32: 0>} : vector<16xi32>
    %rev3A_418 = arith.subi %rev3A_416, %rev3A_417 : vector<16xi32>
    %rev3A_419 = tpu.dynamic_gather %get3A_96[%rev3A_418] in [0] : vector<16xi32>, vector<16xi32> -> vector<16xi32>
    %cumsum3A_420 = arith.constant true
    %cumsum3A_421 = vector.broadcast %cumsum3A_420 : i1 to vector<16xi1>
    %cumsum3A_422 = tpu.scan <sum>, %rev3A_419 masked %cumsum3A_421 : vector<16xi32>, vector<16xi1> -> vector<16xi32>
    %rev3A_423 = arith.constant 15 : i32
    %rev3A_424 = vector.broadcast %rev3A_423 : i32 to vector<16xi32>
    %rev3A_425 = tpu.iota {dimensions = array<i32: 0>} : vector<16xi32>
    %rev3A_426 = arith.subi %rev3A_424, %rev3A_425 : vector<16xi32>
    %rev3A_427 = tpu.dynamic_gather %cumsum3A_422[%rev3A_426] in [0] : vector<16xi32>, vector<16xi32> -> vector<16xi32>
    %sub3A_428 = arith.subi %rev3A_427, %get3A_96 : vector<16xi32>
    %add3A_429 = vector.broadcast %add3A_182 : i32 to vector<16xi32>
    %add3A_430 = arith.addi %sub3A_428, %add3A_429 : vector<16xi32>
    %lt3A_431 = vector.broadcast %min3A : i32 to vector<16xi32>
    %lt3A_432 = arith.cmpi slt, %add3A_430, %lt3A_431 : vector<16xi32>
    %jit3A_433 = arith.constant 1 : i32
    %jit3A_434 = arith.constant 0 : i32
    %broadcast_in_dim3A_435 = vector.broadcast %jit3A_433 : i32 to vector<16xi32>
    %broadcast_in_dim3A_436 = vector.broadcast %jit3A_434 : i32 to vector<16xi32>
    %select_n3A_437 = arith.select %lt3A_432, %broadcast_in_dim3A_435, %broadcast_in_dim3A_436 : vector<16xi1>, vector<16xi32>
    %reduce_sum3A_438 = arith.constant true
    %reduce_sum3A_439 = vector.broadcast %reduce_sum3A_438 : i1 to vector<16xi1>
    %reduce_sum3A_440 = tpu.scan <sum>, %select_n3A_437 masked %reduce_sum3A_439 : vector<16xi32>, vector<16xi1> -> vector<16xi32>
    %reduce_sum3A_441 = vector.extract %reduce_sum3A_440[15] : i32 from vector<16xi32>
    %add3A_442 = arith.addi %add3A_414, %reduce_sum3A_441 : i32
    %rev3A_443 = arith.constant 15 : i32
    %rev3A_444 = vector.broadcast %rev3A_443 : i32 to vector<16xi32>
    %rev3A_445 = tpu.iota {dimensions = array<i32: 0>} : vector<16xi32>
    %rev3A_446 = arith.subi %rev3A_444, %rev3A_445 : vector<16xi32>
    %rev3A_447 = tpu.dynamic_gather %get3A_98[%rev3A_446] in [0] : vector<16xi32>, vector<16xi32> -> vector<16xi32>
    %cumsum3A_448 = arith.constant true
    %cumsum3A_449 = vector.broadcast %cumsum3A_448 : i1 to vector<16xi1>
    %cumsum3A_450 = tpu.scan <sum>, %rev3A_447 masked %cumsum3A_449 : vector<16xi32>, vector<16xi1> -> vector<16xi32>
    %rev3A_451 = arith.constant 15 : i32
    %rev3A_452 = vector.broadcast %rev3A_451 : i32 to vector<16xi32>
    %rev3A_453 = tpu.iota {dimensions = array<i32: 0>} : vector<16xi32>
    %rev3A_454 = arith.subi %rev3A_452, %rev3A_453 : vector<16xi32>
    %rev3A_455 = tpu.dynamic_gather %cumsum3A_450[%rev3A_454] in [0] : vector<16xi32>, vector<16xi32> -> vector<16xi32>
    %sub3A_456 = arith.subi %rev3A_455, %get3A_98 : vector<16xi32>
    %add3A_457 = vector.broadcast %add3A_181 : i32 to vector<16xi32>
    %add3A_458 = arith.addi %sub3A_456, %add3A_457 : vector<16xi32>
    %lt3A_459 = vector.broadcast %min3A : i32 to vector<16xi32>
    %lt3A_460 = arith.cmpi slt, %add3A_458, %lt3A_459 : vector<16xi32>
    %jit3A_461 = arith.constant 1 : i32
    %jit3A_462 = arith.constant 0 : i32
    %broadcast_in_dim3A_463 = vector.broadcast %jit3A_461 : i32 to vector<16xi32>
    %broadcast_in_dim3A_464 = vector.broadcast %jit3A_462 : i32 to vector<16xi32>
    %select_n3A_465 = arith.select %lt3A_460, %broadcast_in_dim3A_463, %broadcast_in_dim3A_464 : vector<16xi1>, vector<16xi32>
    %reduce_sum3A_466 = arith.constant true
    %reduce_sum3A_467 = vector.broadcast %reduce_sum3A_466 : i1 to vector<16xi1>
    %reduce_sum3A_468 = tpu.scan <sum>, %select_n3A_465 masked %reduce_sum3A_467 : vector<16xi32>, vector<16xi1> -> vector<16xi32>
    %reduce_sum3A_469 = vector.extract %reduce_sum3A_468[15] : i32 from vector<16xi32>
    %add3A_470 = arith.addi %add3A_442, %reduce_sum3A_469 : i32
    %rev3A_471 = arith.constant 15 : i32
    %rev3A_472 = vector.broadcast %rev3A_471 : i32 to vector<16xi32>
    %rev3A_473 = tpu.iota {dimensions = array<i32: 0>} : vector<16xi32>
    %rev3A_474 = arith.subi %rev3A_472, %rev3A_473 : vector<16xi32>
    %rev3A_475 = tpu.dynamic_gather %get3A_100[%rev3A_474] in [0] : vector<16xi32>, vector<16xi32> -> vector<16xi32>
    %cumsum3A_476 = arith.constant true
    %cumsum3A_477 = vector.broadcast %cumsum3A_476 : i1 to vector<16xi1>
    %cumsum3A_478 = tpu.scan <sum>, %rev3A_475 masked %cumsum3A_477 : vector<16xi32>, vector<16xi1> -> vector<16xi32>
    %rev3A_479 = arith.constant 15 : i32
    %rev3A_480 = vector.broadcast %rev3A_479 : i32 to vector<16xi32>
    %rev3A_481 = tpu.iota {dimensions = array<i32: 0>} : vector<16xi32>
    %rev3A_482 = arith.subi %rev3A_480, %rev3A_481 : vector<16xi32>
    %rev3A_483 = tpu.dynamic_gather %cumsum3A_478[%rev3A_482] in [0] : vector<16xi32>, vector<16xi32> -> vector<16xi32>
    %sub3A_484 = arith.subi %rev3A_483, %get3A_100 : vector<16xi32>
    %add3A_485 = vector.broadcast %add3A_180 : i32 to vector<16xi32>
    %add3A_486 = arith.addi %sub3A_484, %add3A_485 : vector<16xi32>
    %lt3A_487 = vector.broadcast %min3A : i32 to vector<16xi32>
    %lt3A_488 = arith.cmpi slt, %add3A_486, %lt3A_487 : vector<16xi32>
    %jit3A_489 = arith.constant 1 : i32
    %jit3A_490 = arith.constant 0 : i32
    %broadcast_in_dim3A_491 = vector.broadcast %jit3A_489 : i32 to vector<16xi32>
    %broadcast_in_dim3A_492 = vector.broadcast %jit3A_490 : i32 to vector<16xi32>
    %select_n3A_493 = arith.select %lt3A_488, %broadcast_in_dim3A_491, %broadcast_in_dim3A_492 : vector<16xi1>, vector<16xi32>
    %reduce_sum3A_494 = arith.constant true
    %reduce_sum3A_495 = vector.broadcast %reduce_sum3A_494 : i1 to vector<16xi1>
    %reduce_sum3A_496 = tpu.scan <sum>, %select_n3A_493 masked %reduce_sum3A_495 : vector<16xi32>, vector<16xi1> -> vector<16xi32>
    %reduce_sum3A_497 = vector.extract %reduce_sum3A_496[15] : i32 from vector<16xi32>
    %add3A_498 = arith.addi %add3A_470, %reduce_sum3A_497 : i32
    %rev3A_499 = arith.constant 15 : i32
    %rev3A_500 = vector.broadcast %rev3A_499 : i32 to vector<16xi32>
    %rev3A_501 = tpu.iota {dimensions = array<i32: 0>} : vector<16xi32>
    %rev3A_502 = arith.subi %rev3A_500, %rev3A_501 : vector<16xi32>
    %rev3A_503 = tpu.dynamic_gather %get3A_102[%rev3A_502] in [0] : vector<16xi32>, vector<16xi32> -> vector<16xi32>
    %cumsum3A_504 = arith.constant true
    %cumsum3A_505 = vector.broadcast %cumsum3A_504 : i1 to vector<16xi1>
    %cumsum3A_506 = tpu.scan <sum>, %rev3A_503 masked %cumsum3A_505 : vector<16xi32>, vector<16xi1> -> vector<16xi32>
    %rev3A_507 = arith.constant 15 : i32
    %rev3A_508 = vector.broadcast %rev3A_507 : i32 to vector<16xi32>
    %rev3A_509 = tpu.iota {dimensions = array<i32: 0>} : vector<16xi32>
    %rev3A_510 = arith.subi %rev3A_508, %rev3A_509 : vector<16xi32>
    %rev3A_511 = tpu.dynamic_gather %cumsum3A_506[%rev3A_510] in [0] : vector<16xi32>, vector<16xi32> -> vector<16xi32>
    %sub3A_512 = arith.subi %rev3A_511, %get3A_102 : vector<16xi32>
    %add3A_513 = vector.broadcast %add3A_179 : i32 to vector<16xi32>
    %add3A_514 = arith.addi %sub3A_512, %add3A_513 : vector<16xi32>
    %lt3A_515 = vector.broadcast %min3A : i32 to vector<16xi32>
    %lt3A_516 = arith.cmpi slt, %add3A_514, %lt3A_515 : vector<16xi32>
    %jit3A_517 = arith.constant 1 : i32
    %jit3A_518 = arith.constant 0 : i32
    %broadcast_in_dim3A_519 = vector.broadcast %jit3A_517 : i32 to vector<16xi32>
    %broadcast_in_dim3A_520 = vector.broadcast %jit3A_518 : i32 to vector<16xi32>
    %select_n3A_521 = arith.select %lt3A_516, %broadcast_in_dim3A_519, %broadcast_in_dim3A_520 : vector<16xi1>, vector<16xi32>
    %reduce_sum3A_522 = arith.constant true
    %reduce_sum3A_523 = vector.broadcast %reduce_sum3A_522 : i1 to vector<16xi1>
    %reduce_sum3A_524 = tpu.scan <sum>, %select_n3A_521 masked %reduce_sum3A_523 : vector<16xi32>, vector<16xi1> -> vector<16xi32>
    %reduce_sum3A_525 = vector.extract %reduce_sum3A_524[15] : i32 from vector<16xi32>
    %add3A_526 = arith.addi %add3A_498, %reduce_sum3A_525 : i32
    %rev3A_527 = arith.constant 15 : i32
    %rev3A_528 = vector.broadcast %rev3A_527 : i32 to vector<16xi32>
    %rev3A_529 = tpu.iota {dimensions = array<i32: 0>} : vector<16xi32>
    %rev3A_530 = arith.subi %rev3A_528, %rev3A_529 : vector<16xi32>
    %rev3A_531 = tpu.dynamic_gather %get3A_104[%rev3A_530] in [0] : vector<16xi32>, vector<16xi32> -> vector<16xi32>
    %cumsum3A_532 = arith.constant true
    %cumsum3A_533 = vector.broadcast %cumsum3A_532 : i1 to vector<16xi1>
    %cumsum3A_534 = tpu.scan <sum>, %rev3A_531 masked %cumsum3A_533 : vector<16xi32>, vector<16xi1> -> vector<16xi32>
    %rev3A_535 = arith.constant 15 : i32
    %rev3A_536 = vector.broadcast %rev3A_535 : i32 to vector<16xi32>
    %rev3A_537 = tpu.iota {dimensions = array<i32: 0>} : vector<16xi32>
    %rev3A_538 = arith.subi %rev3A_536, %rev3A_537 : vector<16xi32>
    %rev3A_539 = tpu.dynamic_gather %cumsum3A_534[%rev3A_538] in [0] : vector<16xi32>, vector<16xi32> -> vector<16xi32>
    %sub3A_540 = arith.subi %rev3A_539, %get3A_104 : vector<16xi32>
    %add3A_541 = vector.broadcast %add3A_178 : i32 to vector<16xi32>
    %add3A_542 = arith.addi %sub3A_540, %add3A_541 : vector<16xi32>
    %lt3A_543 = vector.broadcast %min3A : i32 to vector<16xi32>
    %lt3A_544 = arith.cmpi slt, %add3A_542, %lt3A_543 : vector<16xi32>
    %jit3A_545 = arith.constant 1 : i32
    %jit3A_546 = arith.constant 0 : i32
    %broadcast_in_dim3A_547 = vector.broadcast %jit3A_545 : i32 to vector<16xi32>
    %broadcast_in_dim3A_548 = vector.broadcast %jit3A_546 : i32 to vector<16xi32>
    %select_n3A_549 = arith.select %lt3A_544, %broadcast_in_dim3A_547, %broadcast_in_dim3A_548 : vector<16xi1>, vector<16xi32>
    %reduce_sum3A_550 = arith.constant true
    %reduce_sum3A_551 = vector.broadcast %reduce_sum3A_550 : i1 to vector<16xi1>
    %reduce_sum3A_552 = tpu.scan <sum>, %select_n3A_549 masked %reduce_sum3A_551 : vector<16xi32>, vector<16xi1> -> vector<16xi32>
    %reduce_sum3A_553 = vector.extract %reduce_sum3A_552[15] : i32 from vector<16xi32>
    %add3A_554 = arith.addi %add3A_526, %reduce_sum3A_553 : i32
    %rev3A_555 = arith.constant 15 : i32
    %rev3A_556 = vector.broadcast %rev3A_555 : i32 to vector<16xi32>
    %rev3A_557 = tpu.iota {dimensions = array<i32: 0>} : vector<16xi32>
    %rev3A_558 = arith.subi %rev3A_556, %rev3A_557 : vector<16xi32>
    %rev3A_559 = tpu.dynamic_gather %get3A_106[%rev3A_558] in [0] : vector<16xi32>, vector<16xi32> -> vector<16xi32>
    %cumsum3A_560 = arith.constant true
    %cumsum3A_561 = vector.broadcast %cumsum3A_560 : i1 to vector<16xi1>
    %cumsum3A_562 = tpu.scan <sum>, %rev3A_559 masked %cumsum3A_561 : vector<16xi32>, vector<16xi1> -> vector<16xi32>
    %rev3A_563 = arith.constant 15 : i32
    %rev3A_564 = vector.broadcast %rev3A_563 : i32 to vector<16xi32>
    %rev3A_565 = tpu.iota {dimensions = array<i32: 0>} : vector<16xi32>
    %rev3A_566 = arith.subi %rev3A_564, %rev3A_565 : vector<16xi32>
    %rev3A_567 = tpu.dynamic_gather %cumsum3A_562[%rev3A_566] in [0] : vector<16xi32>, vector<16xi32> -> vector<16xi32>
    %sub3A_568 = arith.subi %rev3A_567, %get3A_106 : vector<16xi32>
    %add3A_569 = vector.broadcast %add3A_177 : i32 to vector<16xi32>
    %add3A_570 = arith.addi %sub3A_568, %add3A_569 : vector<16xi32>
    %lt3A_571 = vector.broadcast %min3A : i32 to vector<16xi32>
    %lt3A_572 = arith.cmpi slt, %add3A_570, %lt3A_571 : vector<16xi32>
    %jit3A_573 = arith.constant 1 : i32
    %jit3A_574 = arith.constant 0 : i32
    %broadcast_in_dim3A_575 = vector.broadcast %jit3A_573 : i32 to vector<16xi32>
    %broadcast_in_dim3A_576 = vector.broadcast %jit3A_574 : i32 to vector<16xi32>
    %select_n3A_577 = arith.select %lt3A_572, %broadcast_in_dim3A_575, %broadcast_in_dim3A_576 : vector<16xi1>, vector<16xi32>
    %reduce_sum3A_578 = arith.constant true
    %reduce_sum3A_579 = vector.broadcast %reduce_sum3A_578 : i1 to vector<16xi1>
    %reduce_sum3A_580 = tpu.scan <sum>, %select_n3A_577 masked %reduce_sum3A_579 : vector<16xi32>, vector<16xi1> -> vector<16xi32>
    %reduce_sum3A_581 = vector.extract %reduce_sum3A_580[15] : i32 from vector<16xi32>
    %add3A_582 = arith.addi %add3A_554, %reduce_sum3A_581 : i32
    %rev3A_583 = arith.constant 15 : i32
    %rev3A_584 = vector.broadcast %rev3A_583 : i32 to vector<16xi32>
    %rev3A_585 = tpu.iota {dimensions = array<i32: 0>} : vector<16xi32>
    %rev3A_586 = arith.subi %rev3A_584, %rev3A_585 : vector<16xi32>
    %rev3A_587 = tpu.dynamic_gather %get3A_108[%rev3A_586] in [0] : vector<16xi32>, vector<16xi32> -> vector<16xi32>
    %cumsum3A_588 = arith.constant true
    %cumsum3A_589 = vector.broadcast %cumsum3A_588 : i1 to vector<16xi1>
    %cumsum3A_590 = tpu.scan <sum>, %rev3A_587 masked %cumsum3A_589 : vector<16xi32>, vector<16xi1> -> vector<16xi32>
    %rev3A_591 = arith.constant 15 : i32
    %rev3A_592 = vector.broadcast %rev3A_591 : i32 to vector<16xi32>
    %rev3A_593 = tpu.iota {dimensions = array<i32: 0>} : vector<16xi32>
    %rev3A_594 = arith.subi %rev3A_592, %rev3A_593 : vector<16xi32>
    %rev3A_595 = tpu.dynamic_gather %cumsum3A_590[%rev3A_594] in [0] : vector<16xi32>, vector<16xi32> -> vector<16xi32>
    %sub3A_596 = arith.subi %rev3A_595, %get3A_108 : vector<16xi32>
    %add3A_597 = vector.broadcast %add3A_176 : i32 to vector<16xi32>
    %add3A_598 = arith.addi %sub3A_596, %add3A_597 : vector<16xi32>
    %lt3A_599 = vector.broadcast %min3A : i32 to vector<16xi32>
    %lt3A_600 = arith.cmpi slt, %add3A_598, %lt3A_599 : vector<16xi32>
    %jit3A_601 = arith.constant 1 : i32
    %jit3A_602 = arith.constant 0 : i32
    %broadcast_in_dim3A_603 = vector.broadcast %jit3A_601 : i32 to vector<16xi32>
    %broadcast_in_dim3A_604 = vector.broadcast %jit3A_602 : i32 to vector<16xi32>
    %select_n3A_605 = arith.select %lt3A_600, %broadcast_in_dim3A_603, %broadcast_in_dim3A_604 : vector<16xi1>, vector<16xi32>
    %reduce_sum3A_606 = arith.constant true
    %reduce_sum3A_607 = vector.broadcast %reduce_sum3A_606 : i1 to vector<16xi1>
    %reduce_sum3A_608 = tpu.scan <sum>, %select_n3A_605 masked %reduce_sum3A_607 : vector<16xi32>, vector<16xi1> -> vector<16xi32>
    %reduce_sum3A_609 = vector.extract %reduce_sum3A_608[15] : i32 from vector<16xi32>
    %add3A_610 = arith.addi %add3A_582, %reduce_sum3A_609 : i32
    %rev3A_611 = arith.constant 15 : i32
    %rev3A_612 = vector.broadcast %rev3A_611 : i32 to vector<16xi32>
    %rev3A_613 = tpu.iota {dimensions = array<i32: 0>} : vector<16xi32>
    %rev3A_614 = arith.subi %rev3A_612, %rev3A_613 : vector<16xi32>
    %rev3A_615 = tpu.dynamic_gather %get3A_110[%rev3A_614] in [0] : vector<16xi32>, vector<16xi32> -> vector<16xi32>
    %cumsum3A_616 = arith.constant true
    %cumsum3A_617 = vector.broadcast %cumsum3A_616 : i1 to vector<16xi1>
    %cumsum3A_618 = tpu.scan <sum>, %rev3A_615 masked %cumsum3A_617 : vector<16xi32>, vector<16xi1> -> vector<16xi32>
    %rev3A_619 = arith.constant 15 : i32
    %rev3A_620 = vector.broadcast %rev3A_619 : i32 to vector<16xi32>
    %rev3A_621 = tpu.iota {dimensions = array<i32: 0>} : vector<16xi32>
    %rev3A_622 = arith.subi %rev3A_620, %rev3A_621 : vector<16xi32>
    %rev3A_623 = tpu.dynamic_gather %cumsum3A_618[%rev3A_622] in [0] : vector<16xi32>, vector<16xi32> -> vector<16xi32>
    %sub3A_624 = arith.subi %rev3A_623, %get3A_110 : vector<16xi32>
    %add3A_625 = arith.constant 0 : i32
    %add3A_626 = vector.broadcast %add3A_625 : i32 to vector<16xi32>
    %add3A_627 = arith.addi %sub3A_624, %add3A_626 : vector<16xi32>
    %lt3A_628 = vector.broadcast %min3A : i32 to vector<16xi32>
    %lt3A_629 = arith.cmpi slt, %add3A_627, %lt3A_628 : vector<16xi32>
    %jit3A_630 = arith.constant 1 : i32
    %jit3A_631 = arith.constant 0 : i32
    %broadcast_in_dim3A_632 = vector.broadcast %jit3A_630 : i32 to vector<16xi32>
    %broadcast_in_dim3A_633 = vector.broadcast %jit3A_631 : i32 to vector<16xi32>
    %select_n3A_634 = arith.select %lt3A_629, %broadcast_in_dim3A_632, %broadcast_in_dim3A_633 : vector<16xi1>, vector<16xi32>
    %reduce_sum3A_635 = arith.constant true
    %reduce_sum3A_636 = vector.broadcast %reduce_sum3A_635 : i1 to vector<16xi1>
    %reduce_sum3A_637 = tpu.scan <sum>, %select_n3A_634 masked %reduce_sum3A_636 : vector<16xi32>, vector<16xi1> -> vector<16xi32>
    %reduce_sum3A_638 = vector.extract %reduce_sum3A_637[15] : i32 from vector<16xi32>
    %add3A_639 = arith.addi %add3A_610, %reduce_sum3A_638 : i32
    %sub3A_640 = arith.constant 256 : i32
    %sub3A_641 = arith.subi %sub3A_640, %add3A_639 : i32
    %add3A_642 = arith.constant 0 : i32
    %add3A_643 = vector.broadcast %add3A_642 : i32 to vector<16xi32>
    %add3A_644 = arith.addi %add3A_643, %iota3A : vector<16xi32>
    %gt3A = vector.broadcast %sub3A_641 : i32 to vector<16xi32>
    %gt3A_645 = arith.cmpi sgt, %add3A_644, %gt3A : vector<16xi32>
    %jit3A_646 = arith.constant 0 : i32
    %broadcast_in_dim3A_647 = vector.broadcast %jit3A_646 : i32 to vector<16xi32>
    %select_n3A_648 = arith.select %gt3A_645, %get3A_80, %broadcast_in_dim3A_647 : vector<16xi1>, vector<16xi32>
    %reduce_sum3A_649 = arith.constant true
    %reduce_sum3A_650 = vector.broadcast %reduce_sum3A_649 : i1 to vector<16xi1>
    %reduce_sum3A_651 = tpu.scan <sum>, %select_n3A_648 masked %reduce_sum3A_650 : vector<16xi32>, vector<16xi1> -> vector<16xi32>
    %reduce_sum3A_652 = vector.extract %reduce_sum3A_651[15] : i32 from vector<16xi32>
    %add3A_653 = arith.constant 0 : i32
    %add3A_654 = arith.addi %add3A_653, %reduce_sum3A_652 : i32
    %add3A_655 = arith.constant 16 : i32
    %add3A_656 = vector.broadcast %add3A_655 : i32 to vector<16xi32>
    %add3A_657 = arith.addi %add3A_656, %iota3A : vector<16xi32>
    %gt3A_658 = vector.broadcast %sub3A_641 : i32 to vector<16xi32>
    %gt3A_659 = arith.cmpi sgt, %add3A_657, %gt3A_658 : vector<16xi32>
    %jit3A_660 = arith.constant 0 : i32
    %broadcast_in_dim3A_661 = vector.broadcast %jit3A_660 : i32 to vector<16xi32>
    %select_n3A_662 = arith.select %gt3A_659, %get3A_82, %broadcast_in_dim3A_661 : vector<16xi1>, vector<16xi32>
    %reduce_sum3A_663 = arith.constant true
    %reduce_sum3A_664 = vector.broadcast %reduce_sum3A_663 : i1 to vector<16xi1>
    %reduce_sum3A_665 = tpu.scan <sum>, %select_n3A_662 masked %reduce_sum3A_664 : vector<16xi32>, vector<16xi1> -> vector<16xi32>
    %reduce_sum3A_666 = vector.extract %reduce_sum3A_665[15] : i32 from vector<16xi32>
    %add3A_667 = arith.addi %add3A_654, %reduce_sum3A_666 : i32
    %add3A_668 = arith.constant 32 : i32
    %add3A_669 = vector.broadcast %add3A_668 : i32 to vector<16xi32>
    %add3A_670 = arith.addi %add3A_669, %iota3A : vector<16xi32>
    %gt3A_671 = vector.broadcast %sub3A_641 : i32 to vector<16xi32>
    %gt3A_672 = arith.cmpi sgt, %add3A_670, %gt3A_671 : vector<16xi32>
    %jit3A_673 = arith.constant 0 : i32
    %broadcast_in_dim3A_674 = vector.broadcast %jit3A_673 : i32 to vector<16xi32>
    %select_n3A_675 = arith.select %gt3A_672, %get3A_84, %broadcast_in_dim3A_674 : vector<16xi1>, vector<16xi32>
    %reduce_sum3A_676 = arith.constant true
    %reduce_sum3A_677 = vector.broadcast %reduce_sum3A_676 : i1 to vector<16xi1>
    %reduce_sum3A_678 = tpu.scan <sum>, %select_n3A_675 masked %reduce_sum3A_677 : vector<16xi32>, vector<16xi1> -> vector<16xi32>
    %reduce_sum3A_679 = vector.extract %reduce_sum3A_678[15] : i32 from vector<16xi32>
    %add3A_680 = arith.addi %add3A_667, %reduce_sum3A_679 : i32
    %add3A_681 = arith.constant 48 : i32
    %add3A_682 = vector.broadcast %add3A_681 : i32 to vector<16xi32>
    %add3A_683 = arith.addi %add3A_682, %iota3A : vector<16xi32>
    %gt3A_684 = vector.broadcast %sub3A_641 : i32 to vector<16xi32>
    %gt3A_685 = arith.cmpi sgt, %add3A_683, %gt3A_684 : vector<16xi32>
    %jit3A_686 = arith.constant 0 : i32
    %broadcast_in_dim3A_687 = vector.broadcast %jit3A_686 : i32 to vector<16xi32>
    %select_n3A_688 = arith.select %gt3A_685, %get3A_86, %broadcast_in_dim3A_687 : vector<16xi1>, vector<16xi32>
    %reduce_sum3A_689 = arith.constant true
    %reduce_sum3A_690 = vector.broadcast %reduce_sum3A_689 : i1 to vector<16xi1>
    %reduce_sum3A_691 = tpu.scan <sum>, %select_n3A_688 masked %reduce_sum3A_690 : vector<16xi32>, vector<16xi1> -> vector<16xi32>
    %reduce_sum3A_692 = vector.extract %reduce_sum3A_691[15] : i32 from vector<16xi32>
    %add3A_693 = arith.addi %add3A_680, %reduce_sum3A_692 : i32
    %add3A_694 = arith.constant 64 : i32
    %add3A_695 = vector.broadcast %add3A_694 : i32 to vector<16xi32>
    %add3A_696 = arith.addi %add3A_695, %iota3A : vector<16xi32>
    %gt3A_697 = vector.broadcast %sub3A_641 : i32 to vector<16xi32>
    %gt3A_698 = arith.cmpi sgt, %add3A_696, %gt3A_697 : vector<16xi32>
    %jit3A_699 = arith.constant 0 : i32
    %broadcast_in_dim3A_700 = vector.broadcast %jit3A_699 : i32 to vector<16xi32>
    %select_n3A_701 = arith.select %gt3A_698, %get3A_88, %broadcast_in_dim3A_700 : vector<16xi1>, vector<16xi32>
    %reduce_sum3A_702 = arith.constant true
    %reduce_sum3A_703 = vector.broadcast %reduce_sum3A_702 : i1 to vector<16xi1>
    %reduce_sum3A_704 = tpu.scan <sum>, %select_n3A_701 masked %reduce_sum3A_703 : vector<16xi32>, vector<16xi1> -> vector<16xi32>
    %reduce_sum3A_705 = vector.extract %reduce_sum3A_704[15] : i32 from vector<16xi32>
    %add3A_706 = arith.addi %add3A_693, %reduce_sum3A_705 : i32
    %add3A_707 = arith.constant 80 : i32
    %add3A_708 = vector.broadcast %add3A_707 : i32 to vector<16xi32>
    %add3A_709 = arith.addi %add3A_708, %iota3A : vector<16xi32>
    %gt3A_710 = vector.broadcast %sub3A_641 : i32 to vector<16xi32>
    %gt3A_711 = arith.cmpi sgt, %add3A_709, %gt3A_710 : vector<16xi32>
    %jit3A_712 = arith.constant 0 : i32
    %broadcast_in_dim3A_713 = vector.broadcast %jit3A_712 : i32 to vector<16xi32>
    %select_n3A_714 = arith.select %gt3A_711, %get3A_90, %broadcast_in_dim3A_713 : vector<16xi1>, vector<16xi32>
    %reduce_sum3A_715 = arith.constant true
    %reduce_sum3A_716 = vector.broadcast %reduce_sum3A_715 : i1 to vector<16xi1>
    %reduce_sum3A_717 = tpu.scan <sum>, %select_n3A_714 masked %reduce_sum3A_716 : vector<16xi32>, vector<16xi1> -> vector<16xi32>
    %reduce_sum3A_718 = vector.extract %reduce_sum3A_717[15] : i32 from vector<16xi32>
    %add3A_719 = arith.addi %add3A_706, %reduce_sum3A_718 : i32
    %add3A_720 = arith.constant 96 : i32
    %add3A_721 = vector.broadcast %add3A_720 : i32 to vector<16xi32>
    %add3A_722 = arith.addi %add3A_721, %iota3A : vector<16xi32>
    %gt3A_723 = vector.broadcast %sub3A_641 : i32 to vector<16xi32>
    %gt3A_724 = arith.cmpi sgt, %add3A_722, %gt3A_723 : vector<16xi32>
    %jit3A_725 = arith.constant 0 : i32
    %broadcast_in_dim3A_726 = vector.broadcast %jit3A_725 : i32 to vector<16xi32>
    %select_n3A_727 = arith.select %gt3A_724, %get3A_92, %broadcast_in_dim3A_726 : vector<16xi1>, vector<16xi32>
    %reduce_sum3A_728 = arith.constant true
    %reduce_sum3A_729 = vector.broadcast %reduce_sum3A_728 : i1 to vector<16xi1>
    %reduce_sum3A_730 = tpu.scan <sum>, %select_n3A_727 masked %reduce_sum3A_729 : vector<16xi32>, vector<16xi1> -> vector<16xi32>
    %reduce_sum3A_731 = vector.extract %reduce_sum3A_730[15] : i32 from vector<16xi32>
    %add3A_732 = arith.addi %add3A_719, %reduce_sum3A_731 : i32
    %add3A_733 = arith.constant 112 : i32
    %add3A_734 = vector.broadcast %add3A_733 : i32 to vector<16xi32>
    %add3A_735 = arith.addi %add3A_734, %iota3A : vector<16xi32>
    %gt3A_736 = vector.broadcast %sub3A_641 : i32 to vector<16xi32>
    %gt3A_737 = arith.cmpi sgt, %add3A_735, %gt3A_736 : vector<16xi32>
    %jit3A_738 = arith.constant 0 : i32
    %broadcast_in_dim3A_739 = vector.broadcast %jit3A_738 : i32 to vector<16xi32>
    %select_n3A_740 = arith.select %gt3A_737, %get3A_94, %broadcast_in_dim3A_739 : vector<16xi1>, vector<16xi32>
    %reduce_sum3A_741 = arith.constant true
    %reduce_sum3A_742 = vector.broadcast %reduce_sum3A_741 : i1 to vector<16xi1>
    %reduce_sum3A_743 = tpu.scan <sum>, %select_n3A_740 masked %reduce_sum3A_742 : vector<16xi32>, vector<16xi1> -> vector<16xi32>
    %reduce_sum3A_744 = vector.extract %reduce_sum3A_743[15] : i32 from vector<16xi32>
    %add3A_745 = arith.addi %add3A_732, %reduce_sum3A_744 : i32
    %add3A_746 = arith.constant 128 : i32
    %add3A_747 = vector.broadcast %add3A_746 : i32 to vector<16xi32>
    %add3A_748 = arith.addi %add3A_747, %iota3A : vector<16xi32>
    %gt3A_749 = vector.broadcast %sub3A_641 : i32 to vector<16xi32>
    %gt3A_750 = arith.cmpi sgt, %add3A_748, %gt3A_749 : vector<16xi32>
    %jit3A_751 = arith.constant 0 : i32
    %broadcast_in_dim3A_752 = vector.broadcast %jit3A_751 : i32 to vector<16xi32>
    %select_n3A_753 = arith.select %gt3A_750, %get3A_96, %broadcast_in_dim3A_752 : vector<16xi1>, vector<16xi32>
    %reduce_sum3A_754 = arith.constant true
    %reduce_sum3A_755 = vector.broadcast %reduce_sum3A_754 : i1 to vector<16xi1>
    %reduce_sum3A_756 = tpu.scan <sum>, %select_n3A_753 masked %reduce_sum3A_755 : vector<16xi32>, vector<16xi1> -> vector<16xi32>
    %reduce_sum3A_757 = vector.extract %reduce_sum3A_756[15] : i32 from vector<16xi32>
    %add3A_758 = arith.addi %add3A_745, %reduce_sum3A_757 : i32
    %add3A_759 = arith.constant 144 : i32
    %add3A_760 = vector.broadcast %add3A_759 : i32 to vector<16xi32>
    %add3A_761 = arith.addi %add3A_760, %iota3A : vector<16xi32>
    %gt3A_762 = vector.broadcast %sub3A_641 : i32 to vector<16xi32>
    %gt3A_763 = arith.cmpi sgt, %add3A_761, %gt3A_762 : vector<16xi32>
    %jit3A_764 = arith.constant 0 : i32
    %broadcast_in_dim3A_765 = vector.broadcast %jit3A_764 : i32 to vector<16xi32>
    %select_n3A_766 = arith.select %gt3A_763, %get3A_98, %broadcast_in_dim3A_765 : vector<16xi1>, vector<16xi32>
    %reduce_sum3A_767 = arith.constant true
    %reduce_sum3A_768 = vector.broadcast %reduce_sum3A_767 : i1 to vector<16xi1>
    %reduce_sum3A_769 = tpu.scan <sum>, %select_n3A_766 masked %reduce_sum3A_768 : vector<16xi32>, vector<16xi1> -> vector<16xi32>
    %reduce_sum3A_770 = vector.extract %reduce_sum3A_769[15] : i32 from vector<16xi32>
    %add3A_771 = arith.addi %add3A_758, %reduce_sum3A_770 : i32
    %add3A_772 = arith.constant 160 : i32
    %add3A_773 = vector.broadcast %add3A_772 : i32 to vector<16xi32>
    %add3A_774 = arith.addi %add3A_773, %iota3A : vector<16xi32>
    %gt3A_775 = vector.broadcast %sub3A_641 : i32 to vector<16xi32>
    %gt3A_776 = arith.cmpi sgt, %add3A_774, %gt3A_775 : vector<16xi32>
    %jit3A_777 = arith.constant 0 : i32
    %broadcast_in_dim3A_778 = vector.broadcast %jit3A_777 : i32 to vector<16xi32>
    %select_n3A_779 = arith.select %gt3A_776, %get3A_100, %broadcast_in_dim3A_778 : vector<16xi1>, vector<16xi32>
    %reduce_sum3A_780 = arith.constant true
    %reduce_sum3A_781 = vector.broadcast %reduce_sum3A_780 : i1 to vector<16xi1>
    %reduce_sum3A_782 = tpu.scan <sum>, %select_n3A_779 masked %reduce_sum3A_781 : vector<16xi32>, vector<16xi1> -> vector<16xi32>
    %reduce_sum3A_783 = vector.extract %reduce_sum3A_782[15] : i32 from vector<16xi32>
    %add3A_784 = arith.addi %add3A_771, %reduce_sum3A_783 : i32
    %add3A_785 = arith.constant 176 : i32
    %add3A_786 = vector.broadcast %add3A_785 : i32 to vector<16xi32>
    %add3A_787 = arith.addi %add3A_786, %iota3A : vector<16xi32>
    %gt3A_788 = vector.broadcast %sub3A_641 : i32 to vector<16xi32>
    %gt3A_789 = arith.cmpi sgt, %add3A_787, %gt3A_788 : vector<16xi32>
    %jit3A_790 = arith.constant 0 : i32
    %broadcast_in_dim3A_791 = vector.broadcast %jit3A_790 : i32 to vector<16xi32>
    %select_n3A_792 = arith.select %gt3A_789, %get3A_102, %broadcast_in_dim3A_791 : vector<16xi1>, vector<16xi32>
    %reduce_sum3A_793 = arith.constant true
    %reduce_sum3A_794 = vector.broadcast %reduce_sum3A_793 : i1 to vector<16xi1>
    %reduce_sum3A_795 = tpu.scan <sum>, %select_n3A_792 masked %reduce_sum3A_794 : vector<16xi32>, vector<16xi1> -> vector<16xi32>
    %reduce_sum3A_796 = vector.extract %reduce_sum3A_795[15] : i32 from vector<16xi32>
    %add3A_797 = arith.addi %add3A_784, %reduce_sum3A_796 : i32
    %add3A_798 = arith.constant 192 : i32
    %add3A_799 = vector.broadcast %add3A_798 : i32 to vector<16xi32>
    %add3A_800 = arith.addi %add3A_799, %iota3A : vector<16xi32>
    %gt3A_801 = vector.broadcast %sub3A_641 : i32 to vector<16xi32>
    %gt3A_802 = arith.cmpi sgt, %add3A_800, %gt3A_801 : vector<16xi32>
    %jit3A_803 = arith.constant 0 : i32
    %broadcast_in_dim3A_804 = vector.broadcast %jit3A_803 : i32 to vector<16xi32>
    %select_n3A_805 = arith.select %gt3A_802, %get3A_104, %broadcast_in_dim3A_804 : vector<16xi1>, vector<16xi32>
    %reduce_sum3A_806 = arith.constant true
    %reduce_sum3A_807 = vector.broadcast %reduce_sum3A_806 : i1 to vector<16xi1>
    %reduce_sum3A_808 = tpu.scan <sum>, %select_n3A_805 masked %reduce_sum3A_807 : vector<16xi32>, vector<16xi1> -> vector<16xi32>
    %reduce_sum3A_809 = vector.extract %reduce_sum3A_808[15] : i32 from vector<16xi32>
    %add3A_810 = arith.addi %add3A_797, %reduce_sum3A_809 : i32
    %add3A_811 = arith.constant 208 : i32
    %add3A_812 = vector.broadcast %add3A_811 : i32 to vector<16xi32>
    %add3A_813 = arith.addi %add3A_812, %iota3A : vector<16xi32>
    %gt3A_814 = vector.broadcast %sub3A_641 : i32 to vector<16xi32>
    %gt3A_815 = arith.cmpi sgt, %add3A_813, %gt3A_814 : vector<16xi32>
    %jit3A_816 = arith.constant 0 : i32
    %broadcast_in_dim3A_817 = vector.broadcast %jit3A_816 : i32 to vector<16xi32>
    %select_n3A_818 = arith.select %gt3A_815, %get3A_106, %broadcast_in_dim3A_817 : vector<16xi1>, vector<16xi32>
    %reduce_sum3A_819 = arith.constant true
    %reduce_sum3A_820 = vector.broadcast %reduce_sum3A_819 : i1 to vector<16xi1>
    %reduce_sum3A_821 = tpu.scan <sum>, %select_n3A_818 masked %reduce_sum3A_820 : vector<16xi32>, vector<16xi1> -> vector<16xi32>
    %reduce_sum3A_822 = vector.extract %reduce_sum3A_821[15] : i32 from vector<16xi32>
    %add3A_823 = arith.addi %add3A_810, %reduce_sum3A_822 : i32
    %add3A_824 = arith.constant 224 : i32
    %add3A_825 = vector.broadcast %add3A_824 : i32 to vector<16xi32>
    %add3A_826 = arith.addi %add3A_825, %iota3A : vector<16xi32>
    %gt3A_827 = vector.broadcast %sub3A_641 : i32 to vector<16xi32>
    %gt3A_828 = arith.cmpi sgt, %add3A_826, %gt3A_827 : vector<16xi32>
    %jit3A_829 = arith.constant 0 : i32
    %broadcast_in_dim3A_830 = vector.broadcast %jit3A_829 : i32 to vector<16xi32>
    %select_n3A_831 = arith.select %gt3A_828, %get3A_108, %broadcast_in_dim3A_830 : vector<16xi1>, vector<16xi32>
    %reduce_sum3A_832 = arith.constant true
    %reduce_sum3A_833 = vector.broadcast %reduce_sum3A_832 : i1 to vector<16xi1>
    %reduce_sum3A_834 = tpu.scan <sum>, %select_n3A_831 masked %reduce_sum3A_833 : vector<16xi32>, vector<16xi1> -> vector<16xi32>
    %reduce_sum3A_835 = vector.extract %reduce_sum3A_834[15] : i32 from vector<16xi32>
    %add3A_836 = arith.addi %add3A_823, %reduce_sum3A_835 : i32
    %add3A_837 = arith.constant 240 : i32
    %add3A_838 = vector.broadcast %add3A_837 : i32 to vector<16xi32>
    %add3A_839 = arith.addi %add3A_838, %iota3A : vector<16xi32>
    %gt3A_840 = vector.broadcast %sub3A_641 : i32 to vector<16xi32>
    %gt3A_841 = arith.cmpi sgt, %add3A_839, %gt3A_840 : vector<16xi32>
    %jit3A_842 = arith.constant 0 : i32
    %broadcast_in_dim3A_843 = vector.broadcast %jit3A_842 : i32 to vector<16xi32>
    %select_n3A_844 = arith.select %gt3A_841, %get3A_110, %broadcast_in_dim3A_843 : vector<16xi1>, vector<16xi32>
    %reduce_sum3A_845 = arith.constant true
    %reduce_sum3A_846 = vector.broadcast %reduce_sum3A_845 : i1 to vector<16xi1>
    %reduce_sum3A_847 = tpu.scan <sum>, %select_n3A_844 masked %reduce_sum3A_846 : vector<16xi32>, vector<16xi1> -> vector<16xi32>
    %reduce_sum3A_848 = vector.extract %reduce_sum3A_847[15] : i32 from vector<16xi32>
    %add3A_849 = arith.addi %add3A_836, %reduce_sum3A_848 : i32
    %sub3A_850 = arith.subi %min3A, %add3A_849 : i32
    %shift_left3A = arith.constant 24 : i32
    %shift_left3A_851 = arith.shli %sub3A_641, %shift_left3A : i32
    %or3A = arith.constant 0 : i32
    %or3A_852 = arith.ori %or3A, %shift_left3A_851 : i32
    %scan3A_853 = arith.constant 0 : i32
    %scan3A_854 = arith.constant 0 : i32
    %scan3A_855 = arith.constant 64 : i32
    %scan3A_856 = arith.addi %scan3A_854, %scan3A_855 : i32
    %scan3A_857 = arith.constant 1 : i32
    scf.for %scan3A_3368 = %scan3A_854 to %scan3A_856 step %scan3A_857  : i32 {
      %mul3A_3369 = arith.constant 4 : i32
      %mul3A_3370 = arith.muli %scan3A_3368, %mul3A_3369 : i32
      %add3A_3371 = arith.constant 0 : i32
      %add3A_3372 = arith.addi %mul3A_3370, %add3A_3371 : i32
      %mul3A_3373 = arith.constant 16 : i32
      %mul3A_3374 = arith.muli %add3A_3372, %mul3A_3373 : i32
      %swap3A_3375 = arith.index_cast %mul3A_3374 : i32 to index
      %swap3A_3376 = tpu.vector_load %arg6[%swap3A_3375] {strides = array<i32>} : memref<4096xi32, #tpu.memory_space<vmem>>, vector<16xi32>,
      tpu.vector_store %arg6[%swap3A_3375], %broadcast_in_dim3A_28 {strides = array<i32>} : memref<4096xi32, #tpu.memory_space<vmem>>, vector<16xi32>,
      %mul3A_3377 = arith.constant 4 : i32
      %mul3A_3378 = arith.muli %scan3A_3368, %mul3A_3377 : i32
      %add3A_3379 = arith.constant 1 : i32
      %add3A_3380 = arith.addi %mul3A_3378, %add3A_3379 : i32
      %mul3A_3381 = arith.constant 16 : i32
      %mul3A_3382 = arith.muli %add3A_3380, %mul3A_3381 : i32
      %swap3A_3383 = arith.index_cast %mul3A_3382 : i32 to index
      %swap3A_3384 = tpu.vector_load %arg6[%swap3A_3383] {strides = array<i32>} : memref<4096xi32, #tpu.memory_space<vmem>>, vector<16xi32>,
      tpu.vector_store %arg6[%swap3A_3383], %broadcast_in_dim3A_28 {strides = array<i32>} : memref<4096xi32, #tpu.memory_space<vmem>>, vector<16xi32>,
      %mul3A_3385 = arith.constant 4 : i32
      %mul3A_3386 = arith.muli %scan3A_3368, %mul3A_3385 : i32
      %add3A_3387 = arith.constant 2 : i32
      %add3A_3388 = arith.addi %mul3A_3386, %add3A_3387 : i32
      %mul3A_3389 = arith.constant 16 : i32
      %mul3A_3390 = arith.muli %add3A_3388, %mul3A_3389 : i32
      %swap3A_3391 = arith.index_cast %mul3A_3390 : i32 to index
      %swap3A_3392 = tpu.vector_load %arg6[%swap3A_3391] {strides = array<i32>} : memref<4096xi32, #tpu.memory_space<vmem>>, vector<16xi32>,
      tpu.vector_store %arg6[%swap3A_3391], %broadcast_in_dim3A_28 {strides = array<i32>} : memref<4096xi32, #tpu.memory_space<vmem>>, vector<16xi32>,
      %mul3A_3393 = arith.constant 4 : i32
      %mul3A_3394 = arith.muli %scan3A_3368, %mul3A_3393 : i32
      %add3A_3395 = arith.constant 3 : i32
      %add3A_3396 = arith.addi %mul3A_3394, %add3A_3395 : i32
      %mul3A_3397 = arith.constant 16 : i32
      %mul3A_3398 = arith.muli %add3A_3396, %mul3A_3397 : i32
      %swap3A_3399 = arith.index_cast %mul3A_3398 : i32 to index
      %swap3A_3400 = tpu.vector_load %arg6[%swap3A_3399] {strides = array<i32>} : memref<4096xi32, #tpu.memory_space<vmem>>, vector<16xi32>,
      tpu.vector_store %arg6[%swap3A_3399], %broadcast_in_dim3A_28 {strides = array<i32>} : memref<4096xi32, #tpu.memory_space<vmem>>, vector<16xi32>,
    }
    %scan3A_858 = arith.constant 64 : i32
    %swap3A_859 = arith.constant 0 : index
    %swap3A_860 = tpu.vector_load %arg7[%swap3A_859] {strides = array<i32>} : memref<256xi32, #tpu.memory_space<vmem>>, vector<16xi32>,
    tpu.vector_store %arg7[%swap3A_859], %broadcast_in_dim3A_28 {strides = array<i32>} : memref<256xi32, #tpu.memory_space<vmem>>, vector<16xi32>,
    %swap3A_861 = arith.constant 16 : index
    %swap3A_862 = tpu.vector_load %arg7[%swap3A_861] {strides = array<i32>} : memref<256xi32, #tpu.memory_space<vmem>>, vector<16xi32>,
    tpu.vector_store %arg7[%swap3A_861], %broadcast_in_dim3A_28 {strides = array<i32>} : memref<256xi32, #tpu.memory_space<vmem>>, vector<16xi32>,
    %swap3A_863 = arith.constant 32 : index
    %swap3A_864 = tpu.vector_load %arg7[%swap3A_863] {strides = array<i32>} : memref<256xi32, #tpu.memory_space<vmem>>, vector<16xi32>,
    tpu.vector_store %arg7[%swap3A_863], %broadcast_in_dim3A_28 {strides = array<i32>} : memref<256xi32, #tpu.memory_space<vmem>>, vector<16xi32>,
    %swap3A_865 = arith.constant 48 : index
    %swap3A_866 = tpu.vector_load %arg7[%swap3A_865] {strides = array<i32>} : memref<256xi32, #tpu.memory_space<vmem>>, vector<16xi32>,
    tpu.vector_store %arg7[%swap3A_865], %broadcast_in_dim3A_28 {strides = array<i32>} : memref<256xi32, #tpu.memory_space<vmem>>, vector<16xi32>,
    %swap3A_867 = arith.constant 64 : index
    %swap3A_868 = tpu.vector_load %arg7[%swap3A_867] {strides = array<i32>} : memref<256xi32, #tpu.memory_space<vmem>>, vector<16xi32>,
    tpu.vector_store %arg7[%swap3A_867], %broadcast_in_dim3A_28 {strides = array<i32>} : memref<256xi32, #tpu.memory_space<vmem>>, vector<16xi32>,
    %swap3A_869 = arith.constant 80 : index
    %swap3A_870 = tpu.vector_load %arg7[%swap3A_869] {strides = array<i32>} : memref<256xi32, #tpu.memory_space<vmem>>, vector<16xi32>,
    tpu.vector_store %arg7[%swap3A_869], %broadcast_in_dim3A_28 {strides = array<i32>} : memref<256xi32, #tpu.memory_space<vmem>>, vector<16xi32>,
    %swap3A_871 = arith.constant 96 : index
    %swap3A_872 = tpu.vector_load %arg7[%swap3A_871] {strides = array<i32>} : memref<256xi32, #tpu.memory_space<vmem>>, vector<16xi32>,
    tpu.vector_store %arg7[%swap3A_871], %broadcast_in_dim3A_28 {strides = array<i32>} : memref<256xi32, #tpu.memory_space<vmem>>, vector<16xi32>,
    %swap3A_873 = arith.constant 112 : index
    %swap3A_874 = tpu.vector_load %arg7[%swap3A_873] {strides = array<i32>} : memref<256xi32, #tpu.memory_space<vmem>>, vector<16xi32>,
    tpu.vector_store %arg7[%swap3A_873], %broadcast_in_dim3A_28 {strides = array<i32>} : memref<256xi32, #tpu.memory_space<vmem>>, vector<16xi32>,
    %swap3A_875 = arith.constant 128 : index
    %swap3A_876 = tpu.vector_load %arg7[%swap3A_875] {strides = array<i32>} : memref<256xi32, #tpu.memory_space<vmem>>, vector<16xi32>,
    tpu.vector_store %arg7[%swap3A_875], %broadcast_in_dim3A_28 {strides = array<i32>} : memref<256xi32, #tpu.memory_space<vmem>>, vector<16xi32>,
    %swap3A_877 = arith.constant 144 : index
    %swap3A_878 = tpu.vector_load %arg7[%swap3A_877] {strides = array<i32>} : memref<256xi32, #tpu.memory_space<vmem>>, vector<16xi32>,
    tpu.vector_store %arg7[%swap3A_877], %broadcast_in_dim3A_28 {strides = array<i32>} : memref<256xi32, #tpu.memory_space<vmem>>, vector<16xi32>,
    %swap3A_879 = arith.constant 160 : index
    %swap3A_880 = tpu.vector_load %arg7[%swap3A_879] {strides = array<i32>} : memref<256xi32, #tpu.memory_space<vmem>>, vector<16xi32>,
    tpu.vector_store %arg7[%swap3A_879], %broadcast_in_dim3A_28 {strides = array<i32>} : memref<256xi32, #tpu.memory_space<vmem>>, vector<16xi32>,
    %swap3A_881 = arith.constant 176 : index
    %swap3A_882 = tpu.vector_load %arg7[%swap3A_881] {strides = array<i32>} : memref<256xi32, #tpu.memory_space<vmem>>, vector<16xi32>,
    tpu.vector_store %arg7[%swap3A_881], %broadcast_in_dim3A_28 {strides = array<i32>} : memref<256xi32, #tpu.memory_space<vmem>>, vector<16xi32>,
    %swap3A_883 = arith.constant 192 : index
    %swap3A_884 = tpu.vector_load %arg7[%swap3A_883] {strides = array<i32>} : memref<256xi32, #tpu.memory_space<vmem>>, vector<16xi32>,
    tpu.vector_store %arg7[%swap3A_883], %broadcast_in_dim3A_28 {strides = array<i32>} : memref<256xi32, #tpu.memory_space<vmem>>, vector<16xi32>,
    %swap3A_885 = arith.constant 208 : index
    %swap3A_886 = tpu.vector_load %arg7[%swap3A_885] {strides = array<i32>} : memref<256xi32, #tpu.memory_space<vmem>>, vector<16xi32>,
    tpu.vector_store %arg7[%swap3A_885], %broadcast_in_dim3A_28 {strides = array<i32>} : memref<256xi32, #tpu.memory_space<vmem>>, vector<16xi32>,
    %swap3A_887 = arith.constant 224 : index
    %swap3A_888 = tpu.vector_load %arg7[%swap3A_887] {strides = array<i32>} : memref<256xi32, #tpu.memory_space<vmem>>, vector<16xi32>,
    tpu.vector_store %arg7[%swap3A_887], %broadcast_in_dim3A_28 {strides = array<i32>} : memref<256xi32, #tpu.memory_space<vmem>>, vector<16xi32>,
    %swap3A_889 = arith.constant 240 : index
    %swap3A_890 = tpu.vector_load %arg7[%swap3A_889] {strides = array<i32>} : memref<256xi32, #tpu.memory_space<vmem>>, vector<16xi32>,
    tpu.vector_store %arg7[%swap3A_889], %broadcast_in_dim3A_28 {strides = array<i32>} : memref<256xi32, #tpu.memory_space<vmem>>, vector<16xi32>,
    %scan3A_891 = arith.constant 0 : i32
    %scan3A_892 = arith.constant 0 : i32
    %scan3A_893 = arith.constant 250 : i32
    %scan3A_894 = arith.addi %scan3A_892, %scan3A_893 : i32
    %scan3A_895 = arith.constant 1 : i32
    scf.for %scan3A_3368 = %scan3A_892 to %scan3A_894 step %scan3A_895  : i32 {
      %mul3A_3369 = arith.constant 5 : i32
      %mul3A_3370 = arith.muli %scan3A_3368, %mul3A_3369 : i32
      %add3A_3371 = arith.constant 0 : i32
      %add3A_3372 = arith.addi %mul3A_3370, %add3A_3371 : i32
      %mul3A_3373 = arith.constant 16 : i32
      %mul3A_3374 = arith.muli %add3A_3372, %mul3A_3373 : i32
      %get3A_3375 = arith.index_cast %mul3A_3374 : i32 to index
      %get3A_3376 = tpu.vector_load %arg5[%get3A_3375] {strides = array<i32>} : memref<20000xi32, #tpu.memory_space<vmem>>, vector<16xi32>,
      %shift_right_logical3A = arith.constant 16 : i32
      %shift_right_logical3A_3377 = vector.broadcast %shift_right_logical3A : i32 to vector<16xi32>
      %shift_right_logical3A_3378 = arith.shrui %get3A_3376, %shift_right_logical3A_3377 : vector<16xi32>
      %and3A_3379 = arith.constant 255 : i32
      %and3A_3380 = vector.broadcast %and3A_3379 : i32 to vector<16xi32>
      %and3A_3381 = arith.andi %shift_right_logical3A_3378, %and3A_3380 : vector<16xi32>
      %mul3A_3382 = arith.constant 256 : i32
      %mul3A_3383 = vector.broadcast %mul3A_3382 : i32 to vector<16xi32>
      %mul3A_3384 = arith.muli %iota3A, %mul3A_3383 : vector<16xi32>
      %add3A_3385 = arith.addi %mul3A_3384, %and3A_3381 : vector<16xi32>
      %and3A_3386 = arith.constant -16777216 : i32
      %and3A_3387 = vector.broadcast %and3A_3386 : i32 to vector<16xi32>
      %and3A_3388 = arith.andi %get3A_3376, %and3A_3387 : vector<16xi32>
      %eq3A_3389 = vector.broadcast %or3A_852 : i32 to vector<16xi32>
      %eq3A_3390 = arith.cmpi eq, %and3A_3388, %eq3A_3389 : vector<16xi32>
      tpu.vector_store_idx %arg6[%add3A_3385], %broadcast_in_dim3A_26 masked %eq3A_3390 {add = true} : memref<4096xi32, #tpu.memory_space<vmem>>[vector<16xi32>], vector<16xi32>, vector<16xi1>
      %mul3A_3391 = arith.constant 5 : i32
      %mul3A_3392 = arith.muli %scan3A_3368, %mul3A_3391 : i32
      %add3A_3393 = arith.constant 1 : i32
      %add3A_3394 = arith.addi %mul3A_3392, %add3A_3393 : i32
      %mul3A_3395 = arith.constant 16 : i32
      %mul3A_3396 = arith.muli %add3A_3394, %mul3A_3395 : i32
      %get3A_3397 = arith.index_cast %mul3A_3396 : i32 to index
      %get3A_3398 = tpu.vector_load %arg5[%get3A_3397] {strides = array<i32>} : memref<20000xi32, #tpu.memory_space<vmem>>, vector<16xi32>,
      %shift_right_logical3A_3399 = arith.constant 16 : i32
      %shift_right_logical3A_3400 = vector.broadcast %shift_right_logical3A_3399 : i32 to vector<16xi32>
      %shift_right_logical3A_3401 = arith.shrui %get3A_3398, %shift_right_logical3A_3400 : vector<16xi32>
      %and3A_3402 = arith.constant 255 : i32
      %and3A_3403 = vector.broadcast %and3A_3402 : i32 to vector<16xi32>
      %and3A_3404 = arith.andi %shift_right_logical3A_3401, %and3A_3403 : vector<16xi32>
      %mul3A_3405 = arith.constant 256 : i32
      %mul3A_3406 = vector.broadcast %mul3A_3405 : i32 to vector<16xi32>
      %mul3A_3407 = arith.muli %iota3A, %mul3A_3406 : vector<16xi32>
      %add3A_3408 = arith.addi %mul3A_3407, %and3A_3404 : vector<16xi32>
      %and3A_3409 = arith.constant -16777216 : i32
      %and3A_3410 = vector.broadcast %and3A_3409 : i32 to vector<16xi32>
      %and3A_3411 = arith.andi %get3A_3398, %and3A_3410 : vector<16xi32>
      %eq3A_3412 = vector.broadcast %or3A_852 : i32 to vector<16xi32>
      %eq3A_3413 = arith.cmpi eq, %and3A_3411, %eq3A_3412 : vector<16xi32>
      tpu.vector_store_idx %arg6[%add3A_3408], %broadcast_in_dim3A_26 masked %eq3A_3413 {add = true} : memref<4096xi32, #tpu.memory_space<vmem>>[vector<16xi32>], vector<16xi32>, vector<16xi1>
      %mul3A_3414 = arith.constant 5 : i32
      %mul3A_3415 = arith.muli %scan3A_3368, %mul3A_3414 : i32
      %add3A_3416 = arith.constant 2 : i32
      %add3A_3417 = arith.addi %mul3A_3415, %add3A_3416 : i32
      %mul3A_3418 = arith.constant 16 : i32
      %mul3A_3419 = arith.muli %add3A_3417, %mul3A_3418 : i32
      %get3A_3420 = arith.index_cast %mul3A_3419 : i32 to index
      %get3A_3421 = tpu.vector_load %arg5[%get3A_3420] {strides = array<i32>} : memref<20000xi32, #tpu.memory_space<vmem>>, vector<16xi32>,
      %shift_right_logical3A_3422 = arith.constant 16 : i32
      %shift_right_logical3A_3423 = vector.broadcast %shift_right_logical3A_3422 : i32 to vector<16xi32>
      %shift_right_logical3A_3424 = arith.shrui %get3A_3421, %shift_right_logical3A_3423 : vector<16xi32>
      %and3A_3425 = arith.constant 255 : i32
      %and3A_3426 = vector.broadcast %and3A_3425 : i32 to vector<16xi32>
      %and3A_3427 = arith.andi %shift_right_logical3A_3424, %and3A_3426 : vector<16xi32>
      %mul3A_3428 = arith.constant 256 : i32
      %mul3A_3429 = vector.broadcast %mul3A_3428 : i32 to vector<16xi32>
      %mul3A_3430 = arith.muli %iota3A, %mul3A_3429 : vector<16xi32>
      %add3A_3431 = arith.addi %mul3A_3430, %and3A_3427 : vector<16xi32>
      %and3A_3432 = arith.constant -16777216 : i32
      %and3A_3433 = vector.broadcast %and3A_3432 : i32 to vector<16xi32>
      %and3A_3434 = arith.andi %get3A_3421, %and3A_3433 : vector<16xi32>
      %eq3A_3435 = vector.broadcast %or3A_852 : i32 to vector<16xi32>
      %eq3A_3436 = arith.cmpi eq, %and3A_3434, %eq3A_3435 : vector<16xi32>
      tpu.vector_store_idx %arg6[%add3A_3431], %broadcast_in_dim3A_26 masked %eq3A_3436 {add = true} : memref<4096xi32, #tpu.memory_space<vmem>>[vector<16xi32>], vector<16xi32>, vector<16xi1>
      %mul3A_3437 = arith.constant 5 : i32
      %mul3A_3438 = arith.muli %scan3A_3368, %mul3A_3437 : i32
      %add3A_3439 = arith.constant 3 : i32
      %add3A_3440 = arith.addi %mul3A_3438, %add3A_3439 : i32
      %mul3A_3441 = arith.constant 16 : i32
      %mul3A_3442 = arith.muli %add3A_3440, %mul3A_3441 : i32
      %get3A_3443 = arith.index_cast %mul3A_3442 : i32 to index
      %get3A_3444 = tpu.vector_load %arg5[%get3A_3443] {strides = array<i32>} : memref<20000xi32, #tpu.memory_space<vmem>>, vector<16xi32>,
      %shift_right_logical3A_3445 = arith.constant 16 : i32
      %shift_right_logical3A_3446 = vector.broadcast %shift_right_logical3A_3445 : i32 to vector<16xi32>
      %shift_right_logical3A_3447 = arith.shrui %get3A_3444, %shift_right_logical3A_3446 : vector<16xi32>
      %and3A_3448 = arith.constant 255 : i32
      %and3A_3449 = vector.broadcast %and3A_3448 : i32 to vector<16xi32>
      %and3A_3450 = arith.andi %shift_right_logical3A_3447, %and3A_3449 : vector<16xi32>
      %mul3A_3451 = arith.constant 256 : i32
      %mul3A_3452 = vector.broadcast %mul3A_3451 : i32 to vector<16xi32>
      %mul3A_3453 = arith.muli %iota3A, %mul3A_3452 : vector<16xi32>
      %add3A_3454 = arith.addi %mul3A_3453, %and3A_3450 : vector<16xi32>
      %and3A_3455 = arith.constant -16777216 : i32
      %and3A_3456 = vector.broadcast %and3A_3455 : i32 to vector<16xi32>
      %and3A_3457 = arith.andi %get3A_3444, %and3A_3456 : vector<16xi32>
      %eq3A_3458 = vector.broadcast %or3A_852 : i32 to vector<16xi32>
      %eq3A_3459 = arith.cmpi eq, %and3A_3457, %eq3A_3458 : vector<16xi32>
      tpu.vector_store_idx %arg6[%add3A_3454], %broadcast_in_dim3A_26 masked %eq3A_3459 {add = true} : memref<4096xi32, #tpu.memory_space<vmem>>[vector<16xi32>], vector<16xi32>, vector<16xi1>
      %mul3A_3460 = arith.constant 5 : i32
      %mul3A_3461 = arith.muli %scan3A_3368, %mul3A_3460 : i32
      %add3A_3462 = arith.constant 4 : i32
      %add3A_3463 = arith.addi %mul3A_3461, %add3A_3462 : i32
      %mul3A_3464 = arith.constant 16 : i32
      %mul3A_3465 = arith.muli %add3A_3463, %mul3A_3464 : i32
      %get3A_3466 = arith.index_cast %mul3A_3465 : i32 to index
      %get3A_3467 = tpu.vector_load %arg5[%get3A_3466] {strides = array<i32>} : memref<20000xi32, #tpu.memory_space<vmem>>, vector<16xi32>,
      %shift_right_logical3A_3468 = arith.constant 16 : i32
      %shift_right_logical3A_3469 = vector.broadcast %shift_right_logical3A_3468 : i32 to vector<16xi32>
      %shift_right_logical3A_3470 = arith.shrui %get3A_3467, %shift_right_logical3A_3469 : vector<16xi32>
      %and3A_3471 = arith.constant 255 : i32
      %and3A_3472 = vector.broadcast %and3A_3471 : i32 to vector<16xi32>
      %and3A_3473 = arith.andi %shift_right_logical3A_3470, %and3A_3472 : vector<16xi32>
      %mul3A_3474 = arith.constant 256 : i32
      %mul3A_3475 = vector.broadcast %mul3A_3474 : i32 to vector<16xi32>
      %mul3A_3476 = arith.muli %iota3A, %mul3A_3475 : vector<16xi32>
      %add3A_3477 = arith.addi %mul3A_3476, %and3A_3473 : vector<16xi32>
      %and3A_3478 = arith.constant -16777216 : i32
      %and3A_3479 = vector.broadcast %and3A_3478 : i32 to vector<16xi32>
      %and3A_3480 = arith.andi %get3A_3467, %and3A_3479 : vector<16xi32>
      %eq3A_3481 = vector.broadcast %or3A_852 : i32 to vector<16xi32>
      %eq3A_3482 = arith.cmpi eq, %and3A_3480, %eq3A_3481 : vector<16xi32>
      tpu.vector_store_idx %arg6[%add3A_3477], %broadcast_in_dim3A_26 masked %eq3A_3482 {add = true} : memref<4096xi32, #tpu.memory_space<vmem>>[vector<16xi32>], vector<16xi32>, vector<16xi1>
    }
    %scan3A_896 = arith.constant 250 : i32
    %scan3A_897 = arith.constant 0 : i32
    %scan3A_898 = arith.constant 0 : i32
    %scan3A_899 = arith.constant 128 : i32
    %scan3A_900 = arith.addi %scan3A_898, %scan3A_899 : i32
    %scan3A_901 = arith.constant 1 : i32
    scf.for %scan3A_3368 = %scan3A_898 to %scan3A_900 step %scan3A_901  : i32 {
      %mul3A_3369 = arith.constant 2 : i32
      %mul3A_3370 = arith.muli %scan3A_3368, %mul3A_3369 : i32
      %add3A_3371 = arith.constant 0 : i32
      %add3A_3372 = arith.addi %mul3A_3370, %add3A_3371 : i32
      %and3A_3373 = arith.constant 15 : i32
      %and3A_3374 = arith.andi %add3A_3372, %and3A_3373 : i32
      %mul3A_3375 = arith.constant 16 : i32
      %mul3A_3376 = arith.muli %and3A_3374, %mul3A_3375 : i32
      %add3A_3377 = vector.broadcast %mul3A_3376 : i32 to vector<16xi32>
      %add3A_3378 = arith.addi %add3A_3377, %iota3A : vector<16xi32>
      %mul3A_3379 = arith.constant 16 : i32
      %mul3A_3380 = arith.muli %add3A_3372, %mul3A_3379 : i32
      %get3A_3381 = arith.index_cast %mul3A_3380 : i32 to index
      %get3A_3382 = tpu.vector_load %arg6[%get3A_3381] {strides = array<i32>} : memref<4096xi32, #tpu.memory_space<vmem>>, vector<16xi32>,
      tpu.vector_store_idx %arg7[%add3A_3378], %get3A_3382 {add = true} : memref<256xi32, #tpu.memory_space<vmem>>[vector<16xi32>], vector<16xi32>,
      %mul3A_3383 = arith.constant 2 : i32
      %mul3A_3384 = arith.muli %scan3A_3368, %mul3A_3383 : i32
      %add3A_3385 = arith.constant 1 : i32
      %add3A_3386 = arith.addi %mul3A_3384, %add3A_3385 : i32
      %and3A_3387 = arith.constant 15 : i32
      %and3A_3388 = arith.andi %add3A_3386, %and3A_3387 : i32
      %mul3A_3389 = arith.constant 16 : i32
      %mul3A_3390 = arith.muli %and3A_3388, %mul3A_3389 : i32
      %add3A_3391 = vector.broadcast %mul3A_3390 : i32 to vector<16xi32>
      %add3A_3392 = arith.addi %add3A_3391, %iota3A : vector<16xi32>
      %mul3A_3393 = arith.constant 16 : i32
      %mul3A_3394 = arith.muli %add3A_3386, %mul3A_3393 : i32
      %get3A_3395 = arith.index_cast %mul3A_3394 : i32 to index
      %get3A_3396 = tpu.vector_load %arg6[%get3A_3395] {strides = array<i32>} : memref<4096xi32, #tpu.memory_space<vmem>>, vector<16xi32>,
      tpu.vector_store_idx %arg7[%add3A_3392], %get3A_3396 {add = true} : memref<256xi32, #tpu.memory_space<vmem>>[vector<16xi32>], vector<16xi32>,
    }
    %scan3A_902 = arith.constant 128 : i32
    %get3A_903 = arith.constant 0 : index
    %get3A_904 = tpu.vector_load %arg7[%get3A_903] {strides = array<i32>} : memref<256xi32, #tpu.memory_space<vmem>>, vector<16xi32>,
    %get3A_905 = arith.constant 16 : index
    %get3A_906 = tpu.vector_load %arg7[%get3A_905] {strides = array<i32>} : memref<256xi32, #tpu.memory_space<vmem>>, vector<16xi32>,
    %get3A_907 = arith.constant 32 : index
    %get3A_908 = tpu.vector_load %arg7[%get3A_907] {strides = array<i32>} : memref<256xi32, #tpu.memory_space<vmem>>, vector<16xi32>,
    %get3A_909 = arith.constant 48 : index
    %get3A_910 = tpu.vector_load %arg7[%get3A_909] {strides = array<i32>} : memref<256xi32, #tpu.memory_space<vmem>>, vector<16xi32>,
    %get3A_911 = arith.constant 64 : index
    %get3A_912 = tpu.vector_load %arg7[%get3A_911] {strides = array<i32>} : memref<256xi32, #tpu.memory_space<vmem>>, vector<16xi32>,
    %get3A_913 = arith.constant 80 : index
    %get3A_914 = tpu.vector_load %arg7[%get3A_913] {strides = array<i32>} : memref<256xi32, #tpu.memory_space<vmem>>, vector<16xi32>,
    %get3A_915 = arith.constant 96 : index
    %get3A_916 = tpu.vector_load %arg7[%get3A_915] {strides = array<i32>} : memref<256xi32, #tpu.memory_space<vmem>>, vector<16xi32>,
    %get3A_917 = arith.constant 112 : index
    %get3A_918 = tpu.vector_load %arg7[%get3A_917] {strides = array<i32>} : memref<256xi32, #tpu.memory_space<vmem>>, vector<16xi32>,
    %get3A_919 = arith.constant 128 : index
    %get3A_920 = tpu.vector_load %arg7[%get3A_919] {strides = array<i32>} : memref<256xi32, #tpu.memory_space<vmem>>, vector<16xi32>,
    %get3A_921 = arith.constant 144 : index
    %get3A_922 = tpu.vector_load %arg7[%get3A_921] {strides = array<i32>} : memref<256xi32, #tpu.memory_space<vmem>>, vector<16xi32>,
    %get3A_923 = arith.constant 160 : index
    %get3A_924 = tpu.vector_load %arg7[%get3A_923] {strides = array<i32>} : memref<256xi32, #tpu.memory_space<vmem>>, vector<16xi32>,
    %get3A_925 = arith.constant 176 : index
    %get3A_926 = tpu.vector_load %arg7[%get3A_925] {strides = array<i32>} : memref<256xi32, #tpu.memory_space<vmem>>, vector<16xi32>,
    %get3A_927 = arith.constant 192 : index
    %get3A_928 = tpu.vector_load %arg7[%get3A_927] {strides = array<i32>} : memref<256xi32, #tpu.memory_space<vmem>>, vector<16xi32>,
    %get3A_929 = arith.constant 208 : index
    %get3A_930 = tpu.vector_load %arg7[%get3A_929] {strides = array<i32>} : memref<256xi32, #tpu.memory_space<vmem>>, vector<16xi32>,
    %get3A_931 = arith.constant 224 : index
    %get3A_932 = tpu.vector_load %arg7[%get3A_931] {strides = array<i32>} : memref<256xi32, #tpu.memory_space<vmem>>, vector<16xi32>,
    %get3A_933 = arith.constant 240 : index
    %get3A_934 = tpu.vector_load %arg7[%get3A_933] {strides = array<i32>} : memref<256xi32, #tpu.memory_space<vmem>>, vector<16xi32>,
    %reduce_sum3A_935 = arith.constant true
    %reduce_sum3A_936 = vector.broadcast %reduce_sum3A_935 : i1 to vector<16xi1>
    %reduce_sum3A_937 = tpu.scan <sum>, %get3A_904 masked %reduce_sum3A_936 : vector<16xi32>, vector<16xi1> -> vector<16xi32>
    %reduce_sum3A_938 = vector.extract %reduce_sum3A_937[15] : i32 from vector<16xi32>
    %reduce_sum3A_939 = arith.constant true
    %reduce_sum3A_940 = vector.broadcast %reduce_sum3A_939 : i1 to vector<16xi1>
    %reduce_sum3A_941 = tpu.scan <sum>, %get3A_906 masked %reduce_sum3A_940 : vector<16xi32>, vector<16xi1> -> vector<16xi32>
    %reduce_sum3A_942 = vector.extract %reduce_sum3A_941[15] : i32 from vector<16xi32>
    %reduce_sum3A_943 = arith.constant true
    %reduce_sum3A_944 = vector.broadcast %reduce_sum3A_943 : i1 to vector<16xi1>
    %reduce_sum3A_945 = tpu.scan <sum>, %get3A_908 masked %reduce_sum3A_944 : vector<16xi32>, vector<16xi1> -> vector<16xi32>
    %reduce_sum3A_946 = vector.extract %reduce_sum3A_945[15] : i32 from vector<16xi32>
    %reduce_sum3A_947 = arith.constant true
    %reduce_sum3A_948 = vector.broadcast %reduce_sum3A_947 : i1 to vector<16xi1>
    %reduce_sum3A_949 = tpu.scan <sum>, %get3A_910 masked %reduce_sum3A_948 : vector<16xi32>, vector<16xi1> -> vector<16xi32>
    %reduce_sum3A_950 = vector.extract %reduce_sum3A_949[15] : i32 from vector<16xi32>
    %reduce_sum3A_951 = arith.constant true
    %reduce_sum3A_952 = vector.broadcast %reduce_sum3A_951 : i1 to vector<16xi1>
    %reduce_sum3A_953 = tpu.scan <sum>, %get3A_912 masked %reduce_sum3A_952 : vector<16xi32>, vector<16xi1> -> vector<16xi32>
    %reduce_sum3A_954 = vector.extract %reduce_sum3A_953[15] : i32 from vector<16xi32>
    %reduce_sum3A_955 = arith.constant true
    %reduce_sum3A_956 = vector.broadcast %reduce_sum3A_955 : i1 to vector<16xi1>
    %reduce_sum3A_957 = tpu.scan <sum>, %get3A_914 masked %reduce_sum3A_956 : vector<16xi32>, vector<16xi1> -> vector<16xi32>
    %reduce_sum3A_958 = vector.extract %reduce_sum3A_957[15] : i32 from vector<16xi32>
    %reduce_sum3A_959 = arith.constant true
    %reduce_sum3A_960 = vector.broadcast %reduce_sum3A_959 : i1 to vector<16xi1>
    %reduce_sum3A_961 = tpu.scan <sum>, %get3A_916 masked %reduce_sum3A_960 : vector<16xi32>, vector<16xi1> -> vector<16xi32>
    %reduce_sum3A_962 = vector.extract %reduce_sum3A_961[15] : i32 from vector<16xi32>
    %reduce_sum3A_963 = arith.constant true
    %reduce_sum3A_964 = vector.broadcast %reduce_sum3A_963 : i1 to vector<16xi1>
    %reduce_sum3A_965 = tpu.scan <sum>, %get3A_918 masked %reduce_sum3A_964 : vector<16xi32>, vector<16xi1> -> vector<16xi32>
    %reduce_sum3A_966 = vector.extract %reduce_sum3A_965[15] : i32 from vector<16xi32>
    %reduce_sum3A_967 = arith.constant true
    %reduce_sum3A_968 = vector.broadcast %reduce_sum3A_967 : i1 to vector<16xi1>
    %reduce_sum3A_969 = tpu.scan <sum>, %get3A_920 masked %reduce_sum3A_968 : vector<16xi32>, vector<16xi1> -> vector<16xi32>
    %reduce_sum3A_970 = vector.extract %reduce_sum3A_969[15] : i32 from vector<16xi32>
    %reduce_sum3A_971 = arith.constant true
    %reduce_sum3A_972 = vector.broadcast %reduce_sum3A_971 : i1 to vector<16xi1>
    %reduce_sum3A_973 = tpu.scan <sum>, %get3A_922 masked %reduce_sum3A_972 : vector<16xi32>, vector<16xi1> -> vector<16xi32>
    %reduce_sum3A_974 = vector.extract %reduce_sum3A_973[15] : i32 from vector<16xi32>
    %reduce_sum3A_975 = arith.constant true
    %reduce_sum3A_976 = vector.broadcast %reduce_sum3A_975 : i1 to vector<16xi1>
    %reduce_sum3A_977 = tpu.scan <sum>, %get3A_924 masked %reduce_sum3A_976 : vector<16xi32>, vector<16xi1> -> vector<16xi32>
    %reduce_sum3A_978 = vector.extract %reduce_sum3A_977[15] : i32 from vector<16xi32>
    %reduce_sum3A_979 = arith.constant true
    %reduce_sum3A_980 = vector.broadcast %reduce_sum3A_979 : i1 to vector<16xi1>
    %reduce_sum3A_981 = tpu.scan <sum>, %get3A_926 masked %reduce_sum3A_980 : vector<16xi32>, vector<16xi1> -> vector<16xi32>
    %reduce_sum3A_982 = vector.extract %reduce_sum3A_981[15] : i32 from vector<16xi32>
    %reduce_sum3A_983 = arith.constant true
    %reduce_sum3A_984 = vector.broadcast %reduce_sum3A_983 : i1 to vector<16xi1>
    %reduce_sum3A_985 = tpu.scan <sum>, %get3A_928 masked %reduce_sum3A_984 : vector<16xi32>, vector<16xi1> -> vector<16xi32>
    %reduce_sum3A_986 = vector.extract %reduce_sum3A_985[15] : i32 from vector<16xi32>
    %reduce_sum3A_987 = arith.constant true
    %reduce_sum3A_988 = vector.broadcast %reduce_sum3A_987 : i1 to vector<16xi1>
    %reduce_sum3A_989 = tpu.scan <sum>, %get3A_930 masked %reduce_sum3A_988 : vector<16xi32>, vector<16xi1> -> vector<16xi32>
    %reduce_sum3A_990 = vector.extract %reduce_sum3A_989[15] : i32 from vector<16xi32>
    %reduce_sum3A_991 = arith.constant true
    %reduce_sum3A_992 = vector.broadcast %reduce_sum3A_991 : i1 to vector<16xi1>
    %reduce_sum3A_993 = tpu.scan <sum>, %get3A_932 masked %reduce_sum3A_992 : vector<16xi32>, vector<16xi1> -> vector<16xi32>
    %reduce_sum3A_994 = vector.extract %reduce_sum3A_993[15] : i32 from vector<16xi32>
    %reduce_sum3A_995 = arith.constant true
    %reduce_sum3A_996 = vector.broadcast %reduce_sum3A_995 : i1 to vector<16xi1>
    %reduce_sum3A_997 = tpu.scan <sum>, %get3A_934 masked %reduce_sum3A_996 : vector<16xi32>, vector<16xi1> -> vector<16xi32>
    %reduce_sum3A_998 = vector.extract %reduce_sum3A_997[15] : i32 from vector<16xi32>
    %add3A_999 = arith.constant 0 : i32
    %add3A_1000 = arith.addi %add3A_999, %reduce_sum3A_998 : i32
    %add3A_1001 = arith.addi %add3A_1000, %reduce_sum3A_994 : i32
    %add3A_1002 = arith.addi %add3A_1001, %reduce_sum3A_990 : i32
    %add3A_1003 = arith.addi %add3A_1002, %reduce_sum3A_986 : i32
    %add3A_1004 = arith.addi %add3A_1003, %reduce_sum3A_982 : i32
    %add3A_1005 = arith.addi %add3A_1004, %reduce_sum3A_978 : i32
    %add3A_1006 = arith.addi %add3A_1005, %reduce_sum3A_974 : i32
    %add3A_1007 = arith.addi %add3A_1006, %reduce_sum3A_970 : i32
    %add3A_1008 = arith.addi %add3A_1007, %reduce_sum3A_966 : i32
    %add3A_1009 = arith.addi %add3A_1008, %reduce_sum3A_962 : i32
    %add3A_1010 = arith.addi %add3A_1009, %reduce_sum3A_958 : i32
    %add3A_1011 = arith.addi %add3A_1010, %reduce_sum3A_954 : i32
    %add3A_1012 = arith.addi %add3A_1011, %reduce_sum3A_950 : i32
    %add3A_1013 = arith.addi %add3A_1012, %reduce_sum3A_946 : i32
    %add3A_1014 = arith.addi %add3A_1013, %reduce_sum3A_942 : i32
    %add3A_1015 = arith.addi %add3A_1014, %reduce_sum3A_938 : i32
    %rev3A_1016 = arith.constant 15 : i32
    %rev3A_1017 = vector.broadcast %rev3A_1016 : i32 to vector<16xi32>
    %rev3A_1018 = tpu.iota {dimensions = array<i32: 0>} : vector<16xi32>
    %rev3A_1019 = arith.subi %rev3A_1017, %rev3A_1018 : vector<16xi32>
    %rev3A_1020 = tpu.dynamic_gather %get3A_904[%rev3A_1019] in [0] : vector<16xi32>, vector<16xi32> -> vector<16xi32>
    %cumsum3A_1021 = arith.constant true
    %cumsum3A_1022 = vector.broadcast %cumsum3A_1021 : i1 to vector<16xi1>
    %cumsum3A_1023 = tpu.scan <sum>, %rev3A_1020 masked %cumsum3A_1022 : vector<16xi32>, vector<16xi1> -> vector<16xi32>
    %rev3A_1024 = arith.constant 15 : i32
    %rev3A_1025 = vector.broadcast %rev3A_1024 : i32 to vector<16xi32>
    %rev3A_1026 = tpu.iota {dimensions = array<i32: 0>} : vector<16xi32>
    %rev3A_1027 = arith.subi %rev3A_1025, %rev3A_1026 : vector<16xi32>
    %rev3A_1028 = tpu.dynamic_gather %cumsum3A_1023[%rev3A_1027] in [0] : vector<16xi32>, vector<16xi32> -> vector<16xi32>
    %sub3A_1029 = arith.subi %rev3A_1028, %get3A_904 : vector<16xi32>
    %add3A_1030 = vector.broadcast %add3A_1014 : i32 to vector<16xi32>
    %add3A_1031 = arith.addi %sub3A_1029, %add3A_1030 : vector<16xi32>
    %lt3A_1032 = vector.broadcast %sub3A_850 : i32 to vector<16xi32>
    %lt3A_1033 = arith.cmpi slt, %add3A_1031, %lt3A_1032 : vector<16xi32>
    %jit3A_1034 = arith.constant 1 : i32
    %jit3A_1035 = arith.constant 0 : i32
    %broadcast_in_dim3A_1036 = vector.broadcast %jit3A_1034 : i32 to vector<16xi32>
    %broadcast_in_dim3A_1037 = vector.broadcast %jit3A_1035 : i32 to vector<16xi32>
    %select_n3A_1038 = arith.select %lt3A_1033, %broadcast_in_dim3A_1036, %broadcast_in_dim3A_1037 : vector<16xi1>, vector<16xi32>
    %reduce_sum3A_1039 = arith.constant true
    %reduce_sum3A_1040 = vector.broadcast %reduce_sum3A_1039 : i1 to vector<16xi1>
    %reduce_sum3A_1041 = tpu.scan <sum>, %select_n3A_1038 masked %reduce_sum3A_1040 : vector<16xi32>, vector<16xi1> -> vector<16xi32>
    %reduce_sum3A_1042 = vector.extract %reduce_sum3A_1041[15] : i32 from vector<16xi32>
    %add3A_1043 = arith.constant 0 : i32
    %add3A_1044 = arith.addi %add3A_1043, %reduce_sum3A_1042 : i32
    %rev3A_1045 = arith.constant 15 : i32
    %rev3A_1046 = vector.broadcast %rev3A_1045 : i32 to vector<16xi32>
    %rev3A_1047 = tpu.iota {dimensions = array<i32: 0>} : vector<16xi32>
    %rev3A_1048 = arith.subi %rev3A_1046, %rev3A_1047 : vector<16xi32>
    %rev3A_1049 = tpu.dynamic_gather %get3A_906[%rev3A_1048] in [0] : vector<16xi32>, vector<16xi32> -> vector<16xi32>
    %cumsum3A_1050 = arith.constant true
    %cumsum3A_1051 = vector.broadcast %cumsum3A_1050 : i1 to vector<16xi1>
    %cumsum3A_1052 = tpu.scan <sum>, %rev3A_1049 masked %cumsum3A_1051 : vector<16xi32>, vector<16xi1> -> vector<16xi32>
    %rev3A_1053 = arith.constant 15 : i32
    %rev3A_1054 = vector.broadcast %rev3A_1053 : i32 to vector<16xi32>
    %rev3A_1055 = tpu.iota {dimensions = array<i32: 0>} : vector<16xi32>
    %rev3A_1056 = arith.subi %rev3A_1054, %rev3A_1055 : vector<16xi32>
    %rev3A_1057 = tpu.dynamic_gather %cumsum3A_1052[%rev3A_1056] in [0] : vector<16xi32>, vector<16xi32> -> vector<16xi32>
    %sub3A_1058 = arith.subi %rev3A_1057, %get3A_906 : vector<16xi32>
    %add3A_1059 = vector.broadcast %add3A_1013 : i32 to vector<16xi32>
    %add3A_1060 = arith.addi %sub3A_1058, %add3A_1059 : vector<16xi32>
    %lt3A_1061 = vector.broadcast %sub3A_850 : i32 to vector<16xi32>
    %lt3A_1062 = arith.cmpi slt, %add3A_1060, %lt3A_1061 : vector<16xi32>
    %jit3A_1063 = arith.constant 1 : i32
    %jit3A_1064 = arith.constant 0 : i32
    %broadcast_in_dim3A_1065 = vector.broadcast %jit3A_1063 : i32 to vector<16xi32>
    %broadcast_in_dim3A_1066 = vector.broadcast %jit3A_1064 : i32 to vector<16xi32>
    %select_n3A_1067 = arith.select %lt3A_1062, %broadcast_in_dim3A_1065, %broadcast_in_dim3A_1066 : vector<16xi1>, vector<16xi32>
    %reduce_sum3A_1068 = arith.constant true
    %reduce_sum3A_1069 = vector.broadcast %reduce_sum3A_1068 : i1 to vector<16xi1>
    %reduce_sum3A_1070 = tpu.scan <sum>, %select_n3A_1067 masked %reduce_sum3A_1069 : vector<16xi32>, vector<16xi1> -> vector<16xi32>
    %reduce_sum3A_1071 = vector.extract %reduce_sum3A_1070[15] : i32 from vector<16xi32>
    %add3A_1072 = arith.addi %add3A_1044, %reduce_sum3A_1071 : i32
    %rev3A_1073 = arith.constant 15 : i32
    %rev3A_1074 = vector.broadcast %rev3A_1073 : i32 to vector<16xi32>
    %rev3A_1075 = tpu.iota {dimensions = array<i32: 0>} : vector<16xi32>
    %rev3A_1076 = arith.subi %rev3A_1074, %rev3A_1075 : vector<16xi32>
    %rev3A_1077 = tpu.dynamic_gather %get3A_908[%rev3A_1076] in [0] : vector<16xi32>, vector<16xi32> -> vector<16xi32>
    %cumsum3A_1078 = arith.constant true
    %cumsum3A_1079 = vector.broadcast %cumsum3A_1078 : i1 to vector<16xi1>
    %cumsum3A_1080 = tpu.scan <sum>, %rev3A_1077 masked %cumsum3A_1079 : vector<16xi32>, vector<16xi1> -> vector<16xi32>
    %rev3A_1081 = arith.constant 15 : i32
    %rev3A_1082 = vector.broadcast %rev3A_1081 : i32 to vector<16xi32>
    %rev3A_1083 = tpu.iota {dimensions = array<i32: 0>} : vector<16xi32>
    %rev3A_1084 = arith.subi %rev3A_1082, %rev3A_1083 : vector<16xi32>
    %rev3A_1085 = tpu.dynamic_gather %cumsum3A_1080[%rev3A_1084] in [0] : vector<16xi32>, vector<16xi32> -> vector<16xi32>
    %sub3A_1086 = arith.subi %rev3A_1085, %get3A_908 : vector<16xi32>
    %add3A_1087 = vector.broadcast %add3A_1012 : i32 to vector<16xi32>
    %add3A_1088 = arith.addi %sub3A_1086, %add3A_1087 : vector<16xi32>
    %lt3A_1089 = vector.broadcast %sub3A_850 : i32 to vector<16xi32>
    %lt3A_1090 = arith.cmpi slt, %add3A_1088, %lt3A_1089 : vector<16xi32>
    %jit3A_1091 = arith.constant 1 : i32
    %jit3A_1092 = arith.constant 0 : i32
    %broadcast_in_dim3A_1093 = vector.broadcast %jit3A_1091 : i32 to vector<16xi32>
    %broadcast_in_dim3A_1094 = vector.broadcast %jit3A_1092 : i32 to vector<16xi32>
    %select_n3A_1095 = arith.select %lt3A_1090, %broadcast_in_dim3A_1093, %broadcast_in_dim3A_1094 : vector<16xi1>, vector<16xi32>
    %reduce_sum3A_1096 = arith.constant true
    %reduce_sum3A_1097 = vector.broadcast %reduce_sum3A_1096 : i1 to vector<16xi1>
    %reduce_sum3A_1098 = tpu.scan <sum>, %select_n3A_1095 masked %reduce_sum3A_1097 : vector<16xi32>, vector<16xi1> -> vector<16xi32>
    %reduce_sum3A_1099 = vector.extract %reduce_sum3A_1098[15] : i32 from vector<16xi32>
    %add3A_1100 = arith.addi %add3A_1072, %reduce_sum3A_1099 : i32
    %rev3A_1101 = arith.constant 15 : i32
    %rev3A_1102 = vector.broadcast %rev3A_1101 : i32 to vector<16xi32>
    %rev3A_1103 = tpu.iota {dimensions = array<i32: 0>} : vector<16xi32>
    %rev3A_1104 = arith.subi %rev3A_1102, %rev3A_1103 : vector<16xi32>
    %rev3A_1105 = tpu.dynamic_gather %get3A_910[%rev3A_1104] in [0] : vector<16xi32>, vector<16xi32> -> vector<16xi32>
    %cumsum3A_1106 = arith.constant true
    %cumsum3A_1107 = vector.broadcast %cumsum3A_1106 : i1 to vector<16xi1>
    %cumsum3A_1108 = tpu.scan <sum>, %rev3A_1105 masked %cumsum3A_1107 : vector<16xi32>, vector<16xi1> -> vector<16xi32>
    %rev3A_1109 = arith.constant 15 : i32
    %rev3A_1110 = vector.broadcast %rev3A_1109 : i32 to vector<16xi32>
    %rev3A_1111 = tpu.iota {dimensions = array<i32: 0>} : vector<16xi32>
    %rev3A_1112 = arith.subi %rev3A_1110, %rev3A_1111 : vector<16xi32>
    %rev3A_1113 = tpu.dynamic_gather %cumsum3A_1108[%rev3A_1112] in [0] : vector<16xi32>, vector<16xi32> -> vector<16xi32>
    %sub3A_1114 = arith.subi %rev3A_1113, %get3A_910 : vector<16xi32>
    %add3A_1115 = vector.broadcast %add3A_1011 : i32 to vector<16xi32>
    %add3A_1116 = arith.addi %sub3A_1114, %add3A_1115 : vector<16xi32>
    %lt3A_1117 = vector.broadcast %sub3A_850 : i32 to vector<16xi32>
    %lt3A_1118 = arith.cmpi slt, %add3A_1116, %lt3A_1117 : vector<16xi32>
    %jit3A_1119 = arith.constant 1 : i32
    %jit3A_1120 = arith.constant 0 : i32
    %broadcast_in_dim3A_1121 = vector.broadcast %jit3A_1119 : i32 to vector<16xi32>
    %broadcast_in_dim3A_1122 = vector.broadcast %jit3A_1120 : i32 to vector<16xi32>
    %select_n3A_1123 = arith.select %lt3A_1118, %broadcast_in_dim3A_1121, %broadcast_in_dim3A_1122 : vector<16xi1>, vector<16xi32>
    %reduce_sum3A_1124 = arith.constant true
    %reduce_sum3A_1125 = vector.broadcast %reduce_sum3A_1124 : i1 to vector<16xi1>
    %reduce_sum3A_1126 = tpu.scan <sum>, %select_n3A_1123 masked %reduce_sum3A_1125 : vector<16xi32>, vector<16xi1> -> vector<16xi32>
    %reduce_sum3A_1127 = vector.extract %reduce_sum3A_1126[15] : i32 from vector<16xi32>
    %add3A_1128 = arith.addi %add3A_1100, %reduce_sum3A_1127 : i32
    %rev3A_1129 = arith.constant 15 : i32
    %rev3A_1130 = vector.broadcast %rev3A_1129 : i32 to vector<16xi32>
    %rev3A_1131 = tpu.iota {dimensions = array<i32: 0>} : vector<16xi32>
    %rev3A_1132 = arith.subi %rev3A_1130, %rev3A_1131 : vector<16xi32>
    %rev3A_1133 = tpu.dynamic_gather %get3A_912[%rev3A_1132] in [0] : vector<16xi32>, vector<16xi32> -> vector<16xi32>
    %cumsum3A_1134 = arith.constant true
    %cumsum3A_1135 = vector.broadcast %cumsum3A_1134 : i1 to vector<16xi1>
    %cumsum3A_1136 = tpu.scan <sum>, %rev3A_1133 masked %cumsum3A_1135 : vector<16xi32>, vector<16xi1> -> vector<16xi32>
    %rev3A_1137 = arith.constant 15 : i32
    %rev3A_1138 = vector.broadcast %rev3A_1137 : i32 to vector<16xi32>
    %rev3A_1139 = tpu.iota {dimensions = array<i32: 0>} : vector<16xi32>
    %rev3A_1140 = arith.subi %rev3A_1138, %rev3A_1139 : vector<16xi32>
    %rev3A_1141 = tpu.dynamic_gather %cumsum3A_1136[%rev3A_1140] in [0] : vector<16xi32>, vector<16xi32> -> vector<16xi32>
    %sub3A_1142 = arith.subi %rev3A_1141, %get3A_912 : vector<16xi32>
    %add3A_1143 = vector.broadcast %add3A_1010 : i32 to vector<16xi32>
    %add3A_1144 = arith.addi %sub3A_1142, %add3A_1143 : vector<16xi32>
    %lt3A_1145 = vector.broadcast %sub3A_850 : i32 to vector<16xi32>
    %lt3A_1146 = arith.cmpi slt, %add3A_1144, %lt3A_1145 : vector<16xi32>
    %jit3A_1147 = arith.constant 1 : i32
    %jit3A_1148 = arith.constant 0 : i32
    %broadcast_in_dim3A_1149 = vector.broadcast %jit3A_1147 : i32 to vector<16xi32>
    %broadcast_in_dim3A_1150 = vector.broadcast %jit3A_1148 : i32 to vector<16xi32>
    %select_n3A_1151 = arith.select %lt3A_1146, %broadcast_in_dim3A_1149, %broadcast_in_dim3A_1150 : vector<16xi1>, vector<16xi32>
    %reduce_sum3A_1152 = arith.constant true
    %reduce_sum3A_1153 = vector.broadcast %reduce_sum3A_1152 : i1 to vector<16xi1>
    %reduce_sum3A_1154 = tpu.scan <sum>, %select_n3A_1151 masked %reduce_sum3A_1153 : vector<16xi32>, vector<16xi1> -> vector<16xi32>
    %reduce_sum3A_1155 = vector.extract %reduce_sum3A_1154[15] : i32 from vector<16xi32>
    %add3A_1156 = arith.addi %add3A_1128, %reduce_sum3A_1155 : i32
    %rev3A_1157 = arith.constant 15 : i32
    %rev3A_1158 = vector.broadcast %rev3A_1157 : i32 to vector<16xi32>
    %rev3A_1159 = tpu.iota {dimensions = array<i32: 0>} : vector<16xi32>
    %rev3A_1160 = arith.subi %rev3A_1158, %rev3A_1159 : vector<16xi32>
    %rev3A_1161 = tpu.dynamic_gather %get3A_914[%rev3A_1160] in [0] : vector<16xi32>, vector<16xi32> -> vector<16xi32>
    %cumsum3A_1162 = arith.constant true
    %cumsum3A_1163 = vector.broadcast %cumsum3A_1162 : i1 to vector<16xi1>
    %cumsum3A_1164 = tpu.scan <sum>, %rev3A_1161 masked %cumsum3A_1163 : vector<16xi32>, vector<16xi1> -> vector<16xi32>
    %rev3A_1165 = arith.constant 15 : i32
    %rev3A_1166 = vector.broadcast %rev3A_1165 : i32 to vector<16xi32>
    %rev3A_1167 = tpu.iota {dimensions = array<i32: 0>} : vector<16xi32>
    %rev3A_1168 = arith.subi %rev3A_1166, %rev3A_1167 : vector<16xi32>
    %rev3A_1169 = tpu.dynamic_gather %cumsum3A_1164[%rev3A_1168] in [0] : vector<16xi32>, vector<16xi32> -> vector<16xi32>
    %sub3A_1170 = arith.subi %rev3A_1169, %get3A_914 : vector<16xi32>
    %add3A_1171 = vector.broadcast %add3A_1009 : i32 to vector<16xi32>
    %add3A_1172 = arith.addi %sub3A_1170, %add3A_1171 : vector<16xi32>
    %lt3A_1173 = vector.broadcast %sub3A_850 : i32 to vector<16xi32>
    %lt3A_1174 = arith.cmpi slt, %add3A_1172, %lt3A_1173 : vector<16xi32>
    %jit3A_1175 = arith.constant 1 : i32
    %jit3A_1176 = arith.constant 0 : i32
    %broadcast_in_dim3A_1177 = vector.broadcast %jit3A_1175 : i32 to vector<16xi32>
    %broadcast_in_dim3A_1178 = vector.broadcast %jit3A_1176 : i32 to vector<16xi32>
    %select_n3A_1179 = arith.select %lt3A_1174, %broadcast_in_dim3A_1177, %broadcast_in_dim3A_1178 : vector<16xi1>, vector<16xi32>
    %reduce_sum3A_1180 = arith.constant true
    %reduce_sum3A_1181 = vector.broadcast %reduce_sum3A_1180 : i1 to vector<16xi1>
    %reduce_sum3A_1182 = tpu.scan <sum>, %select_n3A_1179 masked %reduce_sum3A_1181 : vector<16xi32>, vector<16xi1> -> vector<16xi32>
    %reduce_sum3A_1183 = vector.extract %reduce_sum3A_1182[15] : i32 from vector<16xi32>
    %add3A_1184 = arith.addi %add3A_1156, %reduce_sum3A_1183 : i32
    %rev3A_1185 = arith.constant 15 : i32
    %rev3A_1186 = vector.broadcast %rev3A_1185 : i32 to vector<16xi32>
    %rev3A_1187 = tpu.iota {dimensions = array<i32: 0>} : vector<16xi32>
    %rev3A_1188 = arith.subi %rev3A_1186, %rev3A_1187 : vector<16xi32>
    %rev3A_1189 = tpu.dynamic_gather %get3A_916[%rev3A_1188] in [0] : vector<16xi32>, vector<16xi32> -> vector<16xi32>
    %cumsum3A_1190 = arith.constant true
    %cumsum3A_1191 = vector.broadcast %cumsum3A_1190 : i1 to vector<16xi1>
    %cumsum3A_1192 = tpu.scan <sum>, %rev3A_1189 masked %cumsum3A_1191 : vector<16xi32>, vector<16xi1> -> vector<16xi32>
    %rev3A_1193 = arith.constant 15 : i32
    %rev3A_1194 = vector.broadcast %rev3A_1193 : i32 to vector<16xi32>
    %rev3A_1195 = tpu.iota {dimensions = array<i32: 0>} : vector<16xi32>
    %rev3A_1196 = arith.subi %rev3A_1194, %rev3A_1195 : vector<16xi32>
    %rev3A_1197 = tpu.dynamic_gather %cumsum3A_1192[%rev3A_1196] in [0] : vector<16xi32>, vector<16xi32> -> vector<16xi32>
    %sub3A_1198 = arith.subi %rev3A_1197, %get3A_916 : vector<16xi32>
    %add3A_1199 = vector.broadcast %add3A_1008 : i32 to vector<16xi32>
    %add3A_1200 = arith.addi %sub3A_1198, %add3A_1199 : vector<16xi32>
    %lt3A_1201 = vector.broadcast %sub3A_850 : i32 to vector<16xi32>
    %lt3A_1202 = arith.cmpi slt, %add3A_1200, %lt3A_1201 : vector<16xi32>
    %jit3A_1203 = arith.constant 1 : i32
    %jit3A_1204 = arith.constant 0 : i32
    %broadcast_in_dim3A_1205 = vector.broadcast %jit3A_1203 : i32 to vector<16xi32>
    %broadcast_in_dim3A_1206 = vector.broadcast %jit3A_1204 : i32 to vector<16xi32>
    %select_n3A_1207 = arith.select %lt3A_1202, %broadcast_in_dim3A_1205, %broadcast_in_dim3A_1206 : vector<16xi1>, vector<16xi32>
    %reduce_sum3A_1208 = arith.constant true
    %reduce_sum3A_1209 = vector.broadcast %reduce_sum3A_1208 : i1 to vector<16xi1>
    %reduce_sum3A_1210 = tpu.scan <sum>, %select_n3A_1207 masked %reduce_sum3A_1209 : vector<16xi32>, vector<16xi1> -> vector<16xi32>
    %reduce_sum3A_1211 = vector.extract %reduce_sum3A_1210[15] : i32 from vector<16xi32>
    %add3A_1212 = arith.addi %add3A_1184, %reduce_sum3A_1211 : i32
    %rev3A_1213 = arith.constant 15 : i32
    %rev3A_1214 = vector.broadcast %rev3A_1213 : i32 to vector<16xi32>
    %rev3A_1215 = tpu.iota {dimensions = array<i32: 0>} : vector<16xi32>
    %rev3A_1216 = arith.subi %rev3A_1214, %rev3A_1215 : vector<16xi32>
    %rev3A_1217 = tpu.dynamic_gather %get3A_918[%rev3A_1216] in [0] : vector<16xi32>, vector<16xi32> -> vector<16xi32>
    %cumsum3A_1218 = arith.constant true
    %cumsum3A_1219 = vector.broadcast %cumsum3A_1218 : i1 to vector<16xi1>
    %cumsum3A_1220 = tpu.scan <sum>, %rev3A_1217 masked %cumsum3A_1219 : vector<16xi32>, vector<16xi1> -> vector<16xi32>
    %rev3A_1221 = arith.constant 15 : i32
    %rev3A_1222 = vector.broadcast %rev3A_1221 : i32 to vector<16xi32>
    %rev3A_1223 = tpu.iota {dimensions = array<i32: 0>} : vector<16xi32>
    %rev3A_1224 = arith.subi %rev3A_1222, %rev3A_1223 : vector<16xi32>
    %rev3A_1225 = tpu.dynamic_gather %cumsum3A_1220[%rev3A_1224] in [0] : vector<16xi32>, vector<16xi32> -> vector<16xi32>
    %sub3A_1226 = arith.subi %rev3A_1225, %get3A_918 : vector<16xi32>
    %add3A_1227 = vector.broadcast %add3A_1007 : i32 to vector<16xi32>
    %add3A_1228 = arith.addi %sub3A_1226, %add3A_1227 : vector<16xi32>
    %lt3A_1229 = vector.broadcast %sub3A_850 : i32 to vector<16xi32>
    %lt3A_1230 = arith.cmpi slt, %add3A_1228, %lt3A_1229 : vector<16xi32>
    %jit3A_1231 = arith.constant 1 : i32
    %jit3A_1232 = arith.constant 0 : i32
    %broadcast_in_dim3A_1233 = vector.broadcast %jit3A_1231 : i32 to vector<16xi32>
    %broadcast_in_dim3A_1234 = vector.broadcast %jit3A_1232 : i32 to vector<16xi32>
    %select_n3A_1235 = arith.select %lt3A_1230, %broadcast_in_dim3A_1233, %broadcast_in_dim3A_1234 : vector<16xi1>, vector<16xi32>
    %reduce_sum3A_1236 = arith.constant true
    %reduce_sum3A_1237 = vector.broadcast %reduce_sum3A_1236 : i1 to vector<16xi1>
    %reduce_sum3A_1238 = tpu.scan <sum>, %select_n3A_1235 masked %reduce_sum3A_1237 : vector<16xi32>, vector<16xi1> -> vector<16xi32>
    %reduce_sum3A_1239 = vector.extract %reduce_sum3A_1238[15] : i32 from vector<16xi32>
    %add3A_1240 = arith.addi %add3A_1212, %reduce_sum3A_1239 : i32
    %rev3A_1241 = arith.constant 15 : i32
    %rev3A_1242 = vector.broadcast %rev3A_1241 : i32 to vector<16xi32>
    %rev3A_1243 = tpu.iota {dimensions = array<i32: 0>} : vector<16xi32>
    %rev3A_1244 = arith.subi %rev3A_1242, %rev3A_1243 : vector<16xi32>
    %rev3A_1245 = tpu.dynamic_gather %get3A_920[%rev3A_1244] in [0] : vector<16xi32>, vector<16xi32> -> vector<16xi32>
    %cumsum3A_1246 = arith.constant true
    %cumsum3A_1247 = vector.broadcast %cumsum3A_1246 : i1 to vector<16xi1>
    %cumsum3A_1248 = tpu.scan <sum>, %rev3A_1245 masked %cumsum3A_1247 : vector<16xi32>, vector<16xi1> -> vector<16xi32>
    %rev3A_1249 = arith.constant 15 : i32
    %rev3A_1250 = vector.broadcast %rev3A_1249 : i32 to vector<16xi32>
    %rev3A_1251 = tpu.iota {dimensions = array<i32: 0>} : vector<16xi32>
    %rev3A_1252 = arith.subi %rev3A_1250, %rev3A_1251 : vector<16xi32>
    %rev3A_1253 = tpu.dynamic_gather %cumsum3A_1248[%rev3A_1252] in [0] : vector<16xi32>, vector<16xi32> -> vector<16xi32>
    %sub3A_1254 = arith.subi %rev3A_1253, %get3A_920 : vector<16xi32>
    %add3A_1255 = vector.broadcast %add3A_1006 : i32 to vector<16xi32>
    %add3A_1256 = arith.addi %sub3A_1254, %add3A_1255 : vector<16xi32>
    %lt3A_1257 = vector.broadcast %sub3A_850 : i32 to vector<16xi32>
    %lt3A_1258 = arith.cmpi slt, %add3A_1256, %lt3A_1257 : vector<16xi32>
    %jit3A_1259 = arith.constant 1 : i32
    %jit3A_1260 = arith.constant 0 : i32
    %broadcast_in_dim3A_1261 = vector.broadcast %jit3A_1259 : i32 to vector<16xi32>
    %broadcast_in_dim3A_1262 = vector.broadcast %jit3A_1260 : i32 to vector<16xi32>
    %select_n3A_1263 = arith.select %lt3A_1258, %broadcast_in_dim3A_1261, %broadcast_in_dim3A_1262 : vector<16xi1>, vector<16xi32>
    %reduce_sum3A_1264 = arith.constant true
    %reduce_sum3A_1265 = vector.broadcast %reduce_sum3A_1264 : i1 to vector<16xi1>
    %reduce_sum3A_1266 = tpu.scan <sum>, %select_n3A_1263 masked %reduce_sum3A_1265 : vector<16xi32>, vector<16xi1> -> vector<16xi32>
    %reduce_sum3A_1267 = vector.extract %reduce_sum3A_1266[15] : i32 from vector<16xi32>
    %add3A_1268 = arith.addi %add3A_1240, %reduce_sum3A_1267 : i32
    %rev3A_1269 = arith.constant 15 : i32
    %rev3A_1270 = vector.broadcast %rev3A_1269 : i32 to vector<16xi32>
    %rev3A_1271 = tpu.iota {dimensions = array<i32: 0>} : vector<16xi32>
    %rev3A_1272 = arith.subi %rev3A_1270, %rev3A_1271 : vector<16xi32>
    %rev3A_1273 = tpu.dynamic_gather %get3A_922[%rev3A_1272] in [0] : vector<16xi32>, vector<16xi32> -> vector<16xi32>
    %cumsum3A_1274 = arith.constant true
    %cumsum3A_1275 = vector.broadcast %cumsum3A_1274 : i1 to vector<16xi1>
    %cumsum3A_1276 = tpu.scan <sum>, %rev3A_1273 masked %cumsum3A_1275 : vector<16xi32>, vector<16xi1> -> vector<16xi32>
    %rev3A_1277 = arith.constant 15 : i32
    %rev3A_1278 = vector.broadcast %rev3A_1277 : i32 to vector<16xi32>
    %rev3A_1279 = tpu.iota {dimensions = array<i32: 0>} : vector<16xi32>
    %rev3A_1280 = arith.subi %rev3A_1278, %rev3A_1279 : vector<16xi32>
    %rev3A_1281 = tpu.dynamic_gather %cumsum3A_1276[%rev3A_1280] in [0] : vector<16xi32>, vector<16xi32> -> vector<16xi32>
    %sub3A_1282 = arith.subi %rev3A_1281, %get3A_922 : vector<16xi32>
    %add3A_1283 = vector.broadcast %add3A_1005 : i32 to vector<16xi32>
    %add3A_1284 = arith.addi %sub3A_1282, %add3A_1283 : vector<16xi32>
    %lt3A_1285 = vector.broadcast %sub3A_850 : i32 to vector<16xi32>
    %lt3A_1286 = arith.cmpi slt, %add3A_1284, %lt3A_1285 : vector<16xi32>
    %jit3A_1287 = arith.constant 1 : i32
    %jit3A_1288 = arith.constant 0 : i32
    %broadcast_in_dim3A_1289 = vector.broadcast %jit3A_1287 : i32 to vector<16xi32>
    %broadcast_in_dim3A_1290 = vector.broadcast %jit3A_1288 : i32 to vector<16xi32>
    %select_n3A_1291 = arith.select %lt3A_1286, %broadcast_in_dim3A_1289, %broadcast_in_dim3A_1290 : vector<16xi1>, vector<16xi32>
    %reduce_sum3A_1292 = arith.constant true
    %reduce_sum3A_1293 = vector.broadcast %reduce_sum3A_1292 : i1 to vector<16xi1>
    %reduce_sum3A_1294 = tpu.scan <sum>, %select_n3A_1291 masked %reduce_sum3A_1293 : vector<16xi32>, vector<16xi1> -> vector<16xi32>
    %reduce_sum3A_1295 = vector.extract %reduce_sum3A_1294[15] : i32 from vector<16xi32>
    %add3A_1296 = arith.addi %add3A_1268, %reduce_sum3A_1295 : i32
    %rev3A_1297 = arith.constant 15 : i32
    %rev3A_1298 = vector.broadcast %rev3A_1297 : i32 to vector<16xi32>
    %rev3A_1299 = tpu.iota {dimensions = array<i32: 0>} : vector<16xi32>
    %rev3A_1300 = arith.subi %rev3A_1298, %rev3A_1299 : vector<16xi32>
    %rev3A_1301 = tpu.dynamic_gather %get3A_924[%rev3A_1300] in [0] : vector<16xi32>, vector<16xi32> -> vector<16xi32>
    %cumsum3A_1302 = arith.constant true
    %cumsum3A_1303 = vector.broadcast %cumsum3A_1302 : i1 to vector<16xi1>
    %cumsum3A_1304 = tpu.scan <sum>, %rev3A_1301 masked %cumsum3A_1303 : vector<16xi32>, vector<16xi1> -> vector<16xi32>
    %rev3A_1305 = arith.constant 15 : i32
    %rev3A_1306 = vector.broadcast %rev3A_1305 : i32 to vector<16xi32>
    %rev3A_1307 = tpu.iota {dimensions = array<i32: 0>} : vector<16xi32>
    %rev3A_1308 = arith.subi %rev3A_1306, %rev3A_1307 : vector<16xi32>
    %rev3A_1309 = tpu.dynamic_gather %cumsum3A_1304[%rev3A_1308] in [0] : vector<16xi32>, vector<16xi32> -> vector<16xi32>
    %sub3A_1310 = arith.subi %rev3A_1309, %get3A_924 : vector<16xi32>
    %add3A_1311 = vector.broadcast %add3A_1004 : i32 to vector<16xi32>
    %add3A_1312 = arith.addi %sub3A_1310, %add3A_1311 : vector<16xi32>
    %lt3A_1313 = vector.broadcast %sub3A_850 : i32 to vector<16xi32>
    %lt3A_1314 = arith.cmpi slt, %add3A_1312, %lt3A_1313 : vector<16xi32>
    %jit3A_1315 = arith.constant 1 : i32
    %jit3A_1316 = arith.constant 0 : i32
    %broadcast_in_dim3A_1317 = vector.broadcast %jit3A_1315 : i32 to vector<16xi32>
    %broadcast_in_dim3A_1318 = vector.broadcast %jit3A_1316 : i32 to vector<16xi32>
    %select_n3A_1319 = arith.select %lt3A_1314, %broadcast_in_dim3A_1317, %broadcast_in_dim3A_1318 : vector<16xi1>, vector<16xi32>
    %reduce_sum3A_1320 = arith.constant true
    %reduce_sum3A_1321 = vector.broadcast %reduce_sum3A_1320 : i1 to vector<16xi1>
    %reduce_sum3A_1322 = tpu.scan <sum>, %select_n3A_1319 masked %reduce_sum3A_1321 : vector<16xi32>, vector<16xi1> -> vector<16xi32>
    %reduce_sum3A_1323 = vector.extract %reduce_sum3A_1322[15] : i32 from vector<16xi32>
    %add3A_1324 = arith.addi %add3A_1296, %reduce_sum3A_1323 : i32
    %rev3A_1325 = arith.constant 15 : i32
    %rev3A_1326 = vector.broadcast %rev3A_1325 : i32 to vector<16xi32>
    %rev3A_1327 = tpu.iota {dimensions = array<i32: 0>} : vector<16xi32>
    %rev3A_1328 = arith.subi %rev3A_1326, %rev3A_1327 : vector<16xi32>
    %rev3A_1329 = tpu.dynamic_gather %get3A_926[%rev3A_1328] in [0] : vector<16xi32>, vector<16xi32> -> vector<16xi32>
    %cumsum3A_1330 = arith.constant true
    %cumsum3A_1331 = vector.broadcast %cumsum3A_1330 : i1 to vector<16xi1>
    %cumsum3A_1332 = tpu.scan <sum>, %rev3A_1329 masked %cumsum3A_1331 : vector<16xi32>, vector<16xi1> -> vector<16xi32>
    %rev3A_1333 = arith.constant 15 : i32
    %rev3A_1334 = vector.broadcast %rev3A_1333 : i32 to vector<16xi32>
    %rev3A_1335 = tpu.iota {dimensions = array<i32: 0>} : vector<16xi32>
    %rev3A_1336 = arith.subi %rev3A_1334, %rev3A_1335 : vector<16xi32>
    %rev3A_1337 = tpu.dynamic_gather %cumsum3A_1332[%rev3A_1336] in [0] : vector<16xi32>, vector<16xi32> -> vector<16xi32>
    %sub3A_1338 = arith.subi %rev3A_1337, %get3A_926 : vector<16xi32>
    %add3A_1339 = vector.broadcast %add3A_1003 : i32 to vector<16xi32>
    %add3A_1340 = arith.addi %sub3A_1338, %add3A_1339 : vector<16xi32>
    %lt3A_1341 = vector.broadcast %sub3A_850 : i32 to vector<16xi32>
    %lt3A_1342 = arith.cmpi slt, %add3A_1340, %lt3A_1341 : vector<16xi32>
    %jit3A_1343 = arith.constant 1 : i32
    %jit3A_1344 = arith.constant 0 : i32
    %broadcast_in_dim3A_1345 = vector.broadcast %jit3A_1343 : i32 to vector<16xi32>
    %broadcast_in_dim3A_1346 = vector.broadcast %jit3A_1344 : i32 to vector<16xi32>
    %select_n3A_1347 = arith.select %lt3A_1342, %broadcast_in_dim3A_1345, %broadcast_in_dim3A_1346 : vector<16xi1>, vector<16xi32>
    %reduce_sum3A_1348 = arith.constant true
    %reduce_sum3A_1349 = vector.broadcast %reduce_sum3A_1348 : i1 to vector<16xi1>
    %reduce_sum3A_1350 = tpu.scan <sum>, %select_n3A_1347 masked %reduce_sum3A_1349 : vector<16xi32>, vector<16xi1> -> vector<16xi32>
    %reduce_sum3A_1351 = vector.extract %reduce_sum3A_1350[15] : i32 from vector<16xi32>
    %add3A_1352 = arith.addi %add3A_1324, %reduce_sum3A_1351 : i32
    %rev3A_1353 = arith.constant 15 : i32
    %rev3A_1354 = vector.broadcast %rev3A_1353 : i32 to vector<16xi32>
    %rev3A_1355 = tpu.iota {dimensions = array<i32: 0>} : vector<16xi32>
    %rev3A_1356 = arith.subi %rev3A_1354, %rev3A_1355 : vector<16xi32>
    %rev3A_1357 = tpu.dynamic_gather %get3A_928[%rev3A_1356] in [0] : vector<16xi32>, vector<16xi32> -> vector<16xi32>
    %cumsum3A_1358 = arith.constant true
    %cumsum3A_1359 = vector.broadcast %cumsum3A_1358 : i1 to vector<16xi1>
    %cumsum3A_1360 = tpu.scan <sum>, %rev3A_1357 masked %cumsum3A_1359 : vector<16xi32>, vector<16xi1> -> vector<16xi32>
    %rev3A_1361 = arith.constant 15 : i32
    %rev3A_1362 = vector.broadcast %rev3A_1361 : i32 to vector<16xi32>
    %rev3A_1363 = tpu.iota {dimensions = array<i32: 0>} : vector<16xi32>
    %rev3A_1364 = arith.subi %rev3A_1362, %rev3A_1363 : vector<16xi32>
    %rev3A_1365 = tpu.dynamic_gather %cumsum3A_1360[%rev3A_1364] in [0] : vector<16xi32>, vector<16xi32> -> vector<16xi32>
    %sub3A_1366 = arith.subi %rev3A_1365, %get3A_928 : vector<16xi32>
    %add3A_1367 = vector.broadcast %add3A_1002 : i32 to vector<16xi32>
    %add3A_1368 = arith.addi %sub3A_1366, %add3A_1367 : vector<16xi32>
    %lt3A_1369 = vector.broadcast %sub3A_850 : i32 to vector<16xi32>
    %lt3A_1370 = arith.cmpi slt, %add3A_1368, %lt3A_1369 : vector<16xi32>
    %jit3A_1371 = arith.constant 1 : i32
    %jit3A_1372 = arith.constant 0 : i32
    %broadcast_in_dim3A_1373 = vector.broadcast %jit3A_1371 : i32 to vector<16xi32>
    %broadcast_in_dim3A_1374 = vector.broadcast %jit3A_1372 : i32 to vector<16xi32>
    %select_n3A_1375 = arith.select %lt3A_1370, %broadcast_in_dim3A_1373, %broadcast_in_dim3A_1374 : vector<16xi1>, vector<16xi32>
    %reduce_sum3A_1376 = arith.constant true
    %reduce_sum3A_1377 = vector.broadcast %reduce_sum3A_1376 : i1 to vector<16xi1>
    %reduce_sum3A_1378 = tpu.scan <sum>, %select_n3A_1375 masked %reduce_sum3A_1377 : vector<16xi32>, vector<16xi1> -> vector<16xi32>
    %reduce_sum3A_1379 = vector.extract %reduce_sum3A_1378[15] : i32 from vector<16xi32>
    %add3A_1380 = arith.addi %add3A_1352, %reduce_sum3A_1379 : i32
    %rev3A_1381 = arith.constant 15 : i32
    %rev3A_1382 = vector.broadcast %rev3A_1381 : i32 to vector<16xi32>
    %rev3A_1383 = tpu.iota {dimensions = array<i32: 0>} : vector<16xi32>
    %rev3A_1384 = arith.subi %rev3A_1382, %rev3A_1383 : vector<16xi32>
    %rev3A_1385 = tpu.dynamic_gather %get3A_930[%rev3A_1384] in [0] : vector<16xi32>, vector<16xi32> -> vector<16xi32>
    %cumsum3A_1386 = arith.constant true
    %cumsum3A_1387 = vector.broadcast %cumsum3A_1386 : i1 to vector<16xi1>
    %cumsum3A_1388 = tpu.scan <sum>, %rev3A_1385 masked %cumsum3A_1387 : vector<16xi32>, vector<16xi1> -> vector<16xi32>
    %rev3A_1389 = arith.constant 15 : i32
    %rev3A_1390 = vector.broadcast %rev3A_1389 : i32 to vector<16xi32>
    %rev3A_1391 = tpu.iota {dimensions = array<i32: 0>} : vector<16xi32>
    %rev3A_1392 = arith.subi %rev3A_1390, %rev3A_1391 : vector<16xi32>
    %rev3A_1393 = tpu.dynamic_gather %cumsum3A_1388[%rev3A_1392] in [0] : vector<16xi32>, vector<16xi32> -> vector<16xi32>
    %sub3A_1394 = arith.subi %rev3A_1393, %get3A_930 : vector<16xi32>
    %add3A_1395 = vector.broadcast %add3A_1001 : i32 to vector<16xi32>
    %add3A_1396 = arith.addi %sub3A_1394, %add3A_1395 : vector<16xi32>
    %lt3A_1397 = vector.broadcast %sub3A_850 : i32 to vector<16xi32>
    %lt3A_1398 = arith.cmpi slt, %add3A_1396, %lt3A_1397 : vector<16xi32>
    %jit3A_1399 = arith.constant 1 : i32
    %jit3A_1400 = arith.constant 0 : i32
    %broadcast_in_dim3A_1401 = vector.broadcast %jit3A_1399 : i32 to vector<16xi32>
    %broadcast_in_dim3A_1402 = vector.broadcast %jit3A_1400 : i32 to vector<16xi32>
    %select_n3A_1403 = arith.select %lt3A_1398, %broadcast_in_dim3A_1401, %broadcast_in_dim3A_1402 : vector<16xi1>, vector<16xi32>
    %reduce_sum3A_1404 = arith.constant true
    %reduce_sum3A_1405 = vector.broadcast %reduce_sum3A_1404 : i1 to vector<16xi1>
    %reduce_sum3A_1406 = tpu.scan <sum>, %select_n3A_1403 masked %reduce_sum3A_1405 : vector<16xi32>, vector<16xi1> -> vector<16xi32>
    %reduce_sum3A_1407 = vector.extract %reduce_sum3A_1406[15] : i32 from vector<16xi32>
    %add3A_1408 = arith.addi %add3A_1380, %reduce_sum3A_1407 : i32
    %rev3A_1409 = arith.constant 15 : i32
    %rev3A_1410 = vector.broadcast %rev3A_1409 : i32 to vector<16xi32>
    %rev3A_1411 = tpu.iota {dimensions = array<i32: 0>} : vector<16xi32>
    %rev3A_1412 = arith.subi %rev3A_1410, %rev3A_1411 : vector<16xi32>
    %rev3A_1413 = tpu.dynamic_gather %get3A_932[%rev3A_1412] in [0] : vector<16xi32>, vector<16xi32> -> vector<16xi32>
    %cumsum3A_1414 = arith.constant true
    %cumsum3A_1415 = vector.broadcast %cumsum3A_1414 : i1 to vector<16xi1>
    %cumsum3A_1416 = tpu.scan <sum>, %rev3A_1413 masked %cumsum3A_1415 : vector<16xi32>, vector<16xi1> -> vector<16xi32>
    %rev3A_1417 = arith.constant 15 : i32
    %rev3A_1418 = vector.broadcast %rev3A_1417 : i32 to vector<16xi32>
    %rev3A_1419 = tpu.iota {dimensions = array<i32: 0>} : vector<16xi32>
    %rev3A_1420 = arith.subi %rev3A_1418, %rev3A_1419 : vector<16xi32>
    %rev3A_1421 = tpu.dynamic_gather %cumsum3A_1416[%rev3A_1420] in [0] : vector<16xi32>, vector<16xi32> -> vector<16xi32>
    %sub3A_1422 = arith.subi %rev3A_1421, %get3A_932 : vector<16xi32>
    %add3A_1423 = vector.broadcast %add3A_1000 : i32 to vector<16xi32>
    %add3A_1424 = arith.addi %sub3A_1422, %add3A_1423 : vector<16xi32>
    %lt3A_1425 = vector.broadcast %sub3A_850 : i32 to vector<16xi32>
    %lt3A_1426 = arith.cmpi slt, %add3A_1424, %lt3A_1425 : vector<16xi32>
    %jit3A_1427 = arith.constant 1 : i32
    %jit3A_1428 = arith.constant 0 : i32
    %broadcast_in_dim3A_1429 = vector.broadcast %jit3A_1427 : i32 to vector<16xi32>
    %broadcast_in_dim3A_1430 = vector.broadcast %jit3A_1428 : i32 to vector<16xi32>
    %select_n3A_1431 = arith.select %lt3A_1426, %broadcast_in_dim3A_1429, %broadcast_in_dim3A_1430 : vector<16xi1>, vector<16xi32>
    %reduce_sum3A_1432 = arith.constant true
    %reduce_sum3A_1433 = vector.broadcast %reduce_sum3A_1432 : i1 to vector<16xi1>
    %reduce_sum3A_1434 = tpu.scan <sum>, %select_n3A_1431 masked %reduce_sum3A_1433 : vector<16xi32>, vector<16xi1> -> vector<16xi32>
    %reduce_sum3A_1435 = vector.extract %reduce_sum3A_1434[15] : i32 from vector<16xi32>
    %add3A_1436 = arith.addi %add3A_1408, %reduce_sum3A_1435 : i32
    %rev3A_1437 = arith.constant 15 : i32
    %rev3A_1438 = vector.broadcast %rev3A_1437 : i32 to vector<16xi32>
    %rev3A_1439 = tpu.iota {dimensions = array<i32: 0>} : vector<16xi32>
    %rev3A_1440 = arith.subi %rev3A_1438, %rev3A_1439 : vector<16xi32>
    %rev3A_1441 = tpu.dynamic_gather %get3A_934[%rev3A_1440] in [0] : vector<16xi32>, vector<16xi32> -> vector<16xi32>
    %cumsum3A_1442 = arith.constant true
    %cumsum3A_1443 = vector.broadcast %cumsum3A_1442 : i1 to vector<16xi1>
    %cumsum3A_1444 = tpu.scan <sum>, %rev3A_1441 masked %cumsum3A_1443 : vector<16xi32>, vector<16xi1> -> vector<16xi32>
    %rev3A_1445 = arith.constant 15 : i32
    %rev3A_1446 = vector.broadcast %rev3A_1445 : i32 to vector<16xi32>
    %rev3A_1447 = tpu.iota {dimensions = array<i32: 0>} : vector<16xi32>
    %rev3A_1448 = arith.subi %rev3A_1446, %rev3A_1447 : vector<16xi32>
    %rev3A_1449 = tpu.dynamic_gather %cumsum3A_1444[%rev3A_1448] in [0] : vector<16xi32>, vector<16xi32> -> vector<16xi32>
    %sub3A_1450 = arith.subi %rev3A_1449, %get3A_934 : vector<16xi32>
    %add3A_1451 = arith.constant 0 : i32
    %add3A_1452 = vector.broadcast %add3A_1451 : i32 to vector<16xi32>
    %add3A_1453 = arith.addi %sub3A_1450, %add3A_1452 : vector<16xi32>
    %lt3A_1454 = vector.broadcast %sub3A_850 : i32 to vector<16xi32>
    %lt3A_1455 = arith.cmpi slt, %add3A_1453, %lt3A_1454 : vector<16xi32>
    %jit3A_1456 = arith.constant 1 : i32
    %jit3A_1457 = arith.constant 0 : i32
    %broadcast_in_dim3A_1458 = vector.broadcast %jit3A_1456 : i32 to vector<16xi32>
    %broadcast_in_dim3A_1459 = vector.broadcast %jit3A_1457 : i32 to vector<16xi32>
    %select_n3A_1460 = arith.select %lt3A_1455, %broadcast_in_dim3A_1458, %broadcast_in_dim3A_1459 : vector<16xi1>, vector<16xi32>
    %reduce_sum3A_1461 = arith.constant true
    %reduce_sum3A_1462 = vector.broadcast %reduce_sum3A_1461 : i1 to vector<16xi1>
    %reduce_sum3A_1463 = tpu.scan <sum>, %select_n3A_1460 masked %reduce_sum3A_1462 : vector<16xi32>, vector<16xi1> -> vector<16xi32>
    %reduce_sum3A_1464 = vector.extract %reduce_sum3A_1463[15] : i32 from vector<16xi32>
    %add3A_1465 = arith.addi %add3A_1436, %reduce_sum3A_1464 : i32
    %sub3A_1466 = arith.constant 256 : i32
    %sub3A_1467 = arith.subi %sub3A_1466, %add3A_1465 : i32
    %add3A_1468 = arith.constant 0 : i32
    %add3A_1469 = vector.broadcast %add3A_1468 : i32 to vector<16xi32>
    %add3A_1470 = arith.addi %add3A_1469, %iota3A : vector<16xi32>
    %gt3A_1471 = vector.broadcast %sub3A_1467 : i32 to vector<16xi32>
    %gt3A_1472 = arith.cmpi sgt, %add3A_1470, %gt3A_1471 : vector<16xi32>
    %jit3A_1473 = arith.constant 0 : i32
    %broadcast_in_dim3A_1474 = vector.broadcast %jit3A_1473 : i32 to vector<16xi32>
    %select_n3A_1475 = arith.select %gt3A_1472, %get3A_904, %broadcast_in_dim3A_1474 : vector<16xi1>, vector<16xi32>
    %reduce_sum3A_1476 = arith.constant true
    %reduce_sum3A_1477 = vector.broadcast %reduce_sum3A_1476 : i1 to vector<16xi1>
    %reduce_sum3A_1478 = tpu.scan <sum>, %select_n3A_1475 masked %reduce_sum3A_1477 : vector<16xi32>, vector<16xi1> -> vector<16xi32>
    %reduce_sum3A_1479 = vector.extract %reduce_sum3A_1478[15] : i32 from vector<16xi32>
    %add3A_1480 = arith.constant 0 : i32
    %add3A_1481 = arith.addi %add3A_1480, %reduce_sum3A_1479 : i32
    %add3A_1482 = arith.constant 16 : i32
    %add3A_1483 = vector.broadcast %add3A_1482 : i32 to vector<16xi32>
    %add3A_1484 = arith.addi %add3A_1483, %iota3A : vector<16xi32>
    %gt3A_1485 = vector.broadcast %sub3A_1467 : i32 to vector<16xi32>
    %gt3A_1486 = arith.cmpi sgt, %add3A_1484, %gt3A_1485 : vector<16xi32>
    %jit3A_1487 = arith.constant 0 : i32
    %broadcast_in_dim3A_1488 = vector.broadcast %jit3A_1487 : i32 to vector<16xi32>
    %select_n3A_1489 = arith.select %gt3A_1486, %get3A_906, %broadcast_in_dim3A_1488 : vector<16xi1>, vector<16xi32>
    %reduce_sum3A_1490 = arith.constant true
    %reduce_sum3A_1491 = vector.broadcast %reduce_sum3A_1490 : i1 to vector<16xi1>
    %reduce_sum3A_1492 = tpu.scan <sum>, %select_n3A_1489 masked %reduce_sum3A_1491 : vector<16xi32>, vector<16xi1> -> vector<16xi32>
    %reduce_sum3A_1493 = vector.extract %reduce_sum3A_1492[15] : i32 from vector<16xi32>
    %add3A_1494 = arith.addi %add3A_1481, %reduce_sum3A_1493 : i32
    %add3A_1495 = arith.constant 32 : i32
    %add3A_1496 = vector.broadcast %add3A_1495 : i32 to vector<16xi32>
    %add3A_1497 = arith.addi %add3A_1496, %iota3A : vector<16xi32>
    %gt3A_1498 = vector.broadcast %sub3A_1467 : i32 to vector<16xi32>
    %gt3A_1499 = arith.cmpi sgt, %add3A_1497, %gt3A_1498 : vector<16xi32>
    %jit3A_1500 = arith.constant 0 : i32
    %broadcast_in_dim3A_1501 = vector.broadcast %jit3A_1500 : i32 to vector<16xi32>
    %select_n3A_1502 = arith.select %gt3A_1499, %get3A_908, %broadcast_in_dim3A_1501 : vector<16xi1>, vector<16xi32>
    %reduce_sum3A_1503 = arith.constant true
    %reduce_sum3A_1504 = vector.broadcast %reduce_sum3A_1503 : i1 to vector<16xi1>
    %reduce_sum3A_1505 = tpu.scan <sum>, %select_n3A_1502 masked %reduce_sum3A_1504 : vector<16xi32>, vector<16xi1> -> vector<16xi32>
    %reduce_sum3A_1506 = vector.extract %reduce_sum3A_1505[15] : i32 from vector<16xi32>
    %add3A_1507 = arith.addi %add3A_1494, %reduce_sum3A_1506 : i32
    %add3A_1508 = arith.constant 48 : i32
    %add3A_1509 = vector.broadcast %add3A_1508 : i32 to vector<16xi32>
    %add3A_1510 = arith.addi %add3A_1509, %iota3A : vector<16xi32>
    %gt3A_1511 = vector.broadcast %sub3A_1467 : i32 to vector<16xi32>
    %gt3A_1512 = arith.cmpi sgt, %add3A_1510, %gt3A_1511 : vector<16xi32>
    %jit3A_1513 = arith.constant 0 : i32
    %broadcast_in_dim3A_1514 = vector.broadcast %jit3A_1513 : i32 to vector<16xi32>
    %select_n3A_1515 = arith.select %gt3A_1512, %get3A_910, %broadcast_in_dim3A_1514 : vector<16xi1>, vector<16xi32>
    %reduce_sum3A_1516 = arith.constant true
    %reduce_sum3A_1517 = vector.broadcast %reduce_sum3A_1516 : i1 to vector<16xi1>
    %reduce_sum3A_1518 = tpu.scan <sum>, %select_n3A_1515 masked %reduce_sum3A_1517 : vector<16xi32>, vector<16xi1> -> vector<16xi32>
    %reduce_sum3A_1519 = vector.extract %reduce_sum3A_1518[15] : i32 from vector<16xi32>
    %add3A_1520 = arith.addi %add3A_1507, %reduce_sum3A_1519 : i32
    %add3A_1521 = arith.constant 64 : i32
    %add3A_1522 = vector.broadcast %add3A_1521 : i32 to vector<16xi32>
    %add3A_1523 = arith.addi %add3A_1522, %iota3A : vector<16xi32>
    %gt3A_1524 = vector.broadcast %sub3A_1467 : i32 to vector<16xi32>
    %gt3A_1525 = arith.cmpi sgt, %add3A_1523, %gt3A_1524 : vector<16xi32>
    %jit3A_1526 = arith.constant 0 : i32
    %broadcast_in_dim3A_1527 = vector.broadcast %jit3A_1526 : i32 to vector<16xi32>
    %select_n3A_1528 = arith.select %gt3A_1525, %get3A_912, %broadcast_in_dim3A_1527 : vector<16xi1>, vector<16xi32>
    %reduce_sum3A_1529 = arith.constant true
    %reduce_sum3A_1530 = vector.broadcast %reduce_sum3A_1529 : i1 to vector<16xi1>
    %reduce_sum3A_1531 = tpu.scan <sum>, %select_n3A_1528 masked %reduce_sum3A_1530 : vector<16xi32>, vector<16xi1> -> vector<16xi32>
    %reduce_sum3A_1532 = vector.extract %reduce_sum3A_1531[15] : i32 from vector<16xi32>
    %add3A_1533 = arith.addi %add3A_1520, %reduce_sum3A_1532 : i32
    %add3A_1534 = arith.constant 80 : i32
    %add3A_1535 = vector.broadcast %add3A_1534 : i32 to vector<16xi32>
    %add3A_1536 = arith.addi %add3A_1535, %iota3A : vector<16xi32>
    %gt3A_1537 = vector.broadcast %sub3A_1467 : i32 to vector<16xi32>
    %gt3A_1538 = arith.cmpi sgt, %add3A_1536, %gt3A_1537 : vector<16xi32>
    %jit3A_1539 = arith.constant 0 : i32
    %broadcast_in_dim3A_1540 = vector.broadcast %jit3A_1539 : i32 to vector<16xi32>
    %select_n3A_1541 = arith.select %gt3A_1538, %get3A_914, %broadcast_in_dim3A_1540 : vector<16xi1>, vector<16xi32>
    %reduce_sum3A_1542 = arith.constant true
    %reduce_sum3A_1543 = vector.broadcast %reduce_sum3A_1542 : i1 to vector<16xi1>
    %reduce_sum3A_1544 = tpu.scan <sum>, %select_n3A_1541 masked %reduce_sum3A_1543 : vector<16xi32>, vector<16xi1> -> vector<16xi32>
    %reduce_sum3A_1545 = vector.extract %reduce_sum3A_1544[15] : i32 from vector<16xi32>
    %add3A_1546 = arith.addi %add3A_1533, %reduce_sum3A_1545 : i32
    %add3A_1547 = arith.constant 96 : i32
    %add3A_1548 = vector.broadcast %add3A_1547 : i32 to vector<16xi32>
    %add3A_1549 = arith.addi %add3A_1548, %iota3A : vector<16xi32>
    %gt3A_1550 = vector.broadcast %sub3A_1467 : i32 to vector<16xi32>
    %gt3A_1551 = arith.cmpi sgt, %add3A_1549, %gt3A_1550 : vector<16xi32>
    %jit3A_1552 = arith.constant 0 : i32
    %broadcast_in_dim3A_1553 = vector.broadcast %jit3A_1552 : i32 to vector<16xi32>
    %select_n3A_1554 = arith.select %gt3A_1551, %get3A_916, %broadcast_in_dim3A_1553 : vector<16xi1>, vector<16xi32>
    %reduce_sum3A_1555 = arith.constant true
    %reduce_sum3A_1556 = vector.broadcast %reduce_sum3A_1555 : i1 to vector<16xi1>
    %reduce_sum3A_1557 = tpu.scan <sum>, %select_n3A_1554 masked %reduce_sum3A_1556 : vector<16xi32>, vector<16xi1> -> vector<16xi32>
    %reduce_sum3A_1558 = vector.extract %reduce_sum3A_1557[15] : i32 from vector<16xi32>
    %add3A_1559 = arith.addi %add3A_1546, %reduce_sum3A_1558 : i32
    %add3A_1560 = arith.constant 112 : i32
    %add3A_1561 = vector.broadcast %add3A_1560 : i32 to vector<16xi32>
    %add3A_1562 = arith.addi %add3A_1561, %iota3A : vector<16xi32>
    %gt3A_1563 = vector.broadcast %sub3A_1467 : i32 to vector<16xi32>
    %gt3A_1564 = arith.cmpi sgt, %add3A_1562, %gt3A_1563 : vector<16xi32>
    %jit3A_1565 = arith.constant 0 : i32
    %broadcast_in_dim3A_1566 = vector.broadcast %jit3A_1565 : i32 to vector<16xi32>
    %select_n3A_1567 = arith.select %gt3A_1564, %get3A_918, %broadcast_in_dim3A_1566 : vector<16xi1>, vector<16xi32>
    %reduce_sum3A_1568 = arith.constant true
    %reduce_sum3A_1569 = vector.broadcast %reduce_sum3A_1568 : i1 to vector<16xi1>
    %reduce_sum3A_1570 = tpu.scan <sum>, %select_n3A_1567 masked %reduce_sum3A_1569 : vector<16xi32>, vector<16xi1> -> vector<16xi32>
    %reduce_sum3A_1571 = vector.extract %reduce_sum3A_1570[15] : i32 from vector<16xi32>
    %add3A_1572 = arith.addi %add3A_1559, %reduce_sum3A_1571 : i32
    %add3A_1573 = arith.constant 128 : i32
    %add3A_1574 = vector.broadcast %add3A_1573 : i32 to vector<16xi32>
    %add3A_1575 = arith.addi %add3A_1574, %iota3A : vector<16xi32>
    %gt3A_1576 = vector.broadcast %sub3A_1467 : i32 to vector<16xi32>
    %gt3A_1577 = arith.cmpi sgt, %add3A_1575, %gt3A_1576 : vector<16xi32>
    %jit3A_1578 = arith.constant 0 : i32
    %broadcast_in_dim3A_1579 = vector.broadcast %jit3A_1578 : i32 to vector<16xi32>
    %select_n3A_1580 = arith.select %gt3A_1577, %get3A_920, %broadcast_in_dim3A_1579 : vector<16xi1>, vector<16xi32>
    %reduce_sum3A_1581 = arith.constant true
    %reduce_sum3A_1582 = vector.broadcast %reduce_sum3A_1581 : i1 to vector<16xi1>
    %reduce_sum3A_1583 = tpu.scan <sum>, %select_n3A_1580 masked %reduce_sum3A_1582 : vector<16xi32>, vector<16xi1> -> vector<16xi32>
    %reduce_sum3A_1584 = vector.extract %reduce_sum3A_1583[15] : i32 from vector<16xi32>
    %add3A_1585 = arith.addi %add3A_1572, %reduce_sum3A_1584 : i32
    %add3A_1586 = arith.constant 144 : i32
    %add3A_1587 = vector.broadcast %add3A_1586 : i32 to vector<16xi32>
    %add3A_1588 = arith.addi %add3A_1587, %iota3A : vector<16xi32>
    %gt3A_1589 = vector.broadcast %sub3A_1467 : i32 to vector<16xi32>
    %gt3A_1590 = arith.cmpi sgt, %add3A_1588, %gt3A_1589 : vector<16xi32>
    %jit3A_1591 = arith.constant 0 : i32
    %broadcast_in_dim3A_1592 = vector.broadcast %jit3A_1591 : i32 to vector<16xi32>
    %select_n3A_1593 = arith.select %gt3A_1590, %get3A_922, %broadcast_in_dim3A_1592 : vector<16xi1>, vector<16xi32>
    %reduce_sum3A_1594 = arith.constant true
    %reduce_sum3A_1595 = vector.broadcast %reduce_sum3A_1594 : i1 to vector<16xi1>
    %reduce_sum3A_1596 = tpu.scan <sum>, %select_n3A_1593 masked %reduce_sum3A_1595 : vector<16xi32>, vector<16xi1> -> vector<16xi32>
    %reduce_sum3A_1597 = vector.extract %reduce_sum3A_1596[15] : i32 from vector<16xi32>
    %add3A_1598 = arith.addi %add3A_1585, %reduce_sum3A_1597 : i32
    %add3A_1599 = arith.constant 160 : i32
    %add3A_1600 = vector.broadcast %add3A_1599 : i32 to vector<16xi32>
    %add3A_1601 = arith.addi %add3A_1600, %iota3A : vector<16xi32>
    %gt3A_1602 = vector.broadcast %sub3A_1467 : i32 to vector<16xi32>
    %gt3A_1603 = arith.cmpi sgt, %add3A_1601, %gt3A_1602 : vector<16xi32>
    %jit3A_1604 = arith.constant 0 : i32
    %broadcast_in_dim3A_1605 = vector.broadcast %jit3A_1604 : i32 to vector<16xi32>
    %select_n3A_1606 = arith.select %gt3A_1603, %get3A_924, %broadcast_in_dim3A_1605 : vector<16xi1>, vector<16xi32>
    %reduce_sum3A_1607 = arith.constant true
    %reduce_sum3A_1608 = vector.broadcast %reduce_sum3A_1607 : i1 to vector<16xi1>
    %reduce_sum3A_1609 = tpu.scan <sum>, %select_n3A_1606 masked %reduce_sum3A_1608 : vector<16xi32>, vector<16xi1> -> vector<16xi32>
    %reduce_sum3A_1610 = vector.extract %reduce_sum3A_1609[15] : i32 from vector<16xi32>
    %add3A_1611 = arith.addi %add3A_1598, %reduce_sum3A_1610 : i32
    %add3A_1612 = arith.constant 176 : i32
    %add3A_1613 = vector.broadcast %add3A_1612 : i32 to vector<16xi32>
    %add3A_1614 = arith.addi %add3A_1613, %iota3A : vector<16xi32>
    %gt3A_1615 = vector.broadcast %sub3A_1467 : i32 to vector<16xi32>
    %gt3A_1616 = arith.cmpi sgt, %add3A_1614, %gt3A_1615 : vector<16xi32>
    %jit3A_1617 = arith.constant 0 : i32
    %broadcast_in_dim3A_1618 = vector.broadcast %jit3A_1617 : i32 to vector<16xi32>
    %select_n3A_1619 = arith.select %gt3A_1616, %get3A_926, %broadcast_in_dim3A_1618 : vector<16xi1>, vector<16xi32>
    %reduce_sum3A_1620 = arith.constant true
    %reduce_sum3A_1621 = vector.broadcast %reduce_sum3A_1620 : i1 to vector<16xi1>
    %reduce_sum3A_1622 = tpu.scan <sum>, %select_n3A_1619 masked %reduce_sum3A_1621 : vector<16xi32>, vector<16xi1> -> vector<16xi32>
    %reduce_sum3A_1623 = vector.extract %reduce_sum3A_1622[15] : i32 from vector<16xi32>
    %add3A_1624 = arith.addi %add3A_1611, %reduce_sum3A_1623 : i32
    %add3A_1625 = arith.constant 192 : i32
    %add3A_1626 = vector.broadcast %add3A_1625 : i32 to vector<16xi32>
    %add3A_1627 = arith.addi %add3A_1626, %iota3A : vector<16xi32>
    %gt3A_1628 = vector.broadcast %sub3A_1467 : i32 to vector<16xi32>
    %gt3A_1629 = arith.cmpi sgt, %add3A_1627, %gt3A_1628 : vector<16xi32>
    %jit3A_1630 = arith.constant 0 : i32
    %broadcast_in_dim3A_1631 = vector.broadcast %jit3A_1630 : i32 to vector<16xi32>
    %select_n3A_1632 = arith.select %gt3A_1629, %get3A_928, %broadcast_in_dim3A_1631 : vector<16xi1>, vector<16xi32>
    %reduce_sum3A_1633 = arith.constant true
    %reduce_sum3A_1634 = vector.broadcast %reduce_sum3A_1633 : i1 to vector<16xi1>
    %reduce_sum3A_1635 = tpu.scan <sum>, %select_n3A_1632 masked %reduce_sum3A_1634 : vector<16xi32>, vector<16xi1> -> vector<16xi32>
    %reduce_sum3A_1636 = vector.extract %reduce_sum3A_1635[15] : i32 from vector<16xi32>
    %add3A_1637 = arith.addi %add3A_1624, %reduce_sum3A_1636 : i32
    %add3A_1638 = arith.constant 208 : i32
    %add3A_1639 = vector.broadcast %add3A_1638 : i32 to vector<16xi32>
    %add3A_1640 = arith.addi %add3A_1639, %iota3A : vector<16xi32>
    %gt3A_1641 = vector.broadcast %sub3A_1467 : i32 to vector<16xi32>
    %gt3A_1642 = arith.cmpi sgt, %add3A_1640, %gt3A_1641 : vector<16xi32>
    %jit3A_1643 = arith.constant 0 : i32
    %broadcast_in_dim3A_1644 = vector.broadcast %jit3A_1643 : i32 to vector<16xi32>
    %select_n3A_1645 = arith.select %gt3A_1642, %get3A_930, %broadcast_in_dim3A_1644 : vector<16xi1>, vector<16xi32>
    %reduce_sum3A_1646 = arith.constant true
    %reduce_sum3A_1647 = vector.broadcast %reduce_sum3A_1646 : i1 to vector<16xi1>
    %reduce_sum3A_1648 = tpu.scan <sum>, %select_n3A_1645 masked %reduce_sum3A_1647 : vector<16xi32>, vector<16xi1> -> vector<16xi32>
    %reduce_sum3A_1649 = vector.extract %reduce_sum3A_1648[15] : i32 from vector<16xi32>
    %add3A_1650 = arith.addi %add3A_1637, %reduce_sum3A_1649 : i32
    %add3A_1651 = arith.constant 224 : i32
    %add3A_1652 = vector.broadcast %add3A_1651 : i32 to vector<16xi32>
    %add3A_1653 = arith.addi %add3A_1652, %iota3A : vector<16xi32>
    %gt3A_1654 = vector.broadcast %sub3A_1467 : i32 to vector<16xi32>
    %gt3A_1655 = arith.cmpi sgt, %add3A_1653, %gt3A_1654 : vector<16xi32>
    %jit3A_1656 = arith.constant 0 : i32
    %broadcast_in_dim3A_1657 = vector.broadcast %jit3A_1656 : i32 to vector<16xi32>
    %select_n3A_1658 = arith.select %gt3A_1655, %get3A_932, %broadcast_in_dim3A_1657 : vector<16xi1>, vector<16xi32>
    %reduce_sum3A_1659 = arith.constant true
    %reduce_sum3A_1660 = vector.broadcast %reduce_sum3A_1659 : i1 to vector<16xi1>
    %reduce_sum3A_1661 = tpu.scan <sum>, %select_n3A_1658 masked %reduce_sum3A_1660 : vector<16xi32>, vector<16xi1> -> vector<16xi32>
    %reduce_sum3A_1662 = vector.extract %reduce_sum3A_1661[15] : i32 from vector<16xi32>
    %add3A_1663 = arith.addi %add3A_1650, %reduce_sum3A_1662 : i32
    %add3A_1664 = arith.constant 240 : i32
    %add3A_1665 = vector.broadcast %add3A_1664 : i32 to vector<16xi32>
    %add3A_1666 = arith.addi %add3A_1665, %iota3A : vector<16xi32>
    %gt3A_1667 = vector.broadcast %sub3A_1467 : i32 to vector<16xi32>
    %gt3A_1668 = arith.cmpi sgt, %add3A_1666, %gt3A_1667 : vector<16xi32>
    %jit3A_1669 = arith.constant 0 : i32
    %broadcast_in_dim3A_1670 = vector.broadcast %jit3A_1669 : i32 to vector<16xi32>
    %select_n3A_1671 = arith.select %gt3A_1668, %get3A_934, %broadcast_in_dim3A_1670 : vector<16xi1>, vector<16xi32>
    %reduce_sum3A_1672 = arith.constant true
    %reduce_sum3A_1673 = vector.broadcast %reduce_sum3A_1672 : i1 to vector<16xi1>
    %reduce_sum3A_1674 = tpu.scan <sum>, %select_n3A_1671 masked %reduce_sum3A_1673 : vector<16xi32>, vector<16xi1> -> vector<16xi32>
    %reduce_sum3A_1675 = vector.extract %reduce_sum3A_1674[15] : i32 from vector<16xi32>
    %add3A_1676 = arith.addi %add3A_1663, %reduce_sum3A_1675 : i32
    %sub3A_1677 = arith.subi %sub3A_850, %add3A_1676 : i32
    %shift_left3A_1678 = arith.constant 16 : i32
    %shift_left3A_1679 = arith.shli %sub3A_1467, %shift_left3A_1678 : i32
    %or3A_1680 = arith.ori %or3A_852, %shift_left3A_1679 : i32
    %scan3A_1681 = arith.constant 0 : i32
    %scan3A_1682 = arith.constant 0 : i32
    %scan3A_1683 = arith.constant 64 : i32
    %scan3A_1684 = arith.addi %scan3A_1682, %scan3A_1683 : i32
    %scan3A_1685 = arith.constant 1 : i32
    scf.for %scan3A_3368 = %scan3A_1682 to %scan3A_1684 step %scan3A_1685  : i32 {
      %mul3A_3369 = arith.constant 4 : i32
      %mul3A_3370 = arith.muli %scan3A_3368, %mul3A_3369 : i32
      %add3A_3371 = arith.constant 0 : i32
      %add3A_3372 = arith.addi %mul3A_3370, %add3A_3371 : i32
      %mul3A_3373 = arith.constant 16 : i32
      %mul3A_3374 = arith.muli %add3A_3372, %mul3A_3373 : i32
      %swap3A_3375 = arith.index_cast %mul3A_3374 : i32 to index
      %swap3A_3376 = tpu.vector_load %arg6[%swap3A_3375] {strides = array<i32>} : memref<4096xi32, #tpu.memory_space<vmem>>, vector<16xi32>,
      tpu.vector_store %arg6[%swap3A_3375], %broadcast_in_dim3A_28 {strides = array<i32>} : memref<4096xi32, #tpu.memory_space<vmem>>, vector<16xi32>,
      %mul3A_3377 = arith.constant 4 : i32
      %mul3A_3378 = arith.muli %scan3A_3368, %mul3A_3377 : i32
      %add3A_3379 = arith.constant 1 : i32
      %add3A_3380 = arith.addi %mul3A_3378, %add3A_3379 : i32
      %mul3A_3381 = arith.constant 16 : i32
      %mul3A_3382 = arith.muli %add3A_3380, %mul3A_3381 : i32
      %swap3A_3383 = arith.index_cast %mul3A_3382 : i32 to index
      %swap3A_3384 = tpu.vector_load %arg6[%swap3A_3383] {strides = array<i32>} : memref<4096xi32, #tpu.memory_space<vmem>>, vector<16xi32>,
      tpu.vector_store %arg6[%swap3A_3383], %broadcast_in_dim3A_28 {strides = array<i32>} : memref<4096xi32, #tpu.memory_space<vmem>>, vector<16xi32>,
      %mul3A_3385 = arith.constant 4 : i32
      %mul3A_3386 = arith.muli %scan3A_3368, %mul3A_3385 : i32
      %add3A_3387 = arith.constant 2 : i32
      %add3A_3388 = arith.addi %mul3A_3386, %add3A_3387 : i32
      %mul3A_3389 = arith.constant 16 : i32
      %mul3A_3390 = arith.muli %add3A_3388, %mul3A_3389 : i32
      %swap3A_3391 = arith.index_cast %mul3A_3390 : i32 to index
      %swap3A_3392 = tpu.vector_load %arg6[%swap3A_3391] {strides = array<i32>} : memref<4096xi32, #tpu.memory_space<vmem>>, vector<16xi32>,
      tpu.vector_store %arg6[%swap3A_3391], %broadcast_in_dim3A_28 {strides = array<i32>} : memref<4096xi32, #tpu.memory_space<vmem>>, vector<16xi32>,
      %mul3A_3393 = arith.constant 4 : i32
      %mul3A_3394 = arith.muli %scan3A_3368, %mul3A_3393 : i32
      %add3A_3395 = arith.constant 3 : i32
      %add3A_3396 = arith.addi %mul3A_3394, %add3A_3395 : i32
      %mul3A_3397 = arith.constant 16 : i32
      %mul3A_3398 = arith.muli %add3A_3396, %mul3A_3397 : i32
      %swap3A_3399 = arith.index_cast %mul3A_3398 : i32 to index
      %swap3A_3400 = tpu.vector_load %arg6[%swap3A_3399] {strides = array<i32>} : memref<4096xi32, #tpu.memory_space<vmem>>, vector<16xi32>,
      tpu.vector_store %arg6[%swap3A_3399], %broadcast_in_dim3A_28 {strides = array<i32>} : memref<4096xi32, #tpu.memory_space<vmem>>, vector<16xi32>,
    }
    %scan3A_1686 = arith.constant 64 : i32
    %swap3A_1687 = arith.constant 0 : index
    %swap3A_1688 = tpu.vector_load %arg7[%swap3A_1687] {strides = array<i32>} : memref<256xi32, #tpu.memory_space<vmem>>, vector<16xi32>,
    tpu.vector_store %arg7[%swap3A_1687], %broadcast_in_dim3A_28 {strides = array<i32>} : memref<256xi32, #tpu.memory_space<vmem>>, vector<16xi32>,
    %swap3A_1689 = arith.constant 16 : index
    %swap3A_1690 = tpu.vector_load %arg7[%swap3A_1689] {strides = array<i32>} : memref<256xi32, #tpu.memory_space<vmem>>, vector<16xi32>,
    tpu.vector_store %arg7[%swap3A_1689], %broadcast_in_dim3A_28 {strides = array<i32>} : memref<256xi32, #tpu.memory_space<vmem>>, vector<16xi32>,
    %swap3A_1691 = arith.constant 32 : index
    %swap3A_1692 = tpu.vector_load %arg7[%swap3A_1691] {strides = array<i32>} : memref<256xi32, #tpu.memory_space<vmem>>, vector<16xi32>,
    tpu.vector_store %arg7[%swap3A_1691], %broadcast_in_dim3A_28 {strides = array<i32>} : memref<256xi32, #tpu.memory_space<vmem>>, vector<16xi32>,
    %swap3A_1693 = arith.constant 48 : index
    %swap3A_1694 = tpu.vector_load %arg7[%swap3A_1693] {strides = array<i32>} : memref<256xi32, #tpu.memory_space<vmem>>, vector<16xi32>,
    tpu.vector_store %arg7[%swap3A_1693], %broadcast_in_dim3A_28 {strides = array<i32>} : memref<256xi32, #tpu.memory_space<vmem>>, vector<16xi32>,
    %swap3A_1695 = arith.constant 64 : index
    %swap3A_1696 = tpu.vector_load %arg7[%swap3A_1695] {strides = array<i32>} : memref<256xi32, #tpu.memory_space<vmem>>, vector<16xi32>,
    tpu.vector_store %arg7[%swap3A_1695], %broadcast_in_dim3A_28 {strides = array<i32>} : memref<256xi32, #tpu.memory_space<vmem>>, vector<16xi32>,
    %swap3A_1697 = arith.constant 80 : index
    %swap3A_1698 = tpu.vector_load %arg7[%swap3A_1697] {strides = array<i32>} : memref<256xi32, #tpu.memory_space<vmem>>, vector<16xi32>,
    tpu.vector_store %arg7[%swap3A_1697], %broadcast_in_dim3A_28 {strides = array<i32>} : memref<256xi32, #tpu.memory_space<vmem>>, vector<16xi32>,
    %swap3A_1699 = arith.constant 96 : index
    %swap3A_1700 = tpu.vector_load %arg7[%swap3A_1699] {strides = array<i32>} : memref<256xi32, #tpu.memory_space<vmem>>, vector<16xi32>,
    tpu.vector_store %arg7[%swap3A_1699], %broadcast_in_dim3A_28 {strides = array<i32>} : memref<256xi32, #tpu.memory_space<vmem>>, vector<16xi32>,
    %swap3A_1701 = arith.constant 112 : index
    %swap3A_1702 = tpu.vector_load %arg7[%swap3A_1701] {strides = array<i32>} : memref<256xi32, #tpu.memory_space<vmem>>, vector<16xi32>,
    tpu.vector_store %arg7[%swap3A_1701], %broadcast_in_dim3A_28 {strides = array<i32>} : memref<256xi32, #tpu.memory_space<vmem>>, vector<16xi32>,
    %swap3A_1703 = arith.constant 128 : index
    %swap3A_1704 = tpu.vector_load %arg7[%swap3A_1703] {strides = array<i32>} : memref<256xi32, #tpu.memory_space<vmem>>, vector<16xi32>,
    tpu.vector_store %arg7[%swap3A_1703], %broadcast_in_dim3A_28 {strides = array<i32>} : memref<256xi32, #tpu.memory_space<vmem>>, vector<16xi32>,
    %swap3A_1705 = arith.constant 144 : index
    %swap3A_1706 = tpu.vector_load %arg7[%swap3A_1705] {strides = array<i32>} : memref<256xi32, #tpu.memory_space<vmem>>, vector<16xi32>,
    tpu.vector_store %arg7[%swap3A_1705], %broadcast_in_dim3A_28 {strides = array<i32>} : memref<256xi32, #tpu.memory_space<vmem>>, vector<16xi32>,
    %swap3A_1707 = arith.constant 160 : index
    %swap3A_1708 = tpu.vector_load %arg7[%swap3A_1707] {strides = array<i32>} : memref<256xi32, #tpu.memory_space<vmem>>, vector<16xi32>,
    tpu.vector_store %arg7[%swap3A_1707], %broadcast_in_dim3A_28 {strides = array<i32>} : memref<256xi32, #tpu.memory_space<vmem>>, vector<16xi32>,
    %swap3A_1709 = arith.constant 176 : index
    %swap3A_1710 = tpu.vector_load %arg7[%swap3A_1709] {strides = array<i32>} : memref<256xi32, #tpu.memory_space<vmem>>, vector<16xi32>,
    tpu.vector_store %arg7[%swap3A_1709], %broadcast_in_dim3A_28 {strides = array<i32>} : memref<256xi32, #tpu.memory_space<vmem>>, vector<16xi32>,
    %swap3A_1711 = arith.constant 192 : index
    %swap3A_1712 = tpu.vector_load %arg7[%swap3A_1711] {strides = array<i32>} : memref<256xi32, #tpu.memory_space<vmem>>, vector<16xi32>,
    tpu.vector_store %arg7[%swap3A_1711], %broadcast_in_dim3A_28 {strides = array<i32>} : memref<256xi32, #tpu.memory_space<vmem>>, vector<16xi32>,
    %swap3A_1713 = arith.constant 208 : index
    %swap3A_1714 = tpu.vector_load %arg7[%swap3A_1713] {strides = array<i32>} : memref<256xi32, #tpu.memory_space<vmem>>, vector<16xi32>,
    tpu.vector_store %arg7[%swap3A_1713], %broadcast_in_dim3A_28 {strides = array<i32>} : memref<256xi32, #tpu.memory_space<vmem>>, vector<16xi32>,
    %swap3A_1715 = arith.constant 224 : index
    %swap3A_1716 = tpu.vector_load %arg7[%swap3A_1715] {strides = array<i32>} : memref<256xi32, #tpu.memory_space<vmem>>, vector<16xi32>,
    tpu.vector_store %arg7[%swap3A_1715], %broadcast_in_dim3A_28 {strides = array<i32>} : memref<256xi32, #tpu.memory_space<vmem>>, vector<16xi32>,
    %swap3A_1717 = arith.constant 240 : index
    %swap3A_1718 = tpu.vector_load %arg7[%swap3A_1717] {strides = array<i32>} : memref<256xi32, #tpu.memory_space<vmem>>, vector<16xi32>,
    tpu.vector_store %arg7[%swap3A_1717], %broadcast_in_dim3A_28 {strides = array<i32>} : memref<256xi32, #tpu.memory_space<vmem>>, vector<16xi32>,
    %scan3A_1719 = arith.constant 0 : i32
    %scan3A_1720 = arith.constant 0 : i32
    %scan3A_1721 = arith.constant 250 : i32
    %scan3A_1722 = arith.addi %scan3A_1720, %scan3A_1721 : i32
    %scan3A_1723 = arith.constant 1 : i32
    scf.for %scan3A_3368 = %scan3A_1720 to %scan3A_1722 step %scan3A_1723  : i32 {
      %mul3A_3369 = arith.constant 5 : i32
      %mul3A_3370 = arith.muli %scan3A_3368, %mul3A_3369 : i32
      %add3A_3371 = arith.constant 0 : i32
      %add3A_3372 = arith.addi %mul3A_3370, %add3A_3371 : i32
      %mul3A_3373 = arith.constant 16 : i32
      %mul3A_3374 = arith.muli %add3A_3372, %mul3A_3373 : i32
      %get3A_3375 = arith.index_cast %mul3A_3374 : i32 to index
      %get3A_3376 = tpu.vector_load %arg5[%get3A_3375] {strides = array<i32>} : memref<20000xi32, #tpu.memory_space<vmem>>, vector<16xi32>,
      %shift_right_logical3A = arith.constant 8 : i32
      %shift_right_logical3A_3377 = vector.broadcast %shift_right_logical3A : i32 to vector<16xi32>
      %shift_right_logical3A_3378 = arith.shrui %get3A_3376, %shift_right_logical3A_3377 : vector<16xi32>
      %and3A_3379 = arith.constant 255 : i32
      %and3A_3380 = vector.broadcast %and3A_3379 : i32 to vector<16xi32>
      %and3A_3381 = arith.andi %shift_right_logical3A_3378, %and3A_3380 : vector<16xi32>
      %mul3A_3382 = arith.constant 256 : i32
      %mul3A_3383 = vector.broadcast %mul3A_3382 : i32 to vector<16xi32>
      %mul3A_3384 = arith.muli %iota3A, %mul3A_3383 : vector<16xi32>
      %add3A_3385 = arith.addi %mul3A_3384, %and3A_3381 : vector<16xi32>
      %and3A_3386 = arith.constant -65536 : i32
      %and3A_3387 = vector.broadcast %and3A_3386 : i32 to vector<16xi32>
      %and3A_3388 = arith.andi %get3A_3376, %and3A_3387 : vector<16xi32>
      %eq3A_3389 = vector.broadcast %or3A_1680 : i32 to vector<16xi32>
      %eq3A_3390 = arith.cmpi eq, %and3A_3388, %eq3A_3389 : vector<16xi32>
      tpu.vector_store_idx %arg6[%add3A_3385], %broadcast_in_dim3A_26 masked %eq3A_3390 {add = true} : memref<4096xi32, #tpu.memory_space<vmem>>[vector<16xi32>], vector<16xi32>, vector<16xi1>
      %mul3A_3391 = arith.constant 5 : i32
      %mul3A_3392 = arith.muli %scan3A_3368, %mul3A_3391 : i32
      %add3A_3393 = arith.constant 1 : i32
      %add3A_3394 = arith.addi %mul3A_3392, %add3A_3393 : i32
      %mul3A_3395 = arith.constant 16 : i32
      %mul3A_3396 = arith.muli %add3A_3394, %mul3A_3395 : i32
      %get3A_3397 = arith.index_cast %mul3A_3396 : i32 to index
      %get3A_3398 = tpu.vector_load %arg5[%get3A_3397] {strides = array<i32>} : memref<20000xi32, #tpu.memory_space<vmem>>, vector<16xi32>,
      %shift_right_logical3A_3399 = arith.constant 8 : i32
      %shift_right_logical3A_3400 = vector.broadcast %shift_right_logical3A_3399 : i32 to vector<16xi32>
      %shift_right_logical3A_3401 = arith.shrui %get3A_3398, %shift_right_logical3A_3400 : vector<16xi32>
      %and3A_3402 = arith.constant 255 : i32
      %and3A_3403 = vector.broadcast %and3A_3402 : i32 to vector<16xi32>
      %and3A_3404 = arith.andi %shift_right_logical3A_3401, %and3A_3403 : vector<16xi32>
      %mul3A_3405 = arith.constant 256 : i32
      %mul3A_3406 = vector.broadcast %mul3A_3405 : i32 to vector<16xi32>
      %mul3A_3407 = arith.muli %iota3A, %mul3A_3406 : vector<16xi32>
      %add3A_3408 = arith.addi %mul3A_3407, %and3A_3404 : vector<16xi32>
      %and3A_3409 = arith.constant -65536 : i32
      %and3A_3410 = vector.broadcast %and3A_3409 : i32 to vector<16xi32>
      %and3A_3411 = arith.andi %get3A_3398, %and3A_3410 : vector<16xi32>
      %eq3A_3412 = vector.broadcast %or3A_1680 : i32 to vector<16xi32>
      %eq3A_3413 = arith.cmpi eq, %and3A_3411, %eq3A_3412 : vector<16xi32>
      tpu.vector_store_idx %arg6[%add3A_3408], %broadcast_in_dim3A_26 masked %eq3A_3413 {add = true} : memref<4096xi32, #tpu.memory_space<vmem>>[vector<16xi32>], vector<16xi32>, vector<16xi1>
      %mul3A_3414 = arith.constant 5 : i32
      %mul3A_3415 = arith.muli %scan3A_3368, %mul3A_3414 : i32
      %add3A_3416 = arith.constant 2 : i32
      %add3A_3417 = arith.addi %mul3A_3415, %add3A_3416 : i32
      %mul3A_3418 = arith.constant 16 : i32
      %mul3A_3419 = arith.muli %add3A_3417, %mul3A_3418 : i32
      %get3A_3420 = arith.index_cast %mul3A_3419 : i32 to index
      %get3A_3421 = tpu.vector_load %arg5[%get3A_3420] {strides = array<i32>} : memref<20000xi32, #tpu.memory_space<vmem>>, vector<16xi32>,
      %shift_right_logical3A_3422 = arith.constant 8 : i32
      %shift_right_logical3A_3423 = vector.broadcast %shift_right_logical3A_3422 : i32 to vector<16xi32>
      %shift_right_logical3A_3424 = arith.shrui %get3A_3421, %shift_right_logical3A_3423 : vector<16xi32>
      %and3A_3425 = arith.constant 255 : i32
      %and3A_3426 = vector.broadcast %and3A_3425 : i32 to vector<16xi32>
      %and3A_3427 = arith.andi %shift_right_logical3A_3424, %and3A_3426 : vector<16xi32>
      %mul3A_3428 = arith.constant 256 : i32
      %mul3A_3429 = vector.broadcast %mul3A_3428 : i32 to vector<16xi32>
      %mul3A_3430 = arith.muli %iota3A, %mul3A_3429 : vector<16xi32>
      %add3A_3431 = arith.addi %mul3A_3430, %and3A_3427 : vector<16xi32>
      %and3A_3432 = arith.constant -65536 : i32
      %and3A_3433 = vector.broadcast %and3A_3432 : i32 to vector<16xi32>
      %and3A_3434 = arith.andi %get3A_3421, %and3A_3433 : vector<16xi32>
      %eq3A_3435 = vector.broadcast %or3A_1680 : i32 to vector<16xi32>
      %eq3A_3436 = arith.cmpi eq, %and3A_3434, %eq3A_3435 : vector<16xi32>
      tpu.vector_store_idx %arg6[%add3A_3431], %broadcast_in_dim3A_26 masked %eq3A_3436 {add = true} : memref<4096xi32, #tpu.memory_space<vmem>>[vector<16xi32>], vector<16xi32>, vector<16xi1>
      %mul3A_3437 = arith.constant 5 : i32
      %mul3A_3438 = arith.muli %scan3A_3368, %mul3A_3437 : i32
      %add3A_3439 = arith.constant 3 : i32
      %add3A_3440 = arith.addi %mul3A_3438, %add3A_3439 : i32
      %mul3A_3441 = arith.constant 16 : i32
      %mul3A_3442 = arith.muli %add3A_3440, %mul3A_3441 : i32
      %get3A_3443 = arith.index_cast %mul3A_3442 : i32 to index
      %get3A_3444 = tpu.vector_load %arg5[%get3A_3443] {strides = array<i32>} : memref<20000xi32, #tpu.memory_space<vmem>>, vector<16xi32>,
      %shift_right_logical3A_3445 = arith.constant 8 : i32
      %shift_right_logical3A_3446 = vector.broadcast %shift_right_logical3A_3445 : i32 to vector<16xi32>
      %shift_right_logical3A_3447 = arith.shrui %get3A_3444, %shift_right_logical3A_3446 : vector<16xi32>
      %and3A_3448 = arith.constant 255 : i32
      %and3A_3449 = vector.broadcast %and3A_3448 : i32 to vector<16xi32>
      %and3A_3450 = arith.andi %shift_right_logical3A_3447, %and3A_3449 : vector<16xi32>
      %mul3A_3451 = arith.constant 256 : i32
      %mul3A_3452 = vector.broadcast %mul3A_3451 : i32 to vector<16xi32>
      %mul3A_3453 = arith.muli %iota3A, %mul3A_3452 : vector<16xi32>
      %add3A_3454 = arith.addi %mul3A_3453, %and3A_3450 : vector<16xi32>
      %and3A_3455 = arith.constant -65536 : i32
      %and3A_3456 = vector.broadcast %and3A_3455 : i32 to vector<16xi32>
      %and3A_3457 = arith.andi %get3A_3444, %and3A_3456 : vector<16xi32>
      %eq3A_3458 = vector.broadcast %or3A_1680 : i32 to vector<16xi32>
      %eq3A_3459 = arith.cmpi eq, %and3A_3457, %eq3A_3458 : vector<16xi32>
      tpu.vector_store_idx %arg6[%add3A_3454], %broadcast_in_dim3A_26 masked %eq3A_3459 {add = true} : memref<4096xi32, #tpu.memory_space<vmem>>[vector<16xi32>], vector<16xi32>, vector<16xi1>
      %mul3A_3460 = arith.constant 5 : i32
      %mul3A_3461 = arith.muli %scan3A_3368, %mul3A_3460 : i32
      %add3A_3462 = arith.constant 4 : i32
      %add3A_3463 = arith.addi %mul3A_3461, %add3A_3462 : i32
      %mul3A_3464 = arith.constant 16 : i32
      %mul3A_3465 = arith.muli %add3A_3463, %mul3A_3464 : i32
      %get3A_3466 = arith.index_cast %mul3A_3465 : i32 to index
      %get3A_3467 = tpu.vector_load %arg5[%get3A_3466] {strides = array<i32>} : memref<20000xi32, #tpu.memory_space<vmem>>, vector<16xi32>,
      %shift_right_logical3A_3468 = arith.constant 8 : i32
      %shift_right_logical3A_3469 = vector.broadcast %shift_right_logical3A_3468 : i32 to vector<16xi32>
      %shift_right_logical3A_3470 = arith.shrui %get3A_3467, %shift_right_logical3A_3469 : vector<16xi32>
      %and3A_3471 = arith.constant 255 : i32
      %and3A_3472 = vector.broadcast %and3A_3471 : i32 to vector<16xi32>
      %and3A_3473 = arith.andi %shift_right_logical3A_3470, %and3A_3472 : vector<16xi32>
      %mul3A_3474 = arith.constant 256 : i32
      %mul3A_3475 = vector.broadcast %mul3A_3474 : i32 to vector<16xi32>
      %mul3A_3476 = arith.muli %iota3A, %mul3A_3475 : vector<16xi32>
      %add3A_3477 = arith.addi %mul3A_3476, %and3A_3473 : vector<16xi32>
      %and3A_3478 = arith.constant -65536 : i32
      %and3A_3479 = vector.broadcast %and3A_3478 : i32 to vector<16xi32>
      %and3A_3480 = arith.andi %get3A_3467, %and3A_3479 : vector<16xi32>
      %eq3A_3481 = vector.broadcast %or3A_1680 : i32 to vector<16xi32>
      %eq3A_3482 = arith.cmpi eq, %and3A_3480, %eq3A_3481 : vector<16xi32>
      tpu.vector_store_idx %arg6[%add3A_3477], %broadcast_in_dim3A_26 masked %eq3A_3482 {add = true} : memref<4096xi32, #tpu.memory_space<vmem>>[vector<16xi32>], vector<16xi32>, vector<16xi1>
    }
    %scan3A_1724 = arith.constant 250 : i32
    %scan3A_1725 = arith.constant 0 : i32
    %scan3A_1726 = arith.constant 0 : i32
    %scan3A_1727 = arith.constant 128 : i32
    %scan3A_1728 = arith.addi %scan3A_1726, %scan3A_1727 : i32
    %scan3A_1729 = arith.constant 1 : i32
    scf.for %scan3A_3368 = %scan3A_1726 to %scan3A_1728 step %scan3A_1729  : i32 {
      %mul3A_3369 = arith.constant 2 : i32
      %mul3A_3370 = arith.muli %scan3A_3368, %mul3A_3369 : i32
      %add3A_3371 = arith.constant 0 : i32
      %add3A_3372 = arith.addi %mul3A_3370, %add3A_3371 : i32
      %and3A_3373 = arith.constant 15 : i32
      %and3A_3374 = arith.andi %add3A_3372, %and3A_3373 : i32
      %mul3A_3375 = arith.constant 16 : i32
      %mul3A_3376 = arith.muli %and3A_3374, %mul3A_3375 : i32
      %add3A_3377 = vector.broadcast %mul3A_3376 : i32 to vector<16xi32>
      %add3A_3378 = arith.addi %add3A_3377, %iota3A : vector<16xi32>
      %mul3A_3379 = arith.constant 16 : i32
      %mul3A_3380 = arith.muli %add3A_3372, %mul3A_3379 : i32
      %get3A_3381 = arith.index_cast %mul3A_3380 : i32 to index
      %get3A_3382 = tpu.vector_load %arg6[%get3A_3381] {strides = array<i32>} : memref<4096xi32, #tpu.memory_space<vmem>>, vector<16xi32>,
      tpu.vector_store_idx %arg7[%add3A_3378], %get3A_3382 {add = true} : memref<256xi32, #tpu.memory_space<vmem>>[vector<16xi32>], vector<16xi32>,
      %mul3A_3383 = arith.constant 2 : i32
      %mul3A_3384 = arith.muli %scan3A_3368, %mul3A_3383 : i32
      %add3A_3385 = arith.constant 1 : i32
      %add3A_3386 = arith.addi %mul3A_3384, %add3A_3385 : i32
      %and3A_3387 = arith.constant 15 : i32
      %and3A_3388 = arith.andi %add3A_3386, %and3A_3387 : i32
      %mul3A_3389 = arith.constant 16 : i32
      %mul3A_3390 = arith.muli %and3A_3388, %mul3A_3389 : i32
      %add3A_3391 = vector.broadcast %mul3A_3390 : i32 to vector<16xi32>
      %add3A_3392 = arith.addi %add3A_3391, %iota3A : vector<16xi32>
      %mul3A_3393 = arith.constant 16 : i32
      %mul3A_3394 = arith.muli %add3A_3386, %mul3A_3393 : i32
      %get3A_3395 = arith.index_cast %mul3A_3394 : i32 to index
      %get3A_3396 = tpu.vector_load %arg6[%get3A_3395] {strides = array<i32>} : memref<4096xi32, #tpu.memory_space<vmem>>, vector<16xi32>,
      tpu.vector_store_idx %arg7[%add3A_3392], %get3A_3396 {add = true} : memref<256xi32, #tpu.memory_space<vmem>>[vector<16xi32>], vector<16xi32>,
    }
    %scan3A_1730 = arith.constant 128 : i32
    %get3A_1731 = arith.constant 0 : index
    %get3A_1732 = tpu.vector_load %arg7[%get3A_1731] {strides = array<i32>} : memref<256xi32, #tpu.memory_space<vmem>>, vector<16xi32>,
    %get3A_1733 = arith.constant 16 : index
    %get3A_1734 = tpu.vector_load %arg7[%get3A_1733] {strides = array<i32>} : memref<256xi32, #tpu.memory_space<vmem>>, vector<16xi32>,
    %get3A_1735 = arith.constant 32 : index
    %get3A_1736 = tpu.vector_load %arg7[%get3A_1735] {strides = array<i32>} : memref<256xi32, #tpu.memory_space<vmem>>, vector<16xi32>,
    %get3A_1737 = arith.constant 48 : index
    %get3A_1738 = tpu.vector_load %arg7[%get3A_1737] {strides = array<i32>} : memref<256xi32, #tpu.memory_space<vmem>>, vector<16xi32>,
    %get3A_1739 = arith.constant 64 : index
    %get3A_1740 = tpu.vector_load %arg7[%get3A_1739] {strides = array<i32>} : memref<256xi32, #tpu.memory_space<vmem>>, vector<16xi32>,
    %get3A_1741 = arith.constant 80 : index
    %get3A_1742 = tpu.vector_load %arg7[%get3A_1741] {strides = array<i32>} : memref<256xi32, #tpu.memory_space<vmem>>, vector<16xi32>,
    %get3A_1743 = arith.constant 96 : index
    %get3A_1744 = tpu.vector_load %arg7[%get3A_1743] {strides = array<i32>} : memref<256xi32, #tpu.memory_space<vmem>>, vector<16xi32>,
    %get3A_1745 = arith.constant 112 : index
    %get3A_1746 = tpu.vector_load %arg7[%get3A_1745] {strides = array<i32>} : memref<256xi32, #tpu.memory_space<vmem>>, vector<16xi32>,
    %get3A_1747 = arith.constant 128 : index
    %get3A_1748 = tpu.vector_load %arg7[%get3A_1747] {strides = array<i32>} : memref<256xi32, #tpu.memory_space<vmem>>, vector<16xi32>,
    %get3A_1749 = arith.constant 144 : index
    %get3A_1750 = tpu.vector_load %arg7[%get3A_1749] {strides = array<i32>} : memref<256xi32, #tpu.memory_space<vmem>>, vector<16xi32>,
    %get3A_1751 = arith.constant 160 : index
    %get3A_1752 = tpu.vector_load %arg7[%get3A_1751] {strides = array<i32>} : memref<256xi32, #tpu.memory_space<vmem>>, vector<16xi32>,
    %get3A_1753 = arith.constant 176 : index
    %get3A_1754 = tpu.vector_load %arg7[%get3A_1753] {strides = array<i32>} : memref<256xi32, #tpu.memory_space<vmem>>, vector<16xi32>,
    %get3A_1755 = arith.constant 192 : index
    %get3A_1756 = tpu.vector_load %arg7[%get3A_1755] {strides = array<i32>} : memref<256xi32, #tpu.memory_space<vmem>>, vector<16xi32>,
    %get3A_1757 = arith.constant 208 : index
    %get3A_1758 = tpu.vector_load %arg7[%get3A_1757] {strides = array<i32>} : memref<256xi32, #tpu.memory_space<vmem>>, vector<16xi32>,
    %get3A_1759 = arith.constant 224 : index
    %get3A_1760 = tpu.vector_load %arg7[%get3A_1759] {strides = array<i32>} : memref<256xi32, #tpu.memory_space<vmem>>, vector<16xi32>,
    %get3A_1761 = arith.constant 240 : index
    %get3A_1762 = tpu.vector_load %arg7[%get3A_1761] {strides = array<i32>} : memref<256xi32, #tpu.memory_space<vmem>>, vector<16xi32>,
    %reduce_sum3A_1763 = arith.constant true
    %reduce_sum3A_1764 = vector.broadcast %reduce_sum3A_1763 : i1 to vector<16xi1>
    %reduce_sum3A_1765 = tpu.scan <sum>, %get3A_1732 masked %reduce_sum3A_1764 : vector<16xi32>, vector<16xi1> -> vector<16xi32>
    %reduce_sum3A_1766 = vector.extract %reduce_sum3A_1765[15] : i32 from vector<16xi32>
    %reduce_sum3A_1767 = arith.constant true
    %reduce_sum3A_1768 = vector.broadcast %reduce_sum3A_1767 : i1 to vector<16xi1>
    %reduce_sum3A_1769 = tpu.scan <sum>, %get3A_1734 masked %reduce_sum3A_1768 : vector<16xi32>, vector<16xi1> -> vector<16xi32>
    %reduce_sum3A_1770 = vector.extract %reduce_sum3A_1769[15] : i32 from vector<16xi32>
    %reduce_sum3A_1771 = arith.constant true
    %reduce_sum3A_1772 = vector.broadcast %reduce_sum3A_1771 : i1 to vector<16xi1>
    %reduce_sum3A_1773 = tpu.scan <sum>, %get3A_1736 masked %reduce_sum3A_1772 : vector<16xi32>, vector<16xi1> -> vector<16xi32>
    %reduce_sum3A_1774 = vector.extract %reduce_sum3A_1773[15] : i32 from vector<16xi32>
    %reduce_sum3A_1775 = arith.constant true
    %reduce_sum3A_1776 = vector.broadcast %reduce_sum3A_1775 : i1 to vector<16xi1>
    %reduce_sum3A_1777 = tpu.scan <sum>, %get3A_1738 masked %reduce_sum3A_1776 : vector<16xi32>, vector<16xi1> -> vector<16xi32>
    %reduce_sum3A_1778 = vector.extract %reduce_sum3A_1777[15] : i32 from vector<16xi32>
    %reduce_sum3A_1779 = arith.constant true
    %reduce_sum3A_1780 = vector.broadcast %reduce_sum3A_1779 : i1 to vector<16xi1>
    %reduce_sum3A_1781 = tpu.scan <sum>, %get3A_1740 masked %reduce_sum3A_1780 : vector<16xi32>, vector<16xi1> -> vector<16xi32>
    %reduce_sum3A_1782 = vector.extract %reduce_sum3A_1781[15] : i32 from vector<16xi32>
    %reduce_sum3A_1783 = arith.constant true
    %reduce_sum3A_1784 = vector.broadcast %reduce_sum3A_1783 : i1 to vector<16xi1>
    %reduce_sum3A_1785 = tpu.scan <sum>, %get3A_1742 masked %reduce_sum3A_1784 : vector<16xi32>, vector<16xi1> -> vector<16xi32>
    %reduce_sum3A_1786 = vector.extract %reduce_sum3A_1785[15] : i32 from vector<16xi32>
    %reduce_sum3A_1787 = arith.constant true
    %reduce_sum3A_1788 = vector.broadcast %reduce_sum3A_1787 : i1 to vector<16xi1>
    %reduce_sum3A_1789 = tpu.scan <sum>, %get3A_1744 masked %reduce_sum3A_1788 : vector<16xi32>, vector<16xi1> -> vector<16xi32>
    %reduce_sum3A_1790 = vector.extract %reduce_sum3A_1789[15] : i32 from vector<16xi32>
    %reduce_sum3A_1791 = arith.constant true
    %reduce_sum3A_1792 = vector.broadcast %reduce_sum3A_1791 : i1 to vector<16xi1>
    %reduce_sum3A_1793 = tpu.scan <sum>, %get3A_1746 masked %reduce_sum3A_1792 : vector<16xi32>, vector<16xi1> -> vector<16xi32>
    %reduce_sum3A_1794 = vector.extract %reduce_sum3A_1793[15] : i32 from vector<16xi32>
    %reduce_sum3A_1795 = arith.constant true
    %reduce_sum3A_1796 = vector.broadcast %reduce_sum3A_1795 : i1 to vector<16xi1>
    %reduce_sum3A_1797 = tpu.scan <sum>, %get3A_1748 masked %reduce_sum3A_1796 : vector<16xi32>, vector<16xi1> -> vector<16xi32>
    %reduce_sum3A_1798 = vector.extract %reduce_sum3A_1797[15] : i32 from vector<16xi32>
    %reduce_sum3A_1799 = arith.constant true
    %reduce_sum3A_1800 = vector.broadcast %reduce_sum3A_1799 : i1 to vector<16xi1>
    %reduce_sum3A_1801 = tpu.scan <sum>, %get3A_1750 masked %reduce_sum3A_1800 : vector<16xi32>, vector<16xi1> -> vector<16xi32>
    %reduce_sum3A_1802 = vector.extract %reduce_sum3A_1801[15] : i32 from vector<16xi32>
    %reduce_sum3A_1803 = arith.constant true
    %reduce_sum3A_1804 = vector.broadcast %reduce_sum3A_1803 : i1 to vector<16xi1>
    %reduce_sum3A_1805 = tpu.scan <sum>, %get3A_1752 masked %reduce_sum3A_1804 : vector<16xi32>, vector<16xi1> -> vector<16xi32>
    %reduce_sum3A_1806 = vector.extract %reduce_sum3A_1805[15] : i32 from vector<16xi32>
    %reduce_sum3A_1807 = arith.constant true
    %reduce_sum3A_1808 = vector.broadcast %reduce_sum3A_1807 : i1 to vector<16xi1>
    %reduce_sum3A_1809 = tpu.scan <sum>, %get3A_1754 masked %reduce_sum3A_1808 : vector<16xi32>, vector<16xi1> -> vector<16xi32>
    %reduce_sum3A_1810 = vector.extract %reduce_sum3A_1809[15] : i32 from vector<16xi32>
    %reduce_sum3A_1811 = arith.constant true
    %reduce_sum3A_1812 = vector.broadcast %reduce_sum3A_1811 : i1 to vector<16xi1>
    %reduce_sum3A_1813 = tpu.scan <sum>, %get3A_1756 masked %reduce_sum3A_1812 : vector<16xi32>, vector<16xi1> -> vector<16xi32>
    %reduce_sum3A_1814 = vector.extract %reduce_sum3A_1813[15] : i32 from vector<16xi32>
    %reduce_sum3A_1815 = arith.constant true
    %reduce_sum3A_1816 = vector.broadcast %reduce_sum3A_1815 : i1 to vector<16xi1>
    %reduce_sum3A_1817 = tpu.scan <sum>, %get3A_1758 masked %reduce_sum3A_1816 : vector<16xi32>, vector<16xi1> -> vector<16xi32>
    %reduce_sum3A_1818 = vector.extract %reduce_sum3A_1817[15] : i32 from vector<16xi32>
    %reduce_sum3A_1819 = arith.constant true
    %reduce_sum3A_1820 = vector.broadcast %reduce_sum3A_1819 : i1 to vector<16xi1>
    %reduce_sum3A_1821 = tpu.scan <sum>, %get3A_1760 masked %reduce_sum3A_1820 : vector<16xi32>, vector<16xi1> -> vector<16xi32>
    %reduce_sum3A_1822 = vector.extract %reduce_sum3A_1821[15] : i32 from vector<16xi32>
    %reduce_sum3A_1823 = arith.constant true
    %reduce_sum3A_1824 = vector.broadcast %reduce_sum3A_1823 : i1 to vector<16xi1>
    %reduce_sum3A_1825 = tpu.scan <sum>, %get3A_1762 masked %reduce_sum3A_1824 : vector<16xi32>, vector<16xi1> -> vector<16xi32>
    %reduce_sum3A_1826 = vector.extract %reduce_sum3A_1825[15] : i32 from vector<16xi32>
    %add3A_1827 = arith.constant 0 : i32
    %add3A_1828 = arith.addi %add3A_1827, %reduce_sum3A_1826 : i32
    %add3A_1829 = arith.addi %add3A_1828, %reduce_sum3A_1822 : i32
    %add3A_1830 = arith.addi %add3A_1829, %reduce_sum3A_1818 : i32
    %add3A_1831 = arith.addi %add3A_1830, %reduce_sum3A_1814 : i32
    %add3A_1832 = arith.addi %add3A_1831, %reduce_sum3A_1810 : i32
    %add3A_1833 = arith.addi %add3A_1832, %reduce_sum3A_1806 : i32
    %add3A_1834 = arith.addi %add3A_1833, %reduce_sum3A_1802 : i32
    %add3A_1835 = arith.addi %add3A_1834, %reduce_sum3A_1798 : i32
    %add3A_1836 = arith.addi %add3A_1835, %reduce_sum3A_1794 : i32
    %add3A_1837 = arith.addi %add3A_1836, %reduce_sum3A_1790 : i32
    %add3A_1838 = arith.addi %add3A_1837, %reduce_sum3A_1786 : i32
    %add3A_1839 = arith.addi %add3A_1838, %reduce_sum3A_1782 : i32
    %add3A_1840 = arith.addi %add3A_1839, %reduce_sum3A_1778 : i32
    %add3A_1841 = arith.addi %add3A_1840, %reduce_sum3A_1774 : i32
    %add3A_1842 = arith.addi %add3A_1841, %reduce_sum3A_1770 : i32
    %add3A_1843 = arith.addi %add3A_1842, %reduce_sum3A_1766 : i32
    %rev3A_1844 = arith.constant 15 : i32
    %rev3A_1845 = vector.broadcast %rev3A_1844 : i32 to vector<16xi32>
    %rev3A_1846 = tpu.iota {dimensions = array<i32: 0>} : vector<16xi32>
    %rev3A_1847 = arith.subi %rev3A_1845, %rev3A_1846 : vector<16xi32>
    %rev3A_1848 = tpu.dynamic_gather %get3A_1732[%rev3A_1847] in [0] : vector<16xi32>, vector<16xi32> -> vector<16xi32>
    %cumsum3A_1849 = arith.constant true
    %cumsum3A_1850 = vector.broadcast %cumsum3A_1849 : i1 to vector<16xi1>
    %cumsum3A_1851 = tpu.scan <sum>, %rev3A_1848 masked %cumsum3A_1850 : vector<16xi32>, vector<16xi1> -> vector<16xi32>
    %rev3A_1852 = arith.constant 15 : i32
    %rev3A_1853 = vector.broadcast %rev3A_1852 : i32 to vector<16xi32>
    %rev3A_1854 = tpu.iota {dimensions = array<i32: 0>} : vector<16xi32>
    %rev3A_1855 = arith.subi %rev3A_1853, %rev3A_1854 : vector<16xi32>
    %rev3A_1856 = tpu.dynamic_gather %cumsum3A_1851[%rev3A_1855] in [0] : vector<16xi32>, vector<16xi32> -> vector<16xi32>
    %sub3A_1857 = arith.subi %rev3A_1856, %get3A_1732 : vector<16xi32>
    %add3A_1858 = vector.broadcast %add3A_1842 : i32 to vector<16xi32>
    %add3A_1859 = arith.addi %sub3A_1857, %add3A_1858 : vector<16xi32>
    %lt3A_1860 = vector.broadcast %sub3A_1677 : i32 to vector<16xi32>
    %lt3A_1861 = arith.cmpi slt, %add3A_1859, %lt3A_1860 : vector<16xi32>
    %jit3A_1862 = arith.constant 1 : i32
    %jit3A_1863 = arith.constant 0 : i32
    %broadcast_in_dim3A_1864 = vector.broadcast %jit3A_1862 : i32 to vector<16xi32>
    %broadcast_in_dim3A_1865 = vector.broadcast %jit3A_1863 : i32 to vector<16xi32>
    %select_n3A_1866 = arith.select %lt3A_1861, %broadcast_in_dim3A_1864, %broadcast_in_dim3A_1865 : vector<16xi1>, vector<16xi32>
    %reduce_sum3A_1867 = arith.constant true
    %reduce_sum3A_1868 = vector.broadcast %reduce_sum3A_1867 : i1 to vector<16xi1>
    %reduce_sum3A_1869 = tpu.scan <sum>, %select_n3A_1866 masked %reduce_sum3A_1868 : vector<16xi32>, vector<16xi1> -> vector<16xi32>
    %reduce_sum3A_1870 = vector.extract %reduce_sum3A_1869[15] : i32 from vector<16xi32>
    %add3A_1871 = arith.constant 0 : i32
    %add3A_1872 = arith.addi %add3A_1871, %reduce_sum3A_1870 : i32
    %rev3A_1873 = arith.constant 15 : i32
    %rev3A_1874 = vector.broadcast %rev3A_1873 : i32 to vector<16xi32>
    %rev3A_1875 = tpu.iota {dimensions = array<i32: 0>} : vector<16xi32>
    %rev3A_1876 = arith.subi %rev3A_1874, %rev3A_1875 : vector<16xi32>
    %rev3A_1877 = tpu.dynamic_gather %get3A_1734[%rev3A_1876] in [0] : vector<16xi32>, vector<16xi32> -> vector<16xi32>
    %cumsum3A_1878 = arith.constant true
    %cumsum3A_1879 = vector.broadcast %cumsum3A_1878 : i1 to vector<16xi1>
    %cumsum3A_1880 = tpu.scan <sum>, %rev3A_1877 masked %cumsum3A_1879 : vector<16xi32>, vector<16xi1> -> vector<16xi32>
    %rev3A_1881 = arith.constant 15 : i32
    %rev3A_1882 = vector.broadcast %rev3A_1881 : i32 to vector<16xi32>
    %rev3A_1883 = tpu.iota {dimensions = array<i32: 0>} : vector<16xi32>
    %rev3A_1884 = arith.subi %rev3A_1882, %rev3A_1883 : vector<16xi32>
    %rev3A_1885 = tpu.dynamic_gather %cumsum3A_1880[%rev3A_1884] in [0] : vector<16xi32>, vector<16xi32> -> vector<16xi32>
    %sub3A_1886 = arith.subi %rev3A_1885, %get3A_1734 : vector<16xi32>
    %add3A_1887 = vector.broadcast %add3A_1841 : i32 to vector<16xi32>
    %add3A_1888 = arith.addi %sub3A_1886, %add3A_1887 : vector<16xi32>
    %lt3A_1889 = vector.broadcast %sub3A_1677 : i32 to vector<16xi32>
    %lt3A_1890 = arith.cmpi slt, %add3A_1888, %lt3A_1889 : vector<16xi32>
    %jit3A_1891 = arith.constant 1 : i32
    %jit3A_1892 = arith.constant 0 : i32
    %broadcast_in_dim3A_1893 = vector.broadcast %jit3A_1891 : i32 to vector<16xi32>
    %broadcast_in_dim3A_1894 = vector.broadcast %jit3A_1892 : i32 to vector<16xi32>
    %select_n3A_1895 = arith.select %lt3A_1890, %broadcast_in_dim3A_1893, %broadcast_in_dim3A_1894 : vector<16xi1>, vector<16xi32>
    %reduce_sum3A_1896 = arith.constant true
    %reduce_sum3A_1897 = vector.broadcast %reduce_sum3A_1896 : i1 to vector<16xi1>
    %reduce_sum3A_1898 = tpu.scan <sum>, %select_n3A_1895 masked %reduce_sum3A_1897 : vector<16xi32>, vector<16xi1> -> vector<16xi32>
    %reduce_sum3A_1899 = vector.extract %reduce_sum3A_1898[15] : i32 from vector<16xi32>
    %add3A_1900 = arith.addi %add3A_1872, %reduce_sum3A_1899 : i32
    %rev3A_1901 = arith.constant 15 : i32
    %rev3A_1902 = vector.broadcast %rev3A_1901 : i32 to vector<16xi32>
    %rev3A_1903 = tpu.iota {dimensions = array<i32: 0>} : vector<16xi32>
    %rev3A_1904 = arith.subi %rev3A_1902, %rev3A_1903 : vector<16xi32>
    %rev3A_1905 = tpu.dynamic_gather %get3A_1736[%rev3A_1904] in [0] : vector<16xi32>, vector<16xi32> -> vector<16xi32>
    %cumsum3A_1906 = arith.constant true
    %cumsum3A_1907 = vector.broadcast %cumsum3A_1906 : i1 to vector<16xi1>
    %cumsum3A_1908 = tpu.scan <sum>, %rev3A_1905 masked %cumsum3A_1907 : vector<16xi32>, vector<16xi1> -> vector<16xi32>
    %rev3A_1909 = arith.constant 15 : i32
    %rev3A_1910 = vector.broadcast %rev3A_1909 : i32 to vector<16xi32>
    %rev3A_1911 = tpu.iota {dimensions = array<i32: 0>} : vector<16xi32>
    %rev3A_1912 = arith.subi %rev3A_1910, %rev3A_1911 : vector<16xi32>
    %rev3A_1913 = tpu.dynamic_gather %cumsum3A_1908[%rev3A_1912] in [0] : vector<16xi32>, vector<16xi32> -> vector<16xi32>
    %sub3A_1914 = arith.subi %rev3A_1913, %get3A_1736 : vector<16xi32>
    %add3A_1915 = vector.broadcast %add3A_1840 : i32 to vector<16xi32>
    %add3A_1916 = arith.addi %sub3A_1914, %add3A_1915 : vector<16xi32>
    %lt3A_1917 = vector.broadcast %sub3A_1677 : i32 to vector<16xi32>
    %lt3A_1918 = arith.cmpi slt, %add3A_1916, %lt3A_1917 : vector<16xi32>
    %jit3A_1919 = arith.constant 1 : i32
    %jit3A_1920 = arith.constant 0 : i32
    %broadcast_in_dim3A_1921 = vector.broadcast %jit3A_1919 : i32 to vector<16xi32>
    %broadcast_in_dim3A_1922 = vector.broadcast %jit3A_1920 : i32 to vector<16xi32>
    %select_n3A_1923 = arith.select %lt3A_1918, %broadcast_in_dim3A_1921, %broadcast_in_dim3A_1922 : vector<16xi1>, vector<16xi32>
    %reduce_sum3A_1924 = arith.constant true
    %reduce_sum3A_1925 = vector.broadcast %reduce_sum3A_1924 : i1 to vector<16xi1>
    %reduce_sum3A_1926 = tpu.scan <sum>, %select_n3A_1923 masked %reduce_sum3A_1925 : vector<16xi32>, vector<16xi1> -> vector<16xi32>
    %reduce_sum3A_1927 = vector.extract %reduce_sum3A_1926[15] : i32 from vector<16xi32>
    %add3A_1928 = arith.addi %add3A_1900, %reduce_sum3A_1927 : i32
    %rev3A_1929 = arith.constant 15 : i32
    %rev3A_1930 = vector.broadcast %rev3A_1929 : i32 to vector<16xi32>
    %rev3A_1931 = tpu.iota {dimensions = array<i32: 0>} : vector<16xi32>
    %rev3A_1932 = arith.subi %rev3A_1930, %rev3A_1931 : vector<16xi32>
    %rev3A_1933 = tpu.dynamic_gather %get3A_1738[%rev3A_1932] in [0] : vector<16xi32>, vector<16xi32> -> vector<16xi32>
    %cumsum3A_1934 = arith.constant true
    %cumsum3A_1935 = vector.broadcast %cumsum3A_1934 : i1 to vector<16xi1>
    %cumsum3A_1936 = tpu.scan <sum>, %rev3A_1933 masked %cumsum3A_1935 : vector<16xi32>, vector<16xi1> -> vector<16xi32>
    %rev3A_1937 = arith.constant 15 : i32
    %rev3A_1938 = vector.broadcast %rev3A_1937 : i32 to vector<16xi32>
    %rev3A_1939 = tpu.iota {dimensions = array<i32: 0>} : vector<16xi32>
    %rev3A_1940 = arith.subi %rev3A_1938, %rev3A_1939 : vector<16xi32>
    %rev3A_1941 = tpu.dynamic_gather %cumsum3A_1936[%rev3A_1940] in [0] : vector<16xi32>, vector<16xi32> -> vector<16xi32>
    %sub3A_1942 = arith.subi %rev3A_1941, %get3A_1738 : vector<16xi32>
    %add3A_1943 = vector.broadcast %add3A_1839 : i32 to vector<16xi32>
    %add3A_1944 = arith.addi %sub3A_1942, %add3A_1943 : vector<16xi32>
    %lt3A_1945 = vector.broadcast %sub3A_1677 : i32 to vector<16xi32>
    %lt3A_1946 = arith.cmpi slt, %add3A_1944, %lt3A_1945 : vector<16xi32>
    %jit3A_1947 = arith.constant 1 : i32
    %jit3A_1948 = arith.constant 0 : i32
    %broadcast_in_dim3A_1949 = vector.broadcast %jit3A_1947 : i32 to vector<16xi32>
    %broadcast_in_dim3A_1950 = vector.broadcast %jit3A_1948 : i32 to vector<16xi32>
    %select_n3A_1951 = arith.select %lt3A_1946, %broadcast_in_dim3A_1949, %broadcast_in_dim3A_1950 : vector<16xi1>, vector<16xi32>
    %reduce_sum3A_1952 = arith.constant true
    %reduce_sum3A_1953 = vector.broadcast %reduce_sum3A_1952 : i1 to vector<16xi1>
    %reduce_sum3A_1954 = tpu.scan <sum>, %select_n3A_1951 masked %reduce_sum3A_1953 : vector<16xi32>, vector<16xi1> -> vector<16xi32>
    %reduce_sum3A_1955 = vector.extract %reduce_sum3A_1954[15] : i32 from vector<16xi32>
    %add3A_1956 = arith.addi %add3A_1928, %reduce_sum3A_1955 : i32
    %rev3A_1957 = arith.constant 15 : i32
    %rev3A_1958 = vector.broadcast %rev3A_1957 : i32 to vector<16xi32>
    %rev3A_1959 = tpu.iota {dimensions = array<i32: 0>} : vector<16xi32>
    %rev3A_1960 = arith.subi %rev3A_1958, %rev3A_1959 : vector<16xi32>
    %rev3A_1961 = tpu.dynamic_gather %get3A_1740[%rev3A_1960] in [0] : vector<16xi32>, vector<16xi32> -> vector<16xi32>
    %cumsum3A_1962 = arith.constant true
    %cumsum3A_1963 = vector.broadcast %cumsum3A_1962 : i1 to vector<16xi1>
    %cumsum3A_1964 = tpu.scan <sum>, %rev3A_1961 masked %cumsum3A_1963 : vector<16xi32>, vector<16xi1> -> vector<16xi32>
    %rev3A_1965 = arith.constant 15 : i32
    %rev3A_1966 = vector.broadcast %rev3A_1965 : i32 to vector<16xi32>
    %rev3A_1967 = tpu.iota {dimensions = array<i32: 0>} : vector<16xi32>
    %rev3A_1968 = arith.subi %rev3A_1966, %rev3A_1967 : vector<16xi32>
    %rev3A_1969 = tpu.dynamic_gather %cumsum3A_1964[%rev3A_1968] in [0] : vector<16xi32>, vector<16xi32> -> vector<16xi32>
    %sub3A_1970 = arith.subi %rev3A_1969, %get3A_1740 : vector<16xi32>
    %add3A_1971 = vector.broadcast %add3A_1838 : i32 to vector<16xi32>
    %add3A_1972 = arith.addi %sub3A_1970, %add3A_1971 : vector<16xi32>
    %lt3A_1973 = vector.broadcast %sub3A_1677 : i32 to vector<16xi32>
    %lt3A_1974 = arith.cmpi slt, %add3A_1972, %lt3A_1973 : vector<16xi32>
    %jit3A_1975 = arith.constant 1 : i32
    %jit3A_1976 = arith.constant 0 : i32
    %broadcast_in_dim3A_1977 = vector.broadcast %jit3A_1975 : i32 to vector<16xi32>
    %broadcast_in_dim3A_1978 = vector.broadcast %jit3A_1976 : i32 to vector<16xi32>
    %select_n3A_1979 = arith.select %lt3A_1974, %broadcast_in_dim3A_1977, %broadcast_in_dim3A_1978 : vector<16xi1>, vector<16xi32>
    %reduce_sum3A_1980 = arith.constant true
    %reduce_sum3A_1981 = vector.broadcast %reduce_sum3A_1980 : i1 to vector<16xi1>
    %reduce_sum3A_1982 = tpu.scan <sum>, %select_n3A_1979 masked %reduce_sum3A_1981 : vector<16xi32>, vector<16xi1> -> vector<16xi32>
    %reduce_sum3A_1983 = vector.extract %reduce_sum3A_1982[15] : i32 from vector<16xi32>
    %add3A_1984 = arith.addi %add3A_1956, %reduce_sum3A_1983 : i32
    %rev3A_1985 = arith.constant 15 : i32
    %rev3A_1986 = vector.broadcast %rev3A_1985 : i32 to vector<16xi32>
    %rev3A_1987 = tpu.iota {dimensions = array<i32: 0>} : vector<16xi32>
    %rev3A_1988 = arith.subi %rev3A_1986, %rev3A_1987 : vector<16xi32>
    %rev3A_1989 = tpu.dynamic_gather %get3A_1742[%rev3A_1988] in [0] : vector<16xi32>, vector<16xi32> -> vector<16xi32>
    %cumsum3A_1990 = arith.constant true
    %cumsum3A_1991 = vector.broadcast %cumsum3A_1990 : i1 to vector<16xi1>
    %cumsum3A_1992 = tpu.scan <sum>, %rev3A_1989 masked %cumsum3A_1991 : vector<16xi32>, vector<16xi1> -> vector<16xi32>
    %rev3A_1993 = arith.constant 15 : i32
    %rev3A_1994 = vector.broadcast %rev3A_1993 : i32 to vector<16xi32>
    %rev3A_1995 = tpu.iota {dimensions = array<i32: 0>} : vector<16xi32>
    %rev3A_1996 = arith.subi %rev3A_1994, %rev3A_1995 : vector<16xi32>
    %rev3A_1997 = tpu.dynamic_gather %cumsum3A_1992[%rev3A_1996] in [0] : vector<16xi32>, vector<16xi32> -> vector<16xi32>
    %sub3A_1998 = arith.subi %rev3A_1997, %get3A_1742 : vector<16xi32>
    %add3A_1999 = vector.broadcast %add3A_1837 : i32 to vector<16xi32>
    %add3A_2000 = arith.addi %sub3A_1998, %add3A_1999 : vector<16xi32>
    %lt3A_2001 = vector.broadcast %sub3A_1677 : i32 to vector<16xi32>
    %lt3A_2002 = arith.cmpi slt, %add3A_2000, %lt3A_2001 : vector<16xi32>
    %jit3A_2003 = arith.constant 1 : i32
    %jit3A_2004 = arith.constant 0 : i32
    %broadcast_in_dim3A_2005 = vector.broadcast %jit3A_2003 : i32 to vector<16xi32>
    %broadcast_in_dim3A_2006 = vector.broadcast %jit3A_2004 : i32 to vector<16xi32>
    %select_n3A_2007 = arith.select %lt3A_2002, %broadcast_in_dim3A_2005, %broadcast_in_dim3A_2006 : vector<16xi1>, vector<16xi32>
    %reduce_sum3A_2008 = arith.constant true
    %reduce_sum3A_2009 = vector.broadcast %reduce_sum3A_2008 : i1 to vector<16xi1>
    %reduce_sum3A_2010 = tpu.scan <sum>, %select_n3A_2007 masked %reduce_sum3A_2009 : vector<16xi32>, vector<16xi1> -> vector<16xi32>
    %reduce_sum3A_2011 = vector.extract %reduce_sum3A_2010[15] : i32 from vector<16xi32>
    %add3A_2012 = arith.addi %add3A_1984, %reduce_sum3A_2011 : i32
    %rev3A_2013 = arith.constant 15 : i32
    %rev3A_2014 = vector.broadcast %rev3A_2013 : i32 to vector<16xi32>
    %rev3A_2015 = tpu.iota {dimensions = array<i32: 0>} : vector<16xi32>
    %rev3A_2016 = arith.subi %rev3A_2014, %rev3A_2015 : vector<16xi32>
    %rev3A_2017 = tpu.dynamic_gather %get3A_1744[%rev3A_2016] in [0] : vector<16xi32>, vector<16xi32> -> vector<16xi32>
    %cumsum3A_2018 = arith.constant true
    %cumsum3A_2019 = vector.broadcast %cumsum3A_2018 : i1 to vector<16xi1>
    %cumsum3A_2020 = tpu.scan <sum>, %rev3A_2017 masked %cumsum3A_2019 : vector<16xi32>, vector<16xi1> -> vector<16xi32>
    %rev3A_2021 = arith.constant 15 : i32
    %rev3A_2022 = vector.broadcast %rev3A_2021 : i32 to vector<16xi32>
    %rev3A_2023 = tpu.iota {dimensions = array<i32: 0>} : vector<16xi32>
    %rev3A_2024 = arith.subi %rev3A_2022, %rev3A_2023 : vector<16xi32>
    %rev3A_2025 = tpu.dynamic_gather %cumsum3A_2020[%rev3A_2024] in [0] : vector<16xi32>, vector<16xi32> -> vector<16xi32>
    %sub3A_2026 = arith.subi %rev3A_2025, %get3A_1744 : vector<16xi32>
    %add3A_2027 = vector.broadcast %add3A_1836 : i32 to vector<16xi32>
    %add3A_2028 = arith.addi %sub3A_2026, %add3A_2027 : vector<16xi32>
    %lt3A_2029 = vector.broadcast %sub3A_1677 : i32 to vector<16xi32>
    %lt3A_2030 = arith.cmpi slt, %add3A_2028, %lt3A_2029 : vector<16xi32>
    %jit3A_2031 = arith.constant 1 : i32
    %jit3A_2032 = arith.constant 0 : i32
    %broadcast_in_dim3A_2033 = vector.broadcast %jit3A_2031 : i32 to vector<16xi32>
    %broadcast_in_dim3A_2034 = vector.broadcast %jit3A_2032 : i32 to vector<16xi32>
    %select_n3A_2035 = arith.select %lt3A_2030, %broadcast_in_dim3A_2033, %broadcast_in_dim3A_2034 : vector<16xi1>, vector<16xi32>
    %reduce_sum3A_2036 = arith.constant true
    %reduce_sum3A_2037 = vector.broadcast %reduce_sum3A_2036 : i1 to vector<16xi1>
    %reduce_sum3A_2038 = tpu.scan <sum>, %select_n3A_2035 masked %reduce_sum3A_2037 : vector<16xi32>, vector<16xi1> -> vector<16xi32>
    %reduce_sum3A_2039 = vector.extract %reduce_sum3A_2038[15] : i32 from vector<16xi32>
    %add3A_2040 = arith.addi %add3A_2012, %reduce_sum3A_2039 : i32
    %rev3A_2041 = arith.constant 15 : i32
    %rev3A_2042 = vector.broadcast %rev3A_2041 : i32 to vector<16xi32>
    %rev3A_2043 = tpu.iota {dimensions = array<i32: 0>} : vector<16xi32>
    %rev3A_2044 = arith.subi %rev3A_2042, %rev3A_2043 : vector<16xi32>
    %rev3A_2045 = tpu.dynamic_gather %get3A_1746[%rev3A_2044] in [0] : vector<16xi32>, vector<16xi32> -> vector<16xi32>
    %cumsum3A_2046 = arith.constant true
    %cumsum3A_2047 = vector.broadcast %cumsum3A_2046 : i1 to vector<16xi1>
    %cumsum3A_2048 = tpu.scan <sum>, %rev3A_2045 masked %cumsum3A_2047 : vector<16xi32>, vector<16xi1> -> vector<16xi32>
    %rev3A_2049 = arith.constant 15 : i32
    %rev3A_2050 = vector.broadcast %rev3A_2049 : i32 to vector<16xi32>
    %rev3A_2051 = tpu.iota {dimensions = array<i32: 0>} : vector<16xi32>
    %rev3A_2052 = arith.subi %rev3A_2050, %rev3A_2051 : vector<16xi32>
    %rev3A_2053 = tpu.dynamic_gather %cumsum3A_2048[%rev3A_2052] in [0] : vector<16xi32>, vector<16xi32> -> vector<16xi32>
    %sub3A_2054 = arith.subi %rev3A_2053, %get3A_1746 : vector<16xi32>
    %add3A_2055 = vector.broadcast %add3A_1835 : i32 to vector<16xi32>
    %add3A_2056 = arith.addi %sub3A_2054, %add3A_2055 : vector<16xi32>
    %lt3A_2057 = vector.broadcast %sub3A_1677 : i32 to vector<16xi32>
    %lt3A_2058 = arith.cmpi slt, %add3A_2056, %lt3A_2057 : vector<16xi32>
    %jit3A_2059 = arith.constant 1 : i32
    %jit3A_2060 = arith.constant 0 : i32
    %broadcast_in_dim3A_2061 = vector.broadcast %jit3A_2059 : i32 to vector<16xi32>
    %broadcast_in_dim3A_2062 = vector.broadcast %jit3A_2060 : i32 to vector<16xi32>
    %select_n3A_2063 = arith.select %lt3A_2058, %broadcast_in_dim3A_2061, %broadcast_in_dim3A_2062 : vector<16xi1>, vector<16xi32>
    %reduce_sum3A_2064 = arith.constant true
    %reduce_sum3A_2065 = vector.broadcast %reduce_sum3A_2064 : i1 to vector<16xi1>
    %reduce_sum3A_2066 = tpu.scan <sum>, %select_n3A_2063 masked %reduce_sum3A_2065 : vector<16xi32>, vector<16xi1> -> vector<16xi32>
    %reduce_sum3A_2067 = vector.extract %reduce_sum3A_2066[15] : i32 from vector<16xi32>
    %add3A_2068 = arith.addi %add3A_2040, %reduce_sum3A_2067 : i32
    %rev3A_2069 = arith.constant 15 : i32
    %rev3A_2070 = vector.broadcast %rev3A_2069 : i32 to vector<16xi32>
    %rev3A_2071 = tpu.iota {dimensions = array<i32: 0>} : vector<16xi32>
    %rev3A_2072 = arith.subi %rev3A_2070, %rev3A_2071 : vector<16xi32>
    %rev3A_2073 = tpu.dynamic_gather %get3A_1748[%rev3A_2072] in [0] : vector<16xi32>, vector<16xi32> -> vector<16xi32>
    %cumsum3A_2074 = arith.constant true
    %cumsum3A_2075 = vector.broadcast %cumsum3A_2074 : i1 to vector<16xi1>
    %cumsum3A_2076 = tpu.scan <sum>, %rev3A_2073 masked %cumsum3A_2075 : vector<16xi32>, vector<16xi1> -> vector<16xi32>
    %rev3A_2077 = arith.constant 15 : i32
    %rev3A_2078 = vector.broadcast %rev3A_2077 : i32 to vector<16xi32>
    %rev3A_2079 = tpu.iota {dimensions = array<i32: 0>} : vector<16xi32>
    %rev3A_2080 = arith.subi %rev3A_2078, %rev3A_2079 : vector<16xi32>
    %rev3A_2081 = tpu.dynamic_gather %cumsum3A_2076[%rev3A_2080] in [0] : vector<16xi32>, vector<16xi32> -> vector<16xi32>
    %sub3A_2082 = arith.subi %rev3A_2081, %get3A_1748 : vector<16xi32>
    %add3A_2083 = vector.broadcast %add3A_1834 : i32 to vector<16xi32>
    %add3A_2084 = arith.addi %sub3A_2082, %add3A_2083 : vector<16xi32>
    %lt3A_2085 = vector.broadcast %sub3A_1677 : i32 to vector<16xi32>
    %lt3A_2086 = arith.cmpi slt, %add3A_2084, %lt3A_2085 : vector<16xi32>
    %jit3A_2087 = arith.constant 1 : i32
    %jit3A_2088 = arith.constant 0 : i32
    %broadcast_in_dim3A_2089 = vector.broadcast %jit3A_2087 : i32 to vector<16xi32>
    %broadcast_in_dim3A_2090 = vector.broadcast %jit3A_2088 : i32 to vector<16xi32>
    %select_n3A_2091 = arith.select %lt3A_2086, %broadcast_in_dim3A_2089, %broadcast_in_dim3A_2090 : vector<16xi1>, vector<16xi32>
    %reduce_sum3A_2092 = arith.constant true
    %reduce_sum3A_2093 = vector.broadcast %reduce_sum3A_2092 : i1 to vector<16xi1>
    %reduce_sum3A_2094 = tpu.scan <sum>, %select_n3A_2091 masked %reduce_sum3A_2093 : vector<16xi32>, vector<16xi1> -> vector<16xi32>
    %reduce_sum3A_2095 = vector.extract %reduce_sum3A_2094[15] : i32 from vector<16xi32>
    %add3A_2096 = arith.addi %add3A_2068, %reduce_sum3A_2095 : i32
    %rev3A_2097 = arith.constant 15 : i32
    %rev3A_2098 = vector.broadcast %rev3A_2097 : i32 to vector<16xi32>
    %rev3A_2099 = tpu.iota {dimensions = array<i32: 0>} : vector<16xi32>
    %rev3A_2100 = arith.subi %rev3A_2098, %rev3A_2099 : vector<16xi32>
    %rev3A_2101 = tpu.dynamic_gather %get3A_1750[%rev3A_2100] in [0] : vector<16xi32>, vector<16xi32> -> vector<16xi32>
    %cumsum3A_2102 = arith.constant true
    %cumsum3A_2103 = vector.broadcast %cumsum3A_2102 : i1 to vector<16xi1>
    %cumsum3A_2104 = tpu.scan <sum>, %rev3A_2101 masked %cumsum3A_2103 : vector<16xi32>, vector<16xi1> -> vector<16xi32>
    %rev3A_2105 = arith.constant 15 : i32
    %rev3A_2106 = vector.broadcast %rev3A_2105 : i32 to vector<16xi32>
    %rev3A_2107 = tpu.iota {dimensions = array<i32: 0>} : vector<16xi32>
    %rev3A_2108 = arith.subi %rev3A_2106, %rev3A_2107 : vector<16xi32>
    %rev3A_2109 = tpu.dynamic_gather %cumsum3A_2104[%rev3A_2108] in [0] : vector<16xi32>, vector<16xi32> -> vector<16xi32>
    %sub3A_2110 = arith.subi %rev3A_2109, %get3A_1750 : vector<16xi32>
    %add3A_2111 = vector.broadcast %add3A_1833 : i32 to vector<16xi32>
    %add3A_2112 = arith.addi %sub3A_2110, %add3A_2111 : vector<16xi32>
    %lt3A_2113 = vector.broadcast %sub3A_1677 : i32 to vector<16xi32>
    %lt3A_2114 = arith.cmpi slt, %add3A_2112, %lt3A_2113 : vector<16xi32>
    %jit3A_2115 = arith.constant 1 : i32
    %jit3A_2116 = arith.constant 0 : i32
    %broadcast_in_dim3A_2117 = vector.broadcast %jit3A_2115 : i32 to vector<16xi32>
    %broadcast_in_dim3A_2118 = vector.broadcast %jit3A_2116 : i32 to vector<16xi32>
    %select_n3A_2119 = arith.select %lt3A_2114, %broadcast_in_dim3A_2117, %broadcast_in_dim3A_2118 : vector<16xi1>, vector<16xi32>
    %reduce_sum3A_2120 = arith.constant true
    %reduce_sum3A_2121 = vector.broadcast %reduce_sum3A_2120 : i1 to vector<16xi1>
    %reduce_sum3A_2122 = tpu.scan <sum>, %select_n3A_2119 masked %reduce_sum3A_2121 : vector<16xi32>, vector<16xi1> -> vector<16xi32>
    %reduce_sum3A_2123 = vector.extract %reduce_sum3A_2122[15] : i32 from vector<16xi32>
    %add3A_2124 = arith.addi %add3A_2096, %reduce_sum3A_2123 : i32
    %rev3A_2125 = arith.constant 15 : i32
    %rev3A_2126 = vector.broadcast %rev3A_2125 : i32 to vector<16xi32>
    %rev3A_2127 = tpu.iota {dimensions = array<i32: 0>} : vector<16xi32>
    %rev3A_2128 = arith.subi %rev3A_2126, %rev3A_2127 : vector<16xi32>
    %rev3A_2129 = tpu.dynamic_gather %get3A_1752[%rev3A_2128] in [0] : vector<16xi32>, vector<16xi32> -> vector<16xi32>
    %cumsum3A_2130 = arith.constant true
    %cumsum3A_2131 = vector.broadcast %cumsum3A_2130 : i1 to vector<16xi1>
    %cumsum3A_2132 = tpu.scan <sum>, %rev3A_2129 masked %cumsum3A_2131 : vector<16xi32>, vector<16xi1> -> vector<16xi32>
    %rev3A_2133 = arith.constant 15 : i32
    %rev3A_2134 = vector.broadcast %rev3A_2133 : i32 to vector<16xi32>
    %rev3A_2135 = tpu.iota {dimensions = array<i32: 0>} : vector<16xi32>
    %rev3A_2136 = arith.subi %rev3A_2134, %rev3A_2135 : vector<16xi32>
    %rev3A_2137 = tpu.dynamic_gather %cumsum3A_2132[%rev3A_2136] in [0] : vector<16xi32>, vector<16xi32> -> vector<16xi32>
    %sub3A_2138 = arith.subi %rev3A_2137, %get3A_1752 : vector<16xi32>
    %add3A_2139 = vector.broadcast %add3A_1832 : i32 to vector<16xi32>
    %add3A_2140 = arith.addi %sub3A_2138, %add3A_2139 : vector<16xi32>
    %lt3A_2141 = vector.broadcast %sub3A_1677 : i32 to vector<16xi32>
    %lt3A_2142 = arith.cmpi slt, %add3A_2140, %lt3A_2141 : vector<16xi32>
    %jit3A_2143 = arith.constant 1 : i32
    %jit3A_2144 = arith.constant 0 : i32
    %broadcast_in_dim3A_2145 = vector.broadcast %jit3A_2143 : i32 to vector<16xi32>
    %broadcast_in_dim3A_2146 = vector.broadcast %jit3A_2144 : i32 to vector<16xi32>
    %select_n3A_2147 = arith.select %lt3A_2142, %broadcast_in_dim3A_2145, %broadcast_in_dim3A_2146 : vector<16xi1>, vector<16xi32>
    %reduce_sum3A_2148 = arith.constant true
    %reduce_sum3A_2149 = vector.broadcast %reduce_sum3A_2148 : i1 to vector<16xi1>
    %reduce_sum3A_2150 = tpu.scan <sum>, %select_n3A_2147 masked %reduce_sum3A_2149 : vector<16xi32>, vector<16xi1> -> vector<16xi32>
    %reduce_sum3A_2151 = vector.extract %reduce_sum3A_2150[15] : i32 from vector<16xi32>
    %add3A_2152 = arith.addi %add3A_2124, %reduce_sum3A_2151 : i32
    %rev3A_2153 = arith.constant 15 : i32
    %rev3A_2154 = vector.broadcast %rev3A_2153 : i32 to vector<16xi32>
    %rev3A_2155 = tpu.iota {dimensions = array<i32: 0>} : vector<16xi32>
    %rev3A_2156 = arith.subi %rev3A_2154, %rev3A_2155 : vector<16xi32>
    %rev3A_2157 = tpu.dynamic_gather %get3A_1754[%rev3A_2156] in [0] : vector<16xi32>, vector<16xi32> -> vector<16xi32>
    %cumsum3A_2158 = arith.constant true
    %cumsum3A_2159 = vector.broadcast %cumsum3A_2158 : i1 to vector<16xi1>
    %cumsum3A_2160 = tpu.scan <sum>, %rev3A_2157 masked %cumsum3A_2159 : vector<16xi32>, vector<16xi1> -> vector<16xi32>
    %rev3A_2161 = arith.constant 15 : i32
    %rev3A_2162 = vector.broadcast %rev3A_2161 : i32 to vector<16xi32>
    %rev3A_2163 = tpu.iota {dimensions = array<i32: 0>} : vector<16xi32>
    %rev3A_2164 = arith.subi %rev3A_2162, %rev3A_2163 : vector<16xi32>
    %rev3A_2165 = tpu.dynamic_gather %cumsum3A_2160[%rev3A_2164] in [0] : vector<16xi32>, vector<16xi32> -> vector<16xi32>
    %sub3A_2166 = arith.subi %rev3A_2165, %get3A_1754 : vector<16xi32>
    %add3A_2167 = vector.broadcast %add3A_1831 : i32 to vector<16xi32>
    %add3A_2168 = arith.addi %sub3A_2166, %add3A_2167 : vector<16xi32>
    %lt3A_2169 = vector.broadcast %sub3A_1677 : i32 to vector<16xi32>
    %lt3A_2170 = arith.cmpi slt, %add3A_2168, %lt3A_2169 : vector<16xi32>
    %jit3A_2171 = arith.constant 1 : i32
    %jit3A_2172 = arith.constant 0 : i32
    %broadcast_in_dim3A_2173 = vector.broadcast %jit3A_2171 : i32 to vector<16xi32>
    %broadcast_in_dim3A_2174 = vector.broadcast %jit3A_2172 : i32 to vector<16xi32>
    %select_n3A_2175 = arith.select %lt3A_2170, %broadcast_in_dim3A_2173, %broadcast_in_dim3A_2174 : vector<16xi1>, vector<16xi32>
    %reduce_sum3A_2176 = arith.constant true
    %reduce_sum3A_2177 = vector.broadcast %reduce_sum3A_2176 : i1 to vector<16xi1>
    %reduce_sum3A_2178 = tpu.scan <sum>, %select_n3A_2175 masked %reduce_sum3A_2177 : vector<16xi32>, vector<16xi1> -> vector<16xi32>
    %reduce_sum3A_2179 = vector.extract %reduce_sum3A_2178[15] : i32 from vector<16xi32>
    %add3A_2180 = arith.addi %add3A_2152, %reduce_sum3A_2179 : i32
    %rev3A_2181 = arith.constant 15 : i32
    %rev3A_2182 = vector.broadcast %rev3A_2181 : i32 to vector<16xi32>
    %rev3A_2183 = tpu.iota {dimensions = array<i32: 0>} : vector<16xi32>
    %rev3A_2184 = arith.subi %rev3A_2182, %rev3A_2183 : vector<16xi32>
    %rev3A_2185 = tpu.dynamic_gather %get3A_1756[%rev3A_2184] in [0] : vector<16xi32>, vector<16xi32> -> vector<16xi32>
    %cumsum3A_2186 = arith.constant true
    %cumsum3A_2187 = vector.broadcast %cumsum3A_2186 : i1 to vector<16xi1>
    %cumsum3A_2188 = tpu.scan <sum>, %rev3A_2185 masked %cumsum3A_2187 : vector<16xi32>, vector<16xi1> -> vector<16xi32>
    %rev3A_2189 = arith.constant 15 : i32
    %rev3A_2190 = vector.broadcast %rev3A_2189 : i32 to vector<16xi32>
    %rev3A_2191 = tpu.iota {dimensions = array<i32: 0>} : vector<16xi32>
    %rev3A_2192 = arith.subi %rev3A_2190, %rev3A_2191 : vector<16xi32>
    %rev3A_2193 = tpu.dynamic_gather %cumsum3A_2188[%rev3A_2192] in [0] : vector<16xi32>, vector<16xi32> -> vector<16xi32>
    %sub3A_2194 = arith.subi %rev3A_2193, %get3A_1756 : vector<16xi32>
    %add3A_2195 = vector.broadcast %add3A_1830 : i32 to vector<16xi32>
    %add3A_2196 = arith.addi %sub3A_2194, %add3A_2195 : vector<16xi32>
    %lt3A_2197 = vector.broadcast %sub3A_1677 : i32 to vector<16xi32>
    %lt3A_2198 = arith.cmpi slt, %add3A_2196, %lt3A_2197 : vector<16xi32>
    %jit3A_2199 = arith.constant 1 : i32
    %jit3A_2200 = arith.constant 0 : i32
    %broadcast_in_dim3A_2201 = vector.broadcast %jit3A_2199 : i32 to vector<16xi32>
    %broadcast_in_dim3A_2202 = vector.broadcast %jit3A_2200 : i32 to vector<16xi32>
    %select_n3A_2203 = arith.select %lt3A_2198, %broadcast_in_dim3A_2201, %broadcast_in_dim3A_2202 : vector<16xi1>, vector<16xi32>
    %reduce_sum3A_2204 = arith.constant true
    %reduce_sum3A_2205 = vector.broadcast %reduce_sum3A_2204 : i1 to vector<16xi1>
    %reduce_sum3A_2206 = tpu.scan <sum>, %select_n3A_2203 masked %reduce_sum3A_2205 : vector<16xi32>, vector<16xi1> -> vector<16xi32>
    %reduce_sum3A_2207 = vector.extract %reduce_sum3A_2206[15] : i32 from vector<16xi32>
    %add3A_2208 = arith.addi %add3A_2180, %reduce_sum3A_2207 : i32
    %rev3A_2209 = arith.constant 15 : i32
    %rev3A_2210 = vector.broadcast %rev3A_2209 : i32 to vector<16xi32>
    %rev3A_2211 = tpu.iota {dimensions = array<i32: 0>} : vector<16xi32>
    %rev3A_2212 = arith.subi %rev3A_2210, %rev3A_2211 : vector<16xi32>
    %rev3A_2213 = tpu.dynamic_gather %get3A_1758[%rev3A_2212] in [0] : vector<16xi32>, vector<16xi32> -> vector<16xi32>
    %cumsum3A_2214 = arith.constant true
    %cumsum3A_2215 = vector.broadcast %cumsum3A_2214 : i1 to vector<16xi1>
    %cumsum3A_2216 = tpu.scan <sum>, %rev3A_2213 masked %cumsum3A_2215 : vector<16xi32>, vector<16xi1> -> vector<16xi32>
    %rev3A_2217 = arith.constant 15 : i32
    %rev3A_2218 = vector.broadcast %rev3A_2217 : i32 to vector<16xi32>
    %rev3A_2219 = tpu.iota {dimensions = array<i32: 0>} : vector<16xi32>
    %rev3A_2220 = arith.subi %rev3A_2218, %rev3A_2219 : vector<16xi32>
    %rev3A_2221 = tpu.dynamic_gather %cumsum3A_2216[%rev3A_2220] in [0] : vector<16xi32>, vector<16xi32> -> vector<16xi32>
    %sub3A_2222 = arith.subi %rev3A_2221, %get3A_1758 : vector<16xi32>
    %add3A_2223 = vector.broadcast %add3A_1829 : i32 to vector<16xi32>
    %add3A_2224 = arith.addi %sub3A_2222, %add3A_2223 : vector<16xi32>
    %lt3A_2225 = vector.broadcast %sub3A_1677 : i32 to vector<16xi32>
    %lt3A_2226 = arith.cmpi slt, %add3A_2224, %lt3A_2225 : vector<16xi32>
    %jit3A_2227 = arith.constant 1 : i32
    %jit3A_2228 = arith.constant 0 : i32
    %broadcast_in_dim3A_2229 = vector.broadcast %jit3A_2227 : i32 to vector<16xi32>
    %broadcast_in_dim3A_2230 = vector.broadcast %jit3A_2228 : i32 to vector<16xi32>
    %select_n3A_2231 = arith.select %lt3A_2226, %broadcast_in_dim3A_2229, %broadcast_in_dim3A_2230 : vector<16xi1>, vector<16xi32>
    %reduce_sum3A_2232 = arith.constant true
    %reduce_sum3A_2233 = vector.broadcast %reduce_sum3A_2232 : i1 to vector<16xi1>
    %reduce_sum3A_2234 = tpu.scan <sum>, %select_n3A_2231 masked %reduce_sum3A_2233 : vector<16xi32>, vector<16xi1> -> vector<16xi32>
    %reduce_sum3A_2235 = vector.extract %reduce_sum3A_2234[15] : i32 from vector<16xi32>
    %add3A_2236 = arith.addi %add3A_2208, %reduce_sum3A_2235 : i32
    %rev3A_2237 = arith.constant 15 : i32
    %rev3A_2238 = vector.broadcast %rev3A_2237 : i32 to vector<16xi32>
    %rev3A_2239 = tpu.iota {dimensions = array<i32: 0>} : vector<16xi32>
    %rev3A_2240 = arith.subi %rev3A_2238, %rev3A_2239 : vector<16xi32>
    %rev3A_2241 = tpu.dynamic_gather %get3A_1760[%rev3A_2240] in [0] : vector<16xi32>, vector<16xi32> -> vector<16xi32>
    %cumsum3A_2242 = arith.constant true
    %cumsum3A_2243 = vector.broadcast %cumsum3A_2242 : i1 to vector<16xi1>
    %cumsum3A_2244 = tpu.scan <sum>, %rev3A_2241 masked %cumsum3A_2243 : vector<16xi32>, vector<16xi1> -> vector<16xi32>
    %rev3A_2245 = arith.constant 15 : i32
    %rev3A_2246 = vector.broadcast %rev3A_2245 : i32 to vector<16xi32>
    %rev3A_2247 = tpu.iota {dimensions = array<i32: 0>} : vector<16xi32>
    %rev3A_2248 = arith.subi %rev3A_2246, %rev3A_2247 : vector<16xi32>
    %rev3A_2249 = tpu.dynamic_gather %cumsum3A_2244[%rev3A_2248] in [0] : vector<16xi32>, vector<16xi32> -> vector<16xi32>
    %sub3A_2250 = arith.subi %rev3A_2249, %get3A_1760 : vector<16xi32>
    %add3A_2251 = vector.broadcast %add3A_1828 : i32 to vector<16xi32>
    %add3A_2252 = arith.addi %sub3A_2250, %add3A_2251 : vector<16xi32>
    %lt3A_2253 = vector.broadcast %sub3A_1677 : i32 to vector<16xi32>
    %lt3A_2254 = arith.cmpi slt, %add3A_2252, %lt3A_2253 : vector<16xi32>
    %jit3A_2255 = arith.constant 1 : i32
    %jit3A_2256 = arith.constant 0 : i32
    %broadcast_in_dim3A_2257 = vector.broadcast %jit3A_2255 : i32 to vector<16xi32>
    %broadcast_in_dim3A_2258 = vector.broadcast %jit3A_2256 : i32 to vector<16xi32>
    %select_n3A_2259 = arith.select %lt3A_2254, %broadcast_in_dim3A_2257, %broadcast_in_dim3A_2258 : vector<16xi1>, vector<16xi32>
    %reduce_sum3A_2260 = arith.constant true
    %reduce_sum3A_2261 = vector.broadcast %reduce_sum3A_2260 : i1 to vector<16xi1>
    %reduce_sum3A_2262 = tpu.scan <sum>, %select_n3A_2259 masked %reduce_sum3A_2261 : vector<16xi32>, vector<16xi1> -> vector<16xi32>
    %reduce_sum3A_2263 = vector.extract %reduce_sum3A_2262[15] : i32 from vector<16xi32>
    %add3A_2264 = arith.addi %add3A_2236, %reduce_sum3A_2263 : i32
    %rev3A_2265 = arith.constant 15 : i32
    %rev3A_2266 = vector.broadcast %rev3A_2265 : i32 to vector<16xi32>
    %rev3A_2267 = tpu.iota {dimensions = array<i32: 0>} : vector<16xi32>
    %rev3A_2268 = arith.subi %rev3A_2266, %rev3A_2267 : vector<16xi32>
    %rev3A_2269 = tpu.dynamic_gather %get3A_1762[%rev3A_2268] in [0] : vector<16xi32>, vector<16xi32> -> vector<16xi32>
    %cumsum3A_2270 = arith.constant true
    %cumsum3A_2271 = vector.broadcast %cumsum3A_2270 : i1 to vector<16xi1>
    %cumsum3A_2272 = tpu.scan <sum>, %rev3A_2269 masked %cumsum3A_2271 : vector<16xi32>, vector<16xi1> -> vector<16xi32>
    %rev3A_2273 = arith.constant 15 : i32
    %rev3A_2274 = vector.broadcast %rev3A_2273 : i32 to vector<16xi32>
    %rev3A_2275 = tpu.iota {dimensions = array<i32: 0>} : vector<16xi32>
    %rev3A_2276 = arith.subi %rev3A_2274, %rev3A_2275 : vector<16xi32>
    %rev3A_2277 = tpu.dynamic_gather %cumsum3A_2272[%rev3A_2276] in [0] : vector<16xi32>, vector<16xi32> -> vector<16xi32>
    %sub3A_2278 = arith.subi %rev3A_2277, %get3A_1762 : vector<16xi32>
    %add3A_2279 = arith.constant 0 : i32
    %add3A_2280 = vector.broadcast %add3A_2279 : i32 to vector<16xi32>
    %add3A_2281 = arith.addi %sub3A_2278, %add3A_2280 : vector<16xi32>
    %lt3A_2282 = vector.broadcast %sub3A_1677 : i32 to vector<16xi32>
    %lt3A_2283 = arith.cmpi slt, %add3A_2281, %lt3A_2282 : vector<16xi32>
    %jit3A_2284 = arith.constant 1 : i32
    %jit3A_2285 = arith.constant 0 : i32
    %broadcast_in_dim3A_2286 = vector.broadcast %jit3A_2284 : i32 to vector<16xi32>
    %broadcast_in_dim3A_2287 = vector.broadcast %jit3A_2285 : i32 to vector<16xi32>
    %select_n3A_2288 = arith.select %lt3A_2283, %broadcast_in_dim3A_2286, %broadcast_in_dim3A_2287 : vector<16xi1>, vector<16xi32>
    %reduce_sum3A_2289 = arith.constant true
    %reduce_sum3A_2290 = vector.broadcast %reduce_sum3A_2289 : i1 to vector<16xi1>
    %reduce_sum3A_2291 = tpu.scan <sum>, %select_n3A_2288 masked %reduce_sum3A_2290 : vector<16xi32>, vector<16xi1> -> vector<16xi32>
    %reduce_sum3A_2292 = vector.extract %reduce_sum3A_2291[15] : i32 from vector<16xi32>
    %add3A_2293 = arith.addi %add3A_2264, %reduce_sum3A_2292 : i32
    %sub3A_2294 = arith.constant 256 : i32
    %sub3A_2295 = arith.subi %sub3A_2294, %add3A_2293 : i32
    %add3A_2296 = arith.constant 0 : i32
    %add3A_2297 = vector.broadcast %add3A_2296 : i32 to vector<16xi32>
    %add3A_2298 = arith.addi %add3A_2297, %iota3A : vector<16xi32>
    %gt3A_2299 = vector.broadcast %sub3A_2295 : i32 to vector<16xi32>
    %gt3A_2300 = arith.cmpi sgt, %add3A_2298, %gt3A_2299 : vector<16xi32>
    %jit3A_2301 = arith.constant 0 : i32
    %broadcast_in_dim3A_2302 = vector.broadcast %jit3A_2301 : i32 to vector<16xi32>
    %select_n3A_2303 = arith.select %gt3A_2300, %get3A_1732, %broadcast_in_dim3A_2302 : vector<16xi1>, vector<16xi32>
    %reduce_sum3A_2304 = arith.constant true
    %reduce_sum3A_2305 = vector.broadcast %reduce_sum3A_2304 : i1 to vector<16xi1>
    %reduce_sum3A_2306 = tpu.scan <sum>, %select_n3A_2303 masked %reduce_sum3A_2305 : vector<16xi32>, vector<16xi1> -> vector<16xi32>
    %reduce_sum3A_2307 = vector.extract %reduce_sum3A_2306[15] : i32 from vector<16xi32>
    %add3A_2308 = arith.constant 0 : i32
    %add3A_2309 = arith.addi %add3A_2308, %reduce_sum3A_2307 : i32
    %add3A_2310 = arith.constant 16 : i32
    %add3A_2311 = vector.broadcast %add3A_2310 : i32 to vector<16xi32>
    %add3A_2312 = arith.addi %add3A_2311, %iota3A : vector<16xi32>
    %gt3A_2313 = vector.broadcast %sub3A_2295 : i32 to vector<16xi32>
    %gt3A_2314 = arith.cmpi sgt, %add3A_2312, %gt3A_2313 : vector<16xi32>
    %jit3A_2315 = arith.constant 0 : i32
    %broadcast_in_dim3A_2316 = vector.broadcast %jit3A_2315 : i32 to vector<16xi32>
    %select_n3A_2317 = arith.select %gt3A_2314, %get3A_1734, %broadcast_in_dim3A_2316 : vector<16xi1>, vector<16xi32>
    %reduce_sum3A_2318 = arith.constant true
    %reduce_sum3A_2319 = vector.broadcast %reduce_sum3A_2318 : i1 to vector<16xi1>
    %reduce_sum3A_2320 = tpu.scan <sum>, %select_n3A_2317 masked %reduce_sum3A_2319 : vector<16xi32>, vector<16xi1> -> vector<16xi32>
    %reduce_sum3A_2321 = vector.extract %reduce_sum3A_2320[15] : i32 from vector<16xi32>
    %add3A_2322 = arith.addi %add3A_2309, %reduce_sum3A_2321 : i32
    %add3A_2323 = arith.constant 32 : i32
    %add3A_2324 = vector.broadcast %add3A_2323 : i32 to vector<16xi32>
    %add3A_2325 = arith.addi %add3A_2324, %iota3A : vector<16xi32>
    %gt3A_2326 = vector.broadcast %sub3A_2295 : i32 to vector<16xi32>
    %gt3A_2327 = arith.cmpi sgt, %add3A_2325, %gt3A_2326 : vector<16xi32>
    %jit3A_2328 = arith.constant 0 : i32
    %broadcast_in_dim3A_2329 = vector.broadcast %jit3A_2328 : i32 to vector<16xi32>
    %select_n3A_2330 = arith.select %gt3A_2327, %get3A_1736, %broadcast_in_dim3A_2329 : vector<16xi1>, vector<16xi32>
    %reduce_sum3A_2331 = arith.constant true
    %reduce_sum3A_2332 = vector.broadcast %reduce_sum3A_2331 : i1 to vector<16xi1>
    %reduce_sum3A_2333 = tpu.scan <sum>, %select_n3A_2330 masked %reduce_sum3A_2332 : vector<16xi32>, vector<16xi1> -> vector<16xi32>
    %reduce_sum3A_2334 = vector.extract %reduce_sum3A_2333[15] : i32 from vector<16xi32>
    %add3A_2335 = arith.addi %add3A_2322, %reduce_sum3A_2334 : i32
    %add3A_2336 = arith.constant 48 : i32
    %add3A_2337 = vector.broadcast %add3A_2336 : i32 to vector<16xi32>
    %add3A_2338 = arith.addi %add3A_2337, %iota3A : vector<16xi32>
    %gt3A_2339 = vector.broadcast %sub3A_2295 : i32 to vector<16xi32>
    %gt3A_2340 = arith.cmpi sgt, %add3A_2338, %gt3A_2339 : vector<16xi32>
    %jit3A_2341 = arith.constant 0 : i32
    %broadcast_in_dim3A_2342 = vector.broadcast %jit3A_2341 : i32 to vector<16xi32>
    %select_n3A_2343 = arith.select %gt3A_2340, %get3A_1738, %broadcast_in_dim3A_2342 : vector<16xi1>, vector<16xi32>
    %reduce_sum3A_2344 = arith.constant true
    %reduce_sum3A_2345 = vector.broadcast %reduce_sum3A_2344 : i1 to vector<16xi1>
    %reduce_sum3A_2346 = tpu.scan <sum>, %select_n3A_2343 masked %reduce_sum3A_2345 : vector<16xi32>, vector<16xi1> -> vector<16xi32>
    %reduce_sum3A_2347 = vector.extract %reduce_sum3A_2346[15] : i32 from vector<16xi32>
    %add3A_2348 = arith.addi %add3A_2335, %reduce_sum3A_2347 : i32
    %add3A_2349 = arith.constant 64 : i32
    %add3A_2350 = vector.broadcast %add3A_2349 : i32 to vector<16xi32>
    %add3A_2351 = arith.addi %add3A_2350, %iota3A : vector<16xi32>
    %gt3A_2352 = vector.broadcast %sub3A_2295 : i32 to vector<16xi32>
    %gt3A_2353 = arith.cmpi sgt, %add3A_2351, %gt3A_2352 : vector<16xi32>
    %jit3A_2354 = arith.constant 0 : i32
    %broadcast_in_dim3A_2355 = vector.broadcast %jit3A_2354 : i32 to vector<16xi32>
    %select_n3A_2356 = arith.select %gt3A_2353, %get3A_1740, %broadcast_in_dim3A_2355 : vector<16xi1>, vector<16xi32>
    %reduce_sum3A_2357 = arith.constant true
    %reduce_sum3A_2358 = vector.broadcast %reduce_sum3A_2357 : i1 to vector<16xi1>
    %reduce_sum3A_2359 = tpu.scan <sum>, %select_n3A_2356 masked %reduce_sum3A_2358 : vector<16xi32>, vector<16xi1> -> vector<16xi32>
    %reduce_sum3A_2360 = vector.extract %reduce_sum3A_2359[15] : i32 from vector<16xi32>
    %add3A_2361 = arith.addi %add3A_2348, %reduce_sum3A_2360 : i32
    %add3A_2362 = arith.constant 80 : i32
    %add3A_2363 = vector.broadcast %add3A_2362 : i32 to vector<16xi32>
    %add3A_2364 = arith.addi %add3A_2363, %iota3A : vector<16xi32>
    %gt3A_2365 = vector.broadcast %sub3A_2295 : i32 to vector<16xi32>
    %gt3A_2366 = arith.cmpi sgt, %add3A_2364, %gt3A_2365 : vector<16xi32>
    %jit3A_2367 = arith.constant 0 : i32
    %broadcast_in_dim3A_2368 = vector.broadcast %jit3A_2367 : i32 to vector<16xi32>
    %select_n3A_2369 = arith.select %gt3A_2366, %get3A_1742, %broadcast_in_dim3A_2368 : vector<16xi1>, vector<16xi32>
    %reduce_sum3A_2370 = arith.constant true
    %reduce_sum3A_2371 = vector.broadcast %reduce_sum3A_2370 : i1 to vector<16xi1>
    %reduce_sum3A_2372 = tpu.scan <sum>, %select_n3A_2369 masked %reduce_sum3A_2371 : vector<16xi32>, vector<16xi1> -> vector<16xi32>
    %reduce_sum3A_2373 = vector.extract %reduce_sum3A_2372[15] : i32 from vector<16xi32>
    %add3A_2374 = arith.addi %add3A_2361, %reduce_sum3A_2373 : i32
    %add3A_2375 = arith.constant 96 : i32
    %add3A_2376 = vector.broadcast %add3A_2375 : i32 to vector<16xi32>
    %add3A_2377 = arith.addi %add3A_2376, %iota3A : vector<16xi32>
    %gt3A_2378 = vector.broadcast %sub3A_2295 : i32 to vector<16xi32>
    %gt3A_2379 = arith.cmpi sgt, %add3A_2377, %gt3A_2378 : vector<16xi32>
    %jit3A_2380 = arith.constant 0 : i32
    %broadcast_in_dim3A_2381 = vector.broadcast %jit3A_2380 : i32 to vector<16xi32>
    %select_n3A_2382 = arith.select %gt3A_2379, %get3A_1744, %broadcast_in_dim3A_2381 : vector<16xi1>, vector<16xi32>
    %reduce_sum3A_2383 = arith.constant true
    %reduce_sum3A_2384 = vector.broadcast %reduce_sum3A_2383 : i1 to vector<16xi1>
    %reduce_sum3A_2385 = tpu.scan <sum>, %select_n3A_2382 masked %reduce_sum3A_2384 : vector<16xi32>, vector<16xi1> -> vector<16xi32>
    %reduce_sum3A_2386 = vector.extract %reduce_sum3A_2385[15] : i32 from vector<16xi32>
    %add3A_2387 = arith.addi %add3A_2374, %reduce_sum3A_2386 : i32
    %add3A_2388 = arith.constant 112 : i32
    %add3A_2389 = vector.broadcast %add3A_2388 : i32 to vector<16xi32>
    %add3A_2390 = arith.addi %add3A_2389, %iota3A : vector<16xi32>
    %gt3A_2391 = vector.broadcast %sub3A_2295 : i32 to vector<16xi32>
    %gt3A_2392 = arith.cmpi sgt, %add3A_2390, %gt3A_2391 : vector<16xi32>
    %jit3A_2393 = arith.constant 0 : i32
    %broadcast_in_dim3A_2394 = vector.broadcast %jit3A_2393 : i32 to vector<16xi32>
    %select_n3A_2395 = arith.select %gt3A_2392, %get3A_1746, %broadcast_in_dim3A_2394 : vector<16xi1>, vector<16xi32>
    %reduce_sum3A_2396 = arith.constant true
    %reduce_sum3A_2397 = vector.broadcast %reduce_sum3A_2396 : i1 to vector<16xi1>
    %reduce_sum3A_2398 = tpu.scan <sum>, %select_n3A_2395 masked %reduce_sum3A_2397 : vector<16xi32>, vector<16xi1> -> vector<16xi32>
    %reduce_sum3A_2399 = vector.extract %reduce_sum3A_2398[15] : i32 from vector<16xi32>
    %add3A_2400 = arith.addi %add3A_2387, %reduce_sum3A_2399 : i32
    %add3A_2401 = arith.constant 128 : i32
    %add3A_2402 = vector.broadcast %add3A_2401 : i32 to vector<16xi32>
    %add3A_2403 = arith.addi %add3A_2402, %iota3A : vector<16xi32>
    %gt3A_2404 = vector.broadcast %sub3A_2295 : i32 to vector<16xi32>
    %gt3A_2405 = arith.cmpi sgt, %add3A_2403, %gt3A_2404 : vector<16xi32>
    %jit3A_2406 = arith.constant 0 : i32
    %broadcast_in_dim3A_2407 = vector.broadcast %jit3A_2406 : i32 to vector<16xi32>
    %select_n3A_2408 = arith.select %gt3A_2405, %get3A_1748, %broadcast_in_dim3A_2407 : vector<16xi1>, vector<16xi32>
    %reduce_sum3A_2409 = arith.constant true
    %reduce_sum3A_2410 = vector.broadcast %reduce_sum3A_2409 : i1 to vector<16xi1>
    %reduce_sum3A_2411 = tpu.scan <sum>, %select_n3A_2408 masked %reduce_sum3A_2410 : vector<16xi32>, vector<16xi1> -> vector<16xi32>
    %reduce_sum3A_2412 = vector.extract %reduce_sum3A_2411[15] : i32 from vector<16xi32>
    %add3A_2413 = arith.addi %add3A_2400, %reduce_sum3A_2412 : i32
    %add3A_2414 = arith.constant 144 : i32
    %add3A_2415 = vector.broadcast %add3A_2414 : i32 to vector<16xi32>
    %add3A_2416 = arith.addi %add3A_2415, %iota3A : vector<16xi32>
    %gt3A_2417 = vector.broadcast %sub3A_2295 : i32 to vector<16xi32>
    %gt3A_2418 = arith.cmpi sgt, %add3A_2416, %gt3A_2417 : vector<16xi32>
    %jit3A_2419 = arith.constant 0 : i32
    %broadcast_in_dim3A_2420 = vector.broadcast %jit3A_2419 : i32 to vector<16xi32>
    %select_n3A_2421 = arith.select %gt3A_2418, %get3A_1750, %broadcast_in_dim3A_2420 : vector<16xi1>, vector<16xi32>
    %reduce_sum3A_2422 = arith.constant true
    %reduce_sum3A_2423 = vector.broadcast %reduce_sum3A_2422 : i1 to vector<16xi1>
    %reduce_sum3A_2424 = tpu.scan <sum>, %select_n3A_2421 masked %reduce_sum3A_2423 : vector<16xi32>, vector<16xi1> -> vector<16xi32>
    %reduce_sum3A_2425 = vector.extract %reduce_sum3A_2424[15] : i32 from vector<16xi32>
    %add3A_2426 = arith.addi %add3A_2413, %reduce_sum3A_2425 : i32
    %add3A_2427 = arith.constant 160 : i32
    %add3A_2428 = vector.broadcast %add3A_2427 : i32 to vector<16xi32>
    %add3A_2429 = arith.addi %add3A_2428, %iota3A : vector<16xi32>
    %gt3A_2430 = vector.broadcast %sub3A_2295 : i32 to vector<16xi32>
    %gt3A_2431 = arith.cmpi sgt, %add3A_2429, %gt3A_2430 : vector<16xi32>
    %jit3A_2432 = arith.constant 0 : i32
    %broadcast_in_dim3A_2433 = vector.broadcast %jit3A_2432 : i32 to vector<16xi32>
    %select_n3A_2434 = arith.select %gt3A_2431, %get3A_1752, %broadcast_in_dim3A_2433 : vector<16xi1>, vector<16xi32>
    %reduce_sum3A_2435 = arith.constant true
    %reduce_sum3A_2436 = vector.broadcast %reduce_sum3A_2435 : i1 to vector<16xi1>
    %reduce_sum3A_2437 = tpu.scan <sum>, %select_n3A_2434 masked %reduce_sum3A_2436 : vector<16xi32>, vector<16xi1> -> vector<16xi32>
    %reduce_sum3A_2438 = vector.extract %reduce_sum3A_2437[15] : i32 from vector<16xi32>
    %add3A_2439 = arith.addi %add3A_2426, %reduce_sum3A_2438 : i32
    %add3A_2440 = arith.constant 176 : i32
    %add3A_2441 = vector.broadcast %add3A_2440 : i32 to vector<16xi32>
    %add3A_2442 = arith.addi %add3A_2441, %iota3A : vector<16xi32>
    %gt3A_2443 = vector.broadcast %sub3A_2295 : i32 to vector<16xi32>
    %gt3A_2444 = arith.cmpi sgt, %add3A_2442, %gt3A_2443 : vector<16xi32>
    %jit3A_2445 = arith.constant 0 : i32
    %broadcast_in_dim3A_2446 = vector.broadcast %jit3A_2445 : i32 to vector<16xi32>
    %select_n3A_2447 = arith.select %gt3A_2444, %get3A_1754, %broadcast_in_dim3A_2446 : vector<16xi1>, vector<16xi32>
    %reduce_sum3A_2448 = arith.constant true
    %reduce_sum3A_2449 = vector.broadcast %reduce_sum3A_2448 : i1 to vector<16xi1>
    %reduce_sum3A_2450 = tpu.scan <sum>, %select_n3A_2447 masked %reduce_sum3A_2449 : vector<16xi32>, vector<16xi1> -> vector<16xi32>
    %reduce_sum3A_2451 = vector.extract %reduce_sum3A_2450[15] : i32 from vector<16xi32>
    %add3A_2452 = arith.addi %add3A_2439, %reduce_sum3A_2451 : i32
    %add3A_2453 = arith.constant 192 : i32
    %add3A_2454 = vector.broadcast %add3A_2453 : i32 to vector<16xi32>
    %add3A_2455 = arith.addi %add3A_2454, %iota3A : vector<16xi32>
    %gt3A_2456 = vector.broadcast %sub3A_2295 : i32 to vector<16xi32>
    %gt3A_2457 = arith.cmpi sgt, %add3A_2455, %gt3A_2456 : vector<16xi32>
    %jit3A_2458 = arith.constant 0 : i32
    %broadcast_in_dim3A_2459 = vector.broadcast %jit3A_2458 : i32 to vector<16xi32>
    %select_n3A_2460 = arith.select %gt3A_2457, %get3A_1756, %broadcast_in_dim3A_2459 : vector<16xi1>, vector<16xi32>
    %reduce_sum3A_2461 = arith.constant true
    %reduce_sum3A_2462 = vector.broadcast %reduce_sum3A_2461 : i1 to vector<16xi1>
    %reduce_sum3A_2463 = tpu.scan <sum>, %select_n3A_2460 masked %reduce_sum3A_2462 : vector<16xi32>, vector<16xi1> -> vector<16xi32>
    %reduce_sum3A_2464 = vector.extract %reduce_sum3A_2463[15] : i32 from vector<16xi32>
    %add3A_2465 = arith.addi %add3A_2452, %reduce_sum3A_2464 : i32
    %add3A_2466 = arith.constant 208 : i32
    %add3A_2467 = vector.broadcast %add3A_2466 : i32 to vector<16xi32>
    %add3A_2468 = arith.addi %add3A_2467, %iota3A : vector<16xi32>
    %gt3A_2469 = vector.broadcast %sub3A_2295 : i32 to vector<16xi32>
    %gt3A_2470 = arith.cmpi sgt, %add3A_2468, %gt3A_2469 : vector<16xi32>
    %jit3A_2471 = arith.constant 0 : i32
    %broadcast_in_dim3A_2472 = vector.broadcast %jit3A_2471 : i32 to vector<16xi32>
    %select_n3A_2473 = arith.select %gt3A_2470, %get3A_1758, %broadcast_in_dim3A_2472 : vector<16xi1>, vector<16xi32>
    %reduce_sum3A_2474 = arith.constant true
    %reduce_sum3A_2475 = vector.broadcast %reduce_sum3A_2474 : i1 to vector<16xi1>
    %reduce_sum3A_2476 = tpu.scan <sum>, %select_n3A_2473 masked %reduce_sum3A_2475 : vector<16xi32>, vector<16xi1> -> vector<16xi32>
    %reduce_sum3A_2477 = vector.extract %reduce_sum3A_2476[15] : i32 from vector<16xi32>
    %add3A_2478 = arith.addi %add3A_2465, %reduce_sum3A_2477 : i32
    %add3A_2479 = arith.constant 224 : i32
    %add3A_2480 = vector.broadcast %add3A_2479 : i32 to vector<16xi32>
    %add3A_2481 = arith.addi %add3A_2480, %iota3A : vector<16xi32>
    %gt3A_2482 = vector.broadcast %sub3A_2295 : i32 to vector<16xi32>
    %gt3A_2483 = arith.cmpi sgt, %add3A_2481, %gt3A_2482 : vector<16xi32>
    %jit3A_2484 = arith.constant 0 : i32
    %broadcast_in_dim3A_2485 = vector.broadcast %jit3A_2484 : i32 to vector<16xi32>
    %select_n3A_2486 = arith.select %gt3A_2483, %get3A_1760, %broadcast_in_dim3A_2485 : vector<16xi1>, vector<16xi32>
    %reduce_sum3A_2487 = arith.constant true
    %reduce_sum3A_2488 = vector.broadcast %reduce_sum3A_2487 : i1 to vector<16xi1>
    %reduce_sum3A_2489 = tpu.scan <sum>, %select_n3A_2486 masked %reduce_sum3A_2488 : vector<16xi32>, vector<16xi1> -> vector<16xi32>
    %reduce_sum3A_2490 = vector.extract %reduce_sum3A_2489[15] : i32 from vector<16xi32>
    %add3A_2491 = arith.addi %add3A_2478, %reduce_sum3A_2490 : i32
    %add3A_2492 = arith.constant 240 : i32
    %add3A_2493 = vector.broadcast %add3A_2492 : i32 to vector<16xi32>
    %add3A_2494 = arith.addi %add3A_2493, %iota3A : vector<16xi32>
    %gt3A_2495 = vector.broadcast %sub3A_2295 : i32 to vector<16xi32>
    %gt3A_2496 = arith.cmpi sgt, %add3A_2494, %gt3A_2495 : vector<16xi32>
    %jit3A_2497 = arith.constant 0 : i32
    %broadcast_in_dim3A_2498 = vector.broadcast %jit3A_2497 : i32 to vector<16xi32>
    %select_n3A_2499 = arith.select %gt3A_2496, %get3A_1762, %broadcast_in_dim3A_2498 : vector<16xi1>, vector<16xi32>
    %reduce_sum3A_2500 = arith.constant true
    %reduce_sum3A_2501 = vector.broadcast %reduce_sum3A_2500 : i1 to vector<16xi1>
    %reduce_sum3A_2502 = tpu.scan <sum>, %select_n3A_2499 masked %reduce_sum3A_2501 : vector<16xi32>, vector<16xi1> -> vector<16xi32>
    %reduce_sum3A_2503 = vector.extract %reduce_sum3A_2502[15] : i32 from vector<16xi32>
    %add3A_2504 = arith.addi %add3A_2491, %reduce_sum3A_2503 : i32
    %sub3A_2505 = arith.subi %sub3A_1677, %add3A_2504 : i32
    %shift_left3A_2506 = arith.constant 8 : i32
    %shift_left3A_2507 = arith.shli %sub3A_2295, %shift_left3A_2506 : i32
    %or3A_2508 = arith.ori %or3A_1680, %shift_left3A_2507 : i32
    %scan3A_2509 = arith.constant 0 : i32
    %scan3A_2510 = arith.constant 0 : i32
    %scan3A_2511 = arith.constant 64 : i32
    %scan3A_2512 = arith.addi %scan3A_2510, %scan3A_2511 : i32
    %scan3A_2513 = arith.constant 1 : i32
    scf.for %scan3A_3368 = %scan3A_2510 to %scan3A_2512 step %scan3A_2513  : i32 {
      %mul3A_3369 = arith.constant 4 : i32
      %mul3A_3370 = arith.muli %scan3A_3368, %mul3A_3369 : i32
      %add3A_3371 = arith.constant 0 : i32
      %add3A_3372 = arith.addi %mul3A_3370, %add3A_3371 : i32
      %mul3A_3373 = arith.constant 16 : i32
      %mul3A_3374 = arith.muli %add3A_3372, %mul3A_3373 : i32
      %swap3A_3375 = arith.index_cast %mul3A_3374 : i32 to index
      %swap3A_3376 = tpu.vector_load %arg6[%swap3A_3375] {strides = array<i32>} : memref<4096xi32, #tpu.memory_space<vmem>>, vector<16xi32>,
      tpu.vector_store %arg6[%swap3A_3375], %broadcast_in_dim3A_28 {strides = array<i32>} : memref<4096xi32, #tpu.memory_space<vmem>>, vector<16xi32>,
      %mul3A_3377 = arith.constant 4 : i32
      %mul3A_3378 = arith.muli %scan3A_3368, %mul3A_3377 : i32
      %add3A_3379 = arith.constant 1 : i32
      %add3A_3380 = arith.addi %mul3A_3378, %add3A_3379 : i32
      %mul3A_3381 = arith.constant 16 : i32
      %mul3A_3382 = arith.muli %add3A_3380, %mul3A_3381 : i32
      %swap3A_3383 = arith.index_cast %mul3A_3382 : i32 to index
      %swap3A_3384 = tpu.vector_load %arg6[%swap3A_3383] {strides = array<i32>} : memref<4096xi32, #tpu.memory_space<vmem>>, vector<16xi32>,
      tpu.vector_store %arg6[%swap3A_3383], %broadcast_in_dim3A_28 {strides = array<i32>} : memref<4096xi32, #tpu.memory_space<vmem>>, vector<16xi32>,
      %mul3A_3385 = arith.constant 4 : i32
      %mul3A_3386 = arith.muli %scan3A_3368, %mul3A_3385 : i32
      %add3A_3387 = arith.constant 2 : i32
      %add3A_3388 = arith.addi %mul3A_3386, %add3A_3387 : i32
      %mul3A_3389 = arith.constant 16 : i32
      %mul3A_3390 = arith.muli %add3A_3388, %mul3A_3389 : i32
      %swap3A_3391 = arith.index_cast %mul3A_3390 : i32 to index
      %swap3A_3392 = tpu.vector_load %arg6[%swap3A_3391] {strides = array<i32>} : memref<4096xi32, #tpu.memory_space<vmem>>, vector<16xi32>,
      tpu.vector_store %arg6[%swap3A_3391], %broadcast_in_dim3A_28 {strides = array<i32>} : memref<4096xi32, #tpu.memory_space<vmem>>, vector<16xi32>,
      %mul3A_3393 = arith.constant 4 : i32
      %mul3A_3394 = arith.muli %scan3A_3368, %mul3A_3393 : i32
      %add3A_3395 = arith.constant 3 : i32
      %add3A_3396 = arith.addi %mul3A_3394, %add3A_3395 : i32
      %mul3A_3397 = arith.constant 16 : i32
      %mul3A_3398 = arith.muli %add3A_3396, %mul3A_3397 : i32
      %swap3A_3399 = arith.index_cast %mul3A_3398 : i32 to index
      %swap3A_3400 = tpu.vector_load %arg6[%swap3A_3399] {strides = array<i32>} : memref<4096xi32, #tpu.memory_space<vmem>>, vector<16xi32>,
      tpu.vector_store %arg6[%swap3A_3399], %broadcast_in_dim3A_28 {strides = array<i32>} : memref<4096xi32, #tpu.memory_space<vmem>>, vector<16xi32>,
    }
    %scan3A_2514 = arith.constant 64 : i32
    %swap3A_2515 = arith.constant 0 : index
    %swap3A_2516 = tpu.vector_load %arg7[%swap3A_2515] {strides = array<i32>} : memref<256xi32, #tpu.memory_space<vmem>>, vector<16xi32>,
    tpu.vector_store %arg7[%swap3A_2515], %broadcast_in_dim3A_28 {strides = array<i32>} : memref<256xi32, #tpu.memory_space<vmem>>, vector<16xi32>,
    %swap3A_2517 = arith.constant 16 : index
    %swap3A_2518 = tpu.vector_load %arg7[%swap3A_2517] {strides = array<i32>} : memref<256xi32, #tpu.memory_space<vmem>>, vector<16xi32>,
    tpu.vector_store %arg7[%swap3A_2517], %broadcast_in_dim3A_28 {strides = array<i32>} : memref<256xi32, #tpu.memory_space<vmem>>, vector<16xi32>,
    %swap3A_2519 = arith.constant 32 : index
    %swap3A_2520 = tpu.vector_load %arg7[%swap3A_2519] {strides = array<i32>} : memref<256xi32, #tpu.memory_space<vmem>>, vector<16xi32>,
    tpu.vector_store %arg7[%swap3A_2519], %broadcast_in_dim3A_28 {strides = array<i32>} : memref<256xi32, #tpu.memory_space<vmem>>, vector<16xi32>,
    %swap3A_2521 = arith.constant 48 : index
    %swap3A_2522 = tpu.vector_load %arg7[%swap3A_2521] {strides = array<i32>} : memref<256xi32, #tpu.memory_space<vmem>>, vector<16xi32>,
    tpu.vector_store %arg7[%swap3A_2521], %broadcast_in_dim3A_28 {strides = array<i32>} : memref<256xi32, #tpu.memory_space<vmem>>, vector<16xi32>,
    %swap3A_2523 = arith.constant 64 : index
    %swap3A_2524 = tpu.vector_load %arg7[%swap3A_2523] {strides = array<i32>} : memref<256xi32, #tpu.memory_space<vmem>>, vector<16xi32>,
    tpu.vector_store %arg7[%swap3A_2523], %broadcast_in_dim3A_28 {strides = array<i32>} : memref<256xi32, #tpu.memory_space<vmem>>, vector<16xi32>,
    %swap3A_2525 = arith.constant 80 : index
    %swap3A_2526 = tpu.vector_load %arg7[%swap3A_2525] {strides = array<i32>} : memref<256xi32, #tpu.memory_space<vmem>>, vector<16xi32>,
    tpu.vector_store %arg7[%swap3A_2525], %broadcast_in_dim3A_28 {strides = array<i32>} : memref<256xi32, #tpu.memory_space<vmem>>, vector<16xi32>,
    %swap3A_2527 = arith.constant 96 : index
    %swap3A_2528 = tpu.vector_load %arg7[%swap3A_2527] {strides = array<i32>} : memref<256xi32, #tpu.memory_space<vmem>>, vector<16xi32>,
    tpu.vector_store %arg7[%swap3A_2527], %broadcast_in_dim3A_28 {strides = array<i32>} : memref<256xi32, #tpu.memory_space<vmem>>, vector<16xi32>,
    %swap3A_2529 = arith.constant 112 : index
    %swap3A_2530 = tpu.vector_load %arg7[%swap3A_2529] {strides = array<i32>} : memref<256xi32, #tpu.memory_space<vmem>>, vector<16xi32>,
    tpu.vector_store %arg7[%swap3A_2529], %broadcast_in_dim3A_28 {strides = array<i32>} : memref<256xi32, #tpu.memory_space<vmem>>, vector<16xi32>,
    %swap3A_2531 = arith.constant 128 : index
    %swap3A_2532 = tpu.vector_load %arg7[%swap3A_2531] {strides = array<i32>} : memref<256xi32, #tpu.memory_space<vmem>>, vector<16xi32>,
    tpu.vector_store %arg7[%swap3A_2531], %broadcast_in_dim3A_28 {strides = array<i32>} : memref<256xi32, #tpu.memory_space<vmem>>, vector<16xi32>,
    %swap3A_2533 = arith.constant 144 : index
    %swap3A_2534 = tpu.vector_load %arg7[%swap3A_2533] {strides = array<i32>} : memref<256xi32, #tpu.memory_space<vmem>>, vector<16xi32>,
    tpu.vector_store %arg7[%swap3A_2533], %broadcast_in_dim3A_28 {strides = array<i32>} : memref<256xi32, #tpu.memory_space<vmem>>, vector<16xi32>,
    %swap3A_2535 = arith.constant 160 : index
    %swap3A_2536 = tpu.vector_load %arg7[%swap3A_2535] {strides = array<i32>} : memref<256xi32, #tpu.memory_space<vmem>>, vector<16xi32>,
    tpu.vector_store %arg7[%swap3A_2535], %broadcast_in_dim3A_28 {strides = array<i32>} : memref<256xi32, #tpu.memory_space<vmem>>, vector<16xi32>,
    %swap3A_2537 = arith.constant 176 : index
    %swap3A_2538 = tpu.vector_load %arg7[%swap3A_2537] {strides = array<i32>} : memref<256xi32, #tpu.memory_space<vmem>>, vector<16xi32>,
    tpu.vector_store %arg7[%swap3A_2537], %broadcast_in_dim3A_28 {strides = array<i32>} : memref<256xi32, #tpu.memory_space<vmem>>, vector<16xi32>,
    %swap3A_2539 = arith.constant 192 : index
    %swap3A_2540 = tpu.vector_load %arg7[%swap3A_2539] {strides = array<i32>} : memref<256xi32, #tpu.memory_space<vmem>>, vector<16xi32>,
    tpu.vector_store %arg7[%swap3A_2539], %broadcast_in_dim3A_28 {strides = array<i32>} : memref<256xi32, #tpu.memory_space<vmem>>, vector<16xi32>,
    %swap3A_2541 = arith.constant 208 : index
    %swap3A_2542 = tpu.vector_load %arg7[%swap3A_2541] {strides = array<i32>} : memref<256xi32, #tpu.memory_space<vmem>>, vector<16xi32>,
    tpu.vector_store %arg7[%swap3A_2541], %broadcast_in_dim3A_28 {strides = array<i32>} : memref<256xi32, #tpu.memory_space<vmem>>, vector<16xi32>,
    %swap3A_2543 = arith.constant 224 : index
    %swap3A_2544 = tpu.vector_load %arg7[%swap3A_2543] {strides = array<i32>} : memref<256xi32, #tpu.memory_space<vmem>>, vector<16xi32>,
    tpu.vector_store %arg7[%swap3A_2543], %broadcast_in_dim3A_28 {strides = array<i32>} : memref<256xi32, #tpu.memory_space<vmem>>, vector<16xi32>,
    %swap3A_2545 = arith.constant 240 : index
    %swap3A_2546 = tpu.vector_load %arg7[%swap3A_2545] {strides = array<i32>} : memref<256xi32, #tpu.memory_space<vmem>>, vector<16xi32>,
    tpu.vector_store %arg7[%swap3A_2545], %broadcast_in_dim3A_28 {strides = array<i32>} : memref<256xi32, #tpu.memory_space<vmem>>, vector<16xi32>,
    %scan3A_2547 = arith.constant 0 : i32
    %scan3A_2548 = arith.constant 0 : i32
    %scan3A_2549 = arith.constant 250 : i32
    %scan3A_2550 = arith.addi %scan3A_2548, %scan3A_2549 : i32
    %scan3A_2551 = arith.constant 1 : i32
    scf.for %scan3A_3368 = %scan3A_2548 to %scan3A_2550 step %scan3A_2551  : i32 {
      %mul3A_3369 = arith.constant 5 : i32
      %mul3A_3370 = arith.muli %scan3A_3368, %mul3A_3369 : i32
      %add3A_3371 = arith.constant 0 : i32
      %add3A_3372 = arith.addi %mul3A_3370, %add3A_3371 : i32
      %mul3A_3373 = arith.constant 16 : i32
      %mul3A_3374 = arith.muli %add3A_3372, %mul3A_3373 : i32
      %get3A_3375 = arith.index_cast %mul3A_3374 : i32 to index
      %get3A_3376 = tpu.vector_load %arg5[%get3A_3375] {strides = array<i32>} : memref<20000xi32, #tpu.memory_space<vmem>>, vector<16xi32>,
      %shift_right_logical3A = arith.constant 0 : i32
      %shift_right_logical3A_3377 = vector.broadcast %shift_right_logical3A : i32 to vector<16xi32>
      %shift_right_logical3A_3378 = arith.shrui %get3A_3376, %shift_right_logical3A_3377 : vector<16xi32>
      %and3A_3379 = arith.constant 255 : i32
      %and3A_3380 = vector.broadcast %and3A_3379 : i32 to vector<16xi32>
      %and3A_3381 = arith.andi %shift_right_logical3A_3378, %and3A_3380 : vector<16xi32>
      %mul3A_3382 = arith.constant 256 : i32
      %mul3A_3383 = vector.broadcast %mul3A_3382 : i32 to vector<16xi32>
      %mul3A_3384 = arith.muli %iota3A, %mul3A_3383 : vector<16xi32>
      %add3A_3385 = arith.addi %mul3A_3384, %and3A_3381 : vector<16xi32>
      %and3A_3386 = arith.constant -256 : i32
      %and3A_3387 = vector.broadcast %and3A_3386 : i32 to vector<16xi32>
      %and3A_3388 = arith.andi %get3A_3376, %and3A_3387 : vector<16xi32>
      %eq3A_3389 = vector.broadcast %or3A_2508 : i32 to vector<16xi32>
      %eq3A_3390 = arith.cmpi eq, %and3A_3388, %eq3A_3389 : vector<16xi32>
      tpu.vector_store_idx %arg6[%add3A_3385], %broadcast_in_dim3A_26 masked %eq3A_3390 {add = true} : memref<4096xi32, #tpu.memory_space<vmem>>[vector<16xi32>], vector<16xi32>, vector<16xi1>
      %mul3A_3391 = arith.constant 5 : i32
      %mul3A_3392 = arith.muli %scan3A_3368, %mul3A_3391 : i32
      %add3A_3393 = arith.constant 1 : i32
      %add3A_3394 = arith.addi %mul3A_3392, %add3A_3393 : i32
      %mul3A_3395 = arith.constant 16 : i32
      %mul3A_3396 = arith.muli %add3A_3394, %mul3A_3395 : i32
      %get3A_3397 = arith.index_cast %mul3A_3396 : i32 to index
      %get3A_3398 = tpu.vector_load %arg5[%get3A_3397] {strides = array<i32>} : memref<20000xi32, #tpu.memory_space<vmem>>, vector<16xi32>,
      %shift_right_logical3A_3399 = arith.constant 0 : i32
      %shift_right_logical3A_3400 = vector.broadcast %shift_right_logical3A_3399 : i32 to vector<16xi32>
      %shift_right_logical3A_3401 = arith.shrui %get3A_3398, %shift_right_logical3A_3400 : vector<16xi32>
      %and3A_3402 = arith.constant 255 : i32
      %and3A_3403 = vector.broadcast %and3A_3402 : i32 to vector<16xi32>
      %and3A_3404 = arith.andi %shift_right_logical3A_3401, %and3A_3403 : vector<16xi32>
      %mul3A_3405 = arith.constant 256 : i32
      %mul3A_3406 = vector.broadcast %mul3A_3405 : i32 to vector<16xi32>
      %mul3A_3407 = arith.muli %iota3A, %mul3A_3406 : vector<16xi32>
      %add3A_3408 = arith.addi %mul3A_3407, %and3A_3404 : vector<16xi32>
      %and3A_3409 = arith.constant -256 : i32
      %and3A_3410 = vector.broadcast %and3A_3409 : i32 to vector<16xi32>
      %and3A_3411 = arith.andi %get3A_3398, %and3A_3410 : vector<16xi32>
      %eq3A_3412 = vector.broadcast %or3A_2508 : i32 to vector<16xi32>
      %eq3A_3413 = arith.cmpi eq, %and3A_3411, %eq3A_3412 : vector<16xi32>
      tpu.vector_store_idx %arg6[%add3A_3408], %broadcast_in_dim3A_26 masked %eq3A_3413 {add = true} : memref<4096xi32, #tpu.memory_space<vmem>>[vector<16xi32>], vector<16xi32>, vector<16xi1>
      %mul3A_3414 = arith.constant 5 : i32
      %mul3A_3415 = arith.muli %scan3A_3368, %mul3A_3414 : i32
      %add3A_3416 = arith.constant 2 : i32
      %add3A_3417 = arith.addi %mul3A_3415, %add3A_3416 : i32
      %mul3A_3418 = arith.constant 16 : i32
      %mul3A_3419 = arith.muli %add3A_3417, %mul3A_3418 : i32
      %get3A_3420 = arith.index_cast %mul3A_3419 : i32 to index
      %get3A_3421 = tpu.vector_load %arg5[%get3A_3420] {strides = array<i32>} : memref<20000xi32, #tpu.memory_space<vmem>>, vector<16xi32>,
      %shift_right_logical3A_3422 = arith.constant 0 : i32
      %shift_right_logical3A_3423 = vector.broadcast %shift_right_logical3A_3422 : i32 to vector<16xi32>
      %shift_right_logical3A_3424 = arith.shrui %get3A_3421, %shift_right_logical3A_3423 : vector<16xi32>
      %and3A_3425 = arith.constant 255 : i32
      %and3A_3426 = vector.broadcast %and3A_3425 : i32 to vector<16xi32>
      %and3A_3427 = arith.andi %shift_right_logical3A_3424, %and3A_3426 : vector<16xi32>
      %mul3A_3428 = arith.constant 256 : i32
      %mul3A_3429 = vector.broadcast %mul3A_3428 : i32 to vector<16xi32>
      %mul3A_3430 = arith.muli %iota3A, %mul3A_3429 : vector<16xi32>
      %add3A_3431 = arith.addi %mul3A_3430, %and3A_3427 : vector<16xi32>
      %and3A_3432 = arith.constant -256 : i32
      %and3A_3433 = vector.broadcast %and3A_3432 : i32 to vector<16xi32>
      %and3A_3434 = arith.andi %get3A_3421, %and3A_3433 : vector<16xi32>
      %eq3A_3435 = vector.broadcast %or3A_2508 : i32 to vector<16xi32>
      %eq3A_3436 = arith.cmpi eq, %and3A_3434, %eq3A_3435 : vector<16xi32>
      tpu.vector_store_idx %arg6[%add3A_3431], %broadcast_in_dim3A_26 masked %eq3A_3436 {add = true} : memref<4096xi32, #tpu.memory_space<vmem>>[vector<16xi32>], vector<16xi32>, vector<16xi1>
      %mul3A_3437 = arith.constant 5 : i32
      %mul3A_3438 = arith.muli %scan3A_3368, %mul3A_3437 : i32
      %add3A_3439 = arith.constant 3 : i32
      %add3A_3440 = arith.addi %mul3A_3438, %add3A_3439 : i32
      %mul3A_3441 = arith.constant 16 : i32
      %mul3A_3442 = arith.muli %add3A_3440, %mul3A_3441 : i32
      %get3A_3443 = arith.index_cast %mul3A_3442 : i32 to index
      %get3A_3444 = tpu.vector_load %arg5[%get3A_3443] {strides = array<i32>} : memref<20000xi32, #tpu.memory_space<vmem>>, vector<16xi32>,
      %shift_right_logical3A_3445 = arith.constant 0 : i32
      %shift_right_logical3A_3446 = vector.broadcast %shift_right_logical3A_3445 : i32 to vector<16xi32>
      %shift_right_logical3A_3447 = arith.shrui %get3A_3444, %shift_right_logical3A_3446 : vector<16xi32>
      %and3A_3448 = arith.constant 255 : i32
      %and3A_3449 = vector.broadcast %and3A_3448 : i32 to vector<16xi32>
      %and3A_3450 = arith.andi %shift_right_logical3A_3447, %and3A_3449 : vector<16xi32>
      %mul3A_3451 = arith.constant 256 : i32
      %mul3A_3452 = vector.broadcast %mul3A_3451 : i32 to vector<16xi32>
      %mul3A_3453 = arith.muli %iota3A, %mul3A_3452 : vector<16xi32>
      %add3A_3454 = arith.addi %mul3A_3453, %and3A_3450 : vector<16xi32>
      %and3A_3455 = arith.constant -256 : i32
      %and3A_3456 = vector.broadcast %and3A_3455 : i32 to vector<16xi32>
      %and3A_3457 = arith.andi %get3A_3444, %and3A_3456 : vector<16xi32>
      %eq3A_3458 = vector.broadcast %or3A_2508 : i32 to vector<16xi32>
      %eq3A_3459 = arith.cmpi eq, %and3A_3457, %eq3A_3458 : vector<16xi32>
      tpu.vector_store_idx %arg6[%add3A_3454], %broadcast_in_dim3A_26 masked %eq3A_3459 {add = true} : memref<4096xi32, #tpu.memory_space<vmem>>[vector<16xi32>], vector<16xi32>, vector<16xi1>
      %mul3A_3460 = arith.constant 5 : i32
      %mul3A_3461 = arith.muli %scan3A_3368, %mul3A_3460 : i32
      %add3A_3462 = arith.constant 4 : i32
      %add3A_3463 = arith.addi %mul3A_3461, %add3A_3462 : i32
      %mul3A_3464 = arith.constant 16 : i32
      %mul3A_3465 = arith.muli %add3A_3463, %mul3A_3464 : i32
      %get3A_3466 = arith.index_cast %mul3A_3465 : i32 to index
      %get3A_3467 = tpu.vector_load %arg5[%get3A_3466] {strides = array<i32>} : memref<20000xi32, #tpu.memory_space<vmem>>, vector<16xi32>,
      %shift_right_logical3A_3468 = arith.constant 0 : i32
      %shift_right_logical3A_3469 = vector.broadcast %shift_right_logical3A_3468 : i32 to vector<16xi32>
      %shift_right_logical3A_3470 = arith.shrui %get3A_3467, %shift_right_logical3A_3469 : vector<16xi32>
      %and3A_3471 = arith.constant 255 : i32
      %and3A_3472 = vector.broadcast %and3A_3471 : i32 to vector<16xi32>
      %and3A_3473 = arith.andi %shift_right_logical3A_3470, %and3A_3472 : vector<16xi32>
      %mul3A_3474 = arith.constant 256 : i32
      %mul3A_3475 = vector.broadcast %mul3A_3474 : i32 to vector<16xi32>
      %mul3A_3476 = arith.muli %iota3A, %mul3A_3475 : vector<16xi32>
      %add3A_3477 = arith.addi %mul3A_3476, %and3A_3473 : vector<16xi32>
      %and3A_3478 = arith.constant -256 : i32
      %and3A_3479 = vector.broadcast %and3A_3478 : i32 to vector<16xi32>
      %and3A_3480 = arith.andi %get3A_3467, %and3A_3479 : vector<16xi32>
      %eq3A_3481 = vector.broadcast %or3A_2508 : i32 to vector<16xi32>
      %eq3A_3482 = arith.cmpi eq, %and3A_3480, %eq3A_3481 : vector<16xi32>
      tpu.vector_store_idx %arg6[%add3A_3477], %broadcast_in_dim3A_26 masked %eq3A_3482 {add = true} : memref<4096xi32, #tpu.memory_space<vmem>>[vector<16xi32>], vector<16xi32>, vector<16xi1>
    }
    %scan3A_2552 = arith.constant 250 : i32
    %scan3A_2553 = arith.constant 0 : i32
    %scan3A_2554 = arith.constant 0 : i32
    %scan3A_2555 = arith.constant 128 : i32
    %scan3A_2556 = arith.addi %scan3A_2554, %scan3A_2555 : i32
    %scan3A_2557 = arith.constant 1 : i32
    scf.for %scan3A_3368 = %scan3A_2554 to %scan3A_2556 step %scan3A_2557  : i32 {
      %mul3A_3369 = arith.constant 2 : i32
      %mul3A_3370 = arith.muli %scan3A_3368, %mul3A_3369 : i32
      %add3A_3371 = arith.constant 0 : i32
      %add3A_3372 = arith.addi %mul3A_3370, %add3A_3371 : i32
      %and3A_3373 = arith.constant 15 : i32
      %and3A_3374 = arith.andi %add3A_3372, %and3A_3373 : i32
      %mul3A_3375 = arith.constant 16 : i32
      %mul3A_3376 = arith.muli %and3A_3374, %mul3A_3375 : i32
      %add3A_3377 = vector.broadcast %mul3A_3376 : i32 to vector<16xi32>
      %add3A_3378 = arith.addi %add3A_3377, %iota3A : vector<16xi32>
      %mul3A_3379 = arith.constant 16 : i32
      %mul3A_3380 = arith.muli %add3A_3372, %mul3A_3379 : i32
      %get3A_3381 = arith.index_cast %mul3A_3380 : i32 to index
      %get3A_3382 = tpu.vector_load %arg6[%get3A_3381] {strides = array<i32>} : memref<4096xi32, #tpu.memory_space<vmem>>, vector<16xi32>,
      tpu.vector_store_idx %arg7[%add3A_3378], %get3A_3382 {add = true} : memref<256xi32, #tpu.memory_space<vmem>>[vector<16xi32>], vector<16xi32>,
      %mul3A_3383 = arith.constant 2 : i32
      %mul3A_3384 = arith.muli %scan3A_3368, %mul3A_3383 : i32
      %add3A_3385 = arith.constant 1 : i32
      %add3A_3386 = arith.addi %mul3A_3384, %add3A_3385 : i32
      %and3A_3387 = arith.constant 15 : i32
      %and3A_3388 = arith.andi %add3A_3386, %and3A_3387 : i32
      %mul3A_3389 = arith.constant 16 : i32
      %mul3A_3390 = arith.muli %and3A_3388, %mul3A_3389 : i32
      %add3A_3391 = vector.broadcast %mul3A_3390 : i32 to vector<16xi32>
      %add3A_3392 = arith.addi %add3A_3391, %iota3A : vector<16xi32>
      %mul3A_3393 = arith.constant 16 : i32
      %mul3A_3394 = arith.muli %add3A_3386, %mul3A_3393 : i32
      %get3A_3395 = arith.index_cast %mul3A_3394 : i32 to index
      %get3A_3396 = tpu.vector_load %arg6[%get3A_3395] {strides = array<i32>} : memref<4096xi32, #tpu.memory_space<vmem>>, vector<16xi32>,
      tpu.vector_store_idx %arg7[%add3A_3392], %get3A_3396 {add = true} : memref<256xi32, #tpu.memory_space<vmem>>[vector<16xi32>], vector<16xi32>,
    }
    %scan3A_2558 = arith.constant 128 : i32
    %get3A_2559 = arith.constant 0 : index
    %get3A_2560 = tpu.vector_load %arg7[%get3A_2559] {strides = array<i32>} : memref<256xi32, #tpu.memory_space<vmem>>, vector<16xi32>,
    %get3A_2561 = arith.constant 16 : index
    %get3A_2562 = tpu.vector_load %arg7[%get3A_2561] {strides = array<i32>} : memref<256xi32, #tpu.memory_space<vmem>>, vector<16xi32>,
    %get3A_2563 = arith.constant 32 : index
    %get3A_2564 = tpu.vector_load %arg7[%get3A_2563] {strides = array<i32>} : memref<256xi32, #tpu.memory_space<vmem>>, vector<16xi32>,
    %get3A_2565 = arith.constant 48 : index
    %get3A_2566 = tpu.vector_load %arg7[%get3A_2565] {strides = array<i32>} : memref<256xi32, #tpu.memory_space<vmem>>, vector<16xi32>,
    %get3A_2567 = arith.constant 64 : index
    %get3A_2568 = tpu.vector_load %arg7[%get3A_2567] {strides = array<i32>} : memref<256xi32, #tpu.memory_space<vmem>>, vector<16xi32>,
    %get3A_2569 = arith.constant 80 : index
    %get3A_2570 = tpu.vector_load %arg7[%get3A_2569] {strides = array<i32>} : memref<256xi32, #tpu.memory_space<vmem>>, vector<16xi32>,
    %get3A_2571 = arith.constant 96 : index
    %get3A_2572 = tpu.vector_load %arg7[%get3A_2571] {strides = array<i32>} : memref<256xi32, #tpu.memory_space<vmem>>, vector<16xi32>,
    %get3A_2573 = arith.constant 112 : index
    %get3A_2574 = tpu.vector_load %arg7[%get3A_2573] {strides = array<i32>} : memref<256xi32, #tpu.memory_space<vmem>>, vector<16xi32>,
    %get3A_2575 = arith.constant 128 : index
    %get3A_2576 = tpu.vector_load %arg7[%get3A_2575] {strides = array<i32>} : memref<256xi32, #tpu.memory_space<vmem>>, vector<16xi32>,
    %get3A_2577 = arith.constant 144 : index
    %get3A_2578 = tpu.vector_load %arg7[%get3A_2577] {strides = array<i32>} : memref<256xi32, #tpu.memory_space<vmem>>, vector<16xi32>,
    %get3A_2579 = arith.constant 160 : index
    %get3A_2580 = tpu.vector_load %arg7[%get3A_2579] {strides = array<i32>} : memref<256xi32, #tpu.memory_space<vmem>>, vector<16xi32>,
    %get3A_2581 = arith.constant 176 : index
    %get3A_2582 = tpu.vector_load %arg7[%get3A_2581] {strides = array<i32>} : memref<256xi32, #tpu.memory_space<vmem>>, vector<16xi32>,
    %get3A_2583 = arith.constant 192 : index
    %get3A_2584 = tpu.vector_load %arg7[%get3A_2583] {strides = array<i32>} : memref<256xi32, #tpu.memory_space<vmem>>, vector<16xi32>,
    %get3A_2585 = arith.constant 208 : index
    %get3A_2586 = tpu.vector_load %arg7[%get3A_2585] {strides = array<i32>} : memref<256xi32, #tpu.memory_space<vmem>>, vector<16xi32>,
    %get3A_2587 = arith.constant 224 : index
    %get3A_2588 = tpu.vector_load %arg7[%get3A_2587] {strides = array<i32>} : memref<256xi32, #tpu.memory_space<vmem>>, vector<16xi32>,
    %get3A_2589 = arith.constant 240 : index
    %get3A_2590 = tpu.vector_load %arg7[%get3A_2589] {strides = array<i32>} : memref<256xi32, #tpu.memory_space<vmem>>, vector<16xi32>,
    %reduce_sum3A_2591 = arith.constant true
    %reduce_sum3A_2592 = vector.broadcast %reduce_sum3A_2591 : i1 to vector<16xi1>
    %reduce_sum3A_2593 = tpu.scan <sum>, %get3A_2560 masked %reduce_sum3A_2592 : vector<16xi32>, vector<16xi1> -> vector<16xi32>
    %reduce_sum3A_2594 = vector.extract %reduce_sum3A_2593[15] : i32 from vector<16xi32>
    %reduce_sum3A_2595 = arith.constant true
    %reduce_sum3A_2596 = vector.broadcast %reduce_sum3A_2595 : i1 to vector<16xi1>
    %reduce_sum3A_2597 = tpu.scan <sum>, %get3A_2562 masked %reduce_sum3A_2596 : vector<16xi32>, vector<16xi1> -> vector<16xi32>
    %reduce_sum3A_2598 = vector.extract %reduce_sum3A_2597[15] : i32 from vector<16xi32>
    %reduce_sum3A_2599 = arith.constant true
    %reduce_sum3A_2600 = vector.broadcast %reduce_sum3A_2599 : i1 to vector<16xi1>
    %reduce_sum3A_2601 = tpu.scan <sum>, %get3A_2564 masked %reduce_sum3A_2600 : vector<16xi32>, vector<16xi1> -> vector<16xi32>
    %reduce_sum3A_2602 = vector.extract %reduce_sum3A_2601[15] : i32 from vector<16xi32>
    %reduce_sum3A_2603 = arith.constant true
    %reduce_sum3A_2604 = vector.broadcast %reduce_sum3A_2603 : i1 to vector<16xi1>
    %reduce_sum3A_2605 = tpu.scan <sum>, %get3A_2566 masked %reduce_sum3A_2604 : vector<16xi32>, vector<16xi1> -> vector<16xi32>
    %reduce_sum3A_2606 = vector.extract %reduce_sum3A_2605[15] : i32 from vector<16xi32>
    %reduce_sum3A_2607 = arith.constant true
    %reduce_sum3A_2608 = vector.broadcast %reduce_sum3A_2607 : i1 to vector<16xi1>
    %reduce_sum3A_2609 = tpu.scan <sum>, %get3A_2568 masked %reduce_sum3A_2608 : vector<16xi32>, vector<16xi1> -> vector<16xi32>
    %reduce_sum3A_2610 = vector.extract %reduce_sum3A_2609[15] : i32 from vector<16xi32>
    %reduce_sum3A_2611 = arith.constant true
    %reduce_sum3A_2612 = vector.broadcast %reduce_sum3A_2611 : i1 to vector<16xi1>
    %reduce_sum3A_2613 = tpu.scan <sum>, %get3A_2570 masked %reduce_sum3A_2612 : vector<16xi32>, vector<16xi1> -> vector<16xi32>
    %reduce_sum3A_2614 = vector.extract %reduce_sum3A_2613[15] : i32 from vector<16xi32>
    %reduce_sum3A_2615 = arith.constant true
    %reduce_sum3A_2616 = vector.broadcast %reduce_sum3A_2615 : i1 to vector<16xi1>
    %reduce_sum3A_2617 = tpu.scan <sum>, %get3A_2572 masked %reduce_sum3A_2616 : vector<16xi32>, vector<16xi1> -> vector<16xi32>
    %reduce_sum3A_2618 = vector.extract %reduce_sum3A_2617[15] : i32 from vector<16xi32>
    %reduce_sum3A_2619 = arith.constant true
    %reduce_sum3A_2620 = vector.broadcast %reduce_sum3A_2619 : i1 to vector<16xi1>
    %reduce_sum3A_2621 = tpu.scan <sum>, %get3A_2574 masked %reduce_sum3A_2620 : vector<16xi32>, vector<16xi1> -> vector<16xi32>
    %reduce_sum3A_2622 = vector.extract %reduce_sum3A_2621[15] : i32 from vector<16xi32>
    %reduce_sum3A_2623 = arith.constant true
    %reduce_sum3A_2624 = vector.broadcast %reduce_sum3A_2623 : i1 to vector<16xi1>
    %reduce_sum3A_2625 = tpu.scan <sum>, %get3A_2576 masked %reduce_sum3A_2624 : vector<16xi32>, vector<16xi1> -> vector<16xi32>
    %reduce_sum3A_2626 = vector.extract %reduce_sum3A_2625[15] : i32 from vector<16xi32>
    %reduce_sum3A_2627 = arith.constant true
    %reduce_sum3A_2628 = vector.broadcast %reduce_sum3A_2627 : i1 to vector<16xi1>
    %reduce_sum3A_2629 = tpu.scan <sum>, %get3A_2578 masked %reduce_sum3A_2628 : vector<16xi32>, vector<16xi1> -> vector<16xi32>
    %reduce_sum3A_2630 = vector.extract %reduce_sum3A_2629[15] : i32 from vector<16xi32>
    %reduce_sum3A_2631 = arith.constant true
    %reduce_sum3A_2632 = vector.broadcast %reduce_sum3A_2631 : i1 to vector<16xi1>
    %reduce_sum3A_2633 = tpu.scan <sum>, %get3A_2580 masked %reduce_sum3A_2632 : vector<16xi32>, vector<16xi1> -> vector<16xi32>
    %reduce_sum3A_2634 = vector.extract %reduce_sum3A_2633[15] : i32 from vector<16xi32>
    %reduce_sum3A_2635 = arith.constant true
    %reduce_sum3A_2636 = vector.broadcast %reduce_sum3A_2635 : i1 to vector<16xi1>
    %reduce_sum3A_2637 = tpu.scan <sum>, %get3A_2582 masked %reduce_sum3A_2636 : vector<16xi32>, vector<16xi1> -> vector<16xi32>
    %reduce_sum3A_2638 = vector.extract %reduce_sum3A_2637[15] : i32 from vector<16xi32>
    %reduce_sum3A_2639 = arith.constant true
    %reduce_sum3A_2640 = vector.broadcast %reduce_sum3A_2639 : i1 to vector<16xi1>
    %reduce_sum3A_2641 = tpu.scan <sum>, %get3A_2584 masked %reduce_sum3A_2640 : vector<16xi32>, vector<16xi1> -> vector<16xi32>
    %reduce_sum3A_2642 = vector.extract %reduce_sum3A_2641[15] : i32 from vector<16xi32>
    %reduce_sum3A_2643 = arith.constant true
    %reduce_sum3A_2644 = vector.broadcast %reduce_sum3A_2643 : i1 to vector<16xi1>
    %reduce_sum3A_2645 = tpu.scan <sum>, %get3A_2586 masked %reduce_sum3A_2644 : vector<16xi32>, vector<16xi1> -> vector<16xi32>
    %reduce_sum3A_2646 = vector.extract %reduce_sum3A_2645[15] : i32 from vector<16xi32>
    %reduce_sum3A_2647 = arith.constant true
    %reduce_sum3A_2648 = vector.broadcast %reduce_sum3A_2647 : i1 to vector<16xi1>
    %reduce_sum3A_2649 = tpu.scan <sum>, %get3A_2588 masked %reduce_sum3A_2648 : vector<16xi32>, vector<16xi1> -> vector<16xi32>
    %reduce_sum3A_2650 = vector.extract %reduce_sum3A_2649[15] : i32 from vector<16xi32>
    %reduce_sum3A_2651 = arith.constant true
    %reduce_sum3A_2652 = vector.broadcast %reduce_sum3A_2651 : i1 to vector<16xi1>
    %reduce_sum3A_2653 = tpu.scan <sum>, %get3A_2590 masked %reduce_sum3A_2652 : vector<16xi32>, vector<16xi1> -> vector<16xi32>
    %reduce_sum3A_2654 = vector.extract %reduce_sum3A_2653[15] : i32 from vector<16xi32>
    %add3A_2655 = arith.constant 0 : i32
    %add3A_2656 = arith.addi %add3A_2655, %reduce_sum3A_2654 : i32
    %add3A_2657 = arith.addi %add3A_2656, %reduce_sum3A_2650 : i32
    %add3A_2658 = arith.addi %add3A_2657, %reduce_sum3A_2646 : i32
    %add3A_2659 = arith.addi %add3A_2658, %reduce_sum3A_2642 : i32
    %add3A_2660 = arith.addi %add3A_2659, %reduce_sum3A_2638 : i32
    %add3A_2661 = arith.addi %add3A_2660, %reduce_sum3A_2634 : i32
    %add3A_2662 = arith.addi %add3A_2661, %reduce_sum3A_2630 : i32
    %add3A_2663 = arith.addi %add3A_2662, %reduce_sum3A_2626 : i32
    %add3A_2664 = arith.addi %add3A_2663, %reduce_sum3A_2622 : i32
    %add3A_2665 = arith.addi %add3A_2664, %reduce_sum3A_2618 : i32
    %add3A_2666 = arith.addi %add3A_2665, %reduce_sum3A_2614 : i32
    %add3A_2667 = arith.addi %add3A_2666, %reduce_sum3A_2610 : i32
    %add3A_2668 = arith.addi %add3A_2667, %reduce_sum3A_2606 : i32
    %add3A_2669 = arith.addi %add3A_2668, %reduce_sum3A_2602 : i32
    %add3A_2670 = arith.addi %add3A_2669, %reduce_sum3A_2598 : i32
    %add3A_2671 = arith.addi %add3A_2670, %reduce_sum3A_2594 : i32
    %rev3A_2672 = arith.constant 15 : i32
    %rev3A_2673 = vector.broadcast %rev3A_2672 : i32 to vector<16xi32>
    %rev3A_2674 = tpu.iota {dimensions = array<i32: 0>} : vector<16xi32>
    %rev3A_2675 = arith.subi %rev3A_2673, %rev3A_2674 : vector<16xi32>
    %rev3A_2676 = tpu.dynamic_gather %get3A_2560[%rev3A_2675] in [0] : vector<16xi32>, vector<16xi32> -> vector<16xi32>
    %cumsum3A_2677 = arith.constant true
    %cumsum3A_2678 = vector.broadcast %cumsum3A_2677 : i1 to vector<16xi1>
    %cumsum3A_2679 = tpu.scan <sum>, %rev3A_2676 masked %cumsum3A_2678 : vector<16xi32>, vector<16xi1> -> vector<16xi32>
    %rev3A_2680 = arith.constant 15 : i32
    %rev3A_2681 = vector.broadcast %rev3A_2680 : i32 to vector<16xi32>
    %rev3A_2682 = tpu.iota {dimensions = array<i32: 0>} : vector<16xi32>
    %rev3A_2683 = arith.subi %rev3A_2681, %rev3A_2682 : vector<16xi32>
    %rev3A_2684 = tpu.dynamic_gather %cumsum3A_2679[%rev3A_2683] in [0] : vector<16xi32>, vector<16xi32> -> vector<16xi32>
    %sub3A_2685 = arith.subi %rev3A_2684, %get3A_2560 : vector<16xi32>
    %add3A_2686 = vector.broadcast %add3A_2670 : i32 to vector<16xi32>
    %add3A_2687 = arith.addi %sub3A_2685, %add3A_2686 : vector<16xi32>
    %lt3A_2688 = vector.broadcast %sub3A_2505 : i32 to vector<16xi32>
    %lt3A_2689 = arith.cmpi slt, %add3A_2687, %lt3A_2688 : vector<16xi32>
    %jit3A_2690 = arith.constant 1 : i32
    %jit3A_2691 = arith.constant 0 : i32
    %broadcast_in_dim3A_2692 = vector.broadcast %jit3A_2690 : i32 to vector<16xi32>
    %broadcast_in_dim3A_2693 = vector.broadcast %jit3A_2691 : i32 to vector<16xi32>
    %select_n3A_2694 = arith.select %lt3A_2689, %broadcast_in_dim3A_2692, %broadcast_in_dim3A_2693 : vector<16xi1>, vector<16xi32>
    %reduce_sum3A_2695 = arith.constant true
    %reduce_sum3A_2696 = vector.broadcast %reduce_sum3A_2695 : i1 to vector<16xi1>
    %reduce_sum3A_2697 = tpu.scan <sum>, %select_n3A_2694 masked %reduce_sum3A_2696 : vector<16xi32>, vector<16xi1> -> vector<16xi32>
    %reduce_sum3A_2698 = vector.extract %reduce_sum3A_2697[15] : i32 from vector<16xi32>
    %add3A_2699 = arith.constant 0 : i32
    %add3A_2700 = arith.addi %add3A_2699, %reduce_sum3A_2698 : i32
    %rev3A_2701 = arith.constant 15 : i32
    %rev3A_2702 = vector.broadcast %rev3A_2701 : i32 to vector<16xi32>
    %rev3A_2703 = tpu.iota {dimensions = array<i32: 0>} : vector<16xi32>
    %rev3A_2704 = arith.subi %rev3A_2702, %rev3A_2703 : vector<16xi32>
    %rev3A_2705 = tpu.dynamic_gather %get3A_2562[%rev3A_2704] in [0] : vector<16xi32>, vector<16xi32> -> vector<16xi32>
    %cumsum3A_2706 = arith.constant true
    %cumsum3A_2707 = vector.broadcast %cumsum3A_2706 : i1 to vector<16xi1>
    %cumsum3A_2708 = tpu.scan <sum>, %rev3A_2705 masked %cumsum3A_2707 : vector<16xi32>, vector<16xi1> -> vector<16xi32>
    %rev3A_2709 = arith.constant 15 : i32
    %rev3A_2710 = vector.broadcast %rev3A_2709 : i32 to vector<16xi32>
    %rev3A_2711 = tpu.iota {dimensions = array<i32: 0>} : vector<16xi32>
    %rev3A_2712 = arith.subi %rev3A_2710, %rev3A_2711 : vector<16xi32>
    %rev3A_2713 = tpu.dynamic_gather %cumsum3A_2708[%rev3A_2712] in [0] : vector<16xi32>, vector<16xi32> -> vector<16xi32>
    %sub3A_2714 = arith.subi %rev3A_2713, %get3A_2562 : vector<16xi32>
    %add3A_2715 = vector.broadcast %add3A_2669 : i32 to vector<16xi32>
    %add3A_2716 = arith.addi %sub3A_2714, %add3A_2715 : vector<16xi32>
    %lt3A_2717 = vector.broadcast %sub3A_2505 : i32 to vector<16xi32>
    %lt3A_2718 = arith.cmpi slt, %add3A_2716, %lt3A_2717 : vector<16xi32>
    %jit3A_2719 = arith.constant 1 : i32
    %jit3A_2720 = arith.constant 0 : i32
    %broadcast_in_dim3A_2721 = vector.broadcast %jit3A_2719 : i32 to vector<16xi32>
    %broadcast_in_dim3A_2722 = vector.broadcast %jit3A_2720 : i32 to vector<16xi32>
    %select_n3A_2723 = arith.select %lt3A_2718, %broadcast_in_dim3A_2721, %broadcast_in_dim3A_2722 : vector<16xi1>, vector<16xi32>
    %reduce_sum3A_2724 = arith.constant true
    %reduce_sum3A_2725 = vector.broadcast %reduce_sum3A_2724 : i1 to vector<16xi1>
    %reduce_sum3A_2726 = tpu.scan <sum>, %select_n3A_2723 masked %reduce_sum3A_2725 : vector<16xi32>, vector<16xi1> -> vector<16xi32>
    %reduce_sum3A_2727 = vector.extract %reduce_sum3A_2726[15] : i32 from vector<16xi32>
    %add3A_2728 = arith.addi %add3A_2700, %reduce_sum3A_2727 : i32
    %rev3A_2729 = arith.constant 15 : i32
    %rev3A_2730 = vector.broadcast %rev3A_2729 : i32 to vector<16xi32>
    %rev3A_2731 = tpu.iota {dimensions = array<i32: 0>} : vector<16xi32>
    %rev3A_2732 = arith.subi %rev3A_2730, %rev3A_2731 : vector<16xi32>
    %rev3A_2733 = tpu.dynamic_gather %get3A_2564[%rev3A_2732] in [0] : vector<16xi32>, vector<16xi32> -> vector<16xi32>
    %cumsum3A_2734 = arith.constant true
    %cumsum3A_2735 = vector.broadcast %cumsum3A_2734 : i1 to vector<16xi1>
    %cumsum3A_2736 = tpu.scan <sum>, %rev3A_2733 masked %cumsum3A_2735 : vector<16xi32>, vector<16xi1> -> vector<16xi32>
    %rev3A_2737 = arith.constant 15 : i32
    %rev3A_2738 = vector.broadcast %rev3A_2737 : i32 to vector<16xi32>
    %rev3A_2739 = tpu.iota {dimensions = array<i32: 0>} : vector<16xi32>
    %rev3A_2740 = arith.subi %rev3A_2738, %rev3A_2739 : vector<16xi32>
    %rev3A_2741 = tpu.dynamic_gather %cumsum3A_2736[%rev3A_2740] in [0] : vector<16xi32>, vector<16xi32> -> vector<16xi32>
    %sub3A_2742 = arith.subi %rev3A_2741, %get3A_2564 : vector<16xi32>
    %add3A_2743 = vector.broadcast %add3A_2668 : i32 to vector<16xi32>
    %add3A_2744 = arith.addi %sub3A_2742, %add3A_2743 : vector<16xi32>
    %lt3A_2745 = vector.broadcast %sub3A_2505 : i32 to vector<16xi32>
    %lt3A_2746 = arith.cmpi slt, %add3A_2744, %lt3A_2745 : vector<16xi32>
    %jit3A_2747 = arith.constant 1 : i32
    %jit3A_2748 = arith.constant 0 : i32
    %broadcast_in_dim3A_2749 = vector.broadcast %jit3A_2747 : i32 to vector<16xi32>
    %broadcast_in_dim3A_2750 = vector.broadcast %jit3A_2748 : i32 to vector<16xi32>
    %select_n3A_2751 = arith.select %lt3A_2746, %broadcast_in_dim3A_2749, %broadcast_in_dim3A_2750 : vector<16xi1>, vector<16xi32>
    %reduce_sum3A_2752 = arith.constant true
    %reduce_sum3A_2753 = vector.broadcast %reduce_sum3A_2752 : i1 to vector<16xi1>
    %reduce_sum3A_2754 = tpu.scan <sum>, %select_n3A_2751 masked %reduce_sum3A_2753 : vector<16xi32>, vector<16xi1> -> vector<16xi32>
    %reduce_sum3A_2755 = vector.extract %reduce_sum3A_2754[15] : i32 from vector<16xi32>
    %add3A_2756 = arith.addi %add3A_2728, %reduce_sum3A_2755 : i32
    %rev3A_2757 = arith.constant 15 : i32
    %rev3A_2758 = vector.broadcast %rev3A_2757 : i32 to vector<16xi32>
    %rev3A_2759 = tpu.iota {dimensions = array<i32: 0>} : vector<16xi32>
    %rev3A_2760 = arith.subi %rev3A_2758, %rev3A_2759 : vector<16xi32>
    %rev3A_2761 = tpu.dynamic_gather %get3A_2566[%rev3A_2760] in [0] : vector<16xi32>, vector<16xi32> -> vector<16xi32>
    %cumsum3A_2762 = arith.constant true
    %cumsum3A_2763 = vector.broadcast %cumsum3A_2762 : i1 to vector<16xi1>
    %cumsum3A_2764 = tpu.scan <sum>, %rev3A_2761 masked %cumsum3A_2763 : vector<16xi32>, vector<16xi1> -> vector<16xi32>
    %rev3A_2765 = arith.constant 15 : i32
    %rev3A_2766 = vector.broadcast %rev3A_2765 : i32 to vector<16xi32>
    %rev3A_2767 = tpu.iota {dimensions = array<i32: 0>} : vector<16xi32>
    %rev3A_2768 = arith.subi %rev3A_2766, %rev3A_2767 : vector<16xi32>
    %rev3A_2769 = tpu.dynamic_gather %cumsum3A_2764[%rev3A_2768] in [0] : vector<16xi32>, vector<16xi32> -> vector<16xi32>
    %sub3A_2770 = arith.subi %rev3A_2769, %get3A_2566 : vector<16xi32>
    %add3A_2771 = vector.broadcast %add3A_2667 : i32 to vector<16xi32>
    %add3A_2772 = arith.addi %sub3A_2770, %add3A_2771 : vector<16xi32>
    %lt3A_2773 = vector.broadcast %sub3A_2505 : i32 to vector<16xi32>
    %lt3A_2774 = arith.cmpi slt, %add3A_2772, %lt3A_2773 : vector<16xi32>
    %jit3A_2775 = arith.constant 1 : i32
    %jit3A_2776 = arith.constant 0 : i32
    %broadcast_in_dim3A_2777 = vector.broadcast %jit3A_2775 : i32 to vector<16xi32>
    %broadcast_in_dim3A_2778 = vector.broadcast %jit3A_2776 : i32 to vector<16xi32>
    %select_n3A_2779 = arith.select %lt3A_2774, %broadcast_in_dim3A_2777, %broadcast_in_dim3A_2778 : vector<16xi1>, vector<16xi32>
    %reduce_sum3A_2780 = arith.constant true
    %reduce_sum3A_2781 = vector.broadcast %reduce_sum3A_2780 : i1 to vector<16xi1>
    %reduce_sum3A_2782 = tpu.scan <sum>, %select_n3A_2779 masked %reduce_sum3A_2781 : vector<16xi32>, vector<16xi1> -> vector<16xi32>
    %reduce_sum3A_2783 = vector.extract %reduce_sum3A_2782[15] : i32 from vector<16xi32>
    %add3A_2784 = arith.addi %add3A_2756, %reduce_sum3A_2783 : i32
    %rev3A_2785 = arith.constant 15 : i32
    %rev3A_2786 = vector.broadcast %rev3A_2785 : i32 to vector<16xi32>
    %rev3A_2787 = tpu.iota {dimensions = array<i32: 0>} : vector<16xi32>
    %rev3A_2788 = arith.subi %rev3A_2786, %rev3A_2787 : vector<16xi32>
    %rev3A_2789 = tpu.dynamic_gather %get3A_2568[%rev3A_2788] in [0] : vector<16xi32>, vector<16xi32> -> vector<16xi32>
    %cumsum3A_2790 = arith.constant true
    %cumsum3A_2791 = vector.broadcast %cumsum3A_2790 : i1 to vector<16xi1>
    %cumsum3A_2792 = tpu.scan <sum>, %rev3A_2789 masked %cumsum3A_2791 : vector<16xi32>, vector<16xi1> -> vector<16xi32>
    %rev3A_2793 = arith.constant 15 : i32
    %rev3A_2794 = vector.broadcast %rev3A_2793 : i32 to vector<16xi32>
    %rev3A_2795 = tpu.iota {dimensions = array<i32: 0>} : vector<16xi32>
    %rev3A_2796 = arith.subi %rev3A_2794, %rev3A_2795 : vector<16xi32>
    %rev3A_2797 = tpu.dynamic_gather %cumsum3A_2792[%rev3A_2796] in [0] : vector<16xi32>, vector<16xi32> -> vector<16xi32>
    %sub3A_2798 = arith.subi %rev3A_2797, %get3A_2568 : vector<16xi32>
    %add3A_2799 = vector.broadcast %add3A_2666 : i32 to vector<16xi32>
    %add3A_2800 = arith.addi %sub3A_2798, %add3A_2799 : vector<16xi32>
    %lt3A_2801 = vector.broadcast %sub3A_2505 : i32 to vector<16xi32>
    %lt3A_2802 = arith.cmpi slt, %add3A_2800, %lt3A_2801 : vector<16xi32>
    %jit3A_2803 = arith.constant 1 : i32
    %jit3A_2804 = arith.constant 0 : i32
    %broadcast_in_dim3A_2805 = vector.broadcast %jit3A_2803 : i32 to vector<16xi32>
    %broadcast_in_dim3A_2806 = vector.broadcast %jit3A_2804 : i32 to vector<16xi32>
    %select_n3A_2807 = arith.select %lt3A_2802, %broadcast_in_dim3A_2805, %broadcast_in_dim3A_2806 : vector<16xi1>, vector<16xi32>
    %reduce_sum3A_2808 = arith.constant true
    %reduce_sum3A_2809 = vector.broadcast %reduce_sum3A_2808 : i1 to vector<16xi1>
    %reduce_sum3A_2810 = tpu.scan <sum>, %select_n3A_2807 masked %reduce_sum3A_2809 : vector<16xi32>, vector<16xi1> -> vector<16xi32>
    %reduce_sum3A_2811 = vector.extract %reduce_sum3A_2810[15] : i32 from vector<16xi32>
    %add3A_2812 = arith.addi %add3A_2784, %reduce_sum3A_2811 : i32
    %rev3A_2813 = arith.constant 15 : i32
    %rev3A_2814 = vector.broadcast %rev3A_2813 : i32 to vector<16xi32>
    %rev3A_2815 = tpu.iota {dimensions = array<i32: 0>} : vector<16xi32>
    %rev3A_2816 = arith.subi %rev3A_2814, %rev3A_2815 : vector<16xi32>
    %rev3A_2817 = tpu.dynamic_gather %get3A_2570[%rev3A_2816] in [0] : vector<16xi32>, vector<16xi32> -> vector<16xi32>
    %cumsum3A_2818 = arith.constant true
    %cumsum3A_2819 = vector.broadcast %cumsum3A_2818 : i1 to vector<16xi1>
    %cumsum3A_2820 = tpu.scan <sum>, %rev3A_2817 masked %cumsum3A_2819 : vector<16xi32>, vector<16xi1> -> vector<16xi32>
    %rev3A_2821 = arith.constant 15 : i32
    %rev3A_2822 = vector.broadcast %rev3A_2821 : i32 to vector<16xi32>
    %rev3A_2823 = tpu.iota {dimensions = array<i32: 0>} : vector<16xi32>
    %rev3A_2824 = arith.subi %rev3A_2822, %rev3A_2823 : vector<16xi32>
    %rev3A_2825 = tpu.dynamic_gather %cumsum3A_2820[%rev3A_2824] in [0] : vector<16xi32>, vector<16xi32> -> vector<16xi32>
    %sub3A_2826 = arith.subi %rev3A_2825, %get3A_2570 : vector<16xi32>
    %add3A_2827 = vector.broadcast %add3A_2665 : i32 to vector<16xi32>
    %add3A_2828 = arith.addi %sub3A_2826, %add3A_2827 : vector<16xi32>
    %lt3A_2829 = vector.broadcast %sub3A_2505 : i32 to vector<16xi32>
    %lt3A_2830 = arith.cmpi slt, %add3A_2828, %lt3A_2829 : vector<16xi32>
    %jit3A_2831 = arith.constant 1 : i32
    %jit3A_2832 = arith.constant 0 : i32
    %broadcast_in_dim3A_2833 = vector.broadcast %jit3A_2831 : i32 to vector<16xi32>
    %broadcast_in_dim3A_2834 = vector.broadcast %jit3A_2832 : i32 to vector<16xi32>
    %select_n3A_2835 = arith.select %lt3A_2830, %broadcast_in_dim3A_2833, %broadcast_in_dim3A_2834 : vector<16xi1>, vector<16xi32>
    %reduce_sum3A_2836 = arith.constant true
    %reduce_sum3A_2837 = vector.broadcast %reduce_sum3A_2836 : i1 to vector<16xi1>
    %reduce_sum3A_2838 = tpu.scan <sum>, %select_n3A_2835 masked %reduce_sum3A_2837 : vector<16xi32>, vector<16xi1> -> vector<16xi32>
    %reduce_sum3A_2839 = vector.extract %reduce_sum3A_2838[15] : i32 from vector<16xi32>
    %add3A_2840 = arith.addi %add3A_2812, %reduce_sum3A_2839 : i32
    %rev3A_2841 = arith.constant 15 : i32
    %rev3A_2842 = vector.broadcast %rev3A_2841 : i32 to vector<16xi32>
    %rev3A_2843 = tpu.iota {dimensions = array<i32: 0>} : vector<16xi32>
    %rev3A_2844 = arith.subi %rev3A_2842, %rev3A_2843 : vector<16xi32>
    %rev3A_2845 = tpu.dynamic_gather %get3A_2572[%rev3A_2844] in [0] : vector<16xi32>, vector<16xi32> -> vector<16xi32>
    %cumsum3A_2846 = arith.constant true
    %cumsum3A_2847 = vector.broadcast %cumsum3A_2846 : i1 to vector<16xi1>
    %cumsum3A_2848 = tpu.scan <sum>, %rev3A_2845 masked %cumsum3A_2847 : vector<16xi32>, vector<16xi1> -> vector<16xi32>
    %rev3A_2849 = arith.constant 15 : i32
    %rev3A_2850 = vector.broadcast %rev3A_2849 : i32 to vector<16xi32>
    %rev3A_2851 = tpu.iota {dimensions = array<i32: 0>} : vector<16xi32>
    %rev3A_2852 = arith.subi %rev3A_2850, %rev3A_2851 : vector<16xi32>
    %rev3A_2853 = tpu.dynamic_gather %cumsum3A_2848[%rev3A_2852] in [0] : vector<16xi32>, vector<16xi32> -> vector<16xi32>
    %sub3A_2854 = arith.subi %rev3A_2853, %get3A_2572 : vector<16xi32>
    %add3A_2855 = vector.broadcast %add3A_2664 : i32 to vector<16xi32>
    %add3A_2856 = arith.addi %sub3A_2854, %add3A_2855 : vector<16xi32>
    %lt3A_2857 = vector.broadcast %sub3A_2505 : i32 to vector<16xi32>
    %lt3A_2858 = arith.cmpi slt, %add3A_2856, %lt3A_2857 : vector<16xi32>
    %jit3A_2859 = arith.constant 1 : i32
    %jit3A_2860 = arith.constant 0 : i32
    %broadcast_in_dim3A_2861 = vector.broadcast %jit3A_2859 : i32 to vector<16xi32>
    %broadcast_in_dim3A_2862 = vector.broadcast %jit3A_2860 : i32 to vector<16xi32>
    %select_n3A_2863 = arith.select %lt3A_2858, %broadcast_in_dim3A_2861, %broadcast_in_dim3A_2862 : vector<16xi1>, vector<16xi32>
    %reduce_sum3A_2864 = arith.constant true
    %reduce_sum3A_2865 = vector.broadcast %reduce_sum3A_2864 : i1 to vector<16xi1>
    %reduce_sum3A_2866 = tpu.scan <sum>, %select_n3A_2863 masked %reduce_sum3A_2865 : vector<16xi32>, vector<16xi1> -> vector<16xi32>
    %reduce_sum3A_2867 = vector.extract %reduce_sum3A_2866[15] : i32 from vector<16xi32>
    %add3A_2868 = arith.addi %add3A_2840, %reduce_sum3A_2867 : i32
    %rev3A_2869 = arith.constant 15 : i32
    %rev3A_2870 = vector.broadcast %rev3A_2869 : i32 to vector<16xi32>
    %rev3A_2871 = tpu.iota {dimensions = array<i32: 0>} : vector<16xi32>
    %rev3A_2872 = arith.subi %rev3A_2870, %rev3A_2871 : vector<16xi32>
    %rev3A_2873 = tpu.dynamic_gather %get3A_2574[%rev3A_2872] in [0] : vector<16xi32>, vector<16xi32> -> vector<16xi32>
    %cumsum3A_2874 = arith.constant true
    %cumsum3A_2875 = vector.broadcast %cumsum3A_2874 : i1 to vector<16xi1>
    %cumsum3A_2876 = tpu.scan <sum>, %rev3A_2873 masked %cumsum3A_2875 : vector<16xi32>, vector<16xi1> -> vector<16xi32>
    %rev3A_2877 = arith.constant 15 : i32
    %rev3A_2878 = vector.broadcast %rev3A_2877 : i32 to vector<16xi32>
    %rev3A_2879 = tpu.iota {dimensions = array<i32: 0>} : vector<16xi32>
    %rev3A_2880 = arith.subi %rev3A_2878, %rev3A_2879 : vector<16xi32>
    %rev3A_2881 = tpu.dynamic_gather %cumsum3A_2876[%rev3A_2880] in [0] : vector<16xi32>, vector<16xi32> -> vector<16xi32>
    %sub3A_2882 = arith.subi %rev3A_2881, %get3A_2574 : vector<16xi32>
    %add3A_2883 = vector.broadcast %add3A_2663 : i32 to vector<16xi32>
    %add3A_2884 = arith.addi %sub3A_2882, %add3A_2883 : vector<16xi32>
    %lt3A_2885 = vector.broadcast %sub3A_2505 : i32 to vector<16xi32>
    %lt3A_2886 = arith.cmpi slt, %add3A_2884, %lt3A_2885 : vector<16xi32>
    %jit3A_2887 = arith.constant 1 : i32
    %jit3A_2888 = arith.constant 0 : i32
    %broadcast_in_dim3A_2889 = vector.broadcast %jit3A_2887 : i32 to vector<16xi32>
    %broadcast_in_dim3A_2890 = vector.broadcast %jit3A_2888 : i32 to vector<16xi32>
    %select_n3A_2891 = arith.select %lt3A_2886, %broadcast_in_dim3A_2889, %broadcast_in_dim3A_2890 : vector<16xi1>, vector<16xi32>
    %reduce_sum3A_2892 = arith.constant true
    %reduce_sum3A_2893 = vector.broadcast %reduce_sum3A_2892 : i1 to vector<16xi1>
    %reduce_sum3A_2894 = tpu.scan <sum>, %select_n3A_2891 masked %reduce_sum3A_2893 : vector<16xi32>, vector<16xi1> -> vector<16xi32>
    %reduce_sum3A_2895 = vector.extract %reduce_sum3A_2894[15] : i32 from vector<16xi32>
    %add3A_2896 = arith.addi %add3A_2868, %reduce_sum3A_2895 : i32
    %rev3A_2897 = arith.constant 15 : i32
    %rev3A_2898 = vector.broadcast %rev3A_2897 : i32 to vector<16xi32>
    %rev3A_2899 = tpu.iota {dimensions = array<i32: 0>} : vector<16xi32>
    %rev3A_2900 = arith.subi %rev3A_2898, %rev3A_2899 : vector<16xi32>
    %rev3A_2901 = tpu.dynamic_gather %get3A_2576[%rev3A_2900] in [0] : vector<16xi32>, vector<16xi32> -> vector<16xi32>
    %cumsum3A_2902 = arith.constant true
    %cumsum3A_2903 = vector.broadcast %cumsum3A_2902 : i1 to vector<16xi1>
    %cumsum3A_2904 = tpu.scan <sum>, %rev3A_2901 masked %cumsum3A_2903 : vector<16xi32>, vector<16xi1> -> vector<16xi32>
    %rev3A_2905 = arith.constant 15 : i32
    %rev3A_2906 = vector.broadcast %rev3A_2905 : i32 to vector<16xi32>
    %rev3A_2907 = tpu.iota {dimensions = array<i32: 0>} : vector<16xi32>
    %rev3A_2908 = arith.subi %rev3A_2906, %rev3A_2907 : vector<16xi32>
    %rev3A_2909 = tpu.dynamic_gather %cumsum3A_2904[%rev3A_2908] in [0] : vector<16xi32>, vector<16xi32> -> vector<16xi32>
    %sub3A_2910 = arith.subi %rev3A_2909, %get3A_2576 : vector<16xi32>
    %add3A_2911 = vector.broadcast %add3A_2662 : i32 to vector<16xi32>
    %add3A_2912 = arith.addi %sub3A_2910, %add3A_2911 : vector<16xi32>
    %lt3A_2913 = vector.broadcast %sub3A_2505 : i32 to vector<16xi32>
    %lt3A_2914 = arith.cmpi slt, %add3A_2912, %lt3A_2913 : vector<16xi32>
    %jit3A_2915 = arith.constant 1 : i32
    %jit3A_2916 = arith.constant 0 : i32
    %broadcast_in_dim3A_2917 = vector.broadcast %jit3A_2915 : i32 to vector<16xi32>
    %broadcast_in_dim3A_2918 = vector.broadcast %jit3A_2916 : i32 to vector<16xi32>
    %select_n3A_2919 = arith.select %lt3A_2914, %broadcast_in_dim3A_2917, %broadcast_in_dim3A_2918 : vector<16xi1>, vector<16xi32>
    %reduce_sum3A_2920 = arith.constant true
    %reduce_sum3A_2921 = vector.broadcast %reduce_sum3A_2920 : i1 to vector<16xi1>
    %reduce_sum3A_2922 = tpu.scan <sum>, %select_n3A_2919 masked %reduce_sum3A_2921 : vector<16xi32>, vector<16xi1> -> vector<16xi32>
    %reduce_sum3A_2923 = vector.extract %reduce_sum3A_2922[15] : i32 from vector<16xi32>
    %add3A_2924 = arith.addi %add3A_2896, %reduce_sum3A_2923 : i32
    %rev3A_2925 = arith.constant 15 : i32
    %rev3A_2926 = vector.broadcast %rev3A_2925 : i32 to vector<16xi32>
    %rev3A_2927 = tpu.iota {dimensions = array<i32: 0>} : vector<16xi32>
    %rev3A_2928 = arith.subi %rev3A_2926, %rev3A_2927 : vector<16xi32>
    %rev3A_2929 = tpu.dynamic_gather %get3A_2578[%rev3A_2928] in [0] : vector<16xi32>, vector<16xi32> -> vector<16xi32>
    %cumsum3A_2930 = arith.constant true
    %cumsum3A_2931 = vector.broadcast %cumsum3A_2930 : i1 to vector<16xi1>
    %cumsum3A_2932 = tpu.scan <sum>, %rev3A_2929 masked %cumsum3A_2931 : vector<16xi32>, vector<16xi1> -> vector<16xi32>
    %rev3A_2933 = arith.constant 15 : i32
    %rev3A_2934 = vector.broadcast %rev3A_2933 : i32 to vector<16xi32>
    %rev3A_2935 = tpu.iota {dimensions = array<i32: 0>} : vector<16xi32>
    %rev3A_2936 = arith.subi %rev3A_2934, %rev3A_2935 : vector<16xi32>
    %rev3A_2937 = tpu.dynamic_gather %cumsum3A_2932[%rev3A_2936] in [0] : vector<16xi32>, vector<16xi32> -> vector<16xi32>
    %sub3A_2938 = arith.subi %rev3A_2937, %get3A_2578 : vector<16xi32>
    %add3A_2939 = vector.broadcast %add3A_2661 : i32 to vector<16xi32>
    %add3A_2940 = arith.addi %sub3A_2938, %add3A_2939 : vector<16xi32>
    %lt3A_2941 = vector.broadcast %sub3A_2505 : i32 to vector<16xi32>
    %lt3A_2942 = arith.cmpi slt, %add3A_2940, %lt3A_2941 : vector<16xi32>
    %jit3A_2943 = arith.constant 1 : i32
    %jit3A_2944 = arith.constant 0 : i32
    %broadcast_in_dim3A_2945 = vector.broadcast %jit3A_2943 : i32 to vector<16xi32>
    %broadcast_in_dim3A_2946 = vector.broadcast %jit3A_2944 : i32 to vector<16xi32>
    %select_n3A_2947 = arith.select %lt3A_2942, %broadcast_in_dim3A_2945, %broadcast_in_dim3A_2946 : vector<16xi1>, vector<16xi32>
    %reduce_sum3A_2948 = arith.constant true
    %reduce_sum3A_2949 = vector.broadcast %reduce_sum3A_2948 : i1 to vector<16xi1>
    %reduce_sum3A_2950 = tpu.scan <sum>, %select_n3A_2947 masked %reduce_sum3A_2949 : vector<16xi32>, vector<16xi1> -> vector<16xi32>
    %reduce_sum3A_2951 = vector.extract %reduce_sum3A_2950[15] : i32 from vector<16xi32>
    %add3A_2952 = arith.addi %add3A_2924, %reduce_sum3A_2951 : i32
    %rev3A_2953 = arith.constant 15 : i32
    %rev3A_2954 = vector.broadcast %rev3A_2953 : i32 to vector<16xi32>
    %rev3A_2955 = tpu.iota {dimensions = array<i32: 0>} : vector<16xi32>
    %rev3A_2956 = arith.subi %rev3A_2954, %rev3A_2955 : vector<16xi32>
    %rev3A_2957 = tpu.dynamic_gather %get3A_2580[%rev3A_2956] in [0] : vector<16xi32>, vector<16xi32> -> vector<16xi32>
    %cumsum3A_2958 = arith.constant true
    %cumsum3A_2959 = vector.broadcast %cumsum3A_2958 : i1 to vector<16xi1>
    %cumsum3A_2960 = tpu.scan <sum>, %rev3A_2957 masked %cumsum3A_2959 : vector<16xi32>, vector<16xi1> -> vector<16xi32>
    %rev3A_2961 = arith.constant 15 : i32
    %rev3A_2962 = vector.broadcast %rev3A_2961 : i32 to vector<16xi32>
    %rev3A_2963 = tpu.iota {dimensions = array<i32: 0>} : vector<16xi32>
    %rev3A_2964 = arith.subi %rev3A_2962, %rev3A_2963 : vector<16xi32>
    %rev3A_2965 = tpu.dynamic_gather %cumsum3A_2960[%rev3A_2964] in [0] : vector<16xi32>, vector<16xi32> -> vector<16xi32>
    %sub3A_2966 = arith.subi %rev3A_2965, %get3A_2580 : vector<16xi32>
    %add3A_2967 = vector.broadcast %add3A_2660 : i32 to vector<16xi32>
    %add3A_2968 = arith.addi %sub3A_2966, %add3A_2967 : vector<16xi32>
    %lt3A_2969 = vector.broadcast %sub3A_2505 : i32 to vector<16xi32>
    %lt3A_2970 = arith.cmpi slt, %add3A_2968, %lt3A_2969 : vector<16xi32>
    %jit3A_2971 = arith.constant 1 : i32
    %jit3A_2972 = arith.constant 0 : i32
    %broadcast_in_dim3A_2973 = vector.broadcast %jit3A_2971 : i32 to vector<16xi32>
    %broadcast_in_dim3A_2974 = vector.broadcast %jit3A_2972 : i32 to vector<16xi32>
    %select_n3A_2975 = arith.select %lt3A_2970, %broadcast_in_dim3A_2973, %broadcast_in_dim3A_2974 : vector<16xi1>, vector<16xi32>
    %reduce_sum3A_2976 = arith.constant true
    %reduce_sum3A_2977 = vector.broadcast %reduce_sum3A_2976 : i1 to vector<16xi1>
    %reduce_sum3A_2978 = tpu.scan <sum>, %select_n3A_2975 masked %reduce_sum3A_2977 : vector<16xi32>, vector<16xi1> -> vector<16xi32>
    %reduce_sum3A_2979 = vector.extract %reduce_sum3A_2978[15] : i32 from vector<16xi32>
    %add3A_2980 = arith.addi %add3A_2952, %reduce_sum3A_2979 : i32
    %rev3A_2981 = arith.constant 15 : i32
    %rev3A_2982 = vector.broadcast %rev3A_2981 : i32 to vector<16xi32>
    %rev3A_2983 = tpu.iota {dimensions = array<i32: 0>} : vector<16xi32>
    %rev3A_2984 = arith.subi %rev3A_2982, %rev3A_2983 : vector<16xi32>
    %rev3A_2985 = tpu.dynamic_gather %get3A_2582[%rev3A_2984] in [0] : vector<16xi32>, vector<16xi32> -> vector<16xi32>
    %cumsum3A_2986 = arith.constant true
    %cumsum3A_2987 = vector.broadcast %cumsum3A_2986 : i1 to vector<16xi1>
    %cumsum3A_2988 = tpu.scan <sum>, %rev3A_2985 masked %cumsum3A_2987 : vector<16xi32>, vector<16xi1> -> vector<16xi32>
    %rev3A_2989 = arith.constant 15 : i32
    %rev3A_2990 = vector.broadcast %rev3A_2989 : i32 to vector<16xi32>
    %rev3A_2991 = tpu.iota {dimensions = array<i32: 0>} : vector<16xi32>
    %rev3A_2992 = arith.subi %rev3A_2990, %rev3A_2991 : vector<16xi32>
    %rev3A_2993 = tpu.dynamic_gather %cumsum3A_2988[%rev3A_2992] in [0] : vector<16xi32>, vector<16xi32> -> vector<16xi32>
    %sub3A_2994 = arith.subi %rev3A_2993, %get3A_2582 : vector<16xi32>
    %add3A_2995 = vector.broadcast %add3A_2659 : i32 to vector<16xi32>
    %add3A_2996 = arith.addi %sub3A_2994, %add3A_2995 : vector<16xi32>
    %lt3A_2997 = vector.broadcast %sub3A_2505 : i32 to vector<16xi32>
    %lt3A_2998 = arith.cmpi slt, %add3A_2996, %lt3A_2997 : vector<16xi32>
    %jit3A_2999 = arith.constant 1 : i32
    %jit3A_3000 = arith.constant 0 : i32
    %broadcast_in_dim3A_3001 = vector.broadcast %jit3A_2999 : i32 to vector<16xi32>
    %broadcast_in_dim3A_3002 = vector.broadcast %jit3A_3000 : i32 to vector<16xi32>
    %select_n3A_3003 = arith.select %lt3A_2998, %broadcast_in_dim3A_3001, %broadcast_in_dim3A_3002 : vector<16xi1>, vector<16xi32>
    %reduce_sum3A_3004 = arith.constant true
    %reduce_sum3A_3005 = vector.broadcast %reduce_sum3A_3004 : i1 to vector<16xi1>
    %reduce_sum3A_3006 = tpu.scan <sum>, %select_n3A_3003 masked %reduce_sum3A_3005 : vector<16xi32>, vector<16xi1> -> vector<16xi32>
    %reduce_sum3A_3007 = vector.extract %reduce_sum3A_3006[15] : i32 from vector<16xi32>
    %add3A_3008 = arith.addi %add3A_2980, %reduce_sum3A_3007 : i32
    %rev3A_3009 = arith.constant 15 : i32
    %rev3A_3010 = vector.broadcast %rev3A_3009 : i32 to vector<16xi32>
    %rev3A_3011 = tpu.iota {dimensions = array<i32: 0>} : vector<16xi32>
    %rev3A_3012 = arith.subi %rev3A_3010, %rev3A_3011 : vector<16xi32>
    %rev3A_3013 = tpu.dynamic_gather %get3A_2584[%rev3A_3012] in [0] : vector<16xi32>, vector<16xi32> -> vector<16xi32>
    %cumsum3A_3014 = arith.constant true
    %cumsum3A_3015 = vector.broadcast %cumsum3A_3014 : i1 to vector<16xi1>
    %cumsum3A_3016 = tpu.scan <sum>, %rev3A_3013 masked %cumsum3A_3015 : vector<16xi32>, vector<16xi1> -> vector<16xi32>
    %rev3A_3017 = arith.constant 15 : i32
    %rev3A_3018 = vector.broadcast %rev3A_3017 : i32 to vector<16xi32>
    %rev3A_3019 = tpu.iota {dimensions = array<i32: 0>} : vector<16xi32>
    %rev3A_3020 = arith.subi %rev3A_3018, %rev3A_3019 : vector<16xi32>
    %rev3A_3021 = tpu.dynamic_gather %cumsum3A_3016[%rev3A_3020] in [0] : vector<16xi32>, vector<16xi32> -> vector<16xi32>
    %sub3A_3022 = arith.subi %rev3A_3021, %get3A_2584 : vector<16xi32>
    %add3A_3023 = vector.broadcast %add3A_2658 : i32 to vector<16xi32>
    %add3A_3024 = arith.addi %sub3A_3022, %add3A_3023 : vector<16xi32>
    %lt3A_3025 = vector.broadcast %sub3A_2505 : i32 to vector<16xi32>
    %lt3A_3026 = arith.cmpi slt, %add3A_3024, %lt3A_3025 : vector<16xi32>
    %jit3A_3027 = arith.constant 1 : i32
    %jit3A_3028 = arith.constant 0 : i32
    %broadcast_in_dim3A_3029 = vector.broadcast %jit3A_3027 : i32 to vector<16xi32>
    %broadcast_in_dim3A_3030 = vector.broadcast %jit3A_3028 : i32 to vector<16xi32>
    %select_n3A_3031 = arith.select %lt3A_3026, %broadcast_in_dim3A_3029, %broadcast_in_dim3A_3030 : vector<16xi1>, vector<16xi32>
    %reduce_sum3A_3032 = arith.constant true
    %reduce_sum3A_3033 = vector.broadcast %reduce_sum3A_3032 : i1 to vector<16xi1>
    %reduce_sum3A_3034 = tpu.scan <sum>, %select_n3A_3031 masked %reduce_sum3A_3033 : vector<16xi32>, vector<16xi1> -> vector<16xi32>
    %reduce_sum3A_3035 = vector.extract %reduce_sum3A_3034[15] : i32 from vector<16xi32>
    %add3A_3036 = arith.addi %add3A_3008, %reduce_sum3A_3035 : i32
    %rev3A_3037 = arith.constant 15 : i32
    %rev3A_3038 = vector.broadcast %rev3A_3037 : i32 to vector<16xi32>
    %rev3A_3039 = tpu.iota {dimensions = array<i32: 0>} : vector<16xi32>
    %rev3A_3040 = arith.subi %rev3A_3038, %rev3A_3039 : vector<16xi32>
    %rev3A_3041 = tpu.dynamic_gather %get3A_2586[%rev3A_3040] in [0] : vector<16xi32>, vector<16xi32> -> vector<16xi32>
    %cumsum3A_3042 = arith.constant true
    %cumsum3A_3043 = vector.broadcast %cumsum3A_3042 : i1 to vector<16xi1>
    %cumsum3A_3044 = tpu.scan <sum>, %rev3A_3041 masked %cumsum3A_3043 : vector<16xi32>, vector<16xi1> -> vector<16xi32>
    %rev3A_3045 = arith.constant 15 : i32
    %rev3A_3046 = vector.broadcast %rev3A_3045 : i32 to vector<16xi32>
    %rev3A_3047 = tpu.iota {dimensions = array<i32: 0>} : vector<16xi32>
    %rev3A_3048 = arith.subi %rev3A_3046, %rev3A_3047 : vector<16xi32>
    %rev3A_3049 = tpu.dynamic_gather %cumsum3A_3044[%rev3A_3048] in [0] : vector<16xi32>, vector<16xi32> -> vector<16xi32>
    %sub3A_3050 = arith.subi %rev3A_3049, %get3A_2586 : vector<16xi32>
    %add3A_3051 = vector.broadcast %add3A_2657 : i32 to vector<16xi32>
    %add3A_3052 = arith.addi %sub3A_3050, %add3A_3051 : vector<16xi32>
    %lt3A_3053 = vector.broadcast %sub3A_2505 : i32 to vector<16xi32>
    %lt3A_3054 = arith.cmpi slt, %add3A_3052, %lt3A_3053 : vector<16xi32>
    %jit3A_3055 = arith.constant 1 : i32
    %jit3A_3056 = arith.constant 0 : i32
    %broadcast_in_dim3A_3057 = vector.broadcast %jit3A_3055 : i32 to vector<16xi32>
    %broadcast_in_dim3A_3058 = vector.broadcast %jit3A_3056 : i32 to vector<16xi32>
    %select_n3A_3059 = arith.select %lt3A_3054, %broadcast_in_dim3A_3057, %broadcast_in_dim3A_3058 : vector<16xi1>, vector<16xi32>
    %reduce_sum3A_3060 = arith.constant true
    %reduce_sum3A_3061 = vector.broadcast %reduce_sum3A_3060 : i1 to vector<16xi1>
    %reduce_sum3A_3062 = tpu.scan <sum>, %select_n3A_3059 masked %reduce_sum3A_3061 : vector<16xi32>, vector<16xi1> -> vector<16xi32>
    %reduce_sum3A_3063 = vector.extract %reduce_sum3A_3062[15] : i32 from vector<16xi32>
    %add3A_3064 = arith.addi %add3A_3036, %reduce_sum3A_3063 : i32
    %rev3A_3065 = arith.constant 15 : i32
    %rev3A_3066 = vector.broadcast %rev3A_3065 : i32 to vector<16xi32>
    %rev3A_3067 = tpu.iota {dimensions = array<i32: 0>} : vector<16xi32>
    %rev3A_3068 = arith.subi %rev3A_3066, %rev3A_3067 : vector<16xi32>
    %rev3A_3069 = tpu.dynamic_gather %get3A_2588[%rev3A_3068] in [0] : vector<16xi32>, vector<16xi32> -> vector<16xi32>
    %cumsum3A_3070 = arith.constant true
    %cumsum3A_3071 = vector.broadcast %cumsum3A_3070 : i1 to vector<16xi1>
    %cumsum3A_3072 = tpu.scan <sum>, %rev3A_3069 masked %cumsum3A_3071 : vector<16xi32>, vector<16xi1> -> vector<16xi32>
    %rev3A_3073 = arith.constant 15 : i32
    %rev3A_3074 = vector.broadcast %rev3A_3073 : i32 to vector<16xi32>
    %rev3A_3075 = tpu.iota {dimensions = array<i32: 0>} : vector<16xi32>
    %rev3A_3076 = arith.subi %rev3A_3074, %rev3A_3075 : vector<16xi32>
    %rev3A_3077 = tpu.dynamic_gather %cumsum3A_3072[%rev3A_3076] in [0] : vector<16xi32>, vector<16xi32> -> vector<16xi32>
    %sub3A_3078 = arith.subi %rev3A_3077, %get3A_2588 : vector<16xi32>
    %add3A_3079 = vector.broadcast %add3A_2656 : i32 to vector<16xi32>
    %add3A_3080 = arith.addi %sub3A_3078, %add3A_3079 : vector<16xi32>
    %lt3A_3081 = vector.broadcast %sub3A_2505 : i32 to vector<16xi32>
    %lt3A_3082 = arith.cmpi slt, %add3A_3080, %lt3A_3081 : vector<16xi32>
    %jit3A_3083 = arith.constant 1 : i32
    %jit3A_3084 = arith.constant 0 : i32
    %broadcast_in_dim3A_3085 = vector.broadcast %jit3A_3083 : i32 to vector<16xi32>
    %broadcast_in_dim3A_3086 = vector.broadcast %jit3A_3084 : i32 to vector<16xi32>
    %select_n3A_3087 = arith.select %lt3A_3082, %broadcast_in_dim3A_3085, %broadcast_in_dim3A_3086 : vector<16xi1>, vector<16xi32>
    %reduce_sum3A_3088 = arith.constant true
    %reduce_sum3A_3089 = vector.broadcast %reduce_sum3A_3088 : i1 to vector<16xi1>
    %reduce_sum3A_3090 = tpu.scan <sum>, %select_n3A_3087 masked %reduce_sum3A_3089 : vector<16xi32>, vector<16xi1> -> vector<16xi32>
    %reduce_sum3A_3091 = vector.extract %reduce_sum3A_3090[15] : i32 from vector<16xi32>
    %add3A_3092 = arith.addi %add3A_3064, %reduce_sum3A_3091 : i32
    %rev3A_3093 = arith.constant 15 : i32
    %rev3A_3094 = vector.broadcast %rev3A_3093 : i32 to vector<16xi32>
    %rev3A_3095 = tpu.iota {dimensions = array<i32: 0>} : vector<16xi32>
    %rev3A_3096 = arith.subi %rev3A_3094, %rev3A_3095 : vector<16xi32>
    %rev3A_3097 = tpu.dynamic_gather %get3A_2590[%rev3A_3096] in [0] : vector<16xi32>, vector<16xi32> -> vector<16xi32>
    %cumsum3A_3098 = arith.constant true
    %cumsum3A_3099 = vector.broadcast %cumsum3A_3098 : i1 to vector<16xi1>
    %cumsum3A_3100 = tpu.scan <sum>, %rev3A_3097 masked %cumsum3A_3099 : vector<16xi32>, vector<16xi1> -> vector<16xi32>
    %rev3A_3101 = arith.constant 15 : i32
    %rev3A_3102 = vector.broadcast %rev3A_3101 : i32 to vector<16xi32>
    %rev3A_3103 = tpu.iota {dimensions = array<i32: 0>} : vector<16xi32>
    %rev3A_3104 = arith.subi %rev3A_3102, %rev3A_3103 : vector<16xi32>
    %rev3A_3105 = tpu.dynamic_gather %cumsum3A_3100[%rev3A_3104] in [0] : vector<16xi32>, vector<16xi32> -> vector<16xi32>
    %sub3A_3106 = arith.subi %rev3A_3105, %get3A_2590 : vector<16xi32>
    %add3A_3107 = arith.constant 0 : i32
    %add3A_3108 = vector.broadcast %add3A_3107 : i32 to vector<16xi32>
    %add3A_3109 = arith.addi %sub3A_3106, %add3A_3108 : vector<16xi32>
    %lt3A_3110 = vector.broadcast %sub3A_2505 : i32 to vector<16xi32>
    %lt3A_3111 = arith.cmpi slt, %add3A_3109, %lt3A_3110 : vector<16xi32>
    %jit3A_3112 = arith.constant 1 : i32
    %jit3A_3113 = arith.constant 0 : i32
    %broadcast_in_dim3A_3114 = vector.broadcast %jit3A_3112 : i32 to vector<16xi32>
    %broadcast_in_dim3A_3115 = vector.broadcast %jit3A_3113 : i32 to vector<16xi32>
    %select_n3A_3116 = arith.select %lt3A_3111, %broadcast_in_dim3A_3114, %broadcast_in_dim3A_3115 : vector<16xi1>, vector<16xi32>
    %reduce_sum3A_3117 = arith.constant true
    %reduce_sum3A_3118 = vector.broadcast %reduce_sum3A_3117 : i1 to vector<16xi1>
    %reduce_sum3A_3119 = tpu.scan <sum>, %select_n3A_3116 masked %reduce_sum3A_3118 : vector<16xi32>, vector<16xi1> -> vector<16xi32>
    %reduce_sum3A_3120 = vector.extract %reduce_sum3A_3119[15] : i32 from vector<16xi32>
    %add3A_3121 = arith.addi %add3A_3092, %reduce_sum3A_3120 : i32
    %sub3A_3122 = arith.constant 256 : i32
    %sub3A_3123 = arith.subi %sub3A_3122, %add3A_3121 : i32
    %add3A_3124 = arith.constant 0 : i32
    %add3A_3125 = vector.broadcast %add3A_3124 : i32 to vector<16xi32>
    %add3A_3126 = arith.addi %add3A_3125, %iota3A : vector<16xi32>
    %gt3A_3127 = vector.broadcast %sub3A_3123 : i32 to vector<16xi32>
    %gt3A_3128 = arith.cmpi sgt, %add3A_3126, %gt3A_3127 : vector<16xi32>
    %jit3A_3129 = arith.constant 0 : i32
    %broadcast_in_dim3A_3130 = vector.broadcast %jit3A_3129 : i32 to vector<16xi32>
    %select_n3A_3131 = arith.select %gt3A_3128, %get3A_2560, %broadcast_in_dim3A_3130 : vector<16xi1>, vector<16xi32>
    %reduce_sum3A_3132 = arith.constant true
    %reduce_sum3A_3133 = vector.broadcast %reduce_sum3A_3132 : i1 to vector<16xi1>
    %reduce_sum3A_3134 = tpu.scan <sum>, %select_n3A_3131 masked %reduce_sum3A_3133 : vector<16xi32>, vector<16xi1> -> vector<16xi32>
    %reduce_sum3A_3135 = vector.extract %reduce_sum3A_3134[15] : i32 from vector<16xi32>
    %add3A_3136 = arith.constant 0 : i32
    %add3A_3137 = arith.addi %add3A_3136, %reduce_sum3A_3135 : i32
    %add3A_3138 = arith.constant 16 : i32
    %add3A_3139 = vector.broadcast %add3A_3138 : i32 to vector<16xi32>
    %add3A_3140 = arith.addi %add3A_3139, %iota3A : vector<16xi32>
    %gt3A_3141 = vector.broadcast %sub3A_3123 : i32 to vector<16xi32>
    %gt3A_3142 = arith.cmpi sgt, %add3A_3140, %gt3A_3141 : vector<16xi32>
    %jit3A_3143 = arith.constant 0 : i32
    %broadcast_in_dim3A_3144 = vector.broadcast %jit3A_3143 : i32 to vector<16xi32>
    %select_n3A_3145 = arith.select %gt3A_3142, %get3A_2562, %broadcast_in_dim3A_3144 : vector<16xi1>, vector<16xi32>
    %reduce_sum3A_3146 = arith.constant true
    %reduce_sum3A_3147 = vector.broadcast %reduce_sum3A_3146 : i1 to vector<16xi1>
    %reduce_sum3A_3148 = tpu.scan <sum>, %select_n3A_3145 masked %reduce_sum3A_3147 : vector<16xi32>, vector<16xi1> -> vector<16xi32>
    %reduce_sum3A_3149 = vector.extract %reduce_sum3A_3148[15] : i32 from vector<16xi32>
    %add3A_3150 = arith.addi %add3A_3137, %reduce_sum3A_3149 : i32
    %add3A_3151 = arith.constant 32 : i32
    %add3A_3152 = vector.broadcast %add3A_3151 : i32 to vector<16xi32>
    %add3A_3153 = arith.addi %add3A_3152, %iota3A : vector<16xi32>
    %gt3A_3154 = vector.broadcast %sub3A_3123 : i32 to vector<16xi32>
    %gt3A_3155 = arith.cmpi sgt, %add3A_3153, %gt3A_3154 : vector<16xi32>
    %jit3A_3156 = arith.constant 0 : i32
    %broadcast_in_dim3A_3157 = vector.broadcast %jit3A_3156 : i32 to vector<16xi32>
    %select_n3A_3158 = arith.select %gt3A_3155, %get3A_2564, %broadcast_in_dim3A_3157 : vector<16xi1>, vector<16xi32>
    %reduce_sum3A_3159 = arith.constant true
    %reduce_sum3A_3160 = vector.broadcast %reduce_sum3A_3159 : i1 to vector<16xi1>
    %reduce_sum3A_3161 = tpu.scan <sum>, %select_n3A_3158 masked %reduce_sum3A_3160 : vector<16xi32>, vector<16xi1> -> vector<16xi32>
    %reduce_sum3A_3162 = vector.extract %reduce_sum3A_3161[15] : i32 from vector<16xi32>
    %add3A_3163 = arith.addi %add3A_3150, %reduce_sum3A_3162 : i32
    %add3A_3164 = arith.constant 48 : i32
    %add3A_3165 = vector.broadcast %add3A_3164 : i32 to vector<16xi32>
    %add3A_3166 = arith.addi %add3A_3165, %iota3A : vector<16xi32>
    %gt3A_3167 = vector.broadcast %sub3A_3123 : i32 to vector<16xi32>
    %gt3A_3168 = arith.cmpi sgt, %add3A_3166, %gt3A_3167 : vector<16xi32>
    %jit3A_3169 = arith.constant 0 : i32
    %broadcast_in_dim3A_3170 = vector.broadcast %jit3A_3169 : i32 to vector<16xi32>
    %select_n3A_3171 = arith.select %gt3A_3168, %get3A_2566, %broadcast_in_dim3A_3170 : vector<16xi1>, vector<16xi32>
    %reduce_sum3A_3172 = arith.constant true
    %reduce_sum3A_3173 = vector.broadcast %reduce_sum3A_3172 : i1 to vector<16xi1>
    %reduce_sum3A_3174 = tpu.scan <sum>, %select_n3A_3171 masked %reduce_sum3A_3173 : vector<16xi32>, vector<16xi1> -> vector<16xi32>
    %reduce_sum3A_3175 = vector.extract %reduce_sum3A_3174[15] : i32 from vector<16xi32>
    %add3A_3176 = arith.addi %add3A_3163, %reduce_sum3A_3175 : i32
    %add3A_3177 = arith.constant 64 : i32
    %add3A_3178 = vector.broadcast %add3A_3177 : i32 to vector<16xi32>
    %add3A_3179 = arith.addi %add3A_3178, %iota3A : vector<16xi32>
    %gt3A_3180 = vector.broadcast %sub3A_3123 : i32 to vector<16xi32>
    %gt3A_3181 = arith.cmpi sgt, %add3A_3179, %gt3A_3180 : vector<16xi32>
    %jit3A_3182 = arith.constant 0 : i32
    %broadcast_in_dim3A_3183 = vector.broadcast %jit3A_3182 : i32 to vector<16xi32>
    %select_n3A_3184 = arith.select %gt3A_3181, %get3A_2568, %broadcast_in_dim3A_3183 : vector<16xi1>, vector<16xi32>
    %reduce_sum3A_3185 = arith.constant true
    %reduce_sum3A_3186 = vector.broadcast %reduce_sum3A_3185 : i1 to vector<16xi1>
    %reduce_sum3A_3187 = tpu.scan <sum>, %select_n3A_3184 masked %reduce_sum3A_3186 : vector<16xi32>, vector<16xi1> -> vector<16xi32>
    %reduce_sum3A_3188 = vector.extract %reduce_sum3A_3187[15] : i32 from vector<16xi32>
    %add3A_3189 = arith.addi %add3A_3176, %reduce_sum3A_3188 : i32
    %add3A_3190 = arith.constant 80 : i32
    %add3A_3191 = vector.broadcast %add3A_3190 : i32 to vector<16xi32>
    %add3A_3192 = arith.addi %add3A_3191, %iota3A : vector<16xi32>
    %gt3A_3193 = vector.broadcast %sub3A_3123 : i32 to vector<16xi32>
    %gt3A_3194 = arith.cmpi sgt, %add3A_3192, %gt3A_3193 : vector<16xi32>
    %jit3A_3195 = arith.constant 0 : i32
    %broadcast_in_dim3A_3196 = vector.broadcast %jit3A_3195 : i32 to vector<16xi32>
    %select_n3A_3197 = arith.select %gt3A_3194, %get3A_2570, %broadcast_in_dim3A_3196 : vector<16xi1>, vector<16xi32>
    %reduce_sum3A_3198 = arith.constant true
    %reduce_sum3A_3199 = vector.broadcast %reduce_sum3A_3198 : i1 to vector<16xi1>
    %reduce_sum3A_3200 = tpu.scan <sum>, %select_n3A_3197 masked %reduce_sum3A_3199 : vector<16xi32>, vector<16xi1> -> vector<16xi32>
    %reduce_sum3A_3201 = vector.extract %reduce_sum3A_3200[15] : i32 from vector<16xi32>
    %add3A_3202 = arith.addi %add3A_3189, %reduce_sum3A_3201 : i32
    %add3A_3203 = arith.constant 96 : i32
    %add3A_3204 = vector.broadcast %add3A_3203 : i32 to vector<16xi32>
    %add3A_3205 = arith.addi %add3A_3204, %iota3A : vector<16xi32>
    %gt3A_3206 = vector.broadcast %sub3A_3123 : i32 to vector<16xi32>
    %gt3A_3207 = arith.cmpi sgt, %add3A_3205, %gt3A_3206 : vector<16xi32>
    %jit3A_3208 = arith.constant 0 : i32
    %broadcast_in_dim3A_3209 = vector.broadcast %jit3A_3208 : i32 to vector<16xi32>
    %select_n3A_3210 = arith.select %gt3A_3207, %get3A_2572, %broadcast_in_dim3A_3209 : vector<16xi1>, vector<16xi32>
    %reduce_sum3A_3211 = arith.constant true
    %reduce_sum3A_3212 = vector.broadcast %reduce_sum3A_3211 : i1 to vector<16xi1>
    %reduce_sum3A_3213 = tpu.scan <sum>, %select_n3A_3210 masked %reduce_sum3A_3212 : vector<16xi32>, vector<16xi1> -> vector<16xi32>
    %reduce_sum3A_3214 = vector.extract %reduce_sum3A_3213[15] : i32 from vector<16xi32>
    %add3A_3215 = arith.addi %add3A_3202, %reduce_sum3A_3214 : i32
    %add3A_3216 = arith.constant 112 : i32
    %add3A_3217 = vector.broadcast %add3A_3216 : i32 to vector<16xi32>
    %add3A_3218 = arith.addi %add3A_3217, %iota3A : vector<16xi32>
    %gt3A_3219 = vector.broadcast %sub3A_3123 : i32 to vector<16xi32>
    %gt3A_3220 = arith.cmpi sgt, %add3A_3218, %gt3A_3219 : vector<16xi32>
    %jit3A_3221 = arith.constant 0 : i32
    %broadcast_in_dim3A_3222 = vector.broadcast %jit3A_3221 : i32 to vector<16xi32>
    %select_n3A_3223 = arith.select %gt3A_3220, %get3A_2574, %broadcast_in_dim3A_3222 : vector<16xi1>, vector<16xi32>
    %reduce_sum3A_3224 = arith.constant true
    %reduce_sum3A_3225 = vector.broadcast %reduce_sum3A_3224 : i1 to vector<16xi1>
    %reduce_sum3A_3226 = tpu.scan <sum>, %select_n3A_3223 masked %reduce_sum3A_3225 : vector<16xi32>, vector<16xi1> -> vector<16xi32>
    %reduce_sum3A_3227 = vector.extract %reduce_sum3A_3226[15] : i32 from vector<16xi32>
    %add3A_3228 = arith.addi %add3A_3215, %reduce_sum3A_3227 : i32
    %add3A_3229 = arith.constant 128 : i32
    %add3A_3230 = vector.broadcast %add3A_3229 : i32 to vector<16xi32>
    %add3A_3231 = arith.addi %add3A_3230, %iota3A : vector<16xi32>
    %gt3A_3232 = vector.broadcast %sub3A_3123 : i32 to vector<16xi32>
    %gt3A_3233 = arith.cmpi sgt, %add3A_3231, %gt3A_3232 : vector<16xi32>
    %jit3A_3234 = arith.constant 0 : i32
    %broadcast_in_dim3A_3235 = vector.broadcast %jit3A_3234 : i32 to vector<16xi32>
    %select_n3A_3236 = arith.select %gt3A_3233, %get3A_2576, %broadcast_in_dim3A_3235 : vector<16xi1>, vector<16xi32>
    %reduce_sum3A_3237 = arith.constant true
    %reduce_sum3A_3238 = vector.broadcast %reduce_sum3A_3237 : i1 to vector<16xi1>
    %reduce_sum3A_3239 = tpu.scan <sum>, %select_n3A_3236 masked %reduce_sum3A_3238 : vector<16xi32>, vector<16xi1> -> vector<16xi32>
    %reduce_sum3A_3240 = vector.extract %reduce_sum3A_3239[15] : i32 from vector<16xi32>
    %add3A_3241 = arith.addi %add3A_3228, %reduce_sum3A_3240 : i32
    %add3A_3242 = arith.constant 144 : i32
    %add3A_3243 = vector.broadcast %add3A_3242 : i32 to vector<16xi32>
    %add3A_3244 = arith.addi %add3A_3243, %iota3A : vector<16xi32>
    %gt3A_3245 = vector.broadcast %sub3A_3123 : i32 to vector<16xi32>
    %gt3A_3246 = arith.cmpi sgt, %add3A_3244, %gt3A_3245 : vector<16xi32>
    %jit3A_3247 = arith.constant 0 : i32
    %broadcast_in_dim3A_3248 = vector.broadcast %jit3A_3247 : i32 to vector<16xi32>
    %select_n3A_3249 = arith.select %gt3A_3246, %get3A_2578, %broadcast_in_dim3A_3248 : vector<16xi1>, vector<16xi32>
    %reduce_sum3A_3250 = arith.constant true
    %reduce_sum3A_3251 = vector.broadcast %reduce_sum3A_3250 : i1 to vector<16xi1>
    %reduce_sum3A_3252 = tpu.scan <sum>, %select_n3A_3249 masked %reduce_sum3A_3251 : vector<16xi32>, vector<16xi1> -> vector<16xi32>
    %reduce_sum3A_3253 = vector.extract %reduce_sum3A_3252[15] : i32 from vector<16xi32>
    %add3A_3254 = arith.addi %add3A_3241, %reduce_sum3A_3253 : i32
    %add3A_3255 = arith.constant 160 : i32
    %add3A_3256 = vector.broadcast %add3A_3255 : i32 to vector<16xi32>
    %add3A_3257 = arith.addi %add3A_3256, %iota3A : vector<16xi32>
    %gt3A_3258 = vector.broadcast %sub3A_3123 : i32 to vector<16xi32>
    %gt3A_3259 = arith.cmpi sgt, %add3A_3257, %gt3A_3258 : vector<16xi32>
    %jit3A_3260 = arith.constant 0 : i32
    %broadcast_in_dim3A_3261 = vector.broadcast %jit3A_3260 : i32 to vector<16xi32>
    %select_n3A_3262 = arith.select %gt3A_3259, %get3A_2580, %broadcast_in_dim3A_3261 : vector<16xi1>, vector<16xi32>
    %reduce_sum3A_3263 = arith.constant true
    %reduce_sum3A_3264 = vector.broadcast %reduce_sum3A_3263 : i1 to vector<16xi1>
    %reduce_sum3A_3265 = tpu.scan <sum>, %select_n3A_3262 masked %reduce_sum3A_3264 : vector<16xi32>, vector<16xi1> -> vector<16xi32>
    %reduce_sum3A_3266 = vector.extract %reduce_sum3A_3265[15] : i32 from vector<16xi32>
    %add3A_3267 = arith.addi %add3A_3254, %reduce_sum3A_3266 : i32
    %add3A_3268 = arith.constant 176 : i32
    %add3A_3269 = vector.broadcast %add3A_3268 : i32 to vector<16xi32>
    %add3A_3270 = arith.addi %add3A_3269, %iota3A : vector<16xi32>
    %gt3A_3271 = vector.broadcast %sub3A_3123 : i32 to vector<16xi32>
    %gt3A_3272 = arith.cmpi sgt, %add3A_3270, %gt3A_3271 : vector<16xi32>
    %jit3A_3273 = arith.constant 0 : i32
    %broadcast_in_dim3A_3274 = vector.broadcast %jit3A_3273 : i32 to vector<16xi32>
    %select_n3A_3275 = arith.select %gt3A_3272, %get3A_2582, %broadcast_in_dim3A_3274 : vector<16xi1>, vector<16xi32>
    %reduce_sum3A_3276 = arith.constant true
    %reduce_sum3A_3277 = vector.broadcast %reduce_sum3A_3276 : i1 to vector<16xi1>
    %reduce_sum3A_3278 = tpu.scan <sum>, %select_n3A_3275 masked %reduce_sum3A_3277 : vector<16xi32>, vector<16xi1> -> vector<16xi32>
    %reduce_sum3A_3279 = vector.extract %reduce_sum3A_3278[15] : i32 from vector<16xi32>
    %add3A_3280 = arith.addi %add3A_3267, %reduce_sum3A_3279 : i32
    %add3A_3281 = arith.constant 192 : i32
    %add3A_3282 = vector.broadcast %add3A_3281 : i32 to vector<16xi32>
    %add3A_3283 = arith.addi %add3A_3282, %iota3A : vector<16xi32>
    %gt3A_3284 = vector.broadcast %sub3A_3123 : i32 to vector<16xi32>
    %gt3A_3285 = arith.cmpi sgt, %add3A_3283, %gt3A_3284 : vector<16xi32>
    %jit3A_3286 = arith.constant 0 : i32
    %broadcast_in_dim3A_3287 = vector.broadcast %jit3A_3286 : i32 to vector<16xi32>
    %select_n3A_3288 = arith.select %gt3A_3285, %get3A_2584, %broadcast_in_dim3A_3287 : vector<16xi1>, vector<16xi32>
    %reduce_sum3A_3289 = arith.constant true
    %reduce_sum3A_3290 = vector.broadcast %reduce_sum3A_3289 : i1 to vector<16xi1>
    %reduce_sum3A_3291 = tpu.scan <sum>, %select_n3A_3288 masked %reduce_sum3A_3290 : vector<16xi32>, vector<16xi1> -> vector<16xi32>
    %reduce_sum3A_3292 = vector.extract %reduce_sum3A_3291[15] : i32 from vector<16xi32>
    %add3A_3293 = arith.addi %add3A_3280, %reduce_sum3A_3292 : i32
    %add3A_3294 = arith.constant 208 : i32
    %add3A_3295 = vector.broadcast %add3A_3294 : i32 to vector<16xi32>
    %add3A_3296 = arith.addi %add3A_3295, %iota3A : vector<16xi32>
    %gt3A_3297 = vector.broadcast %sub3A_3123 : i32 to vector<16xi32>
    %gt3A_3298 = arith.cmpi sgt, %add3A_3296, %gt3A_3297 : vector<16xi32>
    %jit3A_3299 = arith.constant 0 : i32
    %broadcast_in_dim3A_3300 = vector.broadcast %jit3A_3299 : i32 to vector<16xi32>
    %select_n3A_3301 = arith.select %gt3A_3298, %get3A_2586, %broadcast_in_dim3A_3300 : vector<16xi1>, vector<16xi32>
    %reduce_sum3A_3302 = arith.constant true
    %reduce_sum3A_3303 = vector.broadcast %reduce_sum3A_3302 : i1 to vector<16xi1>
    %reduce_sum3A_3304 = tpu.scan <sum>, %select_n3A_3301 masked %reduce_sum3A_3303 : vector<16xi32>, vector<16xi1> -> vector<16xi32>
    %reduce_sum3A_3305 = vector.extract %reduce_sum3A_3304[15] : i32 from vector<16xi32>
    %add3A_3306 = arith.addi %add3A_3293, %reduce_sum3A_3305 : i32
    %add3A_3307 = arith.constant 224 : i32
    %add3A_3308 = vector.broadcast %add3A_3307 : i32 to vector<16xi32>
    %add3A_3309 = arith.addi %add3A_3308, %iota3A : vector<16xi32>
    %gt3A_3310 = vector.broadcast %sub3A_3123 : i32 to vector<16xi32>
    %gt3A_3311 = arith.cmpi sgt, %add3A_3309, %gt3A_3310 : vector<16xi32>
    %jit3A_3312 = arith.constant 0 : i32
    %broadcast_in_dim3A_3313 = vector.broadcast %jit3A_3312 : i32 to vector<16xi32>
    %select_n3A_3314 = arith.select %gt3A_3311, %get3A_2588, %broadcast_in_dim3A_3313 : vector<16xi1>, vector<16xi32>
    %reduce_sum3A_3315 = arith.constant true
    %reduce_sum3A_3316 = vector.broadcast %reduce_sum3A_3315 : i1 to vector<16xi1>
    %reduce_sum3A_3317 = tpu.scan <sum>, %select_n3A_3314 masked %reduce_sum3A_3316 : vector<16xi32>, vector<16xi1> -> vector<16xi32>
    %reduce_sum3A_3318 = vector.extract %reduce_sum3A_3317[15] : i32 from vector<16xi32>
    %add3A_3319 = arith.addi %add3A_3306, %reduce_sum3A_3318 : i32
    %add3A_3320 = arith.constant 240 : i32
    %add3A_3321 = vector.broadcast %add3A_3320 : i32 to vector<16xi32>
    %add3A_3322 = arith.addi %add3A_3321, %iota3A : vector<16xi32>
    %gt3A_3323 = vector.broadcast %sub3A_3123 : i32 to vector<16xi32>
    %gt3A_3324 = arith.cmpi sgt, %add3A_3322, %gt3A_3323 : vector<16xi32>
    %jit3A_3325 = arith.constant 0 : i32
    %broadcast_in_dim3A_3326 = vector.broadcast %jit3A_3325 : i32 to vector<16xi32>
    %select_n3A_3327 = arith.select %gt3A_3324, %get3A_2590, %broadcast_in_dim3A_3326 : vector<16xi1>, vector<16xi32>
    %reduce_sum3A_3328 = arith.constant true
    %reduce_sum3A_3329 = vector.broadcast %reduce_sum3A_3328 : i1 to vector<16xi1>
    %reduce_sum3A_3330 = tpu.scan <sum>, %select_n3A_3327 masked %reduce_sum3A_3329 : vector<16xi32>, vector<16xi1> -> vector<16xi32>
    %reduce_sum3A_3331 = vector.extract %reduce_sum3A_3330[15] : i32 from vector<16xi32>
    %add3A_3332 = arith.addi %add3A_3319, %reduce_sum3A_3331 : i32
    %sub3A_3333 = arith.subi %sub3A_2505, %add3A_3332 : i32
    %shift_left3A_3334 = arith.constant 0 : i32
    %shift_left3A_3335 = arith.shli %sub3A_3123, %shift_left3A_3334 : i32
    %or3A_3336 = arith.ori %or3A_2508, %shift_left3A_3335 : i32
    %xor3A = arith.constant -2147483648 : i32
    %xor3A_3337 = arith.xori %or3A_3336, %xor3A : i32
    %scan3A_3338 = arith.constant 0 : i32
    %scan3A_3339 = arith.constant 250 : i32
    %scan3A_3340 = arith.addi %scan3A_3338, %scan3A_3339 : i32
    %scan3A_3341 = arith.constant 1 : i32
    %scan3A_3342 = scf.for %scan3A_3368 = %scan3A_3338 to %scan3A_3340 step %scan3A_3341 iter_args(%scan3A_3369 = %broadcast_in_dim3A_30) -> (vector<16xf32>)  : i32 {
      %mul3A_3370 = arith.constant 5 : i32
      %mul3A_3371 = arith.muli %scan3A_3368, %mul3A_3370 : i32
      %add3A_3372 = arith.constant 0 : i32
      %add3A_3373 = arith.addi %mul3A_3371, %add3A_3372 : i32
      %mul3A_3374 = arith.constant 16 : i32
      %mul3A_3375 = arith.muli %add3A_3373, %mul3A_3374 : i32
      %get3A_3376 = arith.index_cast %mul3A_3375 : i32 to index
      %get3A_3377 = tpu.vector_load %arg5[%get3A_3376] {strides = array<i32>} : memref<20000xi32, #tpu.memory_space<vmem>>, vector<16xi32>,
      %xor3A_3378 = arith.constant -2147483648 : i32
      %xor3A_3379 = vector.broadcast %xor3A_3378 : i32 to vector<16xi32>
      %xor3A_3380 = arith.xori %get3A_3377, %xor3A_3379 : vector<16xi32>
      %gt3A_3381 = vector.broadcast %xor3A_3337 : i32 to vector<16xi32>
      %gt3A_3382 = arith.cmpi sgt, %xor3A_3380, %gt3A_3381 : vector<16xi32>
      %lt3A_3383 = arith.constant 0 : i32
      %lt3A_3384 = vector.broadcast %lt3A_3383 : i32 to vector<16xi32>
      %lt3A_3385 = arith.cmpi slt, %get3A_3377, %lt3A_3384 : vector<16xi32>
      %and3A_3386 = arith.constant 2147483647 : i32
      %and3A_3387 = vector.broadcast %and3A_3386 : i32 to vector<16xi32>
      %and3A_3388 = arith.andi %get3A_3377, %and3A_3387 : vector<16xi32>
      %not3A_3389 = arith.constant dense<-1> : vector<16xi32>
      %not3A_3390 = arith.xori %get3A_3377, %not3A_3389 : vector<16xi32>
      %select_n3A_3391 = arith.select %lt3A_3385, %and3A_3388, %not3A_3390 : vector<16xi1>, vector<16xi32>
      %bitcast3A_3392 = vector.bitcast %select_n3A_3391 : vector<16xi32> to vector<16xf32>
      %jit3A_3393 = arith.constant 0.000000e+00 : f32
      %broadcast_in_dim3A_3394 = vector.broadcast %jit3A_3393 : f32 to vector<16xf32>
      %select_n3A_3395 = arith.select %gt3A_3382, %bitcast3A_3392, %broadcast_in_dim3A_3394 : vector<16xi1>, vector<16xf32>
      %add3A_3396 = arith.addf %scan3A_3369, %select_n3A_3395 : vector<16xf32>
      %mul3A_3397 = arith.constant 5 : i32
      %mul3A_3398 = arith.muli %scan3A_3368, %mul3A_3397 : i32
      %add3A_3399 = arith.constant 1 : i32
      %add3A_3400 = arith.addi %mul3A_3398, %add3A_3399 : i32
      %mul3A_3401 = arith.constant 16 : i32
      %mul3A_3402 = arith.muli %add3A_3400, %mul3A_3401 : i32
      %get3A_3403 = arith.index_cast %mul3A_3402 : i32 to index
      %get3A_3404 = tpu.vector_load %arg5[%get3A_3403] {strides = array<i32>} : memref<20000xi32, #tpu.memory_space<vmem>>, vector<16xi32>,
      %xor3A_3405 = arith.constant -2147483648 : i32
      %xor3A_3406 = vector.broadcast %xor3A_3405 : i32 to vector<16xi32>
      %xor3A_3407 = arith.xori %get3A_3404, %xor3A_3406 : vector<16xi32>
      %gt3A_3408 = vector.broadcast %xor3A_3337 : i32 to vector<16xi32>
      %gt3A_3409 = arith.cmpi sgt, %xor3A_3407, %gt3A_3408 : vector<16xi32>
      %lt3A_3410 = arith.constant 0 : i32
      %lt3A_3411 = vector.broadcast %lt3A_3410 : i32 to vector<16xi32>
      %lt3A_3412 = arith.cmpi slt, %get3A_3404, %lt3A_3411 : vector<16xi32>
      %and3A_3413 = arith.constant 2147483647 : i32
      %and3A_3414 = vector.broadcast %and3A_3413 : i32 to vector<16xi32>
      %and3A_3415 = arith.andi %get3A_3404, %and3A_3414 : vector<16xi32>
      %not3A_3416 = arith.constant dense<-1> : vector<16xi32>
      %not3A_3417 = arith.xori %get3A_3404, %not3A_3416 : vector<16xi32>
      %select_n3A_3418 = arith.select %lt3A_3412, %and3A_3415, %not3A_3417 : vector<16xi1>, vector<16xi32>
      %bitcast3A_3419 = vector.bitcast %select_n3A_3418 : vector<16xi32> to vector<16xf32>
      %jit3A_3420 = arith.constant 0.000000e+00 : f32
      %broadcast_in_dim3A_3421 = vector.broadcast %jit3A_3420 : f32 to vector<16xf32>
      %select_n3A_3422 = arith.select %gt3A_3409, %bitcast3A_3419, %broadcast_in_dim3A_3421 : vector<16xi1>, vector<16xf32>
      %add3A_3423 = arith.addf %add3A_3396, %select_n3A_3422 : vector<16xf32>
      %mul3A_3424 = arith.constant 5 : i32
      %mul3A_3425 = arith.muli %scan3A_3368, %mul3A_3424 : i32
      %add3A_3426 = arith.constant 2 : i32
      %add3A_3427 = arith.addi %mul3A_3425, %add3A_3426 : i32
      %mul3A_3428 = arith.constant 16 : i32
      %mul3A_3429 = arith.muli %add3A_3427, %mul3A_3428 : i32
      %get3A_3430 = arith.index_cast %mul3A_3429 : i32 to index
      %get3A_3431 = tpu.vector_load %arg5[%get3A_3430] {strides = array<i32>} : memref<20000xi32, #tpu.memory_space<vmem>>, vector<16xi32>,
      %xor3A_3432 = arith.constant -2147483648 : i32
      %xor3A_3433 = vector.broadcast %xor3A_3432 : i32 to vector<16xi32>
      %xor3A_3434 = arith.xori %get3A_3431, %xor3A_3433 : vector<16xi32>
      %gt3A_3435 = vector.broadcast %xor3A_3337 : i32 to vector<16xi32>
      %gt3A_3436 = arith.cmpi sgt, %xor3A_3434, %gt3A_3435 : vector<16xi32>
      %lt3A_3437 = arith.constant 0 : i32
      %lt3A_3438 = vector.broadcast %lt3A_3437 : i32 to vector<16xi32>
      %lt3A_3439 = arith.cmpi slt, %get3A_3431, %lt3A_3438 : vector<16xi32>
      %and3A_3440 = arith.constant 2147483647 : i32
      %and3A_3441 = vector.broadcast %and3A_3440 : i32 to vector<16xi32>
      %and3A_3442 = arith.andi %get3A_3431, %and3A_3441 : vector<16xi32>
      %not3A_3443 = arith.constant dense<-1> : vector<16xi32>
      %not3A_3444 = arith.xori %get3A_3431, %not3A_3443 : vector<16xi32>
      %select_n3A_3445 = arith.select %lt3A_3439, %and3A_3442, %not3A_3444 : vector<16xi1>, vector<16xi32>
      %bitcast3A_3446 = vector.bitcast %select_n3A_3445 : vector<16xi32> to vector<16xf32>
      %jit3A_3447 = arith.constant 0.000000e+00 : f32
      %broadcast_in_dim3A_3448 = vector.broadcast %jit3A_3447 : f32 to vector<16xf32>
      %select_n3A_3449 = arith.select %gt3A_3436, %bitcast3A_3446, %broadcast_in_dim3A_3448 : vector<16xi1>, vector<16xf32>
      %add3A_3450 = arith.addf %add3A_3423, %select_n3A_3449 : vector<16xf32>
      %mul3A_3451 = arith.constant 5 : i32
      %mul3A_3452 = arith.muli %scan3A_3368, %mul3A_3451 : i32
      %add3A_3453 = arith.constant 3 : i32
      %add3A_3454 = arith.addi %mul3A_3452, %add3A_3453 : i32
      %mul3A_3455 = arith.constant 16 : i32
      %mul3A_3456 = arith.muli %add3A_3454, %mul3A_3455 : i32
      %get3A_3457 = arith.index_cast %mul3A_3456 : i32 to index
      %get3A_3458 = tpu.vector_load %arg5[%get3A_3457] {strides = array<i32>} : memref<20000xi32, #tpu.memory_space<vmem>>, vector<16xi32>,
      %xor3A_3459 = arith.constant -2147483648 : i32
      %xor3A_3460 = vector.broadcast %xor3A_3459 : i32 to vector<16xi32>
      %xor3A_3461 = arith.xori %get3A_3458, %xor3A_3460 : vector<16xi32>
      %gt3A_3462 = vector.broadcast %xor3A_3337 : i32 to vector<16xi32>
      %gt3A_3463 = arith.cmpi sgt, %xor3A_3461, %gt3A_3462 : vector<16xi32>
      %lt3A_3464 = arith.constant 0 : i32
      %lt3A_3465 = vector.broadcast %lt3A_3464 : i32 to vector<16xi32>
      %lt3A_3466 = arith.cmpi slt, %get3A_3458, %lt3A_3465 : vector<16xi32>
      %and3A_3467 = arith.constant 2147483647 : i32
      %and3A_3468 = vector.broadcast %and3A_3467 : i32 to vector<16xi32>
      %and3A_3469 = arith.andi %get3A_3458, %and3A_3468 : vector<16xi32>
      %not3A_3470 = arith.constant dense<-1> : vector<16xi32>
      %not3A_3471 = arith.xori %get3A_3458, %not3A_3470 : vector<16xi32>
      %select_n3A_3472 = arith.select %lt3A_3466, %and3A_3469, %not3A_3471 : vector<16xi1>, vector<16xi32>
      %bitcast3A_3473 = vector.bitcast %select_n3A_3472 : vector<16xi32> to vector<16xf32>
      %jit3A_3474 = arith.constant 0.000000e+00 : f32
      %broadcast_in_dim3A_3475 = vector.broadcast %jit3A_3474 : f32 to vector<16xf32>
      %select_n3A_3476 = arith.select %gt3A_3463, %bitcast3A_3473, %broadcast_in_dim3A_3475 : vector<16xi1>, vector<16xf32>
      %add3A_3477 = arith.addf %add3A_3450, %select_n3A_3476 : vector<16xf32>
      %mul3A_3478 = arith.constant 5 : i32
      %mul3A_3479 = arith.muli %scan3A_3368, %mul3A_3478 : i32
      %add3A_3480 = arith.constant 4 : i32
      %add3A_3481 = arith.addi %mul3A_3479, %add3A_3480 : i32
      %mul3A_3482 = arith.constant 16 : i32
      %mul3A_3483 = arith.muli %add3A_3481, %mul3A_3482 : i32
      %get3A_3484 = arith.index_cast %mul3A_3483 : i32 to index
      %get3A_3485 = tpu.vector_load %arg5[%get3A_3484] {strides = array<i32>} : memref<20000xi32, #tpu.memory_space<vmem>>, vector<16xi32>,
      %xor3A_3486 = arith.constant -2147483648 : i32
      %xor3A_3487 = vector.broadcast %xor3A_3486 : i32 to vector<16xi32>
      %xor3A_3488 = arith.xori %get3A_3485, %xor3A_3487 : vector<16xi32>
      %gt3A_3489 = vector.broadcast %xor3A_3337 : i32 to vector<16xi32>
      %gt3A_3490 = arith.cmpi sgt, %xor3A_3488, %gt3A_3489 : vector<16xi32>
      %lt3A_3491 = arith.constant 0 : i32
      %lt3A_3492 = vector.broadcast %lt3A_3491 : i32 to vector<16xi32>
      %lt3A_3493 = arith.cmpi slt, %get3A_3485, %lt3A_3492 : vector<16xi32>
      %and3A_3494 = arith.constant 2147483647 : i32
      %and3A_3495 = vector.broadcast %and3A_3494 : i32 to vector<16xi32>
      %and3A_3496 = arith.andi %get3A_3485, %and3A_3495 : vector<16xi32>
      %not3A_3497 = arith.constant dense<-1> : vector<16xi32>
      %not3A_3498 = arith.xori %get3A_3485, %not3A_3497 : vector<16xi32>
      %select_n3A_3499 = arith.select %lt3A_3493, %and3A_3496, %not3A_3498 : vector<16xi1>, vector<16xi32>
      %bitcast3A_3500 = vector.bitcast %select_n3A_3499 : vector<16xi32> to vector<16xf32>
      %jit3A_3501 = arith.constant 0.000000e+00 : f32
      %broadcast_in_dim3A_3502 = vector.broadcast %jit3A_3501 : f32 to vector<16xf32>
      %select_n3A_3503 = arith.select %gt3A_3490, %bitcast3A_3500, %broadcast_in_dim3A_3502 : vector<16xi1>, vector<16xf32>
      %add3A_3504 = arith.addf %add3A_3477, %select_n3A_3503 : vector<16xf32>
      scf.yield %add3A_3504 : vector<16xf32>
    }
    %scan3A_3343 = arith.constant 250 : i32
    %reduce_sum3A_3344 = arith.constant true
    %reduce_sum3A_3345 = vector.broadcast %reduce_sum3A_3344 : i1 to vector<16xi1>
    %reduce_sum3A_3346 = tpu.scan <sum>, %scan3A_3342 masked %reduce_sum3A_3345 : vector<16xf32>, vector<16xi1> -> vector<16xf32>
    %reduce_sum3A_3347 = vector.extract %reduce_sum3A_3346[15] : f32 from vector<16xf32>
    %broadcast_in_dim3A_3348 = vector.broadcast %or3A_3336 : i32 to vector<16xi32>
    %convert_element_type3A = arith.sitofp %sub3A_3333 : i32 to f32
    %lt3A_3349 = arith.constant 0 : i32
    %lt3A_3350 = vector.broadcast %lt3A_3349 : i32 to vector<16xi32>
    %lt3A_3351 = arith.cmpi slt, %broadcast_in_dim3A_3348, %lt3A_3350 : vector<16xi32>
    %and3A_3352 = arith.constant 2147483647 : i32
    %and3A_3353 = vector.broadcast %and3A_3352 : i32 to vector<16xi32>
    %and3A_3354 = arith.andi %broadcast_in_dim3A_3348, %and3A_3353 : vector<16xi32>
    %not3A = arith.constant dense<-1> : vector<16xi32>
    %not3A_3355 = arith.xori %broadcast_in_dim3A_3348, %not3A : vector<16xi32>
    %select_n3A_3356 = arith.select %lt3A_3351, %and3A_3354, %not3A_3355 : vector<16xi1>, vector<16xi32>
    %bitcast3A = vector.bitcast %select_n3A_3356 : vector<16xi32> to vector<16xf32>
    %mul3A_3357 = vector.broadcast %convert_element_type3A : f32 to vector<16xf32>
    %mul3A_3358 = arith.mulf %mul3A_3357, %bitcast3A : vector<16xf32>
    %add3A_3359 = vector.broadcast %reduce_sum3A_3347 : f32 to vector<16xf32>
    %add3A_3360 = arith.addf %add3A_3359, %mul3A_3358 : vector<16xf32>
    %gt3A_3361 = arith.constant 0 : i32
    %gt3A_3362 = arith.cmpi sgt, %min3A, %gt3A_3361 : i32
    %jit3A_3363 = arith.constant 0.000000e+00 : f32
    %broadcast_in_dim3A_3364 = vector.broadcast %jit3A_3363 : f32 to vector<16xf32>
    %select_n3A_3365 = arith.select %gt3A_3362, %add3A_3360, %broadcast_in_dim3A_3364 : vector<16xf32>
    %swap3A_3366 = arith.constant 0 : index
    %swap3A_3367 = tpu.vector_load %arg9[%swap3A_3366] {strides = array<i32>} : memref<16xf32, #tpu.memory_space<vmem>>, vector<16xf32>,
    tpu.vector_store %arg9[%swap3A_3366], %select_n3A_3365 {strides = array<i32>} : memref<16xf32, #tpu.memory_space<vmem>>, vector<16xf32>,
    "tpu.region"() ({
      %run_scoped3A = tpu.sem_alloc : memref<!tpu.dma_semaphore, #tpu.memory_space<semaphore_mem>>
      %dma_start3A = arith.constant 0 : i32
      %dma_start3A_3368 = tpu.memref_slice %arg4[%add3A, %dma_start3A] : memref<32x16xf32, #tpu.memory_space<hbm>> -> memref<1x16xf32, #tpu.memory_space<hbm>>
      %dma_start3A_3369 = tpu.memref_squeeze %dma_start3A_3368 : memref<1x16xf32, #tpu.memory_space<hbm>> -> memref<16xf32, #tpu.memory_space<hbm>>
      %dma_start3A_3370 = arith.constant 0 : i32
      %dma_start3A_3371 = tpu.memref_slice %arg4[%add3A, %dma_start3A_3370] : memref<32x16xf32, #tpu.memory_space<hbm>> -> memref<1x16xf32, #tpu.memory_space<hbm>>
      %dma_start3A_3372 = tpu.memref_squeeze %dma_start3A_3371 : memref<1x16xf32, #tpu.memory_space<hbm>> -> memref<16xf32, #tpu.memory_space<hbm>>
      tpu.enqueue_dma source(%arg9 : memref<16xf32, #tpu.memory_space<vmem>>) target(%dma_start3A_3372 : memref<16xf32, #tpu.memory_space<hbm>>) target_semaphore(%run_scoped3A : memref<!tpu.dma_semaphore, #tpu.memory_space<semaphore_mem>>)
      %dma_wait3A = arith.constant 0 : i32
      %dma_wait3A_3373 = tpu.memref_slice %arg4[%add3A, %dma_wait3A] : memref<32x16xf32, #tpu.memory_space<hbm>> -> memref<1x16xf32, #tpu.memory_space<hbm>>
      %dma_wait3A_3374 = tpu.memref_squeeze %dma_wait3A_3373 : memref<1x16xf32, #tpu.memory_space<hbm>> -> memref<16xf32, #tpu.memory_space<hbm>>
      %dma_wait3A_3375 = arith.constant 0 : i32
      %dma_wait3A_3376 = tpu.memref_slice %arg4[%add3A, %dma_wait3A_3375] : memref<32x16xf32, #tpu.memory_space<hbm>> -> memref<1x16xf32, #tpu.memory_space<hbm>>
      %dma_wait3A_3377 = tpu.memref_squeeze %dma_wait3A_3376 : memref<1x16xf32, #tpu.memory_space<hbm>> -> memref<16xf32, #tpu.memory_space<hbm>>
      tpu.wait_dma2 semaphore(%run_scoped3A : memref<!tpu.dma_semaphore, #tpu.memory_space<semaphore_mem>>) src(%arg9 : memref<16xf32, #tpu.memory_space<vmem>>) dst(%dma_wait3A_3377 : memref<16xf32, #tpu.memory_space<hbm>>)
      tpu.yield
    }) : () -> ()
    return
  }
}

module attributes {stable_mosaic.version = 14 : i64} {
  func.func @_tc_row_kernel(%arg0: i32, %arg1: memref<1x1x20000xf32, #tpu.memory_space<vmem>>, %arg2: memref<1x1x20000xf32, #tpu.memory_space<vmem>>, %arg3: memref<1x1x20000xf32, #tpu.memory_space<vmem>>, %arg4: memref<1x1x20000xi32, #tpu.memory_space<vmem>>, %arg5: memref<1x4x20000xf32, #tpu.memory_space<vmem>>, %arg6: memref<1x4x20000xf32, #tpu.memory_space<vmem>>, %arg7: memref<1x1x20000xi32, #tpu.memory_space<vmem>>, %arg8: memref<1x1x128xi32, #tpu.memory_space<vmem>>, %arg9: memref<1x1x128xf32, #tpu.memory_space<vmem>>, %arg10: memref<1x1x128xf32, #tpu.memory_space<vmem>>) attributes {dimension_semantics = [#tpu.dimension_semantics<arbitrary>], iteration_bounds = array<i64: 32>, scalar_prefetch = 0 : i64, scratch_operands = 0 : i64, tpu.core_type = #tpu.core_type<tc>, window_params = [{transform_indices = @transform_0, window_bounds = array<i64: 1, 1, 20000>}, {transform_indices = @transform_1, window_bounds = array<i64: 1, 1, 20000>}, {transform_indices = @transform_2, window_bounds = array<i64: 1, 1, 20000>}, {transform_indices = @transform_3, window_bounds = array<i64: 1, 1, 20000>}, {transform_indices = @transform_4, window_bounds = array<i64: 1, 4, 20000>}, {transform_indices = @transform_5, window_bounds = array<i64: 1, 4, 20000>}, {transform_indices = @transform_6, window_bounds = array<i64: 1, 1, 20000>}, {transform_indices = @transform_7, window_bounds = array<i64: 1, 1, 128>}, {transform_indices = @transform_8, window_bounds = array<i64: 1, 1, 128>}, {transform_indices = @transform_9, window_bounds = array<i64: 1, 1, 128>}]} {
    %get3A = arith.constant 0 : index
    %get3A_0 = arith.constant 0 : index
    %get3A_1 = arith.constant 0 : index
    %get3A_2 = vector.load %arg1[%get3A, %get3A_0, %get3A_1] : memref<1x1x20000xf32, #tpu.memory_space<vmem>>, vector<1x1x20000xf32>
    %get3A_3 = vector.shape_cast %get3A_2 : vector<1x1x20000xf32> to vector<20000xf32>
    %get3A_4 = arith.constant 0 : index
    %get3A_5 = arith.constant 0 : index
    %get3A_6 = arith.constant 0 : index
    %get3A_7 = vector.load %arg2[%get3A_4, %get3A_5, %get3A_6] : memref<1x1x20000xf32, #tpu.memory_space<vmem>>, vector<1x1x20000xf32>
    %get3A_8 = vector.shape_cast %get3A_7 : vector<1x1x20000xf32> to vector<20000xf32>
    %get3A_9 = arith.constant 0 : index
    %get3A_10 = arith.constant 0 : index
    %get3A_11 = arith.constant 0 : index
    %get3A_12 = vector.load %arg3[%get3A_9, %get3A_10, %get3A_11] : memref<1x1x20000xf32, #tpu.memory_space<vmem>>, vector<1x1x20000xf32>
    %get3A_13 = vector.shape_cast %get3A_12 : vector<1x1x20000xf32> to vector<20000xf32>
    %get3A_14 = arith.constant 0 : index
    %get3A_15 = arith.constant 0 : index
    %get3A_16 = arith.constant 0 : index
    %get3A_17 = vector.load %arg4[%get3A_14, %get3A_15, %get3A_16] : memref<1x1x20000xi32, #tpu.memory_space<vmem>>, vector<1x1x20000xi32>
    %get3A_18 = vector.shape_cast %get3A_17 : vector<1x1x20000xi32> to vector<20000xi32>
    %max3A = arith.maximumf %get3A_8, %get3A_13 : vector<20000xf32>
    %max3A_19 = arith.maximumf %get3A_3, %max3A : vector<20000xf32>
    %sub3A = arith.subf %get3A_3, %max3A_19 : vector<20000xf32>
    %exp3A = math.exp %sub3A : vector<20000xf32>
    %sub3A_20 = arith.subf %get3A_8, %max3A_19 : vector<20000xf32>
    %exp3A_21 = math.exp %sub3A_20 : vector<20000xf32>
    %add3A = arith.addf %exp3A, %exp3A_21 : vector<20000xf32>
    %sub3A_22 = arith.subf %get3A_13, %max3A_19 : vector<20000xf32>
    %exp3A_23 = math.exp %sub3A_22 : vector<20000xf32>
    %add3A_24 = arith.addf %add3A, %exp3A_23 : vector<20000xf32>
    %log3A = math.log %add3A_24 : vector<20000xf32>
    %add3A_25 = arith.addf %max3A_19, %log3A : vector<20000xf32>
    %sub3A_26 = arith.subf %add3A_25, %get3A_3 : vector<20000xf32>
    %gt3A = arith.constant 0 : i32
    %gt3A_27 = vector.broadcast %gt3A : i32 to vector<20000xi32>
    %gt3A_28 = arith.cmpi sgt, %get3A_18, %gt3A_27 : vector<20000xi32>
    %bitcast_convert_type3A = tpu.bitcast %sub3A_26 : vector<20000xf32> -> vector<20000xi32>
    %ge3A = arith.constant 0 : i32
    %ge3A_29 = vector.broadcast %ge3A : i32 to vector<20000xi32>
    %ge3A_30 = arith.cmpi sge, %bitcast_convert_type3A, %ge3A_29 : vector<20000xi32>
    %or3A = arith.constant -2147483648 : i32
    %or3A_31 = vector.broadcast %or3A : i32 to vector<20000xi32>
    %or3A_32 = arith.ori %bitcast_convert_type3A, %or3A_31 : vector<20000xi32>
    %not3A = arith.constant dense<-1> : vector<20000xi32>
    %not3A_33 = arith.xori %bitcast_convert_type3A, %not3A : vector<20000xi32>
    %select_n3A = arith.select %ge3A_30, %or3A_32, %not3A_33 : vector<20000xi1>, vector<20000xi32>
    %jit3A = arith.constant 0 : i32
    %broadcast_in_dim3A = vector.broadcast %jit3A : i32 to vector<20000xi32>
    %select_n3A_34 = arith.select %gt3A_28, %broadcast_in_dim3A, %select_n3A : vector<20000xi1>, vector<20000xi32>
    %reshape3A = vector.shape_cast %select_n3A_34 : vector<20000xi32> to vector<1x1x20000xi32>
    %swap3A = arith.constant 0 : index
    %swap3A_35 = arith.constant 0 : index
    %swap3A_36 = arith.constant 0 : index
    %swap3A_37 = vector.load %arg7[%swap3A, %swap3A_35, %swap3A_36] : memref<1x1x20000xi32, #tpu.memory_space<vmem>>, vector<1x1x20000xi32>
    tpu.vector_store %arg7[%swap3A, %swap3A_35, %swap3A_36], %reshape3A {strides = array<i32>} : memref<1x1x20000xi32, #tpu.memory_space<vmem>>, vector<1x1x20000xi32>,
    %convert_element_type3A = arith.extui %gt3A_28 : vector<20000xi1> to vector<20000xi32>
    %reduce_sum3A = vector.shape_cast %convert_element_type3A : vector<20000xi32> to vector<1x20000xi32>
    %reduce_sum3A_38 = arith.constant dense<0> : vector<1xi32>
    %reduce_sum3A_39 = vector.multi_reduction <add>, %reduce_sum3A, %reduce_sum3A_38 [1] : vector<1x20000xi32> to vector<1xi32>
    %reduce_sum3A_40 = vector.shape_cast %reduce_sum3A_39 : vector<1xi32> to vector<1x1xi32>
    %reduce_sum3A_41 = vector.extract %reduce_sum3A_40[0, 0] : i32 from vector<1x1xi32>
    %eq3A = arith.constant 1 : i32
    %eq3A_42 = vector.broadcast %eq3A : i32 to vector<20000xi32>
    %eq3A_43 = arith.cmpi eq, %get3A_18, %eq3A_42 : vector<20000xi32>
    %select_n3A_44 = arith.select %eq3A_43, %get3A_8, %get3A_13 : vector<20000xi1>, vector<20000xf32>
    %sub3A_45 = arith.subf %add3A_25, %select_n3A_44 : vector<20000xf32>
    %jit3A_46 = arith.constant 0.000000e+00 : f32
    %broadcast_in_dim3A_47 = vector.broadcast %jit3A_46 : f32 to vector<20000xf32>
    %select_n3A_48 = arith.select %gt3A_28, %sub3A_45, %broadcast_in_dim3A_47 : vector<20000xi1>, vector<20000xf32>
    %reduce_sum3A_49 = vector.shape_cast %select_n3A_48 : vector<20000xf32> to vector<1x20000xf32>
    %reduce_sum3A_50 = arith.constant dense<0.000000e+00> : vector<1xf32>
    %reduce_sum3A_51 = vector.multi_reduction <add>, %reduce_sum3A_49, %reduce_sum3A_50 [1] : vector<1x20000xf32> to vector<1xf32>
    %reduce_sum3A_52 = vector.shape_cast %reduce_sum3A_51 : vector<1xf32> to vector<1x1xf32>
    %reduce_sum3A_53 = vector.extract %reduce_sum3A_52[0, 0] : f32 from vector<1x1xf32>
    %get3A_54 = arith.constant 0 : index
    %get3A_55 = arith.constant 0 : index
    %get3A_56 = arith.constant 0 : index
    %get3A_57 = vector.load %arg5[%get3A_54, %get3A_55, %get3A_56] : memref<1x4x20000xf32, #tpu.memory_space<vmem>>, vector<1x4x20000xf32>
    %get3A_58 = vector.shape_cast %get3A_57 : vector<1x4x20000xf32> to vector<4x20000xf32>
    %get3A_59 = arith.constant 0 : index
    %get3A_60 = arith.constant 0 : index
    %get3A_61 = arith.constant 0 : index
    %get3A_62 = vector.load %arg6[%get3A_59, %get3A_60, %get3A_61] : memref<1x4x20000xf32, #tpu.memory_space<vmem>>, vector<1x4x20000xf32>
    %get3A_63 = vector.shape_cast %get3A_62 : vector<1x4x20000xf32> to vector<4x20000xf32>
    %sub3A_64 = arith.subf %get3A_58, %get3A_63 : vector<4x20000xf32>
    %abs3A = math.absf %sub3A_64 : vector<4x20000xf32>
    %lt3A = arith.constant 1.000000e+00 : f32
    %lt3A_65 = vector.broadcast %lt3A : f32 to vector<4x20000xf32>
    %lt3A_66 = arith.cmpf olt, %abs3A, %lt3A_65 : vector<4x20000xf32>
    %mul3A = arith.constant 5.000000e-01 : f32
    %mul3A_67 = vector.broadcast %mul3A : f32 to vector<4x20000xf32>
    %mul3A_68 = arith.mulf %mul3A_67, %sub3A_64 : vector<4x20000xf32>
    %mul3A_69 = arith.mulf %mul3A_68, %sub3A_64 : vector<4x20000xf32>
    %sub3A_70 = arith.constant 5.000000e-01 : f32
    %sub3A_71 = vector.broadcast %sub3A_70 : f32 to vector<4x20000xf32>
    %sub3A_72 = arith.subf %abs3A, %sub3A_71 : vector<4x20000xf32>
    %select_n3A_73 = arith.select %lt3A_66, %mul3A_69, %sub3A_72 : vector<4x20000xi1>, vector<4x20000xf32>
    %broadcast_in_dim3A_74 = vector.shape_cast %gt3A_28 : vector<20000xi1> to vector<1x20000xi1>
    %jit3A_75 = arith.constant 0.000000e+00 : f32
    %broadcast_in_dim3A_76 = vector.shape_cast %broadcast_in_dim3A_74 : vector<1x20000xi1> to vector<1x20000xi1>
    %broadcast_in_dim3A_77 = vector.broadcast %broadcast_in_dim3A_76 : vector<1x20000xi1> to vector<4x20000xi1>
    %broadcast_in_dim3A_78 = vector.broadcast %jit3A_75 : f32 to vector<4x20000xf32>
    %select_n3A_79 = arith.select %broadcast_in_dim3A_77, %select_n3A_73, %broadcast_in_dim3A_78 : vector<4x20000xi1>, vector<4x20000xf32>
    %reduce_sum3A_80 = vector.shape_cast %select_n3A_79 : vector<4x20000xf32> to vector<1x4x20000xf32>
    %reduce_sum3A_81 = arith.constant dense<0.000000e+00> : vector<1xf32>
    %reduce_sum3A_82 = vector.multi_reduction <add>, %reduce_sum3A_80, %reduce_sum3A_81 [1, 2] : vector<1x4x20000xf32> to vector<1xf32>
    %reduce_sum3A_83 = vector.shape_cast %reduce_sum3A_82 : vector<1xf32> to vector<1x1x1xf32>
    %reduce_sum3A_84 = vector.extract %reduce_sum3A_83[0, 0, 0] : f32 from vector<1x1x1xf32>
    %broadcast_in_dim3A_85 = vector.broadcast %reduce_sum3A_41 : i32 to vector<1x1x128xi32>
    %swap3A_86 = arith.constant 0 : index
    %swap3A_87 = arith.constant 0 : index
    %swap3A_88 = arith.constant 0 : index
    %swap3A_89 = vector.load %arg8[%swap3A_86, %swap3A_87, %swap3A_88] : memref<1x1x128xi32, #tpu.memory_space<vmem>>, vector<1x1x128xi32>
    tpu.vector_store %arg8[%swap3A_86, %swap3A_87, %swap3A_88], %broadcast_in_dim3A_85 {strides = array<i32>} : memref<1x1x128xi32, #tpu.memory_space<vmem>>, vector<1x1x128xi32>,
    %broadcast_in_dim3A_90 = vector.broadcast %reduce_sum3A_53 : f32 to vector<1x1x128xf32>
    %swap3A_91 = arith.constant 0 : index
    %swap3A_92 = arith.constant 0 : index
    %swap3A_93 = arith.constant 0 : index
    %swap3A_94 = vector.load %arg9[%swap3A_91, %swap3A_92, %swap3A_93] : memref<1x1x128xf32, #tpu.memory_space<vmem>>, vector<1x1x128xf32>
    tpu.vector_store %arg9[%swap3A_91, %swap3A_92, %swap3A_93], %broadcast_in_dim3A_90 {strides = array<i32>} : memref<1x1x128xf32, #tpu.memory_space<vmem>>, vector<1x1x128xf32>,
    %broadcast_in_dim3A_95 = vector.broadcast %reduce_sum3A_84 : f32 to vector<1x1x128xf32>
    %swap3A_96 = arith.constant 0 : index
    %swap3A_97 = arith.constant 0 : index
    %swap3A_98 = arith.constant 0 : index
    %swap3A_99 = vector.load %arg10[%swap3A_96, %swap3A_97, %swap3A_98] : memref<1x1x128xf32, #tpu.memory_space<vmem>>, vector<1x1x128xf32>
    tpu.vector_store %arg10[%swap3A_96, %swap3A_97, %swap3A_98], %broadcast_in_dim3A_95 {strides = array<i32>} : memref<1x1x128xf32, #tpu.memory_space<vmem>>, vector<1x1x128xf32>,
    return
  }
  func.func @transform_0(%arg0: i32) -> (i32, i32, i32) {
    %c0_i32 = arith.constant 0 : i32
    %c0_i32_0 = arith.constant 0 : i32
    %c0_i32_1 = arith.constant 0 : i32
    return %arg0, %c0_i32, %c0_i32_0 : i32, i32, i32
  }
  func.func @transform_1(%arg0: i32) -> (i32, i32, i32) {
    %c0_i32 = arith.constant 0 : i32
    %c0_i32_0 = arith.constant 0 : i32
    %c0_i32_1 = arith.constant 0 : i32
    return %arg0, %c0_i32, %c0_i32_0 : i32, i32, i32
  }
  func.func @transform_2(%arg0: i32) -> (i32, i32, i32) {
    %c0_i32 = arith.constant 0 : i32
    %c0_i32_0 = arith.constant 0 : i32
    %c0_i32_1 = arith.constant 0 : i32
    return %arg0, %c0_i32, %c0_i32_0 : i32, i32, i32
  }
  func.func @transform_3(%arg0: i32) -> (i32, i32, i32) {
    %c0_i32 = arith.constant 0 : i32
    %c0_i32_0 = arith.constant 0 : i32
    %c0_i32_1 = arith.constant 0 : i32
    return %arg0, %c0_i32, %c0_i32_0 : i32, i32, i32
  }
  func.func @transform_4(%arg0: i32) -> (i32, i32, i32) {
    %c0_i32 = arith.constant 0 : i32
    %c0_i32_0 = arith.constant 0 : i32
    %c0_i32_1 = arith.constant 0 : i32
    return %arg0, %c0_i32, %c0_i32_0 : i32, i32, i32
  }
  func.func @transform_5(%arg0: i32) -> (i32, i32, i32) {
    %c0_i32 = arith.constant 0 : i32
    %c0_i32_0 = arith.constant 0 : i32
    %c0_i32_1 = arith.constant 0 : i32
    return %arg0, %c0_i32, %c0_i32_0 : i32, i32, i32
  }
  func.func @transform_6(%arg0: i32) -> (i32, i32, i32) {
    %c0_i32 = arith.constant 0 : i32
    %c0_i32_0 = arith.constant 0 : i32
    %c0_i32_1 = arith.constant 0 : i32
    return %arg0, %c0_i32, %c0_i32_0 : i32, i32, i32
  }
  func.func @transform_7(%arg0: i32) -> (i32, i32, i32) {
    %c0_i32 = arith.constant 0 : i32
    %c0_i32_0 = arith.constant 0 : i32
    %c0_i32_1 = arith.constant 0 : i32
    return %arg0, %c0_i32, %c0_i32_0 : i32, i32, i32
  }
  func.func @transform_8(%arg0: i32) -> (i32, i32, i32) {
    %c0_i32 = arith.constant 0 : i32
    %c0_i32_0 = arith.constant 0 : i32
    %c0_i32_1 = arith.constant 0 : i32
    return %arg0, %c0_i32, %c0_i32_0 : i32, i32, i32
  }
  func.func @transform_9(%arg0: i32) -> (i32, i32, i32) {
    %c0_i32 = arith.constant 0 : i32
    %c0_i32_0 = arith.constant 0 : i32
    %c0_i32_1 = arith.constant 0 : i32
    return %arg0, %c0_i32, %c0_i32_0 : i32, i32, i32
  }
}

</mosaic_0001>

<sc_bundles>
// kernel: kernel.4.cloned.1.call-start
scs
__scs_entry_jumppad:
0x0: {  	(pc) =	sbr.rel $0x88, $3  }
0x1: {  	(tag) =	ssettag $0x0;
	lr =	simm.s32 $0x1  }
0x2: {  	[smem:$0x3F9D] =	sst lr;
	_ =	strace $0xD0000000  }
0x3: {  	_ = 	snop  }
0x4: {  	_ = 	snop  }
0x5: {  	_ = 	snop  }
0x6: {  	_ = 	snop  }
0x7: {  	_ = 	snop  }
__scs_overlays_trampoline_lowered:
0x8: {  	[smem:$0x3FAC] =	sst s0  }
0x9: {  	[smem:$0x3FAD] =	sst s1  }
0xa: {  	[smem:$0x3FAE] =	sst s2  }
0xb: {  	[smem:$0x3FAF] =	sst s3  }
0xc: {  	[smem:$0x3FB0] =	sst s4  }
0xd: {  	[smem:$0x3FB1] =	sst s5  }
0xe: {  	[smem:$0x3FB2] =	sst s6  }
0xf: {  	[smem:$0x3FB3] =	sst s7  }
0x10: {  	[smem:$0x3FB4] =	sst s8  }
0x11: {  	[smem:$0x3FB5] =	sst s9;
	s0 =	simm.s32 @!p0 $0x0  }
0x12: {  	s1 =	sld [smem:$0x3F9B];
	s0 =	simm.s32 @p0 $0x1  }
0x13: {  	[smem:$0x3FB6] =	sst s0;
	s0 =	simm.s32 @!p1 $0x0  }
0x14: {  	s2 =	sld [smem:$0x3F9A];
	s0 =	simm.s32 @p1 $0x1  }
0x15: {  	[smem:$0x3FB7] =	sst s0;
	s0 =	simm.s32 @!p2 $0x0  }
0x16: {  	s3 =	sld [smem:$0x3FDB];
	s0 =	simm.s32 @p2 $0x1  }
0x17: {  	s4 =	simm.s32 $0x1BF5;
	[smem:$0x3FB9] =	sst s0  }
0x18: {  	s0 =	sld [smem:$0x3F9C];
	_ =	swait.ge [sflag:s4], $0x0  }
0x19: {  	s7 =	sld [smem:$0x3F9D]  }
0x1a: {  	s8 =	sadd.s32 $0xFFFFE003, lr  }
0x1b: {  	s9 =	sadd.s32 $0xFFFFFEF7, lr;
	s5 =	simm.s32 $0xFFFFFFFF;
	p2 =	slt.u32 s8, $0xFFFFF086  }
0x1c: {  	p1 =	slt.u32 s9, $0xF7A;
	s5 =	simm.s32 @!p2 $0x0  }
0x1d: {  	s5 =	simm.s32 @p1 $0x1;
	p0 =	seq.s32 s7, s2  }
0x1e: {  	s7 =	smul.u32 @!p0 $0xF7A, s2;
	p2 =	seq.s32 @!p0 s5, $0x0  }
0x1f: {  	s9 =	smul.u32 $0xF7A, s1;
	s8 =	simm.s32 @!p0 $0x1BF5;
	p2 =	por !p2, p0  }
0x20: {  	[sflag:s8] =	ssyncset.s32 @!p0 $0xFFFFF086;
	s6 =	sadd.s32 @!p0 s3, s7;
	s7 =	simm.s32 @!p0 $0x108  }
0x21: {  	s3 =	sadd.s32 s3, s9;
	s6 =	sadd.s32 @!p0 $0x88, s6;
	s7 =	simm.s32 @p2 $0x1082  }
0x22: {  	[simem:s7], [sflag:s8] =	dma.local @!p0 [hbm:s6], $0xF7A  }
0x23: {  	s9 =	sor.u32 $0xD0000000, s2;
	s6 =	simm.s32 $0x108;
	_ =	swait.ge @!p0 [sflag:s8], $0x0  }
0x24: {  	s3 =	sadd.s32 $0x88, s3;
	s6 =	simm.s32 @!p1 $0x1082;
	[sflag:s4] =	ssyncset.s32 $0xFFFFF086  }
0x25: {  	[simem:s6], [sflag:s4] =	dma.local [hbm:s3], $0xF7A  }
0x26: {  	[smem:$0x3F9D] =	sst s1;
	(tag) =	ssettag s2;
	_ =	strace s9  }
0x27: {  	s1 =	sld [smem:$0x3FAD]  }
0x28: {  	s2 =	sld [smem:$0x3FAE]  }
0x29: {  	s4 =	sld [smem:$0x3FB0]  }
0x2a: {  	p0 =	seq.s32 s5, $0x0;
	s5 =	sld [smem:$0x3FB1]  }
0x2b: {  	s6 =	sld [smem:$0x3FB2]  }
0x2c: {  	s7 =	sld [smem:$0x3FB3]  }
0x2d: {  	s3 =	simm.s32 $0x108;
	s8 =	sld [smem:$0x3FB4]  }
0x2e: {  	s3 =	simm.s32 @!p0 $0x1082;
	s9 =	sld [smem:$0x3FB5]  }
0x2f: {  	lr =	sadd.s32 s0, s3;
	s0 =	sld [smem:$0x3FAC]  }
0x30: {  	s3 =	sld [smem:$0x3FAF]  }
0x31: {  	[smem:$0x3FB8] =	sst s10  }
0x32: {  	s10 =	sld [smem:$0x3FB6];
	_ =	sdelay $0x3  }
0x33: {  	p0 =	seq.s32 s10, $0x1;
	s10 =	sld [smem:$0x3FB8];
	_ =	sdelay $0x3  }
0x34: {  	[smem:$0x3FB8] =	sst s10  }
0x35: {  	s10 =	sld [smem:$0x3FB7];
	_ =	sdelay $0x3  }
0x36: {  	p1 =	seq.s32 s10, $0x1;
	s10 =	sld [smem:$0x3FB8];
	_ =	sdelay $0x3  }
0x37: {  	[smem:$0x3FB8] =	sst s10  }
0x38: {  	s10 =	sld [smem:$0x3FB9]  }
0x39: {  	_ = 	snop;
	(pc) =	sbr.ind lr, $3  }
0x3a: {  	_ = 	snop  }
0x3b: {  	_ = 	snop  }
0x3c: {  	p2 =	seq.s32 s10, $0x1;
	s10 =	sld [smem:$0x3FB8]  }
0x3d: {  	_ =	shalt  }
0x3e: {  	_ =	shalt  }
0x3f: {  	_ =	shalt  }
0x40: {  	_ =	shalt  }
0x41: {  	_ =	shalt  }
0x42: {  	_ =	shalt  }
0x43: {  	_ =	shalt  }
0x44: {  	_ =	shalt  }
0x45: {  	_ =	shalt  }
0x46: {  	_ =	shalt  }
0x47: {  	_ =	shalt  }
0x48: {  	_ =	shalt  }
0x49: {  	_ =	shalt  }
0x4a: {  	_ =	shalt  }
0x4b: {  	_ =	shalt  }
0x4c: {  	_ =	shalt  }
0x4d: {  	_ =	shalt  }
0x4e: {  	_ =	shalt  }
0x4f: {  	_ =	shalt  }
0x50: {  	_ =	shalt  }
0x51: {  	_ =	shalt  }
0x52: {  	_ =	shalt  }
0x53: {  	_ =	shalt  }
0x54: {  	_ =	shalt  }
0x55: {  	_ =	shalt  }
0x56: {  	_ =	shalt  }
0x57: {  	_ =	shalt  }
0x58: {  	_ =	shalt  }
0x59: {  	_ =	shalt  }
0x5a: {  	_ =	shalt  }
0x5b: {  	_ =	shalt  }
0x5c: {  	_ =	shalt  }
0x5d: {  	_ =	shalt  }
0x5e: {  	_ =	shalt  }
0x5f: {  	_ =	shalt  }
0x60: {  	_ =	shalt  }
0x61: {  	_ =	shalt  }
0x62: {  	_ =	shalt  }
0x63: {  	_ =	shalt  }
0x64: {  	_ =	shalt  }
0x65: {  	_ =	shalt  }
0x66: {  	_ =	shalt  }
0x67: {  	_ =	shalt  }
0x68: {  	_ =	shalt  }
0x69: {  	_ =	shalt  }
0x6a: {  	_ =	shalt  }
0x6b: {  	_ =	shalt  }
0x6c: {  	_ =	shalt  }
0x6d: {  	_ =	shalt  }
0x6e: {  	_ =	shalt  }
0x6f: {  	_ =	shalt  }
0x70: {  	_ =	shalt  }
0x71: {  	_ =	shalt  }
0x72: {  	_ =	shalt  }
0x73: {  	_ =	shalt  }
0x74: {  	_ =	shalt  }
0x75: {  	_ =	shalt  }
0x76: {  	_ =	shalt  }
0x77: {  	_ =	shalt  }
0x78: {  	_ =	shalt  }
0x79: {  	_ =	shalt  }
0x7a: {  	_ =	shalt  }
0x7b: {  	_ =	shalt  }
0x7c: {  	_ =	shalt  }
0x7d: {  	_ =	shalt  }
0x7e: {  	_ =	shalt  }
0x7f: {  	_ =	shalt  }
0x80: {  	_ =	shalt  }
0x81: {  	_ =	shalt  }
0x82: {  	_ =	shalt  }
0x83: {  	_ =	shalt  }
0x84: {  	_ =	shalt  }
0x85: {  	_ =	shalt  }
0x86: {  	_ =	shalt  }
0x87: {  	_ =	shalt  }
.Lfunc_end0:
.L_simem_size_0:
called_computation_lowered:
.L_overlay_start_0:
0x88: {  	s2 =	sld [smem:$0x3FD9]  }
0x89: {  	s3 =	sld [smem:$0x3FFE];
	_ =	sdelay $0x1  }
0x8a: {  	s1 =	srdreg.scid  }
0x8b: {  	s0 =	sand.u32 $0x1, s1  }
0x8c: {  	s16 =	sshll.u32 s0, $0xA;
	s2 =	sadd.s32 s3, s2  }
0x8d: {  	s2 =	sadd.s32 s2, s16  }
0x8e: {  	[smem:$0x3FC4] =	sst s2  }
0x8f: {  	_ = 	snop  }
0x90: {  	(tm) =	ssettm $0x1  }
0x91: {  	s17 =	sld [smem:$0x3FFB];
	_ =	sdelay $0x3  }
0x92: {  	_ =	strace s17  }
0x93: {  	s2 =	sld [smem:$0x3FFC];
	_ =	sdelay $0x3  }
0x94: {  	_ =	strace s2  }
0x95: {  	s2 =	sld [smem:$0x3FFD];
	_ =	sdelay $0x3  }
0x96: {  	_ =	strace s2  }
0x97: {  	_ =	strace $0x8FFFFFFF  }
0x98: {  	s18 =	sld [smem:$0x3FDB];
	_ =	sdelay $0x1  }
0x99: {  	s19 =	simm.s32 $_scs_section_size  }
0x9a: {  	s4 =	simm.s32 $_size__tile_overlayer_lowered;
	s5 =	simm.s32 $_tile_overlayer_lowered  }
0x9b: {  	s22 =	simm.s32 $0x1BFF;
	s21 =	sshll.u32 s5, $0x1;
	s2 =	sadd.s32 s19, s18  }
0x9c: {  	s6 =	simm.s32 $0x0;
	s20 =	sshll.u32 s4, $0x1;
	s4 =	sadd.s32 s21, s2  }
0x9d: {  	[timem:s6], [sflag:s22] =	dma.local [hbm:s4], s20  }
0x9e: {  	_ =	swait.ge [sflag:s22], s20  }
0x9f: {  	s3 =	ssub.s32 $0x0, s20;
	[sflag:s22] =	ssyncset.done $0x0  }
0xa0: {  	[sflag:s22] =	ssyncadd.s32 s3;
	_ =	sdelay $0x1  }
0xa1: {  	s23 =	simm.s32 $0x1B8B  }
0xa2: {  	_ =	swait.ge [sflag:s23], $0x1  }
0xa3: {  	[sflag:s23] =	ssyncset.done $0x0  }
0xa4: {  	s25 =	simm.s32 $0x1B8E;
	s24 =	sld [smem:$0x3FFE];
	[sflag:s23] =	ssyncadd.s32 $0xFFFFFFFF  }
0xa5: {  	s26 =	simm.s32 $execute0_lowered;
	[smem:$0x3FD2] =	sst s25  }
0xa6: {  	s4 =	sshll.u32 s26, $0x1;
	_ =	strace $0x80000046;
	[dreg:$0x1] =	wrdreg $0xFFFFFFFF  }
0xa7: {  	s28 =	simm.s32 $_size_execute0_lowered;
	s2 =	sadd.s32 s2, s4;
	[dreg:$0x0] =	wrdreg $0x0  }
0xa8: {  	s4 =	sshll.u32 s28, $0x1;
	[dreg:$0x2] =	wrdreg s2  }
0xa9: {  	[dreg:$0x3] =	wrdreg s4  }
0xaa: {  	[dreg:$0x4] =	wrdreg $0xC0  }
0xab: {  	_ =	task [dreg:s6], $0x5FFFF  }
0xac: {  	[dreg:$0x1] =	wrdreg $0xFFFFFFFF  }
0xad: {  	[dreg:$0x0] =	wrdreg $0x60  }
0xae: {  	[dreg:$0x2] =	wrdreg s24  }
0xaf: {  	[dreg:$0x3] =	wrdreg $0x9  }
0xb0: {  	_ =	task.clear_ibuf [dreg:s6], $0x4FFFF;
	_ =	strace $0x90000046  }
0xb1: {  	s29 =	simm.s32 $0x9;
	_ =	strace $0x80000048  }
0xb2: {  	_ =	swait.ge [sflag:s29], $0x1  }
0xb3: {  	[sflag:s29] =	ssyncadd.s32 $0xFFFFFFFF  }
0xb4: {  	_ =	strace $0x90000048  }
0xb5: {  	_ =	sfence  }
0xb6: {  	s30 =	sld [smem:$0x0];
	_ =	sdelay $0x2  }
0xb7: {  	s31 =	sshll.u32 s1, $0xD;
	s1 =	sshrl.u32 s1, $0x2  }
0xb8: {  	s3 =	sand.u32 $0x4000, s31;
	s1 =	sadd.s32 s1, s30  }
0xb9: {  	s0 =	sor.u32 s3, s0;
	s1 =	sshll.u32 s1, $0x11  }
0xba: {  	s0 =	sor.u32 s1, s0  }
0xbb: {  	s0 =	sadd.s32 $0x8F2B, s0  }
0xbc: {  	[sflag:s0] =	ssyncadd.remote.s32 $0x1  }
0xbd: {  	_ =	sfence.sel $0xFFFF  }
0xbe: {  	[dreg:$0x0] =	wrdreg $0xFFFFFFFF;
	(pc) =	sbr.abs _section_cstart, $3  }
0xbf: {  	[dreg:$0x1] =	wrdreg $0xFFFFFFFF  }
0xc0: {  	_ =	task.clear_ibuf [dreg:s6], $0x2FFFF;
	_ =	strace $0x9FFFFFFF  }
0xc1: {  	(tm) =	ssettm $0x7FFFFFFF  }
tec
execute0_lowered:
.L_overlay_start_1:
0x0: {  	(tag) =	ssettag $0x1  }
0x1: {  	s1 =	srdreg.scid;
	s0 =	stileid.u32  }
0x2: {  	s2 =	rddreg [dreg:$0x0];
	s4 =	sand.u32 $0x1, s1;
	s3 =	sshll.u32 s0, $0x1  }
0x3: {  	s11 =	simm.s32 $0x4E80;
	s6 =	sshrl.u32 s0, $0x2;
	s5 =	sor.u32 s4, s3  }
0x4: {  	s1 =	simm.s32 $0x0;
	s8 =	smul.u32 $0x27400, s6;
	s7 =	sshll.u32 s5, $0x7  }
0x5: {  	s12 =	simm.s32 $0x5E80;
	[smem:$0x7FF] =	sst s1;
	s7 =	sand.u32 $0x380, s7  }
0x6: {  	s6 =	sshll.u32 s6, $0xA;
	s4 =	ssub.s32 $0x2, s4;
	s8 =	sor.u32 s8, s7  }
0x7: {  	_ =	strace $0x80000047;
	s6 =	sor.u32 s6, s7;
	s8 =	sshrl.u32 s8, $0x3  }
0x8: {  	s28 =	sshrl.u32 s4, $0x1;
	s6 =	sshrl.u32 s6, $0x3;
	s26 =	sadd.s32 s8, s2  }
0x9: {  	v0 =	vlaneseq.u32;
	s10 =	sand.u32 $0xF, s5;
	s6 =	sadd.s32 s6, s2;
	s29 =	sadd.s32 $0x200, s26  }
0xa: {  	v4 =	vmul.u32 $0xFFFFFFFF, v0;
	s8 =	ssub.s32 s4, s28;
	s30 =	sadd.s32 $0x13C00, s6;
	[dreg:$0x2] =	wrdreg s29  }
0xb: {  	v1 =	vimm.s32 $0x0;
	v3 =	vimm.s32 $0x1;
	p0 =	sgt.u32 s0, $0x7;
	v5 =	vmov s10;
	s31 =	smax.u32 s8, $0x1;
	[dreg:$0x3] =	wrdreg s30  }
0xc: {  	v2 =	vmul.u32 $0x100, v0;
	v4 =	vadd.s32 $0xF, v4;
	vm0 =	veq.s32 v5, v0;
	s4 =	simm.s32 $0x1;
	s2 =	simm.s32 $0x0;
	[dreg:$0x4] =	wrdreg s31  }
.LBB2_1:
0xd: {  	[dreg:$0x5] =	wrdreg s2  }
0xe: {  	s0 =	rddreg [dreg:$0x2];
	s29 =	simm.s32 $0x80;
	s3 =	simm.s32 $0x400  }
0xf: {  	[tilespmem:s1], [sflag:$0x1] =	stream.strided.gather [hbm4b:s0+s29], $0x4E80, s3, s29, $0x38;
	[tilespmem:$0x6080] =	vst v63  }
0x10: {  	_ =	swait.ge [sflag:s4], $0x4E80  }
0x11: {  	[sflag:s4] =	ssyncset.done $0x0  }
0x12: {  	[sflag:s4] =	ssyncadd.s32 $0xFFFFB180  }
0x13: {  	s31 =	simm.s32 $0x5F80;
	s30 =	rddreg [dreg:$0x0]  }
0x14: {  	[tilespmem:s31], [sflag:$0x1] =	stream.linear.gather [hbm4b:s30+s1], $0x80, $0x38;
	[tilespmem:$0x6080] =	vst v63  }
0x15: {  	_ =	swait.ge [sflag:s4], $0x80  }
0x16: {  	[sflag:s4] =	ssyncset.done $0x0  }
0x17: {  	[sflag:s4] =	ssyncadd.s32 $0xFFFFFF80  }
0x18: {  	v9 =	vld [tilespmem:$0x5F90]  }
0x19: {  	s16 =	simm.s32 $0x100;
	s15 =	simm.s32 $0x0;
	v20 =	vld [tilespmem:$0x5F80]  }
.LBB2_2:
0x1a: {  	p1 =	sne.s32 s16, $0x3F00;
	[tilespmem:s15+$0x4EB0] =	vst v1;
	s17 =	smov.u32 s16;
	s16 =	sadd.s32 $0x100, s16  }
.Ltmp0:
0x1b: {  	[tilespmem:s15+$0x4EA0] =	vst v1;
	(pc) =	sbr.rel @p1 .LBB2_2-.Ltmp0, $3  }
0x1c: {  	[tilespmem:s15+$0x4E80] =	vst v1  }
0x1d: {  	[tilespmem:s15+$0x4E90] =	vst v1;
	_ =	sdelay $0x1  }
0x1e: {  	s15 =	sshra.s32 s17, $0x2  }
0x1f: {  	[tilespmem:s15+$0x4EB0] =	vst v1  }
0x20: {  	[tilespmem:s15+$0x4EA0] =	vst v1  }
0x21: {  	[tilespmem:s15+$0x4E80] =	vst v1  }
0x22: {  	[tilespmem:s15+$0x4E90] =	vst v1  }
0x23: {  	[tilespmem:$0x5E80] =	vst v1  }
0x24: {  	[tilespmem:$0x5E90] =	vst v1  }
0x25: {  	[tilespmem:$0x5EA0] =	vst v1  }
0x26: {  	[tilespmem:$0x5EB0] =	vst v1  }
0x27: {  	[tilespmem:$0x5EC0] =	vst v1  }
0x28: {  	[tilespmem:$0x5ED0] =	vst v1  }
0x29: {  	[tilespmem:$0x5EE0] =	vst v1  }
0x2a: {  	[tilespmem:$0x5EF0] =	vst v1  }
0x2b: {  	[tilespmem:$0x5F00] =	vst v1  }
0x2c: {  	[tilespmem:$0x5F10] =	vst v1  }
0x2d: {  	[tilespmem:$0x5F20] =	vst v1  }
0x2e: {  	[tilespmem:$0x5F30] =	vst v1  }
0x2f: {  	[tilespmem:$0x5F40] =	vst v1  }
0x30: {  	[tilespmem:$0x5F50] =	vst v1  }
0x31: {  	[tilespmem:$0x5F60] =	vst v1  }
0x32: {  	s15 =	simm.s32 $0x0;
	s16 =	simm.s32 $0x0;
	[tilespmem:$0x5F70] =	vst v1  }
.LBB2_4:
0x33: {  	s17 =	sshra.s32 s16, $0x2  }
0x34: {  	v5 =	vld [tilespmem:s17+$0x0];
	_ =	sdelay $0x4  }
0x35: {  	v5 =	vshrl.u32 v5, $0x18  }
0x36: {  	v6 =	vand.u32 $0x80, v5  }
0x37: {  	v5 =	vand.u32 $0x7F, v5;
	v6 =	vor.u32 v2, v6  }
0x38: {  	v5 =	vor.u32 v5, v6;
	_ =	sdelay $0x4  }
0x39: {  	[tilespmem:v5+s11+$0x0] =	vst.idx.add.s32.msk $0xffff, v3  }
0x3a: {  	v5 =	vld [tilespmem:s17+$0x10];
	_ =	sdelay $0x4  }
0x3b: {  	v5 =	vshrl.u32 v5, $0x18  }
0x3c: {  	v6 =	vand.u32 $0x80, v5  }
0x3d: {  	v5 =	vand.u32 $0x7F, v5;
	v6 =	vor.u32 v2, v6  }
0x3e: {  	v5 =	vor.u32 v5, v6;
	_ =	sdelay $0x4  }
0x3f: {  	[tilespmem:v5+s11+$0x0] =	vst.idx.add.s32.msk $0xffff, v3  }
0x40: {  	v5 =	vld [tilespmem:s17+$0x20];
	_ =	sdelay $0x4  }
0x41: {  	v5 =	vshrl.u32 v5, $0x18  }
0x42: {  	v6 =	vand.u32 $0x80, v5  }
0x43: {  	v5 =	vand.u32 $0x7F, v5;
	v6 =	vor.u32 v2, v6  }
0x44: {  	v5 =	vor.u32 v5, v6;
	_ =	sdelay $0x4  }
0x45: {  	[tilespmem:v5+s11+$0x0] =	vst.idx.add.s32.msk $0xffff, v3  }
0x46: {  	v5 =	vld [tilespmem:s17+$0x30];
	_ =	sdelay $0x4  }
0x47: {  	v5 =	vshrl.u32 v5, $0x18  }
0x48: {  	v6 =	vand.u32 $0x80, v5  }
0x49: {  	v5 =	vand.u32 $0x7F, v5;
	v6 =	vor.u32 v2, v6  }
0x4a: {  	v5 =	vor.u32 v5, v6;
	_ =	sdelay $0x4  }
0x4b: {  	[tilespmem:v5+s11+$0x0] =	vst.idx.add.s32.msk $0xffff, v3  }
0x4c: {  	v5 =	vld [tilespmem:s17+$0x40];
	_ =	sdelay $0x4  }
0x4d: {  	v5 =	vshrl.u32 v5, $0x18  }
0x4e: {  	v6 =	vand.u32 $0x80, v5  }
0x4f: {  	v5 =	vand.u32 $0x7F, v5;
	v6 =	vor.u32 v2, v6  }
0x50: {  	p1 =	sne.s32 s16, $0x13740;
	v5 =	vor.u32 v5, v6  }
.Ltmp1:
0x51: {  	_ = 	snop;
	(pc) =	sbr.rel @p1 .LBB2_4-.Ltmp1, $2  }
0x52: {  	_ =	sdelay $0x2  }
0x53: {  	s16 =	sadd.s32 $0x140, s16;
	[tilespmem:v5+s11+$0x0] =	vst.idx.add.s32.msk $0xffff, v3  }
0x54: {  	s16 =	simm.s32 $0x4E90;
	s18 =	sand.u32 $0xE0, s15;
	s17 =	simm.s32 $0x20  }
.LBB2_6:
0x55: {  	p1 =	sne.s32 s17, $0xFE0;
	v5 =	vor.u32 s18, v0;
	v6 =	vld [tilespmem:s16+$0xFFFFFFF0];
	_ =	sdelay $0x3  }
0x56: {  	s18 =	sadd.s32 $0x10, s15;
	s15 =	smov.u32 s17  }
0x57: {  	s18 =	sand.u32 $0xF0, s18;
	[tilespmem:v5+s12+$0x0] =	vst.idx.add.s32.msk $0xffff, v6  }
0x58: {  	v5 =	vor.u32 s18, v0;
	v6 =	vld [tilespmem:s16+$0x0]  }
.Ltmp2:
0x59: {  	(pc) =	sbr.rel @p1 .LBB2_6-.Ltmp2, $2  }
0x5a: {  	_ =	sdelay $0x2  }
0x5b: {  	s17 =	sadd.s32 $0x20, s17;
	s18 =	sand.u32 $0xE0, s15;
	s16 =	sadd.s32 $0x20, s16;
	[tilespmem:v5+s12+$0x0] =	vst.idx.add.s32.msk $0xffff, v6  }
0x5c: {  	v5 =	vor.u32 s18, v0;
	v6 =	vld [tilespmem:s16+$0xFFFFFFF0];
	_ =	sdelay $0x3  }
0x5d: {  	s15 =	sadd.s32 $0x10, s15  }
0x5e: {  	s15 =	sand.u32 $0xF0, s15;
	[tilespmem:v5+s12+$0x0] =	vst.idx.add.s32.msk $0xffff, v6  }
0x5f: {  	v5 =	vor.u32 s15, v0;
	v6 =	vld [tilespmem:s16+$0x0];
	_ =	sdelay $0x4  }
0x60: {  	[tilespmem:v5+s12+$0x0] =	vst.idx.add.s32.msk $0xffff, v6  }
0x61: {  	v5 =	vld [tilespmem:$0x5E80]  }
0x62: {  	v6 =	vld [tilespmem:$0x5E90]  }
0x63: {  	v7 =	vld [tilespmem:$0x5EA0]  }
0x64: {  	v8 =	vld [tilespmem:$0x5EB0]  }
0x65: {  	v19 =	vld [tilespmem:$0x5EC0]  }
0x66: {  	v18 =	vld [tilespmem:$0x5ED0];
	v10 =	vperm.xlane v5, v4  }
0x67: {  	v17 =	vld [tilespmem:$0x5EE0];
	v11 =	vperm.xlane v6, v4  }
0x68: {  	v16 =	vld [tilespmem:$0x5EF0];
	(xrf0) =	vadd.scan.msk.s32 $0xffff, v10;
	v10 =	vperm.xlane v7, v4  }
0x69: {  	v15 =	vld [tilespmem:$0x5F00];
	(xrf0) =	vadd.scan.msk.s32 $0xffff, v11;
	v11 =	vperm.xlane v8, v4  }
0x6a: {  	v14 =	vld [tilespmem:$0x5F10];
	(xrf0) =	vadd.scan.msk.s32 $0xffff, v10;
	v10 =	vperm.xlane v19, v4  }
0x6b: {  	v13 =	vld [tilespmem:$0x5F20];
	(xrf0) =	vadd.scan.msk.s32 $0xffff, v11;
	v11 =	vperm.xlane v18, v4  }
0x6c: {  	v12 =	vld [tilespmem:$0x5F30];
	v21 =	vperm.xlane v17, v4;
	(xrf0) =	vadd.scan.msk.s32 $0xffff, v10  }
0x6d: {  	v22 =	vperm.xlane v16, v4;
	v10 =	vld [tilespmem:$0x5F40];
	(xrf0) =	vadd.scan.msk.s32 $0xffff, v11  }
0x6e: {  	v11 =	vld [tilespmem:$0x5F50];
	v23, _, _ =	vpop (xrf0);
	(xrf0) =	vadd.scan.msk.s32 $0xffff, v21;
	v21 =	vperm.xlane v15, v4  }
0x6f: {  	v37 =	vld [tilespmem:$0x5F60];
	v24, _, _ =	vpop (xrf0);
	(xrf0) =	vadd.scan.msk.s32 $0xffff, v22;
	v22 =	vperm.xlane v14, v4  }
0x70: {  	v36 =	vld [tilespmem:$0x5F70];
	v25, _, _ =	vpop (xrf0);
	(xrf0) =	vadd.scan.msk.s32 $0xffff, v21;
	v21 =	vperm.xlane v13, v4  }
0x71: {  	v26, _, _ =	vpop (xrf0);
	(xrf0) =	vadd.scan.msk.s32 $0xffff, v22;
	v22 =	vperm.xlane v12, v4  }
0x72: {  	v27, _, _ =	vpop (xrf0);
	(xrf0) =	vadd.scan.msk.s32 $0xffff, v21;
	v21 =	vperm.xlane v10, v4  }
0x73: {  	v28, _, _ =	vpop (xrf0);
	(xrf0) =	vadd.scan.msk.s32 $0xffff, v22;
	v22 =	vperm.xlane v11, v4  }
0x74: {  	v29, _, _ =	vpop (xrf0);
	(xrf0) =	vadd.scan.msk.s32 $0xffff, v21;
	v21 =	vperm.xlane v37, v4  }
0x75: {  	v39, _, _ =	vpop (xrf0);
	(xrf0) =	vadd.scan.msk.s32 $0xffff, v22;
	v22 =	vperm.xlane v36, v4;
	_ =	sdelay $0x1  }
0x76: {  	v40, _, _ =	vpop (xrf0);
	(xrf0) =	vadd.scan.msk.s32 $0xffff, v21  }
0x77: {  	v38 =	vperm.xlane v23, v4;
	v34 =	vperm.xlane v24, v4;
	v21, _, _ =	vpop (xrf0);
	(xrf0) =	vadd.scan.msk.s32 $0xffff, v22  }
0x78: {  	v35 =	vperm.xlane v25, v4;
	v33 =	vperm.xlane v26, v4;
	v22, _, _ =	vpop (xrf0)  }
0x79: {  	v32 =	vperm.xlane v27, v4;
	v31 =	vperm.xlane v28, v4;
	v23, _, _ =	vpop (xrf0)  }
0x7a: {  	v30 =	vperm.xlane v29, v4;
	v29 =	vperm.xlane v39, v4;
	v24, _, _ =	vpop (xrf0)  }
0x7b: {  	v28 =	vperm.xlane v40, v4;
	v27 =	vperm.xlane v21, v4;
	v62, _, _ =	vpop (xrf0)  }
0x7c: {  	v26 =	vperm.xlane v22, v4;
	v25 =	vperm.xlane v23, v4;
	v21, _, _ =	vpop (xrf0)  }
0x7d: {  	v24 =	vperm.xlane v24, v4;
	v23 =	vperm.xlane v62, v4;
	v63, _, _ =	vpop (xrf0)  }
0x7e: {  	s15 =	simm.s32 $0x100;
	s16 =	simm.s32 $0x0;
	v22 =	vperm.xlane v21, v4;
	v21 =	vperm.xlane v63, v4  }
.LBB2_8:
0x7f: {  	p1 =	sne.s32 s15, $0x3F00;
	[tilespmem:s16+$0x4EB0] =	vst v1;
	s17 =	smov.u32 s15;
	s15 =	sadd.s32 $0x100, s15  }
.Ltmp3:
0x80: {  	[tilespmem:s16+$0x4EA0] =	vst v1;
	(pc) =	sbr.rel @p1 .LBB2_8-.Ltmp3, $3  }
0x81: {  	[tilespmem:s16+$0x4E80] =	vst v1  }
0x82: {  	[tilespmem:s16+$0x4E90] =	vst v1;
	_ =	sdelay $0x1  }
0x83: {  	s16 =	sshra.s32 s17, $0x2  }
0x84: {  	v9 =	vpsel p0, v9, v20  }
0x85: {  	v9 =	vnsel vm0, $0x0, v9  }
0x86: {  	(xrf0) =	vadd.scan.msk.s32 $0xffff, v9  }
0x87: {  	(xrf0) =	vadd.scan.msk.s32 $0xffff, v6  }
0x88: {  	(xrf0) =	vadd.scan.msk.s32 $0xffff, v7  }
0x89: {  	(xrf0) =	vadd.scan.msk.s32 $0xffff, v8  }
0x8a: {  	(xrf0) =	vadd.scan.msk.s32 $0xffff, v19  }
0x8b: {  	(xrf0) =	vadd.scan.msk.s32 $0xffff, v18  }
0x8c: {  	v9, _, _ =	vpop (xrf0);
	(xrf0) =	vadd.scan.msk.s32 $0xffff, v17  }
0x8d: {  	(v2sf) =	vpush v9, $0xF;
	v9, _, _ =	vpop (xrf0);
	(xrf0) =	vadd.scan.msk.s32 $0xffff, v16  }
0x8e: {  	(v2sf) =	vpush v9, $0xF;
	v9, _, _ =	vpop (xrf0);
	(xrf0) =	vadd.scan.msk.s32 $0xffff, v15  }
0x8f: {  	(v2sf) =	vpush v9, $0xF;
	v9, _, _ =	vpop (xrf0);
	(xrf0) =	vadd.scan.msk.s32 $0xffff, v14  }
0x90: {  	(v2sf) =	vpush v9, $0xF;
	v9, _, _ =	vpop (xrf0);
	(xrf0) =	vadd.scan.msk.s32 $0xffff, v13  }
0x91: {  	(v2sf) =	vpush v9, $0xF;
	v9, _, _ =	vpop (xrf0);
	(xrf0) =	vadd.scan.msk.s32 $0xffff, v12  }
0x92: {  	(v2sf) =	vpush v9, $0xF;
	v9, _, _ =	vpop (xrf0);
	(xrf0) =	vadd.scan.msk.s32 $0xffff, v10  }
0x93: {  	(v2sf) =	vpush v9, $0xF;
	v9, _, _ =	vpop (xrf0);
	(xrf0) =	vadd.scan.msk.s32 $0xffff, v11  }
0x94: {  	(v2sf) =	vpush v9, $0xF;
	v9, _, _ =	vpop (xrf0);
	(xrf0) =	vadd.scan.msk.s32 $0xffff, v37  }
0x95: {  	(v2sf) =	vpush v9, $0xF;
	v9, _, _ =	vpop (xrf0);
	(xrf0) =	vadd.scan.msk.s32 $0xffff, v36  }
0x96: {  	(v2sf) =	vpush v9, $0xF;
	v9, _, _ =	vpop (xrf0)  }
0x97: {  	(v2sf) =	vpush v9, $0xF;
	v9, _, _ =	vpop (xrf0)  }
0x98: {  	(v2sf) =	vpush v9, $0xF;
	v9, _, _ =	vpop (xrf0)  }
0x99: {  	(v2sf) =	vpush v9, $0xF;
	v9, _, _ =	vpop (xrf0)  }
0x9a: {  	(v2sf) =	vpush v9, $0xF;
	v9, _, _ =	vpop (xrf0)  }
0x9b: {  	(v2sf) =	vpush v9, $0xF;
	v9, _, _ =	vpop (xrf0)  }
0x9c: {  	s15 =	spop (v2sf);
	(v2sf) =	vpush v9, $0xF  }
0x9d: {  	s23 =	spop (v2sf)  }
0x9e: {  	s24 =	spop (v2sf)  }
0x9f: {  	s25 =	spop (v2sf)  }
0xa0: {  	s26 =	spop (v2sf)  }
0xa1: {  	s28 =	spop (v2sf)  }
0xa2: {  	s29 =	spop (v2sf)  }
0xa3: {  	s30 =	spop (v2sf)  }
0xa4: {  	s31 =	spop (v2sf)  }
0xa5: {  	s22 =	spop (v2sf)  }
0xa6: {  	s21 =	spop (v2sf)  }
0xa7: {  	s20 =	spop (v2sf)  }
0xa8: {  	s19 =	spop (v2sf)  }
0xa9: {  	s18 =	spop (v2sf)  }
0xaa: {  	s17 =	spop (v2sf)  }
0xab: {  	s1 =	spop (v2sf)  }
0xac: {  	s17 =	sadd.s32 s17, s1  }
0xad: {  	s18 =	sadd.s32 s18, s17  }
0xae: {  	s19 =	sadd.s32 s19, s18  }
0xaf: {  	s20 =	sadd.s32 s20, s19  }
0xb0: {  	s21 =	sadd.s32 s21, s20  }
0xb1: {  	s22 =	sadd.s32 s22, s21  }
0xb2: {  	s6 =	sadd.s32 s31, s22  }
0xb3: {  	s30 =	sadd.s32 s30, s6  }
0xb4: {  	s29 =	sadd.s32 s29, s30  }
0xb5: {  	s28 =	sadd.s32 s28, s29  }
0xb6: {  	s26 =	sadd.s32 s26, s28  }
0xb7: {  	s31 =	smul.u32 $0x3, s15;
	s25 =	sadd.s32 s25, s26  }
0xb8: {  	s0 =	ssub.s32 $0x4E20, s15;
	s24 =	sadd.s32 s24, s25  }
0xb9: {  	v20 =	vsub.s32 v38, v5;
	p1 =	slt.s32 s31, s0;
	s23 =	sadd.s32 s23, s24  }
0xba: {  	s0 =	smov.u32 @p1 s31;
	v20 =	vadd.s32 s23, v20  }
0xbb: {  	vm1 =	vlt.s32 v20, s0;
	v20 =	vsub.s32 v34, v6  }
0xbc: {  	v35 =	vsub.s32 v35, v7;
	v33 =	vsub.s32 v33, v8;
	v20 =	vadd.s32 s24, v20  }
0xbd: {  	v43 =	vsel vm1, $0x1, v1;
	vm1 =	vlt.s32 v20, s0;
	v20 =	vadd.s32 s25, v35  }
0xbe: {  	v44 =	vsel vm1, $0x1, v1;
	vm1 =	vlt.s32 v20, s0;
	v20 =	vadd.s32 s26, v33  }
0xbf: {  	(xrf0) =	vadd.scan.msk.s32 $0xffff, v43;
	v45 =	vsel vm1, $0x1, v1;
	vm1 =	vlt.s32 v20, s0;
	v20 =	vsub.s32 v32, v19  }
0xc0: {  	v31 =	vsub.s32 v31, v18;
	v47 =	vsub.s32 s30, v17;
	(xrf0) =	vadd.scan.msk.s32 $0xffff, v44;
	v20 =	vadd.s32 s28, v20  }
0xc1: {  	v46 =	vsel vm1, $0x1, v1;
	(xrf0) =	vadd.scan.msk.s32 $0xffff, v45;
	vm1 =	vlt.s32 v20, s0;
	v20 =	vadd.s32 s29, v31  }
0xc2: {  	(xrf0) =	vadd.scan.msk.s32 $0xffff, v46;
	v48 =	vsel vm1, $0x1, v1;
	vm1 =	vlt.s32 v20, s0;
	v20 =	vadd.s32 v30, v47  }
0xc3: {  	(xrf0) =	vadd.scan.msk.s32 $0xffff, v48;
	v49 =	vsel vm1, $0x1, v1;
	vm1 =	vlt.s32 v20, s0  }
0xc4: {  	(xrf0) =	vadd.scan.msk.s32 $0xffff, v49;
	v20 =	vsel vm1, $0x1, v1  }
0xc5: {  	v50, _, _ =	vpop (xrf0);
	(xrf0) =	vadd.scan.msk.s32 $0xffff, v20;
	v20 =	vsub.s32 s6, v16  }
0xc6: {  	v20 =	vadd.s32 v29, v20  }
0xc7: {  	(v2sf) =	vpush v50, $0xF;
	v51, _, _ =	vpop (xrf0)  }
0xc8: {  	(v2sf) =	vpush v51, $0xF;
	v52, _, _ =	vpop (xrf0)  }
0xc9: {  	vm1 =	vlt.s32 v20, s0;
	(v2sf) =	vpush v52, $0xF;
	v20, _, _ =	vpop (xrf0)  }
0xca: {  	(v2sf) =	vpush v20, $0xF;
	v20, _, _ =	vpop (xrf0)  }
0xcb: {  	(v2sf) =	vpush v20, $0xF;
	v20, _, _ =	vpop (xrf0)  }
0xcc: {  	v56 =	vsub.s32 s20, v13;
	v54 =	vsub.s32 s22, v15;
	(v2sf) =	vpush v20, $0xF;
	v20, _, _ =	vpop (xrf0)  }
0xcd: {  	v55 =	vsub.s32 s21, v14;
	(v2sf) =	vpush v20, $0xF;
	v20 =	vadd.s32 v28, v54  }
0xce: {  	v53 =	vsel vm1, $0x1, v1;
	vm1 =	vlt.s32 v20, s0;
	v20 =	vadd.s32 v27, v55  }
0xcf: {  	v57 =	vsel vm1, $0x1, v1;
	vm1 =	vlt.s32 v20, s0;
	v20 =	vadd.s32 v26, v56  }
0xd0: {  	v59 =	vsel vm1, $0x1, v1;
	vm1 =	vlt.s32 v20, s0;
	v20 =	vsub.s32 s19, v12  }
0xd1: {  	v9 =	vbroadcast v9, $0xF;
	(xrf0) =	vadd.scan.msk.s32 $0xffff, v53;
	v20 =	vadd.s32 v25, v20  }
0xd2: {  	v60 =	vsel vm1, $0x1, v1;
	vm1 =	vlt.s32 v20, s0;
	v20 =	vsub.s32 s18, v10  }
0xd3: {  	v9 =	vsub.s32 v9, v37;
	v62 =	vsub.s32 s17, v11;
	(xrf0) =	vadd.scan.msk.s32 $0xffff, v57;
	v20 =	vadd.s32 v24, v20  }
0xd4: {  	(xrf0) =	vadd.scan.msk.s32 $0xffff, v59;
	v61 =	vsel vm1, $0x1, v1;
	vm1 =	vlt.s32 v20, s0;
	v20 =	vadd.s32 v23, v62  }
0xd5: {  	v9 =	vadd.s32 v22, v9;
	(xrf0) =	vadd.scan.msk.s32 $0xffff, v60;
	v63 =	vsel vm1, $0x1, v1;
	vm1 =	vlt.s32 v20, s0  }
0xd6: {  	(xrf0) =	vadd.scan.msk.s32 $0xffff, v61;
	v20 =	vsel vm1, $0x1, v1;
	vm1 =	vlt.s32 v9, s0;
	v9 =	vsub.s32 v21, v36  }
0xd7: {  	v58, _, _ =	vpop (xrf0);
	(xrf0) =	vadd.scan.msk.s32 $0xffff, v63  }
0xd8: {  	(v2sf) =	vpush v58, $0xF;
	(xrf0) =	vadd.scan.msk.s32 $0xffff, v20;
	v20 =	vsel vm1, $0x1, v1;
	vm1 =	vlt.s32 v9, s0  }
0xd9: {  	v9, _, _ =	vpop (xrf0);
	(xrf0) =	vadd.scan.msk.s32 $0xffff, v20;
	v20 =	vsel vm1, $0x1, v1;
	_ =	sdelay $0x1  }
0xda: {  	(v2sf) =	vpush v9, $0xF;
	v9, _, _ =	vpop (xrf0);
	(xrf0) =	vadd.scan.msk.s32 $0xffff, v20  }
0xdb: {  	(v2sf) =	vpush v9, $0xF;
	v20, _, _ =	vpop (xrf0)  }
0xdc: {  	v9, _, _ =	vpop (xrf0);
	(v2sf) =	vpush v20, $0xF  }
0xdd: {  	s7 =	spop (v2sf);
	v20, _, _ =	vpop (xrf0);
	(v2sf) =	vpush v9, $0xF  }
0xde: {  	s8 =	spop (v2sf);
	v9, _, _ =	vpop (xrf0);
	(v2sf) =	vpush v20, $0xF  }
0xdf: {  	s9 =	spop (v2sf);
	v20, _, _ =	vpop (xrf0);
	(v2sf) =	vpush v9, $0xF  }
0xe0: {  	s10 =	spop (v2sf);
	(v2sf) =	vpush v20, $0xF;
	v9, _, _ =	vpop (xrf0)  }
0xe1: {  	[tilespmem:s16+$0x4EB0] =	vst v1;
	s13 =	spop (v2sf);
	(v2sf) =	vpush v9, $0xF  }
0xe2: {  	[tilespmem:s16+$0x4EA0] =	vst v1;
	s14 =	spop (v2sf)  }
0xe3: {  	[tilespmem:s16+$0x4E80] =	vst v1;
	s15 =	spop (v2sf);
	s20 =	sadd.s32 s13, s14  }
0xe4: {  	[tilespmem:s16+$0x4E90] =	vst v1;
	s20 =	sadd.s32 s15, s20  }
0xe5: {  	[tilespmem:$0x5E80] =	vst v1;
	s16 =	sadd.s32 s10, s20  }
0xe6: {  	[tilespmem:$0x5E90] =	vst v1;
	s16 =	sadd.s32 s9, s16;
	s21 =	spop (v2sf)  }
0xe7: {  	[tilespmem:$0x5EA0] =	vst v1;
	s16 =	sadd.s32 s21, s16  }
0xe8: {  	[tilespmem:$0x5EB0] =	vst v1;
	s16 =	sadd.s32 s8, s16  }
0xe9: {  	[tilespmem:$0x5EC0] =	vst v1;
	s1 =	sadd.s32 s7, s16;
	s22 =	spop (v2sf)  }
0xea: {  	[tilespmem:$0x5ED0] =	vst v1;
	s23 =	spop (v2sf);
	s1 =	sadd.s32 s22, s1  }
0xeb: {  	[tilespmem:$0x5EE0] =	vst v1;
	s1 =	sadd.s32 s23, s1;
	s24 =	spop (v2sf)  }
0xec: {  	[tilespmem:$0x5EF0] =	vst v1;
	s25 =	spop (v2sf);
	s1 =	sadd.s32 s24, s1  }
0xed: {  	[tilespmem:$0x5F00] =	vst v1;
	s26 =	spop (v2sf);
	s1 =	sadd.s32 s25, s1  }
0xee: {  	[tilespmem:$0x5F10] =	vst v1;
	s28 =	spop (v2sf);
	s1 =	sadd.s32 s26, s1  }
0xef: {  	[tilespmem:$0x5F20] =	vst v1;
	s29 =	spop (v2sf);
	s1 =	sadd.s32 s28, s1  }
0xf0: {  	[tilespmem:$0x5F30] =	vst v1;
	s30 =	spop (v2sf);
	s1 =	sadd.s32 s29, s1  }
0xf1: {  	[tilespmem:$0x5F40] =	vst v1;
	s1 =	sadd.s32 s30, s1  }
0xf2: {  	[tilespmem:$0x5F50] =	vst v1;
	s17 =	ssub.s32 $0x100, s1  }
0xf3: {  	[tilespmem:$0x5F60] =	vst v1;
	[dreg:$0x6] =	wrdreg s0;
	s31 =	sshll.u32 s17, $0x18  }
0xf4: {  	[tilespmem:$0x5F70] =	vst v1;
	s19 =	simm.s32 $0x0;
	s18 =	simm.s32 $0x0;
	[dreg:$0x7] =	wrdreg s31;
	v9 =	vmov s31  }
.LBB2_10:
0xf5: {  	s1 =	sshra.s32 s19, $0x2  }
0xf6: {  	v20 =	vld [tilespmem:s1+$0x0];
	_ =	sdelay $0x4  }
0xf7: {  	v21 =	vshrl.u32 v20, $0x10;
	v20 =	vand.u32 $0xFF000000, v20  }
0xf8: {  	vm1 =	veq.s32 v20, v9;
	v20 =	vand.u32 $0xFF, v21  }
0xf9: {  	v20 =	vor.u32 v2, v20;
	_ =	sdelay $0x4  }
0xfa: {  	[tilespmem:v20+s11+$0x0] =	vst.idx.add.s32.msk vm1, v3  }
0xfb: {  	v20 =	vld [tilespmem:s1+$0x10];
	_ =	sdelay $0x4  }
0xfc: {  	v60 =	vshrl.u32 v20, $0x10;
	v20 =	vand.u32 $0xFF000000, v20  }
0xfd: {  	vm1 =	veq.s32 v20, v9;
	v20 =	vand.u32 $0xFF, v60  }
0xfe: {  	v20 =	vor.u32 v2, v20;
	_ =	sdelay $0x4  }
0xff: {  	[tilespmem:v20+s11+$0x0] =	vst.idx.add.s32.msk vm1, v3  }
0x100: {  	v20 =	vld [tilespmem:s1+$0x20];
	_ =	sdelay $0x4  }
0x101: {  	v61 =	vshrl.u32 v20, $0x10;
	v20 =	vand.u32 $0xFF000000, v20  }
0x102: {  	vm1 =	veq.s32 v20, v9;
	v20 =	vand.u32 $0xFF, v61  }
0x103: {  	v20 =	vor.u32 v2, v20;
	_ =	sdelay $0x4  }
0x104: {  	[tilespmem:v20+s11+$0x0] =	vst.idx.add.s32.msk vm1, v3  }
0x105: {  	v20 =	vld [tilespmem:s1+$0x30];
	_ =	sdelay $0x4  }
0x106: {  	v62 =	vshrl.u32 v20, $0x10;
	v20 =	vand.u32 $0xFF000000, v20  }
0x107: {  	vm1 =	veq.s32 v20, v9;
	v20 =	vand.u32 $0xFF, v62  }
0x108: {  	v20 =	vor.u32 v2, v20;
	_ =	sdelay $0x4  }
0x109: {  	[tilespmem:v20+s11+$0x0] =	vst.idx.add.s32.msk vm1, v3  }
0x10a: {  	v20 =	vld [tilespmem:s1+$0x40];
	_ =	sdelay $0x4  }
0x10b: {  	v63 =	vshrl.u32 v20, $0x10;
	v20 =	vand.u32 $0xFF000000, v20  }
0x10c: {  	vm1 =	veq.s32 v20, v9;
	v20 =	vand.u32 $0xFF, v63  }
0x10d: {  	p1 =	sne.s32 s19, $0x13740;
	v20 =	vor.u32 v2, v20  }
.Ltmp4:
0x10e: {  	_ = 	snop;
	(pc) =	sbr.rel @p1 .LBB2_10-.Ltmp4, $2  }
0x10f: {  	_ =	sdelay $0x2  }
0x110: {  	s19 =	sadd.s32 $0x140, s19;
	[tilespmem:v20+s11+$0x0] =	vst.idx.add.s32.msk vm1, v3  }
0x111: {  	s19 =	simm.s32 $0x4E90;
	s21 =	sand.u32 $0xE0, s18;
	s20 =	simm.s32 $0x20  }
.LBB2_12:
0x112: {  	p1 =	sne.s32 s20, $0xFE0;
	v9 =	vor.u32 s21, v0;
	v20 =	vld [tilespmem:s19+$0xFFFFFFF0];
	_ =	sdelay $0x3  }
0x113: {  	s1 =	sadd.s32 $0x10, s18;
	s18 =	smov.u32 s20  }
0x114: {  	s1 =	sand.u32 $0xF0, s1;
	[tilespmem:v9+s12+$0x0] =	vst.idx.add.s32.msk $0xffff, v20  }
0x115: {  	v9 =	vor.u32 s1, v0;
	v20 =	vld [tilespmem:s19+$0x0]  }
.Ltmp5:
0x116: {  	(pc) =	sbr.rel @p1 .LBB2_12-.Ltmp5, $2  }
0x117: {  	_ =	sdelay $0x2  }
0x118: {  	s20 =	sadd.s32 $0x20, s20;
	s21 =	sand.u32 $0xE0, s18;
	s19 =	sadd.s32 $0x20, s19;
	[tilespmem:v9+s12+$0x0] =	vst.idx.add.s32.msk $0xffff, v20  }
0x119: {  	v9 =	vor.u32 s21, v0;
	v20 =	vld [tilespmem:s19+$0xFFFFFFF0];
	_ =	sdelay $0x3  }
0x11a: {  	s1 =	sadd.s32 $0x10, s18  }
0x11b: {  	s1 =	sand.u32 $0xF0, s1;
	[tilespmem:v9+s12+$0x0] =	vst.idx.add.s32.msk $0xffff, v20  }
0x11c: {  	v9 =	vor.u32 s1, v0;
	v20 =	vld [tilespmem:s19+$0x0];
	_ =	sdelay $0x4  }
0x11d: {  	[tilespmem:v9+s12+$0x0] =	vst.idx.add.s32.msk $0xffff, v20  }
0x11e: {  	v35 =	vld [tilespmem:$0x5E80]  }
0x11f: {  	v34 =	vld [tilespmem:$0x5E90]  }
0x120: {  	v33 =	vld [tilespmem:$0x5EA0]  }
0x121: {  	v32 =	vld [tilespmem:$0x5EB0]  }
0x122: {  	v31 =	vld [tilespmem:$0x5EC0]  }
0x123: {  	v30 =	vld [tilespmem:$0x5ED0];
	v9 =	vperm.xlane v35, v4  }
0x124: {  	v29 =	vld [tilespmem:$0x5EE0];
	v20 =	vperm.xlane v34, v4  }
0x125: {  	v28 =	vld [tilespmem:$0x5EF0];
	(xrf0) =	vadd.scan.msk.s32 $0xffff, v9;
	v9 =	vperm.xlane v33, v4  }
0x126: {  	v27 =	vld [tilespmem:$0x5F00];
	(xrf0) =	vadd.scan.msk.s32 $0xffff, v20;
	v20 =	vperm.xlane v32, v4  }
0x127: {  	v26 =	vld [tilespmem:$0x5F10];
	(xrf0) =	vadd.scan.msk.s32 $0xffff, v9;
	v9 =	vperm.xlane v31, v4  }
0x128: {  	v25 =	vld [tilespmem:$0x5F20];
	(xrf0) =	vadd.scan.msk.s32 $0xffff, v20;
	v20 =	vperm.xlane v30, v4  }
0x129: {  	v24 =	vld [tilespmem:$0x5F30];
	(xrf0) =	vadd.scan.msk.s32 $0xffff, v9;
	v9 =	vperm.xlane v29, v4  }
0x12a: {  	v23 =	vld [tilespmem:$0x5F40];
	v21 =	vperm.xlane v28, v4;
	(xrf0) =	vadd.scan.msk.s32 $0xffff, v20  }
0x12b: {  	v22 =	vld [tilespmem:$0x5F50];
	v38, _, _ =	vpop (xrf0);
	(xrf0) =	vadd.scan.msk.s32 $0xffff, v9;
	v9 =	vperm.xlane v27, v4  }
0x12c: {  	v40 =	vperm.xlane v26, v4;
	v20 =	vld [tilespmem:$0x5F60];
	v39, _, _ =	vpop (xrf0);
	(xrf0) =	vadd.scan.msk.s32 $0xffff, v21  }
0x12d: {  	v41, _, _ =	vpop (xrf0);
	(xrf0) =	vadd.scan.msk.s32 $0xffff, v9;
	v9 =	vperm.xlane v25, v4  }
0x12e: {  	v57 =	vperm.xlane v24, v4;
	v21 =	vld [tilespmem:$0x5F70];
	v42, _, _ =	vpop (xrf0);
	(xrf0) =	vadd.scan.msk.s32 $0xffff, v40  }
0x12f: {  	v43, _, _ =	vpop (xrf0);
	(xrf0) =	vadd.scan.msk.s32 $0xffff, v9;
	v9 =	vperm.xlane v23, v4  }
0x130: {  	v44, _, _ =	vpop (xrf0);
	(xrf0) =	vadd.scan.msk.s32 $0xffff, v57  }
0x131: {  	v58 =	vperm.xlane v22, v4;
	v45, _, _ =	vpop (xrf0);
	(xrf0) =	vadd.scan.msk.s32 $0xffff, v9;
	v9 =	vperm.xlane v20, v4;
	_ =	sdelay $0x1  }
0x132: {  	v59 =	vperm.xlane v21, v4;
	v46, _, _ =	vpop (xrf0);
	(xrf0) =	vadd.scan.msk.s32 $0xffff, v58  }
0x133: {  	v54, _, _ =	vpop (xrf0);
	(xrf0) =	vadd.scan.msk.s32 $0xffff, v9  }
0x134: {  	v53 =	vperm.xlane v38, v4;
	v51 =	vperm.xlane v39, v4;
	v9, _, _ =	vpop (xrf0);
	(xrf0) =	vadd.scan.msk.s32 $0xffff, v59  }
0x135: {  	v52 =	vperm.xlane v41, v4;
	v50 =	vperm.xlane v42, v4;
	v60, _, _ =	vpop (xrf0)  }
0x136: {  	v49 =	vperm.xlane v43, v4;
	v48 =	vperm.xlane v44, v4;
	v61, _, _ =	vpop (xrf0)  }
0x137: {  	v47 =	vperm.xlane v45, v4;
	v46 =	vperm.xlane v46, v4;
	v62, _, _ =	vpop (xrf0)  }
0x138: {  	v45 =	vperm.xlane v54, v4;
	v44 =	vperm.xlane v9, v4;
	v55, _, _ =	vpop (xrf0)  }
0x139: {  	v43 =	vperm.xlane v60, v4;
	v42 =	vperm.xlane v61, v4;
	v9, _, _ =	vpop (xrf0)  }
0x13a: {  	v41 =	vperm.xlane v62, v4;
	v40 =	vperm.xlane v55, v4;
	v63, _, _ =	vpop (xrf0)  }
0x13b: {  	s18 =	simm.s32 $0x0;
	s19 =	simm.s32 $0x100;
	v39 =	vperm.xlane v9, v4;
	v38 =	vperm.xlane v63, v4  }
.LBB2_14:
0x13c: {  	p1 =	sne.s32 s19, $0x3F00;
	[tilespmem:s18+$0x4EB0] =	vst v1;
	s1 =	smov.u32 s19;
	s19 =	sadd.s32 $0x100, s19  }
.Ltmp6:
0x13d: {  	[tilespmem:s18+$0x4EA0] =	vst v1;
	(pc) =	sbr.rel @p1 .LBB2_14-.Ltmp6, $3  }
0x13e: {  	[tilespmem:s18+$0x4E80] =	vst v1  }
0x13f: {  	[tilespmem:s18+$0x4E90] =	vst v1;
	_ =	sdelay $0x1  }
0x140: {  	s18 =	sshra.s32 s1, $0x2  }
0x141: {  	v54 =	vmov s17  }
0x142: {  	v9 =	vor.u32 $0x10, v0;
	vm1 =	vlt.s32 v54, v0  }
0x143: {  	[tilespmem:$0x1FFA0] =	vst v9;
	v5 =	vnsel vm1, $0x0, v5;
	vm1 =	vlt.s32 v54, v9;
	v9 =	vor.u32 $0x20, v0  }
0x144: {  	(xrf0) =	vadd.scan.msk.s32 $0xffff, v5;
	v5 =	vnsel vm1, $0x0, v6;
	vm1 =	vlt.s32 v54, v9  }
0x145: {  	v6 =	vor.u32 $0x30, v0;
	(xrf0) =	vadd.scan.msk.s32 $0xffff, v5;
	v5 =	vnsel vm1, $0x0, v7  }
0x146: {  	[tilespmem:$0x1FFC0] =	vst v6;
	vm1 =	vlt.s32 v54, v6;
	v6 =	vor.u32 $0x40, v0;
	(xrf0) =	vadd.scan.msk.s32 $0xffff, v5  }
0x147: {  	v5 =	vnsel vm1, $0x0, v8;
	[tilespmem:$0x1FFD0] =	vst v6;
	vm1 =	vlt.s32 v54, v6;
	v6 =	vor.u32 $0x50, v0  }
0x148: {  	(xrf0) =	vadd.scan.msk.s32 $0xffff, v5;
	v5 =	vnsel vm1, $0x0, v19;
	vm1 =	vlt.s32 v54, v6  }
0x149: {  	(xrf0) =	vadd.scan.msk.s32 $0xffff, v5;
	v5 =	vnsel vm1, $0x0, v18;
	_ =	sdelay $0x1  }
0x14a: {  	(xrf0) =	vadd.scan.msk.s32 $0xffff, v5  }
0x14b: {  	v5, _, _ =	vpop (xrf0)  }
0x14c: {  	(v2sf) =	vpush v5, $0xF;
	v5, _, _ =	vpop (xrf0)  }
0x14d: {  	(v2sf) =	vpush v5, $0xF;
	v5, _, _ =	vpop (xrf0)  }
0x14e: {  	(v2sf) =	vpush v5, $0xF;
	v5, _, _ =	vpop (xrf0)  }
0x14f: {  	(v2sf) =	vpush v5, $0xF;
	v5, _, _ =	vpop (xrf0)  }
0x150: {  	v7 =	vor.u32 $0xE0, v0;
	v19 =	vor.u32 $0x60, v0;
	(v2sf) =	vpush v5, $0xF;
	v5, _, _ =	vpop (xrf0)  }
0x151: {  	vm1 =	vlt.s32 v54, v19;
	v18 =	vor.u32 $0x70, v0;
	(v2sf) =	vpush v5, $0xF  }
0x152: {  	v5 =	vnsel vm1, $0x0, v17;
	vm1 =	vlt.s32 v54, v18;
	v17 =	vor.u32 $0x80, v0  }
0x153: {  	(xrf0) =	vadd.scan.msk.s32 $0xffff, v5;
	v5 =	vnsel vm1, $0x0, v16;
	vm1 =	vlt.s32 v54, v17;
	v16 =	vor.u32 $0x90, v0  }
0x154: {  	(xrf0) =	vadd.scan.msk.s32 $0xffff, v5;
	v5 =	vnsel vm1, $0x0, v15;
	vm1 =	vlt.s32 v54, v16;
	v15 =	vor.u32 $0xA0, v0  }
0x155: {  	(xrf0) =	vadd.scan.msk.s32 $0xffff, v5;
	v5 =	vnsel vm1, $0x0, v14;
	vm1 =	vlt.s32 v54, v15;
	v14 =	vor.u32 $0xB0, v0  }
0x156: {  	(xrf0) =	vadd.scan.msk.s32 $0xffff, v5;
	v5 =	vnsel vm1, $0x0, v13;
	vm1 =	vlt.s32 v54, v14;
	v13 =	vor.u32 $0xC0, v0  }
0x157: {  	(xrf0) =	vadd.scan.msk.s32 $0xffff, v5;
	v5 =	vnsel vm1, $0x0, v12;
	vm1 =	vlt.s32 v54, v13;
	v12 =	vor.u32 $0xD0, v0  }
0x158: {  	[tilespmem:$0x1FFE0] =	vst v6;
	(xrf0) =	vadd.scan.msk.s32 $0xffff, v5;
	v5 =	vnsel vm1, $0x0, v10;
	vm1 =	vlt.s32 v54, v12  }
0x159: {  	v6, _, _ =	vpop (xrf0);
	(xrf0) =	vadd.scan.msk.s32 $0xffff, v5;
	v5 =	vnsel vm1, $0x0, v11;
	vm1 =	vlt.s32 v54, v7;
	v11 =	vor.u32 $0xF0, v0  }
0x15a: {  	(v2sf) =	vpush v6, $0xF;
	v6, _, _ =	vpop (xrf0);
	(xrf0) =	vadd.scan.msk.s32 $0xffff, v5;
	v5 =	vnsel vm1, $0x0, v37;
	vm1 =	vlt.s32 v54, v11  }
0x15b: {  	(v2sf) =	vpush v6, $0xF;
	v6, _, _ =	vpop (xrf0);
	(xrf0) =	vadd.scan.msk.s32 $0xffff, v5;
	v5 =	vnsel vm1, $0x0, v36;
	_ =	sdelay $0x1  }
0x15c: {  	(v2sf) =	vpush v6, $0xF;
	v6, _, _ =	vpop (xrf0);
	(xrf0) =	vadd.scan.msk.s32 $0xffff, v5  }
0x15d: {  	(v2sf) =	vpush v6, $0xF;
	v5, _, _ =	vpop (xrf0);
	(xrf0) =	vadd.scan.msk.s32 $0xffff, v34  }
0x15e: {  	(v2sf) =	vpush v5, $0xF;
	v5, _, _ =	vpop (xrf0);
	(xrf0) =	vadd.scan.msk.s32 $0xffff, v33  }
0x15f: {  	(v2sf) =	vpush v5, $0xF;
	v5, _, _ =	vpop (xrf0);
	(xrf0) =	vadd.scan.msk.s32 $0xffff, v32  }
0x160: {  	(v2sf) =	vpush v5, $0xF;
	v5, _, _ =	vpop (xrf0);
	(xrf0) =	vadd.scan.msk.s32 $0xffff, v31  }
0x161: {  	(v2sf) =	vpush v5, $0xF;
	v5, _, _ =	vpop (xrf0);
	(xrf0) =	vadd.scan.msk.s32 $0xffff, v30  }
0x162: {  	(v2sf) =	vpush v5, $0xF;
	v5, _, _ =	vpop (xrf0);
	(xrf0) =	vadd.scan.msk.s32 $0xffff, v29  }
0x163: {  	s0 =	spop (v2sf);
	(v2sf) =	vpush v5, $0xF;
	v5, _, _ =	vpop (xrf0);
	(xrf0) =	vadd.scan.msk.s32 $0xffff, v28  }
0x164: {  	s1 =	spop (v2sf);
	(v2sf) =	vpush v5, $0xF;
	v5, _, _ =	vpop (xrf0);
	(xrf0) =	vadd.scan.msk.s32 $0xffff, v27  }
0x165: {  	s2 =	spop (v2sf);
	(v2sf) =	vpush v5, $0xF;
	v5, _, _ =	vpop (xrf0);
	(xrf0) =	vadd.scan.msk.s32 $0xffff, v26  }
0x166: {  	s19 =	spop (v2sf);
	(v2sf) =	vpush v5, $0xF;
	v5, _, _ =	vpop (xrf0);
	(xrf0) =	vadd.scan.msk.s32 $0xffff, v25  }
0x167: {  	s20 =	spop (v2sf);
	(v2sf) =	vpush v5, $0xF;
	v5, _, _ =	vpop (xrf0);
	(xrf0) =	vadd.scan.msk.s32 $0xffff, v24  }
0x168: {  	s22 =	spop (v2sf);
	(v2sf) =	vpush v5, $0xF;
	v5, _, _ =	vpop (xrf0);
	(xrf0) =	vadd.scan.msk.s32 $0xffff, v23  }
0x169: {  	s23 =	spop (v2sf);
	(v2sf) =	vpush v5, $0xF;
	v5, _, _ =	vpop (xrf0);
	(xrf0) =	vadd.scan.msk.s32 $0xffff, v22  }
0x16a: {  	s24 =	spop (v2sf);
	(v2sf) =	vpush v5, $0xF;
	v5, _, _ =	vpop (xrf0);
	(xrf0) =	vadd.scan.msk.s32 $0xffff, v20  }
0x16b: {  	s25 =	spop (v2sf);
	(v2sf) =	vpush v5, $0xF;
	v5, _, _ =	vpop (xrf0);
	(xrf0) =	vadd.scan.msk.s32 $0xffff, v21  }
0x16c: {  	s26 =	spop (v2sf);
	(v2sf) =	vpush v5, $0xF;
	v5, _, _ =	vpop (xrf0)  }
0x16d: {  	s28 =	spop (v2sf);
	(v2sf) =	vpush v5, $0xF;
	v5, _, _ =	vpop (xrf0)  }
0x16e: {  	s29 =	spop (v2sf);
	(v2sf) =	vpush v5, $0xF;
	v5, _, _ =	vpop (xrf0)  }
0x16f: {  	s30 =	spop (v2sf);
	(v2sf) =	vpush v5, $0xF;
	v5, _, _ =	vpop (xrf0)  }
0x170: {  	s31 =	spop (v2sf);
	(v2sf) =	vpush v5, $0xF;
	v5, _, _ =	vpop (xrf0)  }
0x171: {  	[dreg:$0x12] =	wrdreg s20;
	s20 =	spop (v2sf);
	(v2sf) =	vpush v5, $0xF;
	v5, _, _ =	vpop (xrf0)  }
0x172: {  	[dreg:$0xf] =	wrdreg s19;
	s19 =	spop (v2sf);
	(v2sf) =	vpush v5, $0xF  }
0x173: {  	s17 =	spop (v2sf)  }
0x174: {  	s10 =	spop (v2sf)  }
0x175: {  	s13 =	spop (v2sf)  }
0x176: {  	s8 =	spop (v2sf)  }
0x177: {  	s7 =	spop (v2sf)  }
0x178: {  	s5 =	spop (v2sf)  }
0x179: {  	s6 =	spop (v2sf)  }
0x17a: {  	s4 =	spop (v2sf)  }
0x17b: {  	s9 =	spop (v2sf)  }
0x17c: {  	s14 =	spop (v2sf)  }
0x17d: {  	s16 =	spop (v2sf)  }
0x17e: {  	s15 =	spop (v2sf)  }
0x17f: {  	s3 =	spop (v2sf)  }
0x180: {  	[dreg:$0xc] =	wrdreg s2;
	s2 =	spop (v2sf)  }
0x181: {  	s0 =	sadd.s32 s0, s1;
	s21 =	rddreg [dreg:$0xc];
	s1 =	spop (v2sf)  }
0x182: {  	s0 =	sadd.s32 s21, s0;
	s21 =	rddreg [dreg:$0xf];
	s2 =	sadd.s32 s2, s1  }
0x183: {  	s0 =	sadd.s32 s21, s0;
	s21 =	rddreg [dreg:$0x12];
	s1 =	sadd.s32 s3, s2  }
0x184: {  	s0 =	sadd.s32 s21, s0;
	s21 =	sadd.s32 s15, s1  }
0x185: {  	s0 =	sadd.s32 s22, s0;
	s22 =	sadd.s32 s16, s21  }
0x186: {  	s0 =	sadd.s32 s23, s0;
	s14 =	sadd.s32 s14, s22  }
0x187: {  	s0 =	sadd.s32 s24, s0;
	s16 =	sadd.s32 s9, s14  }
0x188: {  	s0 =	sadd.s32 s25, s0;
	s25 =	sadd.s32 s4, s16  }
0x189: {  	s0 =	sadd.s32 s26, s0;
	s4 =	sadd.s32 s6, s25  }
0x18a: {  	s0 =	sadd.s32 s28, s0;
	s5 =	sadd.s32 s5, s4  }
0x18b: {  	s0 =	sadd.s32 s29, s0;
	s29 =	sadd.s32 s7, s5  }
0x18c: {  	s0 =	sadd.s32 s30, s0;
	s7 =	sadd.s32 s8, s29  }
0x18d: {  	s0 =	sadd.s32 s31, s0;
	s8 =	sadd.s32 s13, s7  }
0x18e: {  	s0 =	sadd.s32 s20, s0;
	s30 =	sadd.s32 s10, s8  }
0x18f: {  	v6 =	vsub.s32 v53, v35;
	s31 =	rddreg [dreg:$0x6];
	s0 =	sadd.s32 s19, s0;
	s10 =	sadd.s32 s17, s30  }
0x190: {  	s15 =	ssub.s32 s31, s0;
	v6 =	vadd.s32 s10, v6  }
0x191: {  	vm1 =	vlt.s32 v6, s15;
	v6 =	vsub.s32 v51, v34  }
0x192: {  	[tilespmem:$0x1FFF0] =	vst v7;
	v8 =	vsub.s32 v52, v33;
	v7 =	vsel vm1, $0x1, v1;
	v6 =	vadd.s32 s30, v6  }
0x193: {  	vm1 =	vlt.s32 v6, s15;
	v6 =	vadd.s32 s8, v8;
	v8 =	vsub.s32 v50, v32  }
0x194: {  	v60 =	vsel vm1, $0x1, v1;
	vm1 =	vlt.s32 v6, s15;
	v6 =	vadd.s32 s7, v8  }
0x195: {  	(xrf0) =	vadd.scan.msk.s32 $0xffff, v7;
	v7 =	vsel vm1, $0x1, v1;
	vm1 =	vlt.s32 v6, s15;
	v6 =	vsub.s32 v49, v31  }
0x196: {  	v61 =	vsub.s32 v48, v30;
	(xrf0) =	vadd.scan.msk.s32 $0xffff, v60;
	v6 =	vadd.s32 s29, v6  }
0x197: {  	v8 =	vsel vm1, $0x1, v1;
	(xrf0) =	vadd.scan.msk.s32 $0xffff, v7;
	vm1 =	vlt.s32 v6, s15;
	v6 =	vadd.s32 s5, v61  }
0x198: {  	v7 =	vsub.s32 s4, v29;
	(xrf0) =	vadd.scan.msk.s32 $0xffff, v8;
	v8 =	vsel vm1, $0x1, v1;
	vm1 =	vlt.s32 v6, s15  }
0x199: {  	v6 =	vadd.s32 v47, v7;
	v7 =	vsel vm1, $0x1, v1  }
0x19a: {  	(xrf0) =	vadd.scan.msk.s32 $0xffff, v8;
	vm1 =	vlt.s32 v6, s15  }
0x19b: {  	(xrf0) =	vadd.scan.msk.s32 $0xffff, v7;
	v6 =	vsel vm1, $0x1, v1  }
0x19c: {  	v7, _, _ =	vpop (xrf0);
	(xrf0) =	vadd.scan.msk.s32 $0xffff, v6;
	v6 =	vsub.s32 s25, v28  }
0x19d: {  	v6 =	vadd.s32 v46, v6  }
0x19e: {  	(v2sf) =	vpush v7, $0xF;
	v7, _, _ =	vpop (xrf0)  }
0x19f: {  	(v2sf) =	vpush v7, $0xF;
	v7, _, _ =	vpop (xrf0)  }
0x1a0: {  	vm1 =	vlt.s32 v6, s15;
	(v2sf) =	vpush v7, $0xF;
	v6, _, _ =	vpop (xrf0)  }
0x1a1: {  	v7 =	vsel vm1, $0x1, v1;
	(v2sf) =	vpush v6, $0xF;
	v6, _, _ =	vpop (xrf0)  }
0x1a2: {  	(xrf0) =	vadd.scan.msk.s32 $0xffff, v7;
	(v2sf) =	vpush v6, $0xF;
	v6, _, _ =	vpop (xrf0)  }
0x1a3: {  	v7 =	vsub.s32 s16, v27;
	(v2sf) =	vpush v6, $0xF;
	v6, _, _ =	vpop (xrf0)  }
0x1a4: {  	(v2sf) =	vpush v6, $0xF;
	v6 =	vadd.s32 v45, v7;
	v7 =	vsub.s32 s14, v26  }
0x1a5: {  	vm1 =	vlt.s32 v6, s15;
	v6 =	vadd.s32 v44, v7;
	v7 =	vsub.s32 s22, v25;
	_ =	sdelay $0x1  }
0x1a6: {  	v8 =	vsel vm1, $0x1, v1;
	vm1 =	vlt.s32 v6, s15;
	v6 =	vadd.s32 v43, v7  }
0x1a7: {  	v62 =	vsel vm1, $0x1, v1;
	vm1 =	vlt.s32 v6, s15;
	v6 =	vsub.s32 s21, v24;
	v7, _, _ =	vpop (xrf0)  }
0x1a8: {  	v5 =	vbroadcast v5, $0xF;
	v6 =	vadd.s32 v42, v6;
	(v2sf) =	vpush v7, $0xF  }
0x1a9: {  	v7 =	vsel vm1, $0x1, v1;
	vm1 =	vlt.s32 v6, s15;
	v6 =	vsub.s32 s1, v23  }
0x1aa: {  	v5 =	vsub.s32 v5, v20;
	v63 =	vsub.s32 s2, v22;
	(xrf0) =	vadd.scan.msk.s32 $0xffff, v8;
	v6 =	vadd.s32 v41, v6  }
0x1ab: {  	(xrf0) =	vadd.scan.msk.s32 $0xffff, v62;
	v8 =	vsel vm1, $0x1, v1;
	vm1 =	vlt.s32 v6, s15;
	v6 =	vadd.s32 v40, v63  }
0x1ac: {  	v5 =	vadd.s32 v39, v5;
	(xrf0) =	vadd.scan.msk.s32 $0xffff, v7;
	v7 =	vsel vm1, $0x1, v1;
	vm1 =	vlt.s32 v6, s15  }
0x1ad: {  	(xrf0) =	vadd.scan.msk.s32 $0xffff, v8;
	v6 =	vsel vm1, $0x1, v1;
	vm1 =	vlt.s32 v5, s15;
	v5 =	vsub.s32 v38, v21  }
0x1ae: {  	(xrf0) =	vadd.scan.msk.s32 $0xffff, v7  }
0x1af: {  	(xrf0) =	vadd.scan.msk.s32 $0xffff, v6;
	v6 =	vsel vm1, $0x1, v1;
	vm1 =	vlt.s32 v5, s15  }
0x1b0: {  	v5, _, _ =	vpop (xrf0);
	(xrf0) =	vadd.scan.msk.s32 $0xffff, v6;
	v6 =	vsel vm1, $0x1, v1;
	_ =	sdelay $0x1  }
0x1b1: {  	(v2sf) =	vpush v5, $0xF;
	v5, _, _ =	vpop (xrf0);
	(xrf0) =	vadd.scan.msk.s32 $0xffff, v6  }
0x1b2: {  	(v2sf) =	vpush v5, $0xF;
	v6, _, _ =	vpop (xrf0)  }
0x1b3: {  	v5, _, _ =	vpop (xrf0);
	(v2sf) =	vpush v6, $0xF  }
0x1b4: {  	s10 =	spop (v2sf);
	v6, _, _ =	vpop (xrf0);
	(v2sf) =	vpush v5, $0xF  }
0x1b5: {  	s13 =	spop (v2sf);
	v5, _, _ =	vpop (xrf0);
	(v2sf) =	vpush v6, $0xF  }
0x1b6: {  	s14 =	spop (v2sf);
	v6, _, _ =	vpop (xrf0);
	(v2sf) =	vpush v5, $0xF  }
0x1b7: {  	s16 =	spop (v2sf);
	(v2sf) =	vpush v6, $0xF;
	v5, _, _ =	vpop (xrf0)  }
0x1b8: {  	[tilespmem:s18+$0x4EB0] =	vst v1;
	s17 =	spop (v2sf);
	(v2sf) =	vpush v5, $0xF  }
0x1b9: {  	[tilespmem:s18+$0x4EA0] =	vst v1;
	s19 =	spop (v2sf)  }
0x1ba: {  	[tilespmem:s18+$0x4E80] =	vst v1;
	s20 =	spop (v2sf);
	s4 =	sadd.s32 s17, s19  }
0x1bb: {  	[tilespmem:s18+$0x4E90] =	vst v1;
	s4 =	sadd.s32 s20, s4  }
0x1bc: {  	[tilespmem:$0x5E80] =	vst v1;
	s3 =	sadd.s32 s16, s4  }
0x1bd: {  	[tilespmem:$0x5E90] =	vst v1;
	s2 =	sadd.s32 s14, s3;
	s21 =	spop (v2sf)  }
0x1be: {  	[tilespmem:$0x5EA0] =	vst v1;
	s2 =	sadd.s32 s21, s2  }
0x1bf: {  	[tilespmem:$0x5EB0] =	vst v1;
	s1 =	sadd.s32 s13, s2  }
0x1c0: {  	[tilespmem:$0x5EC0] =	vst v1;
	s0 =	sadd.s32 s10, s1;
	s22 =	spop (v2sf)  }
0x1c1: {  	[tilespmem:$0x5ED0] =	vst v1;
	s23 =	spop (v2sf);
	s0 =	sadd.s32 s22, s0  }
0x1c2: {  	[tilespmem:$0x5EE0] =	vst v1;
	s0 =	sadd.s32 s23, s0;
	s24 =	spop (v2sf)  }
0x1c3: {  	[tilespmem:$0x5EF0] =	vst v1;
	s25 =	spop (v2sf);
	s0 =	sadd.s32 s24, s0  }
0x1c4: {  	[tilespmem:$0x5F00] =	vst v1;
	s26 =	spop (v2sf);
	s0 =	sadd.s32 s25, s0  }
0x1c5: {  	[tilespmem:$0x5F10] =	vst v1;
	s28 =	spop (v2sf);
	s0 =	sadd.s32 s26, s0  }
0x1c6: {  	[tilespmem:$0x5F20] =	vst v1;
	s29 =	spop (v2sf);
	s0 =	sadd.s32 s28, s0  }
0x1c7: {  	[tilespmem:$0x5F30] =	vst v1;
	s30 =	spop (v2sf);
	s0 =	sadd.s32 s29, s0  }
0x1c8: {  	[tilespmem:$0x5F40] =	vst v1;
	s0 =	sadd.s32 s30, s0  }
0x1c9: {  	[tilespmem:$0x5F50] =	vst v1;
	s1 =	ssub.s32 $0x100, s0  }
0x1ca: {  	[tilespmem:$0x5F60] =	vst v1;
	s31 =	rddreg [dreg:$0x7];
	s0 =	sshll.u32 s1, $0x10  }
0x1cb: {  	[tilespmem:$0x5F70] =	vst v1;
	s0 =	sor.u32 s31, s0  }
0x1cc: {  	s18 =	simm.s32 $0x0;
	[tilespmem:$0x1FFB0] =	vst v9;
	s20 =	simm.s32 $0x0;
	[dreg:$0x8] =	wrdreg s0;
	v5 =	vmov s0  }
.LBB2_16:
0x1cd: {  	s0 =	sshra.s32 s20, $0x2  }
0x1ce: {  	v6 =	vld [tilespmem:s0+$0x0];
	_ =	sdelay $0x4  }
0x1cf: {  	v7 =	vshrl.u32 v6, $0x8;
	v6 =	vand.u32 $0xFFFF0000, v6  }
0x1d0: {  	vm1 =	veq.s32 v6, v5;
	v6 =	vand.u32 $0xFF, v7  }
0x1d1: {  	v6 =	vor.u32 v2, v6;
	_ =	sdelay $0x4  }
0x1d2: {  	[tilespmem:v6+s11+$0x0] =	vst.idx.add.s32.msk vm1, v3  }
0x1d3: {  	v6 =	vld [tilespmem:s0+$0x10];
	_ =	sdelay $0x4  }
0x1d4: {  	v7 =	vshrl.u32 v6, $0x8;
	v6 =	vand.u32 $0xFFFF0000, v6  }
0x1d5: {  	vm1 =	veq.s32 v6, v5;
	v6 =	vand.u32 $0xFF, v7  }
0x1d6: {  	v6 =	vor.u32 v2, v6;
	_ =	sdelay $0x4  }
0x1d7: {  	[tilespmem:v6+s11+$0x0] =	vst.idx.add.s32.msk vm1, v3  }
0x1d8: {  	v6 =	vld [tilespmem:s0+$0x20];
	_ =	sdelay $0x4  }
0x1d9: {  	v7 =	vshrl.u32 v6, $0x8;
	v6 =	vand.u32 $0xFFFF0000, v6  }
0x1da: {  	vm1 =	veq.s32 v6, v5;
	v6 =	vand.u32 $0xFF, v7  }
0x1db: {  	v6 =	vor.u32 v2, v6;
	_ =	sdelay $0x4  }
0x1dc: {  	[tilespmem:v6+s11+$0x0] =	vst.idx.add.s32.msk vm1, v3  }
0x1dd: {  	v6 =	vld [tilespmem:s0+$0x30];
	_ =	sdelay $0x4  }
0x1de: {  	v7 =	vshrl.u32 v6, $0x8;
	v6 =	vand.u32 $0xFFFF0000, v6  }
0x1df: {  	vm1 =	veq.s32 v6, v5;
	v6 =	vand.u32 $0xFF, v7  }
0x1e0: {  	v6 =	vor.u32 v2, v6;
	_ =	sdelay $0x4  }
0x1e1: {  	[tilespmem:v6+s11+$0x0] =	vst.idx.add.s32.msk vm1, v3  }
0x1e2: {  	v6 =	vld [tilespmem:s0+$0x40];
	_ =	sdelay $0x4  }
0x1e3: {  	v7 =	vshrl.u32 v6, $0x8;
	v6 =	vand.u32 $0xFFFF0000, v6  }
0x1e4: {  	vm1 =	veq.s32 v6, v5;
	v6 =	vand.u32 $0xFF, v7  }
0x1e5: {  	p1 =	sne.s32 s20, $0x13740;
	v6 =	vor.u32 v2, v6  }
.Ltmp7:
0x1e6: {  	_ = 	snop;
	(pc) =	sbr.rel @p1 .LBB2_16-.Ltmp7, $2  }
0x1e7: {  	_ =	sdelay $0x2  }
0x1e8: {  	s20 =	sadd.s32 $0x140, s20;
	[tilespmem:v6+s11+$0x0] =	vst.idx.add.s32.msk vm1, v3  }
0x1e9: {  	s20 =	simm.s32 $0x4E90;
	s22 =	sand.u32 $0xE0, s18;
	s21 =	simm.s32 $0x20  }
.LBB2_18:
0x1ea: {  	p1 =	sne.s32 s21, $0xFE0;
	v5 =	vor.u32 s22, v0;
	v6 =	vld [tilespmem:s20+$0xFFFFFFF0];
	_ =	sdelay $0x3  }
0x1eb: {  	s0 =	sadd.s32 $0x10, s18;
	s18 =	smov.u32 s21  }
0x1ec: {  	s0 =	sand.u32 $0xF0, s0;
	[tilespmem:v5+s12+$0x0] =	vst.idx.add.s32.msk $0xffff, v6  }
0x1ed: {  	v5 =	vor.u32 s0, v0;
	v6 =	vld [tilespmem:s20+$0x0]  }
.Ltmp8:
0x1ee: {  	(pc) =	sbr.rel @p1 .LBB2_18-.Ltmp8, $2  }
0x1ef: {  	_ =	sdelay $0x2  }
0x1f0: {  	s21 =	sadd.s32 $0x20, s21;
	s22 =	sand.u32 $0xE0, s18;
	s20 =	sadd.s32 $0x20, s20;
	[tilespmem:v5+s12+$0x0] =	vst.idx.add.s32.msk $0xffff, v6  }
0x1f1: {  	v5 =	vor.u32 s22, v0;
	v6 =	vld [tilespmem:s20+$0xFFFFFFF0];
	_ =	sdelay $0x3  }
0x1f2: {  	s0 =	sadd.s32 $0x10, s18  }
0x1f3: {  	s0 =	sand.u32 $0xF0, s0;
	[tilespmem:v5+s12+$0x0] =	vst.idx.add.s32.msk $0xffff, v6  }
0x1f4: {  	v5 =	vor.u32 s0, v0;
	v6 =	vld [tilespmem:s20+$0x0];
	_ =	sdelay $0x4  }
0x1f5: {  	[tilespmem:v5+s12+$0x0] =	vst.idx.add.s32.msk $0xffff, v6  }
0x1f6: {  	v51 =	vld [tilespmem:$0x5E80]  }
0x1f7: {  	v50 =	vld [tilespmem:$0x5E90]  }
0x1f8: {  	v49 =	vld [tilespmem:$0x5EA0]  }
0x1f9: {  	v48 =	vld [tilespmem:$0x5EB0]  }
0x1fa: {  	v47 =	vld [tilespmem:$0x5EC0]  }
0x1fb: {  	v46 =	vld [tilespmem:$0x5ED0];
	v5 =	vperm.xlane v51, v4  }
0x1fc: {  	v45 =	vld [tilespmem:$0x5EE0];
	v6 =	vperm.xlane v50, v4  }
0x1fd: {  	v44 =	vld [tilespmem:$0x5EF0];
	(xrf0) =	vadd.scan.msk.s32 $0xffff, v5;
	v5 =	vperm.xlane v49, v4  }
0x1fe: {  	v43 =	vld [tilespmem:$0x5F00];
	(xrf0) =	vadd.scan.msk.s32 $0xffff, v6;
	v6 =	vperm.xlane v48, v4  }
0x1ff: {  	v42 =	vld [tilespmem:$0x5F10];
	(xrf0) =	vadd.scan.msk.s32 $0xffff, v5;
	v5 =	vperm.xlane v47, v4  }
0x200: {  	v41 =	vld [tilespmem:$0x5F20];
	(xrf0) =	vadd.scan.msk.s32 $0xffff, v6;
	v6 =	vperm.xlane v46, v4  }
0x201: {  	v40 =	vld [tilespmem:$0x5F30];
	(xrf0) =	vadd.scan.msk.s32 $0xffff, v5;
	v5 =	vperm.xlane v45, v4  }
0x202: {  	v39 =	vld [tilespmem:$0x5F40];
	(xrf0) =	vadd.scan.msk.s32 $0xffff, v6;
	v6 =	vperm.xlane v44, v4  }
0x203: {  	v38 =	vld [tilespmem:$0x5F50];
	v7, _, _ =	vpop (xrf0);
	(xrf0) =	vadd.scan.msk.s32 $0xffff, v5;
	v5 =	vperm.xlane v43, v4  }
0x204: {  	v37 =	vld [tilespmem:$0x5F60];
	v8, _, _ =	vpop (xrf0);
	(xrf0) =	vadd.scan.msk.s32 $0xffff, v6;
	v6 =	vperm.xlane v42, v4  }
0x205: {  	v36 =	vld [tilespmem:$0x5F70];
	v52, _, _ =	vpop (xrf0);
	(xrf0) =	vadd.scan.msk.s32 $0xffff, v5;
	v5 =	vperm.xlane v41, v4  }
0x206: {  	v53, _, _ =	vpop (xrf0);
	(xrf0) =	vadd.scan.msk.s32 $0xffff, v6;
	v6 =	vperm.xlane v40, v4  }
0x207: {  	v54, _, _ =	vpop (xrf0);
	(xrf0) =	vadd.scan.msk.s32 $0xffff, v5;
	v5 =	vperm.xlane v39, v4  }
0x208: {  	v55, _, _ =	vpop (xrf0);
	(xrf0) =	vadd.scan.msk.s32 $0xffff, v6;
	v6 =	vperm.xlane v38, v4  }
0x209: {  	v56, _, _ =	vpop (xrf0);
	(xrf0) =	vadd.scan.msk.s32 $0xffff, v5;
	v5 =	vperm.xlane v37, v4  }
0x20a: {  	v57, _, _ =	vpop (xrf0);
	(xrf0) =	vadd.scan.msk.s32 $0xffff, v6;
	v6 =	vperm.xlane v36, v4  }
0x20b: {  	v58, _, _ =	vpop (xrf0);
	(xrf0) =	vadd.scan.msk.s32 $0xffff, v5  }
0x20c: {  	v7 =	vperm.xlane v7, v4;
	v63 =	vperm.xlane v54, v4;
	v9, _, _ =	vpop (xrf0);
	(xrf0) =	vadd.scan.msk.s32 $0xffff, v6  }
0x20d: {  	v62 =	vperm.xlane v55, v4;
	v61 =	vperm.xlane v56, v4;
	v10, _, _ =	vpop (xrf0)  }
0x20e: {  	v5 =	vperm.xlane v8, v4;
	v8 =	vperm.xlane v52, v4;
	v52, _, _ =	vpop (xrf0)  }
0x20f: {  	v60 =	vperm.xlane v57, v4;
	v6 =	vperm.xlane v53, v4;
	v53, _, _ =	vpop (xrf0)  }
0x210: {  	v59 =	vperm.xlane v58, v4;
	v57 =	vperm.xlane v9, v4;
	v54, _, _ =	vpop (xrf0)  }
0x211: {  	v58 =	vperm.xlane v10, v4;
	v56 =	vperm.xlane v52, v4;
	v9, _, _ =	vpop (xrf0)  }
0x212: {  	v55 =	vperm.xlane v53, v4;
	v54 =	vperm.xlane v54, v4;
	v10, _, _ =	vpop (xrf0)  }
0x213: {  	s18 =	simm.s32 $0x0;
	s20 =	simm.s32 $0x100;
	v53 =	vperm.xlane v9, v4;
	v52 =	vperm.xlane v10, v4  }
.LBB2_20:
0x214: {  	p1 =	sne.s32 s20, $0x3F00;
	[tilespmem:s18+$0x4EB0] =	vst v1;
	s0 =	smov.u32 s20;
	s20 =	sadd.s32 $0x100, s20  }
.Ltmp9:
0x215: {  	[tilespmem:s18+$0x4EA0] =	vst v1;
	(pc) =	sbr.rel @p1 .LBB2_20-.Ltmp9, $3  }
0x216: {  	[tilespmem:s18+$0x4E80] =	vst v1  }
0x217: {  	[tilespmem:s18+$0x4E90] =	vst v1;
	_ =	sdelay $0x1  }
0x218: {  	s18 =	sshra.s32 s0, $0x2  }
0x219: {  	v9 =	vmov s1  }
0x21a: {  	vm1 =	vlt.s32 v9, v0  }
0x21b: {  	v10 =	vnsel vm1, $0x0, v35;
	v35 =	vld [tilespmem:$0x1FFA0];
	_ =	sdelay $0x4  }
0x21c: {  	vm1 =	vlt.s32 v9, v35  }
0x21d: {  	(xrf0) =	vadd.scan.msk.s32 $0xffff, v10;
	v10 =	vnsel vm1, $0x0, v34;
	v34 =	vld [tilespmem:$0x1FFB0];
	_ =	sdelay $0x4  }
0x21e: {  	vm1 =	vlt.s32 v9, v34  }
0x21f: {  	(xrf0) =	vadd.scan.msk.s32 $0xffff, v10;
	v10 =	vnsel vm1, $0x0, v33;
	v33 =	vld [tilespmem:$0x1FFC0];
	_ =	sdelay $0x4  }
0x220: {  	vm1 =	vlt.s32 v9, v33  }
0x221: {  	(xrf0) =	vadd.scan.msk.s32 $0xffff, v10;
	v10 =	vnsel vm1, $0x0, v32;
	v32 =	vld [tilespmem:$0x1FFD0]  }
0x222: {  	v34 =	vld [tilespmem:$0x1FFE0];
	_ =	sdelay $0x3  }
0x223: {  	vm1 =	vlt.s32 v9, v32  }
0x224: {  	(xrf0) =	vadd.scan.msk.s32 $0xffff, v10;
	v10 =	vnsel vm1, $0x0, v31;
	vm1 =	vlt.s32 v9, v34  }
0x225: {  	(xrf0) =	vadd.scan.msk.s32 $0xffff, v10;
	v10 =	vnsel vm1, $0x0, v30;
	vm1 =	vlt.s32 v9, v19  }
0x226: {  	(xrf0) =	vadd.scan.msk.s32 $0xffff, v10;
	v10 =	vnsel vm1, $0x0, v29;
	_ =	sdelay $0x1  }
0x227: {  	vm1 =	vlt.s32 v9, v18  }
0x228: {  	(xrf0) =	vadd.scan.msk.s32 $0xffff, v10;
	v28 =	vnsel vm1, $0x0, v28;
	vm1 =	vlt.s32 v9, v17;
	v10, _, _ =	vpop (xrf0)  }
0x229: {  	v35 =	vld [tilespmem:$0x1FFF0];
	v27 =	vnsel vm1, $0x0, v27;
	vm1 =	vlt.s32 v9, v16;
	(xrf0) =	vadd.scan.msk.s32 $0xffff, v28;
	(v2sf) =	vpush v10, $0xF;
	v10, _, _ =	vpop (xrf0)  }
0x22a: {  	v26 =	vnsel vm1, $0x0, v26;
	vm1 =	vlt.s32 v9, v15;
	(xrf0) =	vadd.scan.msk.s32 $0xffff, v27;
	(v2sf) =	vpush v10, $0xF;
	v10, _, _ =	vpop (xrf0)  }
0x22b: {  	v25 =	vnsel vm1, $0x0, v25;
	vm1 =	vlt.s32 v9, v14;
	(xrf0) =	vadd.scan.msk.s32 $0xffff, v26;
	(v2sf) =	vpush v10, $0xF;
	v10, _, _ =	vpop (xrf0)  }
0x22c: {  	v24 =	vnsel vm1, $0x0, v24;
	vm1 =	vlt.s32 v9, v13;
	(xrf0) =	vadd.scan.msk.s32 $0xffff, v25;
	(v2sf) =	vpush v10, $0xF;
	v10, _, _ =	vpop (xrf0)  }
0x22d: {  	v23 =	vnsel vm1, $0x0, v23;
	vm1 =	vlt.s32 v9, v12;
	(xrf0) =	vadd.scan.msk.s32 $0xffff, v24;
	(v2sf) =	vpush v10, $0xF;
	v10, _, _ =	vpop (xrf0)  }
0x22e: {  	v22 =	vnsel vm1, $0x0, v22;
	vm1 =	vlt.s32 v9, v35;
	(xrf0) =	vadd.scan.msk.s32 $0xffff, v23;
	(v2sf) =	vpush v10, $0xF;
	v10, _, _ =	vpop (xrf0)  }
0x22f: {  	vm2 =	vlt.s32 v9, v11;
	(xrf0) =	vadd.scan.msk.s32 $0xffff, v22;
	(v2sf) =	vpush v10, $0xF;
	v9, _, _ =	vpop (xrf0);
	v10 =	vnsel vm1, $0x0, v20  }
0x230: {  	(v2sf) =	vpush v9, $0xF;
	(xrf0) =	vadd.scan.msk.s32 $0xffff, v10;
	v9, _, _ =	vpop (xrf0);
	v10 =	vnsel vm2, $0x0, v21  }
0x231: {  	(v2sf) =	vpush v9, $0xF;
	(xrf0) =	vadd.scan.msk.s32 $0xffff, v10;
	v9, _, _ =	vpop (xrf0)  }
0x232: {  	(v2sf) =	vpush v9, $0xF;
	v9, _, _ =	vpop (xrf0);
	(xrf0) =	vadd.scan.msk.s32 $0xffff, v50  }
0x233: {  	(v2sf) =	vpush v9, $0xF;
	v9, _, _ =	vpop (xrf0);
	(xrf0) =	vadd.scan.msk.s32 $0xffff, v49  }
0x234: {  	(v2sf) =	vpush v9, $0xF;
	v9, _, _ =	vpop (xrf0);
	(xrf0) =	vadd.scan.msk.s32 $0xffff, v48  }
0x235: {  	(v2sf) =	vpush v9, $0xF;
	v9, _, _ =	vpop (xrf0);
	(xrf0) =	vadd.scan.msk.s32 $0xffff, v47  }
0x236: {  	(v2sf) =	vpush v9, $0xF;
	v9, _, _ =	vpop (xrf0);
	(xrf0) =	vadd.scan.msk.s32 $0xffff, v46  }
0x237: {  	(v2sf) =	vpush v9, $0xF;
	v9, _, _ =	vpop (xrf0);
	(xrf0) =	vadd.scan.msk.s32 $0xffff, v45  }
0x238: {  	s13 =	spop (v2sf);
	(v2sf) =	vpush v9, $0xF;
	v9, _, _ =	vpop (xrf0);
	(xrf0) =	vadd.scan.msk.s32 $0xffff, v44  }
0x239: {  	s14 =	spop (v2sf);
	(v2sf) =	vpush v9, $0xF;
	v9, _, _ =	vpop (xrf0);
	(xrf0) =	vadd.scan.msk.s32 $0xffff, v43  }
0x23a: {  	s0 =	spop (v2sf);
	(v2sf) =	vpush v9, $0xF;
	v9, _, _ =	vpop (xrf0);
	(xrf0) =	vadd.scan.msk.s32 $0xffff, v42  }
0x23b: {  	s16 =	spop (v2sf);
	(v2sf) =	vpush v9, $0xF;
	v9, _, _ =	vpop (xrf0);
	(xrf0) =	vadd.scan.msk.s32 $0xffff, v41  }
0x23c: {  	s21 =	spop (v2sf);
	(v2sf) =	vpush v9, $0xF;
	v9, _, _ =	vpop (xrf0);
	(xrf0) =	vadd.scan.msk.s32 $0xffff, v40  }
0x23d: {  	s17 =	spop (v2sf);
	(v2sf) =	vpush v9, $0xF;
	v9, _, _ =	vpop (xrf0);
	(xrf0) =	vadd.scan.msk.s32 $0xffff, v39  }
0x23e: {  	s19 =	spop (v2sf);
	(v2sf) =	vpush v9, $0xF;
	v9, _, _ =	vpop (xrf0);
	(xrf0) =	vadd.scan.msk.s32 $0xffff, v38  }
0x23f: {  	s4 =	spop (v2sf);
	(v2sf) =	vpush v9, $0xF;
	v9, _, _ =	vpop (xrf0);
	(xrf0) =	vadd.scan.msk.s32 $0xffff, v37  }
0x240: {  	s5 =	spop (v2sf);
	(v2sf) =	vpush v9, $0xF;
	v9, _, _ =	vpop (xrf0);
	(xrf0) =	vadd.scan.msk.s32 $0xffff, v36  }
0x241: {  	s6 =	spop (v2sf);
	(v2sf) =	vpush v9, $0xF;
	v9, _, _ =	vpop (xrf0)  }
0x242: {  	s7 =	spop (v2sf);
	(v2sf) =	vpush v9, $0xF;
	v9, _, _ =	vpop (xrf0)  }
0x243: {  	s8 =	spop (v2sf);
	(v2sf) =	vpush v9, $0xF;
	v9, _, _ =	vpop (xrf0)  }
0x244: {  	s9 =	spop (v2sf);
	(v2sf) =	vpush v9, $0xF;
	v9, _, _ =	vpop (xrf0)  }
0x245: {  	s10 =	spop (v2sf);
	(v2sf) =	vpush v9, $0xF;
	v9, _, _ =	vpop (xrf0)  }
0x246: {  	s3 =	spop (v2sf);
	(v2sf) =	vpush v9, $0xF;
	v9, _, _ =	vpop (xrf0)  }
0x247: {  	s2 =	spop (v2sf);
	(v2sf) =	vpush v9, $0xF  }
0x248: {  	s1 =	spop (v2sf)  }
0x249: {  	s25 =	spop (v2sf)  }
0x24a: {  	s26 =	spop (v2sf)  }
0x24b: {  	s28 =	spop (v2sf)  }
0x24c: {  	s29 =	spop (v2sf)  }
0x24d: {  	s30 =	spop (v2sf)  }
0x24e: {  	s31 =	spop (v2sf)  }
0x24f: {  	[dreg:$0x10] =	wrdreg s16;
	s16 =	spop (v2sf)  }
0x250: {  	s24 =	spop (v2sf)  }
0x251: {  	s23 =	spop (v2sf)  }
0x252: {  	[dreg:$0xd] =	wrdreg s0;
	s22 =	spop (v2sf)  }
0x253: {  	s20 =	rddreg [dreg:$0xd];
	s0 =	spop (v2sf)  }
0x254: {  	[dreg:$0x13] =	wrdreg s17;
	s17 =	spop (v2sf)  }
0x255: {  	s13 =	sadd.s32 s13, s14;
	[dreg:$0x14] =	wrdreg s19;
	s19 =	spop (v2sf)  }
0x256: {  	s13 =	sadd.s32 s20, s13;
	s20 =	rddreg [dreg:$0x10];
	s14 =	spop (v2sf)  }
0x257: {  	s13 =	sadd.s32 s20, s13;
	s19 =	sadd.s32 s19, s14  }
0x258: {  	s13 =	sadd.s32 s21, s13;
	s14 =	rddreg [dreg:$0x13];
	s20 =	sadd.s32 s17, s19  }
0x259: {  	s17 =	rddreg [dreg:$0x14];
	s21 =	sadd.s32 s0, s20;
	s0 =	sadd.s32 s14, s13  }
0x25a: {  	s22 =	sadd.s32 s22, s21;
	s0 =	sadd.s32 s17, s0  }
0x25b: {  	s23 =	sadd.s32 s23, s22;
	s0 =	sadd.s32 s4, s0  }
0x25c: {  	s24 =	sadd.s32 s24, s23;
	s0 =	sadd.s32 s5, s0  }
0x25d: {  	s4 =	sadd.s32 s16, s24;
	s0 =	sadd.s32 s6, s0  }
0x25e: {  	s13 =	sadd.s32 s31, s4;
	s0 =	sadd.s32 s7, s0  }
0x25f: {  	s16 =	sadd.s32 s30, s13;
	s0 =	sadd.s32 s8, s0  }
0x260: {  	s17 =	sadd.s32 s29, s16;
	s0 =	sadd.s32 s9, s0  }
0x261: {  	s29 =	sadd.s32 s28, s17;
	s0 =	sadd.s32 s10, s0  }
0x262: {  	s30 =	sadd.s32 s26, s29;
	s0 =	sadd.s32 s3, s0  }
0x263: {  	v5 =	vsub.s32 v5, v50;
	s31 =	sadd.s32 s25, s30;
	s0 =	sadd.s32 s2, s0  }
0x264: {  	v7 =	vsub.s32 v7, v51;
	v6 =	vsub.s32 v6, v48;
	s1 =	sadd.s32 s1, s31;
	s14 =	ssub.s32 s15, s0;
	v5 =	vadd.s32 s31, v5  }
0x265: {  	v7 =	vadd.s32 s1, v7;
	vm2 =	vlt.s32 v5, s14;
	v5 =	vadd.s32 s29, v6  }
0x266: {  	v6 =	vsub.s32 v63, v47;
	vm1 =	vlt.s32 v7, s14;
	v7 =	vsub.s32 v8, v49  }
0x267: {  	vm4 =	vlt.s32 v5, s14;
	v7 =	vadd.s32 s30, v7;
	v5 =	vsel vm1, $0x1, v1  }
0x268: {  	v6 =	vadd.s32 s17, v6;
	vm3 =	vlt.s32 v7, s14;
	(xrf0) =	vadd.scan.msk.s32 $0xffff, v5;
	v5 =	vsel vm2, $0x1, v1  }
0x269: {  	vm1 =	vlt.s32 v6, s14;
	v7 =	vsub.s32 v62, v46;
	(xrf0) =	vadd.scan.msk.s32 $0xffff, v5;
	v5 =	vsel vm3, $0x1, v1  }
0x26a: {  	v6 =	vadd.s32 s16, v7;
	v7 =	vsub.s32 s4, v44;
	(xrf0) =	vadd.scan.msk.s32 $0xffff, v5;
	v5 =	vsel vm4, $0x1, v1  }
0x26b: {  	vm2 =	vlt.s32 v6, s14;
	v6 =	vsub.s32 s13, v45;
	(xrf0) =	vadd.scan.msk.s32 $0xffff, v5;
	v5 =	vsel vm1, $0x1, v1  }
0x26c: {  	v6 =	vadd.s32 v61, v6;
	(xrf0) =	vadd.scan.msk.s32 $0xffff, v5;
	v5 =	vadd.s32 v60, v7  }
0x26d: {  	vm1 =	vlt.s32 v6, s14;
	v6 =	vsel vm2, $0x1, v1  }
0x26e: {  	(xrf0) =	vadd.scan.msk.s32 $0xffff, v6;
	v6 =	vsel vm1, $0x1, v1;
	vm1 =	vlt.s32 v5, s14  }
0x26f: {  	(xrf0) =	vadd.scan.msk.s32 $0xffff, v6;
	v6 =	vsel vm1, $0x1, v1;
	v5, _, _ =	vpop (xrf0)  }
0x270: {  	(v2sf) =	vpush v5, $0xF;
	v5, _, _ =	vpop (xrf0);
	(xrf0) =	vadd.scan.msk.s32 $0xffff, v6  }
0x271: {  	(v2sf) =	vpush v5, $0xF;
	v5, _, _ =	vpop (xrf0)  }
0x272: {  	(v2sf) =	vpush v5, $0xF;
	v5, _, _ =	vpop (xrf0)  }
0x273: {  	(v2sf) =	vpush v5, $0xF;
	v5, _, _ =	vpop (xrf0)  }
0x274: {  	(v2sf) =	vpush v5, $0xF;
	v5, _, _ =	vpop (xrf0)  }
0x275: {  	(v2sf) =	vpush v5, $0xF;
	v5, _, _ =	vpop (xrf0)  }
0x276: {  	v6 =	vsub.s32 s24, v43;
	(v2sf) =	vpush v5, $0xF;
	v5, _, _ =	vpop (xrf0)  }
0x277: {  	(v2sf) =	vpush v5, $0xF;
	v5 =	vadd.s32 v59, v6  }
0x278: {  	v6 =	vsub.s32 s22, v41;
	vm1 =	vlt.s32 v5, s14;
	v5 =	vsub.s32 s23, v42  }
0x279: {  	v7 =	vsub.s32 s21, v40;
	v6 =	vadd.s32 v58, v6;
	v5 =	vadd.s32 v57, v5  }
0x27a: {  	vm3 =	vlt.s32 v6, s14;
	vm2 =	vlt.s32 v5, s14;
	v5 =	vadd.s32 v56, v7  }
0x27b: {  	v6 =	vsel vm1, $0x1, v1;
	vm1 =	vlt.s32 v5, s14;
	v5 =	vsub.s32 s20, v39  }
0x27c: {  	(xrf0) =	vadd.scan.msk.s32 $0xffff, v6;
	v7 =	vbroadcast v9, $0xF;
	v6 =	vsel vm2, $0x1, v1;
	v5 =	vadd.s32 v55, v5  }
0x27d: {  	(xrf0) =	vadd.scan.msk.s32 $0xffff, v6;
	v6 =	vsel vm3, $0x1, v1;
	vm2 =	vlt.s32 v5, s14;
	v5 =	vsub.s32 s19, v38  }
0x27e: {  	v7 =	vsub.s32 v7, v37;
	(xrf0) =	vadd.scan.msk.s32 $0xffff, v6;
	v6 =	vsel vm1, $0x1, v1;
	v5 =	vadd.s32 v54, v5  }
0x27f: {  	(xrf0) =	vadd.scan.msk.s32 $0xffff, v6;
	v6 =	vsel vm2, $0x1, v1;
	vm1 =	vlt.s32 v5, s14;
	v5 =	vadd.s32 v53, v7  }
0x280: {  	(xrf0) =	vadd.scan.msk.s32 $0xffff, v6;
	v6 =	vsub.s32 v52, v36;
	vm2 =	vlt.s32 v5, s14;
	v5 =	vsel vm1, $0x1, v1  }
0x281: {  	vm1 =	vlt.s32 v6, s14;
	(xrf0) =	vadd.scan.msk.s32 $0xffff, v5;
	v5 =	vsel vm2, $0x1, v1  }
0x282: {  	(xrf0) =	vadd.scan.msk.s32 $0xffff, v5;
	v5 =	vsel vm1, $0x1, v1;
	_ =	sdelay $0x1  }
0x283: {  	v6, _, _ =	vpop (xrf0)  }
0x284: {  	(v2sf) =	vpush v6, $0xF;
	(xrf0) =	vadd.scan.msk.s32 $0xffff, v5;
	v5, _, _ =	vpop (xrf0)  }
0x285: {  	(v2sf) =	vpush v5, $0xF;
	v5, _, _ =	vpop (xrf0)  }
0x286: {  	(v2sf) =	vpush v5, $0xF;
	v5, _, _ =	vpop (xrf0)  }
0x287: {  	s10 =	spop (v2sf);
	(v2sf) =	vpush v5, $0xF;
	v5, _, _ =	vpop (xrf0)  }
0x288: {  	s13 =	spop (v2sf);
	(v2sf) =	vpush v5, $0xF;
	v5, _, _ =	vpop (xrf0)  }
0x289: {  	s15 =	spop (v2sf);
	(v2sf) =	vpush v5, $0xF;
	v5, _, _ =	vpop (xrf0)  }
0x28a: {  	s16 =	spop (v2sf);
	(v2sf) =	vpush v5, $0xF;
	v5, _, _ =	vpop (xrf0)  }
0x28b: {  	s17 =	spop (v2sf);
	(v2sf) =	vpush v5, $0xF  }
0x28c: {  	[tilespmem:s18+$0x4EB0] =	vst v1;
	s19 =	spop (v2sf)  }
0x28d: {  	[tilespmem:s18+$0x4EA0] =	vst v1;
	s20 =	spop (v2sf);
	s4 =	sadd.s32 s17, s19  }
0x28e: {  	[tilespmem:s18+$0x4E80] =	vst v1;
	s4 =	sadd.s32 s20, s4  }
0x28f: {  	[tilespmem:s18+$0x4E90] =	vst v1;
	s3 =	sadd.s32 s16, s4  }
0x290: {  	[tilespmem:$0x5E80] =	vst v1;
	s21 =	spop (v2sf);
	s2 =	sadd.s32 s15, s3  }
0x291: {  	[tilespmem:$0x5E90] =	vst v1;
	s2 =	sadd.s32 s21, s2  }
0x292: {  	[tilespmem:$0x5EA0] =	vst v1;
	s1 =	sadd.s32 s13, s2  }
0x293: {  	[tilespmem:$0x5EB0] =	vst v1;
	s0 =	sadd.s32 s10, s1;
	s22 =	spop (v2sf)  }
0x294: {  	[tilespmem:$0x5EC0] =	vst v1;
	s0 =	sadd.s32 s22, s0;
	s23 =	spop (v2sf)  }
0x295: {  	[tilespmem:$0x5ED0] =	vst v1;
	s24 =	spop (v2sf);
	s0 =	sadd.s32 s23, s0  }
0x296: {  	[tilespmem:$0x5EE0] =	vst v1;
	s25 =	spop (v2sf);
	s0 =	sadd.s32 s24, s0  }
0x297: {  	[tilespmem:$0x5EF0] =	vst v1;
	s26 =	spop (v2sf);
	s0 =	sadd.s32 s25, s0  }
0x298: {  	[tilespmem:$0x5F00] =	vst v1;
	s28 =	spop (v2sf);
	s0 =	sadd.s32 s26, s0  }
0x299: {  	[tilespmem:$0x5F10] =	vst v1;
	s29 =	spop (v2sf);
	s0 =	sadd.s32 s28, s0  }
0x29a: {  	[tilespmem:$0x5F20] =	vst v1;
	s30 =	spop (v2sf);
	s0 =	sadd.s32 s29, s0  }
0x29b: {  	[tilespmem:$0x5F30] =	vst v1;
	s0 =	sadd.s32 s30, s0  }
0x29c: {  	[tilespmem:$0x5F40] =	vst v1;
	s18 =	ssub.s32 $0x100, s0  }
0x29d: {  	[tilespmem:$0x5F50] =	vst v1;
	s31 =	rddreg [dreg:$0x8];
	s0 =	sshll.u32 s18, $0x8  }
0x29e: {  	[tilespmem:$0x5F60] =	vst v1;
	s0 =	sor.u32 s31, s0  }
0x29f: {  	[tilespmem:$0x5F70] =	vst v1;
	s19 =	simm.s32 $0x0;
	s20 =	simm.s32 $0x0;
	[dreg:$0x9] =	wrdreg s0;
	v5 =	vmov s0  }
.LBB2_22:
0x2a0: {  	s0 =	sshra.s32 s20, $0x2  }
0x2a1: {  	v6 =	vld [tilespmem:s0+$0x0];
	_ =	sdelay $0x4  }
0x2a2: {  	v7 =	vand.u32 $0xFFFFFF00, v6  }
0x2a3: {  	v6 =	vand.u32 $0xFF, v6;
	vm1 =	veq.s32 v7, v5  }
0x2a4: {  	v6 =	vor.u32 v2, v6;
	_ =	sdelay $0x4  }
0x2a5: {  	[tilespmem:v6+s11+$0x0] =	vst.idx.add.s32.msk vm1, v3  }
0x2a6: {  	v6 =	vld [tilespmem:s0+$0x10];
	_ =	sdelay $0x4  }
0x2a7: {  	v7 =	vand.u32 $0xFFFFFF00, v6  }
0x2a8: {  	v6 =	vand.u32 $0xFF, v6;
	vm1 =	veq.s32 v7, v5  }
0x2a9: {  	v6 =	vor.u32 v2, v6;
	_ =	sdelay $0x4  }
0x2aa: {  	[tilespmem:v6+s11+$0x0] =	vst.idx.add.s32.msk vm1, v3  }
0x2ab: {  	v6 =	vld [tilespmem:s0+$0x20];
	_ =	sdelay $0x4  }
0x2ac: {  	v7 =	vand.u32 $0xFFFFFF00, v6  }
0x2ad: {  	v6 =	vand.u32 $0xFF, v6;
	vm1 =	veq.s32 v7, v5  }
0x2ae: {  	v6 =	vor.u32 v2, v6;
	_ =	sdelay $0x4  }
0x2af: {  	[tilespmem:v6+s11+$0x0] =	vst.idx.add.s32.msk vm1, v3  }
0x2b0: {  	v6 =	vld [tilespmem:s0+$0x30];
	_ =	sdelay $0x4  }
0x2b1: {  	v7 =	vand.u32 $0xFFFFFF00, v6  }
0x2b2: {  	v6 =	vand.u32 $0xFF, v6;
	vm1 =	veq.s32 v7, v5  }
0x2b3: {  	v6 =	vor.u32 v2, v6;
	_ =	sdelay $0x4  }
0x2b4: {  	[tilespmem:v6+s11+$0x0] =	vst.idx.add.s32.msk vm1, v3  }
0x2b5: {  	v6 =	vld [tilespmem:s0+$0x40];
	_ =	sdelay $0x4  }
0x2b6: {  	v7 =	vand.u32 $0xFFFFFF00, v6  }
0x2b7: {  	v6 =	vand.u32 $0xFF, v6;
	vm1 =	veq.s32 v7, v5  }
0x2b8: {  	p1 =	sne.s32 s20, $0x13740;
	v6 =	vor.u32 v2, v6  }
.Ltmp10:
0x2b9: {  	_ = 	snop;
	(pc) =	sbr.rel @p1 .LBB2_22-.Ltmp10, $2  }
0x2ba: {  	_ =	sdelay $0x2  }
0x2bb: {  	s20 =	sadd.s32 $0x140, s20;
	[tilespmem:v6+s11+$0x0] =	vst.idx.add.s32.msk vm1, v3  }
0x2bc: {  	s20 =	simm.s32 $0x4E90;
	s22 =	sand.u32 $0xE0, s19;
	s21 =	simm.s32 $0x20  }
.LBB2_24:
0x2bd: {  	p1 =	sne.s32 s21, $0xFE0;
	v5 =	vor.u32 s22, v0;
	v6 =	vld [tilespmem:s20+$0xFFFFFFF0];
	_ =	sdelay $0x3  }
0x2be: {  	s0 =	sadd.s32 $0x10, s19;
	s19 =	smov.u32 s21  }
0x2bf: {  	s0 =	sand.u32 $0xF0, s0;
	[tilespmem:v5+s12+$0x0] =	vst.idx.add.s32.msk $0xffff, v6  }
0x2c0: {  	v5 =	vor.u32 s0, v0;
	v6 =	vld [tilespmem:s20+$0x0]  }
.Ltmp11:
0x2c1: {  	(pc) =	sbr.rel @p1 .LBB2_24-.Ltmp11, $2  }
0x2c2: {  	_ =	sdelay $0x2  }
0x2c3: {  	s21 =	sadd.s32 $0x20, s21;
	s22 =	sand.u32 $0xE0, s19;
	s20 =	sadd.s32 $0x20, s20;
	[tilespmem:v5+s12+$0x0] =	vst.idx.add.s32.msk $0xffff, v6  }
0x2c4: {  	v5 =	vor.u32 s22, v0;
	v6 =	vld [tilespmem:s20+$0xFFFFFFF0];
	_ =	sdelay $0x1  }
0x2c5: {  	v9 =	vld [tilespmem:$0x1FFA0];
	_ =	sdelay $0x2  }
0x2c6: {  	v7 =	vmov s18;
	[tilespmem:v5+s12+$0x0] =	vst.idx.add.s32.msk $0xffff, v6  }
0x2c7: {  	vm1 =	vlt.s32 v7, v0;
	v6 =	vld [tilespmem:$0x1FFB0]  }
0x2c8: {  	v8 =	vnsel vm1, $0x0, v51;
	vm1 =	vlt.s32 v7, v9;
	v9 =	vld [tilespmem:$0x1FFC0];
	_ =	sdelay $0x3  }
0x2c9: {  	(xrf0) =	vadd.scan.msk.s32 $0xffff, v8;
	v5 =	vnsel vm1, $0x0, v50;
	vm1 =	vlt.s32 v7, v6  }
0x2ca: {  	(xrf0) =	vadd.scan.msk.s32 $0xffff, v5;
	v5 =	vnsel vm1, $0x0, v49;
	vm1 =	vlt.s32 v7, v9;
	v9 =	vld [tilespmem:$0x1FFD0];
	_ =	sdelay $0x4  }
0x2cb: {  	(xrf0) =	vadd.scan.msk.s32 $0xffff, v5;
	v5 =	vnsel vm1, $0x0, v48;
	vm1 =	vlt.s32 v7, v9;
	v9 =	vld [tilespmem:$0x1FFE0]  }
0x2cc: {  	s0 =	sadd.s32 $0x10, s19  }
0x2cd: {  	s0 =	sand.u32 $0xF0, s0  }
0x2ce: {  	v8 =	vld [tilespmem:s20+$0x0];
	v6 =	vor.u32 s0, v0;
	_ =	sdelay $0x1  }
0x2cf: {  	(xrf0) =	vadd.scan.msk.s32 $0xffff, v5;
	v5 =	vnsel vm1, $0x0, v47;
	vm1 =	vlt.s32 v7, v9  }
0x2d0: {  	(xrf0) =	vadd.scan.msk.s32 $0xffff, v5;
	v5 =	vnsel vm1, $0x0, v46;
	vm1 =	vlt.s32 v7, v19  }
0x2d1: {  	(xrf0) =	vadd.scan.msk.s32 $0xffff, v5;
	v5 =	vnsel vm1, $0x0, v45;
	vm1 =	vlt.s32 v7, v18  }
0x2d2: {  	[tilespmem:v6+s12+$0x0] =	vst.idx.add.s32.msk $0xffff, v8;
	v6, _, _ =	vpop (xrf0);
	(xrf0) =	vadd.scan.msk.s32 $0xffff, v5;
	v5 =	vnsel vm1, $0x0, v44;
	vm1 =	vlt.s32 v7, v17  }
0x2d3: {  	v8 =	vld [tilespmem:$0x1FFF0];
	(v2sf) =	vpush v6, $0xF;
	v6, _, _ =	vpop (xrf0);
	(xrf0) =	vadd.scan.msk.s32 $0xffff, v5;
	v5 =	vnsel vm1, $0x0, v43;
	vm1 =	vlt.s32 v7, v16  }
0x2d4: {  	(v2sf) =	vpush v6, $0xF;
	v6, _, _ =	vpop (xrf0);
	(xrf0) =	vadd.scan.msk.s32 $0xffff, v5;
	v5 =	vnsel vm1, $0x0, v42;
	vm1 =	vlt.s32 v7, v15  }
0x2d5: {  	(v2sf) =	vpush v6, $0xF;
	v6, _, _ =	vpop (xrf0);
	(xrf0) =	vadd.scan.msk.s32 $0xffff, v5;
	v5 =	vnsel vm1, $0x0, v41;
	vm1 =	vlt.s32 v7, v14  }
0x2d6: {  	(v2sf) =	vpush v6, $0xF;
	v6, _, _ =	vpop (xrf0);
	(xrf0) =	vadd.scan.msk.s32 $0xffff, v5;
	v5 =	vnsel vm1, $0x0, v40;
	vm1 =	vlt.s32 v7, v13  }
0x2d7: {  	(v2sf) =	vpush v6, $0xF;
	v6, _, _ =	vpop (xrf0);
	(xrf0) =	vadd.scan.msk.s32 $0xffff, v5;
	v5 =	vnsel vm1, $0x0, v39;
	vm1 =	vlt.s32 v7, v12  }
0x2d8: {  	v25 =	vld [tilespmem:$0x5E90];
	(v2sf) =	vpush v6, $0xF;
	v6, _, _ =	vpop (xrf0);
	(xrf0) =	vadd.scan.msk.s32 $0xffff, v5;
	v5 =	vnsel vm1, $0x0, v38;
	vm1 =	vlt.s32 v7, v8  }
0x2d9: {  	v28 =	vld [tilespmem:$0x5EA0];
	(v2sf) =	vpush v6, $0xF;
	v6, _, _ =	vpop (xrf0);
	(xrf0) =	vadd.scan.msk.s32 $0xffff, v5;
	v5 =	vnsel vm1, $0x0, v37;
	vm1 =	vlt.s32 v7, v11  }
0x2da: {  	v31 =	vld [tilespmem:$0x5EB0];
	(v2sf) =	vpush v6, $0xF;
	v6, _, _ =	vpop (xrf0);
	(xrf0) =	vadd.scan.msk.s32 $0xffff, v5;
	v5 =	vnsel vm1, $0x0, v36  }
0x2db: {  	v33 =	vld [tilespmem:$0x5EC0]  }
0x2dc: {  	v34 =	vld [tilespmem:$0x5ED0];
	(v2sf) =	vpush v6, $0xF;
	v6, _, _ =	vpop (xrf0);
	(xrf0) =	vadd.scan.msk.s32 $0xffff, v5  }
0x2dd: {  	v32 =	vld [tilespmem:$0x5EE0];
	(v2sf) =	vpush v6, $0xF;
	v5, _, _ =	vpop (xrf0);
	(xrf0) =	vadd.scan.msk.s32 $0xffff, v25  }
0x2de: {  	v30 =	vld [tilespmem:$0x5EF0];
	(v2sf) =	vpush v5, $0xF;
	v5, _, _ =	vpop (xrf0);
	(xrf0) =	vadd.scan.msk.s32 $0xffff, v28  }
0x2df: {  	v29 =	vld [tilespmem:$0x5F00];
	(v2sf) =	vpush v5, $0xF;
	v5, _, _ =	vpop (xrf0);
	(xrf0) =	vadd.scan.msk.s32 $0xffff, v31  }
0x2e0: {  	v27 =	vld [tilespmem:$0x5F10];
	(v2sf) =	vpush v5, $0xF;
	v5, _, _ =	vpop (xrf0);
	(xrf0) =	vadd.scan.msk.s32 $0xffff, v33  }
0x2e1: {  	v26 =	vld [tilespmem:$0x5F20];
	(v2sf) =	vpush v5, $0xF;
	v5, _, _ =	vpop (xrf0);
	(xrf0) =	vadd.scan.msk.s32 $0xffff, v34  }
0x2e2: {  	v24 =	vld [tilespmem:$0x5F30];
	(v2sf) =	vpush v5, $0xF;
	v5, _, _ =	vpop (xrf0);
	(xrf0) =	vadd.scan.msk.s32 $0xffff, v32  }
0x2e3: {  	v23 =	vld [tilespmem:$0x5F40];
	s10 =	spop (v2sf);
	(v2sf) =	vpush v5, $0xF;
	v5, _, _ =	vpop (xrf0);
	(xrf0) =	vadd.scan.msk.s32 $0xffff, v30  }
0x2e4: {  	v21 =	vld [tilespmem:$0x5F50];
	s13 =	spop (v2sf);
	(v2sf) =	vpush v5, $0xF;
	v5, _, _ =	vpop (xrf0);
	(xrf0) =	vadd.scan.msk.s32 $0xffff, v29  }
0x2e5: {  	v22 =	vld [tilespmem:$0x5F60];
	s18 =	spop (v2sf);
	(v2sf) =	vpush v5, $0xF;
	v5, _, _ =	vpop (xrf0);
	(xrf0) =	vadd.scan.msk.s32 $0xffff, v27  }
0x2e6: {  	v20 =	vld [tilespmem:$0x5F70];
	s19 =	spop (v2sf);
	(v2sf) =	vpush v5, $0xF;
	v5, _, _ =	vpop (xrf0);
	(xrf0) =	vadd.scan.msk.s32 $0xffff, v26  }
0x2e7: {  	s20 =	spop (v2sf);
	(v2sf) =	vpush v5, $0xF;
	v5, _, _ =	vpop (xrf0);
	(xrf0) =	vadd.scan.msk.s32 $0xffff, v24  }
0x2e8: {  	[dreg:$0x11] =	wrdreg s20;
	s20 =	spop (v2sf);
	(v2sf) =	vpush v5, $0xF;
	v5, _, _ =	vpop (xrf0);
	(xrf0) =	vadd.scan.msk.s32 $0xffff, v23  }
0x2e9: {  	[dreg:$0xe] =	wrdreg s19;
	s19 =	spop (v2sf);
	(v2sf) =	vpush v5, $0xF;
	v5, _, _ =	vpop (xrf0);
	(xrf0) =	vadd.scan.msk.s32 $0xffff, v21  }
0x2ea: {  	[dreg:$0xb] =	wrdreg s18;
	s18 =	spop (v2sf);
	(v2sf) =	vpush v5, $0xF;
	v5, _, _ =	vpop (xrf0);
	(xrf0) =	vadd.scan.msk.s32 $0xffff, v22  }
0x2eb: {  	s4 =	spop (v2sf);
	(v2sf) =	vpush v5, $0xF;
	v5, _, _ =	vpop (xrf0);
	(xrf0) =	vadd.scan.msk.s32 $0xffff, v20  }
0x2ec: {  	s5 =	spop (v2sf);
	v6, _, _ =	vpop (xrf0);
	(v2sf) =	vpush v5, $0xF  }
0x2ed: {  	v5, _, _ =	vpop (xrf0);
	s6 =	spop (v2sf);
	(v2sf) =	vpush v6, $0xF  }
0x2ee: {  	v6, _, _ =	vpop (xrf0);
	s7 =	spop (v2sf);
	(v2sf) =	vpush v5, $0xF  }
0x2ef: {  	v5, _, _ =	vpop (xrf0);
	s8 =	spop (v2sf);
	(v2sf) =	vpush v6, $0xF  }
0x2f0: {  	s9 =	spop (v2sf);
	(v2sf) =	vpush v5, $0xF;
	v5, _, _ =	vpop (xrf0)  }
0x2f1: {  	s3 =	spop (v2sf);
	(v2sf) =	vpush v5, $0xF;
	v5, _, _ =	vpop (xrf0)  }
0x2f2: {  	s2 =	spop (v2sf);
	(v2sf) =	vpush v5, $0xF  }
0x2f3: {  	s1 =	spop (v2sf)  }
0x2f4: {  	s15 =	spop (v2sf)  }
0x2f5: {  	s28 =	spop (v2sf)  }
0x2f6: {  	s29 =	spop (v2sf)  }
0x2f7: {  	s30 =	spop (v2sf)  }
0x2f8: {  	s26 =	spop (v2sf)  }
0x2f9: {  	s25 =	spop (v2sf)  }
0x2fa: {  	s24 =	spop (v2sf)  }
0x2fb: {  	s23 =	spop (v2sf)  }
0x2fc: {  	s22 =	spop (v2sf)  }
0x2fd: {  	s31 =	spop (v2sf)  }
0x2fe: {  	s16 =	spop (v2sf)  }
0x2ff: {  	v35 =	vld [tilespmem:$0x5E80];
	s0 =	spop (v2sf)  }
0x300: {  	s17 =	spop (v2sf)  }
0x301: {  	s10 =	sadd.s32 s10, s13;
	s21 =	rddreg [dreg:$0xb];
	s13 =	spop (v2sf)  }
0x302: {  	s10 =	sadd.s32 s21, s10;
	s21 =	rddreg [dreg:$0xe];
	s13 =	sadd.s32 s17, s13  }
0x303: {  	s10 =	sadd.s32 s21, s10;
	s21 =	rddreg [dreg:$0x11];
	s0 =	sadd.s32 s0, s13  }
0x304: {  	v6 =	vperm.xlane v35, v4;
	[dreg:$0xa] =	wrdreg s13;
	s13 =	sadd.s32 s21, s10;
	s10 =	sadd.s32 s16, s0  }
0x305: {  	s13 =	sadd.s32 s20, s13;
	s16 =	sadd.s32 s31, s10  }
0x306: {  	(xrf0) =	vadd.scan.msk.s32 $0xffff, v6;
	s13 =	sadd.s32 s19, s13;
	s22 =	sadd.s32 s22, s16  }
0x307: {  	s13 =	sadd.s32 s18, s13;
	s23 =	sadd.s32 s23, s22  }
0x308: {  	s4 =	sadd.s32 s4, s13;
	s24 =	sadd.s32 s24, s23  }
0x309: {  	s4 =	sadd.s32 s5, s4;
	s25 =	sadd.s32 s25, s24  }
0x30a: {  	s4 =	sadd.s32 s6, s4;
	s26 =	sadd.s32 s26, s25  }
0x30b: {  	s4 =	sadd.s32 s7, s4;
	s20 =	sadd.s32 s30, s26  }
0x30c: {  	v6, _, _ =	vpop (xrf0);
	s4 =	sadd.s32 s8, s4;
	s29 =	sadd.s32 s29, s20  }
0x30d: {  	v6 =	vperm.xlane v6, v4;
	s4 =	sadd.s32 s9, s4;
	s30 =	sadd.s32 s28, s29  }
0x30e: {  	s3 =	sadd.s32 s3, s4;
	s31 =	sadd.s32 s15, s30  }
0x30f: {  	v6 =	vsub.s32 v6, v35;
	s2 =	sadd.s32 s2, s3;
	s1 =	sadd.s32 s1, s31  }
0x310: {  	s17 =	ssub.s32 s14, s2;
	v6 =	vadd.s32 s1, v6  }
0x311: {  	vm1 =	vlt.s32 v6, s17  }
0x312: {  	v7 =	vperm.xlane v25, v4;
	v6 =	vsel vm1, $0x1, v1  }
0x313: {  	(xrf0) =	vadd.scan.msk.s32 $0xffff, v6  }
0x314: {  	(xrf0) =	vadd.scan.msk.s32 $0xffff, v7;
	_ =	sdelay $0x4  }
0x315: {  	v6, _, _ =	vpop (xrf0)  }
0x316: {  	v7, _, _ =	vpop (xrf0)  }
0x317: {  	v7 =	vperm.xlane v7, v4;
	_ =	sdelay $0x1  }
0x318: {  	v7 =	vsub.s32 v7, v25  }
0x319: {  	v7 =	vadd.s32 s31, v7  }
0x31a: {  	vm1 =	vlt.s32 v7, s17  }
0x31b: {  	v8 =	vperm.xlane v28, v4;
	v7 =	vsel vm1, $0x1, v1  }
0x31c: {  	(xrf0) =	vadd.scan.msk.s32 $0xffff, v7  }
0x31d: {  	(xrf0) =	vadd.scan.msk.s32 $0xffff, v8;
	_ =	sdelay $0x4  }
0x31e: {  	v7, _, _ =	vpop (xrf0)  }
0x31f: {  	v8, _, _ =	vpop (xrf0)  }
0x320: {  	v8 =	vperm.xlane v8, v4;
	_ =	sdelay $0x1  }
0x321: {  	v8 =	vsub.s32 v8, v28  }
0x322: {  	v8 =	vadd.s32 s30, v8  }
0x323: {  	vm1 =	vlt.s32 v8, s17  }
0x324: {  	v9 =	vperm.xlane v31, v4;
	v8 =	vsel vm1, $0x1, v1  }
0x325: {  	(xrf0) =	vadd.scan.msk.s32 $0xffff, v8  }
0x326: {  	(xrf0) =	vadd.scan.msk.s32 $0xffff, v9;
	_ =	sdelay $0x4  }
0x327: {  	v8, _, _ =	vpop (xrf0)  }
0x328: {  	v9, _, _ =	vpop (xrf0)  }
0x329: {  	v9 =	vperm.xlane v9, v4;
	_ =	sdelay $0x1  }
0x32a: {  	v9 =	vsub.s32 v9, v31  }
0x32b: {  	v9 =	vadd.s32 s29, v9  }
0x32c: {  	vm1 =	vlt.s32 v9, s17  }
0x32d: {  	v10 =	vperm.xlane v33, v4;
	v9 =	vsel vm1, $0x1, v1  }
0x32e: {  	(xrf0) =	vadd.scan.msk.s32 $0xffff, v9  }
0x32f: {  	(xrf0) =	vadd.scan.msk.s32 $0xffff, v10;
	_ =	sdelay $0x4  }
0x330: {  	v9, _, _ =	vpop (xrf0)  }
0x331: {  	v10, _, _ =	vpop (xrf0)  }
0x332: {  	v10 =	vperm.xlane v10, v4;
	_ =	sdelay $0x1  }
0x333: {  	v10 =	vsub.s32 v10, v33  }
0x334: {  	v10 =	vadd.s32 s20, v10  }
0x335: {  	vm1 =	vlt.s32 v10, s17  }
0x336: {  	v55 =	vperm.xlane v34, v4;
	v10 =	vsel vm1, $0x1, v1  }
0x337: {  	(xrf0) =	vadd.scan.msk.s32 $0xffff, v10  }
0x338: {  	(xrf0) =	vadd.scan.msk.s32 $0xffff, v55;
	_ =	sdelay $0x4  }
0x339: {  	v10, _, _ =	vpop (xrf0)  }
0x33a: {  	v36, _, _ =	vpop (xrf0)  }
0x33b: {  	v36 =	vperm.xlane v36, v4;
	_ =	sdelay $0x1  }
0x33c: {  	v36 =	vsub.s32 v36, v34  }
0x33d: {  	v36 =	vadd.s32 s26, v36  }
0x33e: {  	vm1 =	vlt.s32 v36, s17  }
0x33f: {  	v56 =	vperm.xlane v32, v4;
	v36 =	vsel vm1, $0x1, v1  }
0x340: {  	(xrf0) =	vadd.scan.msk.s32 $0xffff, v36  }
0x341: {  	(xrf0) =	vadd.scan.msk.s32 $0xffff, v56;
	_ =	sdelay $0x4  }
0x342: {  	v36, _, _ =	vpop (xrf0)  }
0x343: {  	v37, _, _ =	vpop (xrf0)  }
0x344: {  	v37 =	vperm.xlane v37, v4  }
0x345: {  	v57 =	vsub.s32 s25, v32  }
0x346: {  	v37 =	vadd.s32 v37, v57  }
0x347: {  	vm1 =	vlt.s32 v37, s17  }
0x348: {  	v58 =	vperm.xlane v30, v4;
	v37 =	vsel vm1, $0x1, v1  }
0x349: {  	(xrf0) =	vadd.scan.msk.s32 $0xffff, v37  }
0x34a: {  	(xrf0) =	vadd.scan.msk.s32 $0xffff, v58;
	_ =	sdelay $0x4  }
0x34b: {  	v37, _, _ =	vpop (xrf0)  }
0x34c: {  	v38, _, _ =	vpop (xrf0)  }
0x34d: {  	v38 =	vperm.xlane v38, v4  }
0x34e: {  	v59 =	vsub.s32 s24, v30  }
0x34f: {  	v38 =	vadd.s32 v38, v59  }
0x350: {  	vm1 =	vlt.s32 v38, s17  }
0x351: {  	v60 =	vperm.xlane v29, v4;
	v38 =	vsel vm1, $0x1, v1  }
0x352: {  	(xrf0) =	vadd.scan.msk.s32 $0xffff, v38  }
0x353: {  	(xrf0) =	vadd.scan.msk.s32 $0xffff, v60;
	_ =	sdelay $0x4  }
0x354: {  	v38, _, _ =	vpop (xrf0)  }
0x355: {  	v39, _, _ =	vpop (xrf0)  }
0x356: {  	v39 =	vperm.xlane v39, v4  }
0x357: {  	v61 =	vsub.s32 s23, v29  }
0x358: {  	v39 =	vadd.s32 v39, v61  }
0x359: {  	vm1 =	vlt.s32 v39, s17  }
0x35a: {  	v62 =	vperm.xlane v27, v4;
	v39 =	vsel vm1, $0x1, v1  }
0x35b: {  	(xrf0) =	vadd.scan.msk.s32 $0xffff, v39  }
0x35c: {  	(xrf0) =	vadd.scan.msk.s32 $0xffff, v62;
	_ =	sdelay $0x4  }
0x35d: {  	v39, _, _ =	vpop (xrf0)  }
0x35e: {  	v40, _, _ =	vpop (xrf0)  }
0x35f: {  	v40 =	vperm.xlane v40, v4  }
0x360: {  	v63 =	vsub.s32 s22, v27  }
0x361: {  	v40 =	vadd.s32 v40, v63  }
0x362: {  	vm1 =	vlt.s32 v40, s17  }
0x363: {  	v44 =	vperm.xlane v26, v4;
	v40 =	vsel vm1, $0x1, v1  }
0x364: {  	(xrf0) =	vadd.scan.msk.s32 $0xffff, v40  }
0x365: {  	(xrf0) =	vadd.scan.msk.s32 $0xffff, v44;
	_ =	sdelay $0x4  }
0x366: {  	v40, _, _ =	vpop (xrf0)  }
0x367: {  	v41, _, _ =	vpop (xrf0)  }
0x368: {  	v41 =	vperm.xlane v41, v4  }
0x369: {  	v45 =	vsub.s32 s16, v26  }
0x36a: {  	v41 =	vadd.s32 v41, v45  }
0x36b: {  	vm1 =	vlt.s32 v41, s17  }
0x36c: {  	v46 =	vperm.xlane v24, v4;
	v41 =	vsel vm1, $0x1, v1  }
0x36d: {  	(xrf0) =	vadd.scan.msk.s32 $0xffff, v41  }
0x36e: {  	(xrf0) =	vadd.scan.msk.s32 $0xffff, v46;
	_ =	sdelay $0x4  }
0x36f: {  	v41, _, _ =	vpop (xrf0)  }
0x370: {  	v42, _, _ =	vpop (xrf0)  }
0x371: {  	v42 =	vperm.xlane v42, v4  }
0x372: {  	v47 =	vsub.s32 s10, v24  }
0x373: {  	v42 =	vadd.s32 v42, v47  }
0x374: {  	vm1 =	vlt.s32 v42, s17  }
0x375: {  	v48 =	vperm.xlane v23, v4;
	v42 =	vsel vm1, $0x1, v1  }
0x376: {  	(xrf0) =	vadd.scan.msk.s32 $0xffff, v42  }
0x377: {  	(xrf0) =	vadd.scan.msk.s32 $0xffff, v48;
	_ =	sdelay $0x4  }
0x378: {  	v42, _, _ =	vpop (xrf0)  }
0x379: {  	v43, _, _ =	vpop (xrf0)  }
0x37a: {  	v43 =	vperm.xlane v43, v4  }
0x37b: {  	v49 =	vsub.s32 s0, v23  }
0x37c: {  	v43 =	vadd.s32 v43, v49  }
0x37d: {  	vm1 =	vlt.s32 v43, s17  }
0x37e: {  	v50 =	vperm.xlane v21, v4;
	v43 =	vsel vm1, $0x1, v1  }
0x37f: {  	(xrf0) =	vadd.scan.msk.s32 $0xffff, v43  }
0x380: {  	(xrf0) =	vadd.scan.msk.s32 $0xffff, v50;
	_ =	sdelay $0x4  }
0x381: {  	v43, _, _ =	vpop (xrf0)  }
0x382: {  	v44, _, _ =	vpop (xrf0)  }
0x383: {  	s8 =	rddreg [dreg:$0xa];
	v44 =	vperm.xlane v44, v4  }
0x384: {  	v51 =	vsub.s32 s8, v21  }
0x385: {  	v44 =	vadd.s32 v44, v51  }
0x386: {  	vm1 =	vlt.s32 v44, s17  }
0x387: {  	v52 =	vperm.xlane v22, v4;
	v44 =	vsel vm1, $0x1, v1  }
0x388: {  	(xrf0) =	vadd.scan.msk.s32 $0xffff, v44  }
0x389: {  	(xrf0) =	vadd.scan.msk.s32 $0xffff, v52;
	_ =	sdelay $0x4  }
0x38a: {  	v44, _, _ =	vpop (xrf0)  }
0x38b: {  	v5 =	vbroadcast v5, $0xF;
	v45, _, _ =	vpop (xrf0)  }
0x38c: {  	v45 =	vperm.xlane v45, v4  }
0x38d: {  	v5 =	vsub.s32 v5, v22  }
0x38e: {  	v5 =	vadd.s32 v45, v5  }
0x38f: {  	vm1 =	vlt.s32 v5, s17  }
0x390: {  	v53 =	vperm.xlane v20, v4;
	v5 =	vsel vm1, $0x1, v1  }
0x391: {  	(xrf0) =	vadd.scan.msk.s32 $0xffff, v5  }
0x392: {  	(v2sf) =	vpush v6, $0xF;
	(xrf0) =	vadd.scan.msk.s32 $0xffff, v53  }
0x393: {  	(v2sf) =	vpush v7, $0xF  }
0x394: {  	(v2sf) =	vpush v8, $0xF  }
0x395: {  	(v2sf) =	vpush v9, $0xF  }
0x396: {  	(v2sf) =	vpush v10, $0xF  }
0x397: {  	(v2sf) =	vpush v36, $0xF;
	v5, _, _ =	vpop (xrf0)  }
0x398: {  	(v2sf) =	vpush v37, $0xF;
	v6, _, _ =	vpop (xrf0)  }
0x399: {  	v6 =	vperm.xlane v6, v4;
	_ =	sdelay $0x1  }
0x39a: {  	(v2sf) =	vpush v38, $0xF;
	v6 =	vsub.s32 v6, v20  }
0x39b: {  	vm1 =	vlt.s32 v6, s17  }
0x39c: {  	v6 =	vsel vm1, $0x1, v1  }
0x39d: {  	(v2sf) =	vpush v39, $0xF;
	(xrf0) =	vadd.scan.msk.s32 $0xffff, v6  }
0x39e: {  	(v2sf) =	vpush v40, $0xF  }
0x39f: {  	(v2sf) =	vpush v41, $0xF  }
0x3a0: {  	s9 =	spop (v2sf);
	(v2sf) =	vpush v42, $0xF  }
0x3a1: {  	s10 =	spop (v2sf);
	(v2sf) =	vpush v43, $0xF  }
0x3a2: {  	s13 =	spop (v2sf);
	(v2sf) =	vpush v44, $0xF  }
0x3a3: {  	s14 =	spop (v2sf);
	(v2sf) =	vpush v5, $0xF;
	v5, _, _ =	vpop (xrf0)  }
0x3a4: {  	s15 =	spop (v2sf);
	(v2sf) =	vpush v5, $0xF  }
0x3a5: {  	s16 =	spop (v2sf)  }
0x3a6: {  	s4 =	sadd.s32 s15, s16;
	s18 =	spop (v2sf)  }
0x3a7: {  	s4 =	sadd.s32 s18, s4  }
0x3a8: {  	s3 =	sadd.s32 s14, s4  }
0x3a9: {  	s2 =	sadd.s32 s13, s3;
	s19 =	spop (v2sf)  }
0x3aa: {  	s2 =	sadd.s32 s19, s2  }
0x3ab: {  	s1 =	sadd.s32 s10, s2  }
0x3ac: {  	s0 =	sadd.s32 s9, s1;
	s20 =	spop (v2sf)  }
0x3ad: {  	s0 =	sadd.s32 s20, s0;
	s21 =	spop (v2sf)  }
0x3ae: {  	s26 =	simm.s32 $0x0;
	s0 =	sadd.s32 s21, s0;
	s22 =	spop (v2sf)  }
0x3af: {  	v8 =	vld [tilespmem:s26+$0x30];
	s0 =	sadd.s32 s22, s0;
	s23 =	spop (v2sf)  }
0x3b0: {  	v7 =	vld [tilespmem:s26+$0x0];
	s0 =	sadd.s32 s23, s0;
	s24 =	spop (v2sf)  }
0x3b1: {  	s0 =	sadd.s32 s24, s0;
	s25 =	spop (v2sf)  }
0x3b2: {  	v9 =	vld [tilespmem:s26+$0x40];
	s0 =	sadd.s32 s25, s0;
	s28 =	spop (v2sf)  }
0x3b3: {  	v6 =	vld [tilespmem:s26+$0x20];
	s0 =	sadd.s32 s28, s0;
	s29 =	spop (v2sf)  }
0x3b4: {  	v10 =	vimm.f32 $0.0e+00;
	v5 =	vld [tilespmem:s26+$0x10];
	s0 =	sadd.s32 s29, s0  }
0x3b5: {  	s30 =	rddreg [dreg:$0x9];
	v55 =	vxor.u32 $0x80000000, v8;
	vm2 =	vlt.s32 v8, $0x0;
	v56 =	vxor.u32 $0x80000000, v7;
	s18 =	ssub.s32 $0x100, s0  }
0x3b6: {  	vm4 =	vlt.s32 v7, $0x0;
	v58 =	vand.u32 $0x7FFFFFFF, v7;
	v7 =	vxor.u32 $0xFFFFFFFF, v7;
	s16 =	sor.u32 s30, s18  }
0x3b7: {  	v7 =	vsel vm4, v58, v7;
	v38 =	vxor.u32 $0x80000000, v9;
	v62 =	vand.u32 $0x7FFFFFFF, v8;
	s0 =	sxor.u32 $0x80000000, s16  }
0x3b8: {  	v54 =	vxor.u32 $0x80000000, v6;
	vm3 =	vlt.s32 v6, $0x0;
	v36 =	vmov s0  }
0x3b9: {  	v57 =	vxor.u32 $0x80000000, v5;
	vm13 =	vlt.s32 v5, $0x0;
	vm5 =	vgt.s32 v56, v36  }
0x3ba: {  	v59 =	vand.u32 $0x7FFFFFFF, v5;
	v5 =	vxor.u32 $0xFFFFFFFF, v5;
	v7 =	vnsel vm5, $0x0, v7  }
0x3bb: {  	s31 =	simm.s32 $0x50;
	vm14 =	vgt.s32 v57, v36;
	v10 =	vadd.f32 v7, v10;
	v7 =	vsel vm13, v59, v5  }
0x3bc: {  	v60 =	vand.u32 $0x7FFFFFFF, v6;
	v6 =	vxor.u32 $0xFFFFFFFF, v6;
	v5 =	vld [tilespmem:s31+$0x40];
	v39 =	vnsel vm14, $0x0, v7  }
0x3bd: {  	v61 =	vsel vm3, v60, v6;
	vm15 =	vgt.s32 v54, v36;
	v7 =	vld [tilespmem:s31+$0x30];
	v10 =	vadd.f32 v39, v10  }
0x3be: {  	v63 =	vxor.u32 $0xFFFFFFFF, v8;
	v8 =	vld [tilespmem:s31+$0x10];
	v40 =	vand.u32 $0x7FFFFFFF, v9;
	v37 =	vnsel vm15, $0x0, v61  }
0x3bf: {  	v6 =	vld [tilespmem:s31+$0x20];
	vm3 =	vgt.s32 v55, v36;
	v39 =	vadd.f32 v37, v10;
	v10 =	vsel vm2, v62, v63  }
0x3c0: {  	s19 =	simm.s32 $0x280;
	v41 =	vxor.u32 $0xFFFFFFFF, v9;
	vm1 =	vlt.s32 v9, $0x0;
	v37 =	vld [tilespmem:s31+$0x0];
	v42 =	vnsel vm3, $0x0, v10  }
.LBB2_26:
0x3c1: {  	p1 =	sne.s32 s19, $0x13740;
	v9 =	vadd.f32 v42, v39;
	vm2 =	vgt.s32 v38, v36;
	v38 =	vsel vm1, v40, v41;
	v41 =	vmovc v5  }
0x3c2: {  	v5 =	vnsel vm2, $0x0, v38;
	v10 =	vmov v7  }
0x3c3: {  	v38 =	vxor.u32 $0x80000000, v41;
	vm1 =	vlt.s32 v41, $0x0;
	v5 =	vadd.f32 v5, v9  }
0x3c4: {  	v9 =	vxor.u32 $0x80000000, v6;
	v40 =	vxor.u32 $0x80000000, v10;
	vm2 =	vlt.s32 v10, $0x0  }
0x3c5: {  	vm3 =	vlt.s32 v6, $0x0;
	v39 =	vxor.u32 $0x80000000, v8;
	v7 =	vxor.u32 $0x80000000, v37  }
0x3c6: {  	vm4 =	vlt.s32 v37, $0x0;
	v42 =	vand.u32 $0x7FFFFFFF, v37;
	v37 =	vxor.u32 $0xFFFFFFFF, v37  }
0x3c7: {  	vm5 =	vgt.s32 v7, v36;
	v7 =	vsel vm4, v42, v37;
	vm4 =	vlt.s32 v8, $0x0  }
0x3c8: {  	v37 =	vand.u32 $0x7FFFFFFF, v8;
	v8 =	vxor.u32 $0xFFFFFFFF, v8;
	v7 =	vnsel vm5, $0x0, v7  }
0x3c9: {  	s0 =	sshra.s32 s19, $0x2;
	vm5 =	vgt.s32 v39, v36;
	v42 =	vadd.f32 v7, v5;
	v7 =	vsel vm4, v37, v8  }
.Ltmp12:
0x3ca: {  	v37 =	vand.u32 $0x7FFFFFFF, v6;
	v6 =	vxor.u32 $0xFFFFFFFF, v6;
	v8 =	vnsel vm5, $0x0, v7;
	v5 =	vld [tilespmem:s0+$0x40];
	(pc) =	sbr.rel @p1 .LBB2_26-.Ltmp12, $4  }
0x3cb: {  	vm4 =	vgt.s32 v9, v36;
	v39 =	vadd.f32 v8, v42;
	v8 =	vsel vm3, v37, v6;
	v7 =	vld [tilespmem:s0+$0x30]  }
0x3cc: {  	v37 =	vand.u32 $0x7FFFFFFF, v10;
	v10 =	vxor.u32 $0xFFFFFFFF, v10;
	v9 =	vnsel vm4, $0x0, v8;
	v6 =	vld [tilespmem:s0+$0x20]  }
0x3cd: {  	vm3 =	vgt.s32 v40, v36;
	v39 =	vadd.f32 v9, v39;
	v9 =	vsel vm2, v37, v10;
	v8 =	vld [tilespmem:s0+$0x10]  }
0x3ce: {  	s19 =	sadd.s32 $0x140, s19;
	v40 =	vand.u32 $0x7FFFFFFF, v41;
	v41 =	vxor.u32 $0xFFFFFFFF, v41;
	v42 =	vnsel vm3, $0x0, v9;
	v37 =	vld [tilespmem:s0+$0x0]  }
0x3cf: {  	v52 =	vld [tilespmem:$0x1FFA0]  }
0x3d0: {  	v53 =	vld [tilespmem:$0x1FFB0]  }
0x3d1: {  	v55 =	vld [tilespmem:$0x1FFC0]  }
0x3d2: {  	v9 =	vadd.f32 v42, v39;
	v10 =	vmov s18;
	v57 =	vld [tilespmem:$0x1FFD0]  }
0x3d3: {  	vm2 =	vgt.s32 v38, v36;
	v51 =	vsel vm1, v40, v41;
	v59 =	vld [tilespmem:$0x1FFE0];
	vm1 =	vlt.s32 v10, v0  }
0x3d4: {  	v39 =	vxor.u32 $0x80000000, v5;
	v35 =	vnsel vm1, $0x0, v35;
	vm1 =	vlt.s32 v10, v52  }
0x3d5: {  	v38 =	vnsel vm2, $0x0, v51;
	(xrf0) =	vadd.scan.msk.s32 $0xffff, v35;
	vm2 =	vlt.s32 v10, v53;
	v25 =	vnsel vm1, $0x0, v25  }
0x3d6: {  	vm3 =	vlt.s32 v10, v19;
	v54 =	vnsel vm2, $0x0, v28;
	vm2 =	vlt.s32 v10, v55;
	(xrf0) =	vadd.scan.msk.s32 $0xffff, v25  }
0x3d7: {  	v19 =	vnsel vm3, $0x0, v32;
	v56 =	vnsel vm2, $0x0, v31;
	vm2 =	vlt.s32 v10, v57;
	(xrf0) =	vadd.scan.msk.s32 $0xffff, v54  }
0x3d8: {  	vm3 =	vlt.s32 v10, v18;
	v58 =	vnsel vm2, $0x0, v33;
	vm2 =	vlt.s32 v10, v59;
	(xrf0) =	vadd.scan.msk.s32 $0xffff, v56  }
0x3d9: {  	v9 =	vadd.f32 v38, v9;
	v63 =	vnsel vm3, $0x0, v30;
	v60 =	vnsel vm2, $0x0, v34;
	(xrf0) =	vadd.scan.msk.s32 $0xffff, v58  }
0x3da: {  	vm3 =	vlt.s32 v10, v17;
	v47 =	vxor.u32 $0x80000000, v8;
	vm13 =	vlt.s32 v8, $0x0;
	(xrf0) =	vadd.scan.msk.s32 $0xffff, v60  }
0x3db: {  	v61 =	vxor.u32 $0x80000000, v37;
	v29 =	vnsel vm3, $0x0, v29;
	vm3 =	vlt.s32 v10, v16;
	v62, _, _ =	vpop (xrf0);
	(xrf0) =	vadd.scan.msk.s32 $0xffff, v19  }
0x3dc: {  	v44 =	vld [tilespmem:$0x1FFF0];
	vm4 =	vlt.s32 v37, $0x0;
	vm14 =	vgt.s32 v47, v36;
	(v2sf) =	vpush v62, $0xF;
	v25, _, _ =	vpop (xrf0);
	(xrf0) =	vadd.scan.msk.s32 $0xffff, v63  }
0x3dd: {  	v32 =	vnsel vm3, $0x0, v27;
	vm3 =	vlt.s32 v10, v15;
	(v2sf) =	vpush v25, $0xF;
	v30, _, _ =	vpop (xrf0);
	(xrf0) =	vadd.scan.msk.s32 $0xffff, v29  }
0x3de: {  	v34 =	vnsel vm3, $0x0, v26;
	vm3 =	vlt.s32 v10, v14;
	(v2sf) =	vpush v30, $0xF;
	v33, _, _ =	vpop (xrf0);
	(xrf0) =	vadd.scan.msk.s32 $0xffff, v32  }
0x3df: {  	v38 =	vnsel vm3, $0x0, v24;
	vm3 =	vlt.s32 v10, v13;
	(v2sf) =	vpush v33, $0xF;
	v35, _, _ =	vpop (xrf0);
	(xrf0) =	vadd.scan.msk.s32 $0xffff, v34  }
0x3e0: {  	v41 =	vnsel vm3, $0x0, v23;
	vm3 =	vlt.s32 v10, v12;
	(v2sf) =	vpush v35, $0xF;
	v40, _, _ =	vpop (xrf0);
	(xrf0) =	vadd.scan.msk.s32 $0xffff, v38  }
0x3e1: {  	v43 =	vnsel vm3, $0x0, v21;
	vm3 =	vlt.s32 v10, v44;
	(v2sf) =	vpush v40, $0xF;
	v42, _, _ =	vpop (xrf0);
	(xrf0) =	vadd.scan.msk.s32 $0xffff, v41  }
0x3e2: {  	v46 =	vnsel vm3, $0x0, v22;
	vm3 =	vlt.s32 v10, v11;
	(v2sf) =	vpush v42, $0xF;
	v45, _, _ =	vpop (xrf0);
	(xrf0) =	vadd.scan.msk.s32 $0xffff, v43  }
0x3e3: {  	v52 =	vand.u32 $0x7FFFFFFF, v37;
	v49 =	vnsel vm3, $0x0, v20;
	(v2sf) =	vpush v45, $0xF;
	v48, _, _ =	vpop (xrf0);
	(xrf0) =	vadd.scan.msk.s32 $0xffff, v46  }
0x3e4: {  	v53 =	vxor.u32 $0xFFFFFFFF, v37;
	vm5 =	vgt.s32 v61, v36;
	(v2sf) =	vpush v48, $0xF;
	v50, _, _ =	vpop (xrf0);
	(xrf0) =	vadd.scan.msk.s32 $0xffff, v49  }
0x3e5: {  	v61 =	vand.u32 $0x7FFFFFFF, v6;
	vm1 =	vlt.s32 v5, $0x0;
	v51, _, _ =	vpop (xrf0);
	(v2sf) =	vpush v50, $0xF  }
0x3e6: {  	v28 =	vxor.u32 $0x80000000, v6;
	v31 =	vxor.u32 $0x80000000, v7;
	v54, _, _ =	vpop (xrf0);
	(v2sf) =	vpush v51, $0xF  }
0x3e7: {  	v57 =	vand.u32 $0x7FFFFFFF, v8;
	vm15 =	vgt.s32 v28, v36;
	v55, _, _ =	vpop (xrf0);
	(v2sf) =	vpush v54, $0xF  }
0x3e8: {  	v13 =	vsel vm4, v52, v53;
	v58 =	vxor.u32 $0xFFFFFFFF, v8;
	v56, _, _ =	vpop (xrf0);
	(v2sf) =	vpush v55, $0xF  }
0x3e9: {  	v13 =	vnsel vm5, $0x0, v13;
	v8 =	vsel vm13, v57, v58;
	v59, _, _ =	vpop (xrf0);
	(v2sf) =	vpush v56, $0xF  }
0x3ea: {  	v9 =	vadd.f32 v13, v9;
	v8 =	vnsel vm14, $0x0, v8;
	(v2sf) =	vpush v59, $0xF;
	v60, _, _ =	vpop (xrf0)  }
0x3eb: {  	vm3 =	vlt.s32 v6, $0x0;
	v6 =	vxor.u32 $0xFFFFFFFF, v6;
	s0 =	spop (v2sf);
	(v2sf) =	vpush v60, $0xF  }
0x3ec: {  	vm2 =	vlt.s32 v7, $0x0;
	v8 =	vadd.f32 v8, v9;
	v6 =	vsel vm3, v61, v6;
	s1 =	spop (v2sf)  }
0x3ed: {  	v62 =	vand.u32 $0x7FFFFFFF, v7;
	v7 =	vxor.u32 $0xFFFFFFFF, v7;
	v6 =	vnsel vm15, $0x0, v6;
	s2 =	spop (v2sf);
	s0 =	sadd.s32 s0, s1  }
0x3ee: {  	v7 =	vsel vm2, v62, v7;
	vm3 =	vgt.s32 v31, v36;
	v6 =	vadd.f32 v6, v8;
	s9 =	spop (v2sf);
	s0 =	sadd.s32 s2, s0  }
0x3ef: {  	v63 =	vand.u32 $0x7FFFFFFF, v5;
	v5 =	vxor.u32 $0xFFFFFFFF, v5;
	v7 =	vnsel vm3, $0x0, v7;
	s10 =	spop (v2sf);
	s0 =	sadd.s32 s9, s0  }
0x3f0: {  	vm2 =	vgt.s32 v39, v36;
	v5 =	vsel vm1, v63, v5;
	v6 =	vadd.f32 v7, v6;
	s13 =	spop (v2sf);
	s0 =	sadd.s32 s10, s0  }
0x3f1: {  	v5 =	vnsel vm2, $0x0, v5;
	s14 =	spop (v2sf);
	s0 =	sadd.s32 s13, s0  }
0x3f2: {  	v5 =	vadd.f32 v5, v6;
	s15 =	spop (v2sf);
	s0 =	sadd.s32 s14, s0  }
0x3f3: {  	s18 =	spop (v2sf);
	s0 =	sadd.s32 s15, s0  }
0x3f4: {  	(xrf2) =	vadd.scan.msk.f32 $0xffff, v5;
	s19 =	spop (v2sf);
	s0 =	sadd.s32 s18, s0  }
0x3f5: {  	s20 =	spop (v2sf);
	s0 =	sadd.s32 s19, s0  }
0x3f6: {  	s21 =	spop (v2sf);
	s0 =	sadd.s32 s20, s0  }
0x3f7: {  	s22 =	spop (v2sf);
	s0 =	sadd.s32 s21, s0  }
0x3f8: {  	s23 =	spop (v2sf);
	s0 =	sadd.s32 s22, s0  }
0x3f9: {  	s24 =	spop (v2sf);
	s0 =	sadd.s32 s23, s0  }
0x3fa: {  	s25 =	spop (v2sf);
	s0 =	sadd.s32 s24, s0  }
0x3fb: {  	s0 =	sadd.s32 s25, s0  }
0x3fc: {  	v5 =	vmov s16;
	s0 =	ssub.s32 s17, s0  }
0x3fd: {  	vm1 =	vlt.s32 v5, $0x0;
	v6 =	vand.u32 $0x7FFFFFFF, v5;
	v5 =	vxor.u32 $0xFFFFFFFF, v5;
	s0 =	scvt.s32.f32 s0  }
0x3fe: {  	v5 =	vsel vm1, v6, v5;
	v7, _, _ =	vpop (xrf2)  }
0x3ff: {  	v6 =	vbroadcast v7, $0xF;
	v5 =	vmul.f32 s0, v5;
	_ =	sdelay $0x1  }
0x400: {  	s26 =	rddreg [dreg:$0x6];
	v5 =	vadd.f32 v6, v5  }
0x401: {  	p1 =	sgt.s32 s26, $0x0  }
0x402: {  	s28 =	rddreg [dreg:$0x3];
	v5 =	vpsel !p1, $0x0, v5  }
0x403: {  	s29 =	simm.s32 $0x6000;
	s4 =	simm.s32 $0x1;
	s1 =	simm.s32 $0x0;
	[tilespmem:$0x6000] =	vst v5  }
0x404: {  	[hbm4b:s28+s1] =	stream.linear.scatter [tilespmem:s29], [sflag:$0x1], $0x80, $0x38;
	[tilespmem:$0x6080] =	vst v63  }
0x405: {  	_ =	swait.ge [sflag:s4], $0x80  }
0x406: {  	s30 =	rddreg [dreg:$0x5]  }
0x407: {  	s31 =	rddreg [dreg:$0x4];
	s2 =	sadd.s32 $0x1, s30  }
0x408: {  	p1 =	sne.s32 s2, s31  }
.Ltmp13:
0x409: {  	_ = 	snop;
	(pc) =	sbr.rel @p1 .LBB2_1-.Ltmp13, $3  }
0x40a: {  	_ =	sdelay $0x1  }
0x40b: {  	[sflag:s4] =	ssyncset.done $0x0  }
0x40c: {  	[sflag:s4] =	ssyncadd.s32 $0xFFFFFF80  }
0x40d: {  	_ =	sfence.sel $0x180000  }
0x40e: {  	[bflag:$0x0] =	sbarrier.arrive $0xFFFF  }
0x40f: {  	_ =	strace $0x90000047  }
0x410: {  	s0 =	stileid.u32;
	[bflag:$0x2] =	sbarrier.arrive $0xFFFF  }
0x411: {  	p0 =	sne.s32 s0, $0x0;
	s0 =	rddreg [dreg:$0x1]  }
0x412: {  	s0 =	sadd.s32 @!p0 $0x100000, s0  }
0x413: {  	[sflag:s0] =	ssyncadd.tile.s32 @!p0 $0x1;
	_ =	shalt  }
.Lfunc_end2:
_tile_overlayer_lowered:
.L_overlay_start_2:
0x414: {  	(tag) =	ssettag $0x2  }
0x415: {  	s0 =	rddreg [dreg:$0x0];
	s2 =	stileid.u32  }
0x416: {  	s1 =	rddreg [dreg:$0x1];
	p0 =	sne.s32 s2, $0x0  }
0x417: {  	s3 =	rddreg [dreg:$0x2];
	[bflag:$0x3] =	sbarrier.arrive $0xFFFF;
	s2 =	simm.s32 @!p0 $0x1C01  }
0x418: {  	[timem:s3], [sflag:s2] =	dma.local @!p0 [hbm:s0], s1  }
0x419: {  	s0 =	simm.s32 @!p0 $0x1  }
0x41a: {  	_ =	swait.ge @!p0 [sflag:s0], s1  }
0x41b: {  	s1 =	ssub.s32 @!p0 $0x0, s1;
	[sflag:s0] =	ssyncset.done @!p0 $0x0  }
0x41c: {  	[sflag:s0] =	ssyncadd.s32 @!p0 s1  }
0x41d: {  	[bflag:$0x3] =	sbarrier.arrive $0xFFFF  }
0x41e: {  	_ =	shalt  }

</sc_bundles>
